<compile_context>
chip_gen: v7x
topology: tpu7x:2x2x1
jax: 0.10.2.dev20260603
libtpu: 0.0.44.dev20260713+nightly
codegen_flags: <defaults>
</compile_context>

<pallas_src>
import functools

import jax
import jax.numpy as jnp
from jax import lax
from jax.experimental import pallas as pl
from jax.experimental.pallas import tpu as pltpu
from jax.experimental.pallas import tpu_sc as plsc

N = 10000
E = 320000
D = 128
NOISE_RATE = 0.1

NC = 2
NS = 16
CHUNK = 64
NBUF = 4
STEPS = 320
SB = 16
DW = 128
NSTAGE = STEPS // SB
EPT = STEPS * CHUNK
EPAD = NS * EPT
NPAD = N + 112
ZROWS = NPAD // NS
WRB = 632
WRL = N - 15 * WRB


def _make_deg():
  mesh = plsc.VectorSubcoreMesh(
      core_axis_name="c", subcore_axis_name="s",
      num_cores=NC, num_subcores=NS)
  out_type = jax.ShapeDtypeStruct((2 * N, DW), jnp.float32)
  scratch = [
      pltpu.VMEM((SB, CHUNK), jnp.int32),
      pltpu.VMEM((CHUNK, DW), jnp.float32),
      pltpu.VMEM_SHARED((NPAD, DW), jnp.float32),
  ]

  def body(eidx, ones_h, zrows, out, dstv, onesv, dacc):
    c = lax.axis_index("c")
    s = lax.axis_index("s")
    pltpu.sync_copy(zrows, dacc.at[pl.ds(s * ZROWS, ZROWS)])
    pltpu.sync_copy(ones_h, onesv)
    plsc.subcore_barrier()

    def stage(j, carry):
      pltpu.sync_copy(eidx.at[c, 1, s, pl.ds(j * SB, SB)], dstv)

      def inner(i, carry2):
        pltpu.sync_copy(onesv, dacc.at[dstv.at[i]], add=True)
        return carry2

      lax.fori_loop(0, SB, inner, 0)
      return carry

    lax.fori_loop(0, NSTAGE, stage, 0)
    plsc.subcore_barrier()

    @pl.when(s < NS - 1)
    def _():
      pltpu.sync_copy(dacc.at[pl.ds(s * WRB, WRB)],
                      out.at[pl.ds(c * N + s * WRB, WRB)])

    @pl.when(s == NS - 1)
    def _():
      pltpu.sync_copy(dacc.at[pl.ds(15 * WRB, WRL)],
                      out.at[pl.ds(c * N + 15 * WRB, WRL)])

  return pl.kernel(body, out_type=out_type, mesh=mesh, scratch_types=scratch)


def _make_agg():
  mesh = plsc.VectorSubcoreMesh(
      core_axis_name="c", subcore_axis_name="s",
      num_cores=NC, num_subcores=NS)
  out_type = jax.ShapeDtypeStruct((2 * N, D), jnp.float32)
  scratch = [
      pltpu.VMEM((SB, CHUNK), jnp.int32),
      pltpu.VMEM((SB, CHUNK), jnp.int32),
      pltpu.VMEM((NBUF, CHUNK, D), jnp.float32),
      pltpu.VMEM_SHARED((NPAD, D), jnp.float32),
      pltpu.SemaphoreType.DMA,
      pltpu.SemaphoreType.DMA,
      pltpu.SemaphoreType.DMA,
      pltpu.SemaphoreType.DMA,
  ]

  def body(eidx, x, zrows, out, srcv, dstv, gbuf, acc, *sems):
    c = lax.axis_index("c")
    s = lax.axis_index("s")

    pltpu.sync_copy(zrows, acc.at[pl.ds(s * ZROWS, ZROWS)])
    plsc.subcore_barrier()

    def stage(j, carry):
      pltpu.sync_copy(eidx.at[c, 0, s, pl.ds(j * SB, SB)], srcv)
      pltpu.sync_copy(eidx.at[c, 1, s, pl.ds(j * SB, SB)], dstv)
      for b in range(NBUF):
        pltpu.async_copy(x.at[srcv.at[b]], gbuf.at[b], sems[b])

      def inner(k, carry2):
        i0 = k * NBUF
        for b in range(NBUF):
          i = i0 + b
          pltpu.make_async_copy(x.at[srcv.at[i]], gbuf.at[b], sems[b]).wait()
          pltpu.sync_copy(gbuf.at[b], acc.at[dstv.at[i]], add=True)
          nxt = i + NBUF

          @pl.when(nxt < SB)
          def _():
            pltpu.async_copy(x.at[srcv.at[nxt]], gbuf.at[b], sems[b])
        return carry2

      lax.fori_loop(0, SB // NBUF, inner, 0)
      return carry

    lax.fori_loop(0, NSTAGE, stage, 0)
    plsc.subcore_barrier()

    @pl.when(s < NS - 1)
    def _():
      pltpu.sync_copy(acc.at[pl.ds(s * WRB, WRB)],
                      out.at[pl.ds(c * N + s * WRB, WRB)])

    @pl.when(s == NS - 1)
    def _():
      pltpu.sync_copy(acc.at[pl.ds(15 * WRB, WRL)],
                      out.at[pl.ds(c * N + 15 * WRB, WRL)])

  return pl.kernel(body, out_type=out_type, mesh=mesh, scratch_types=scratch)


_deg = _make_deg()
_agg = _make_agg()


ROWS = 1000
NB_TC = (2 * N) // ROWS
NB_X0 = N // ROWS


def _x0_body(x_ref, n_ref, o_ref):
  i = pl.program_id(0)
  xv = x_ref[...]

  @pl.when(i < NB_X0)
  def _():
    o_ref[...] = xv

  @pl.when(i >= NB_X0)
  def _():
    nv = n_ref[...]
    nrm = jnp.sqrt(jnp.sum(nv * nv, axis=1, keepdims=True))
    nn = nv / jnp.maximum(nrm, 1e-12)
    o_ref[...] = xv + jnp.sign(xv) * nn * NOISE_RATE


def _stack_noisy(x, noise):
  return pl.pallas_call(
      _x0_body,
      grid=(2 * NB_X0,),
      in_specs=[
          pl.BlockSpec((ROWS, D), lambda i: (i % NB_X0, 0)),
          pl.BlockSpec((ROWS, D), lambda i: (i % NB_X0, 0)),
      ],
      out_specs=pl.BlockSpec((ROWS, D), lambda i: (i, 0)),
      out_shape=jax.ShapeDtypeStruct((2 * N, D), jnp.float32),
  )(x, noise)


def _layer_body(agg_ref, deg_ref, x_ref, wl_ref, wr_ref, b_ref, o_ref):
  deg = jnp.maximum(deg_ref[...][:, 0:1], 1.0)
  mean = agg_ref[...] / deg
  y = (jnp.dot(mean, wl_ref[...], preferred_element_type=jnp.float32)
       + jnp.dot(x_ref[...], wr_ref[...], preferred_element_type=jnp.float32)
       + b_ref[...])
  o_ref[...] = jnp.maximum(y, 0.0)


def _final_body(agg_ref, deg_ref, x_ref, wl_ref, wr_ref, b_ref,
                o_ref, ls_ref):
  deg = jnp.maximum(deg_ref[...][:, 0:1], 1.0)
  mean = agg_ref[...] / deg
  y = (jnp.dot(mean, wl_ref[...], preferred_element_type=jnp.float32)
       + jnp.dot(x_ref[...], wr_ref[...], preferred_element_type=jnp.float32)
       + b_ref[...])
  o_ref[...] = y
  m = jnp.max(y, axis=1, keepdims=True)
  ls_ref[...] = y - m - jnp.log(jnp.sum(jnp.exp(y - m), axis=1,
                                        keepdims=True))


_TC_IN_SPECS = [
    pl.BlockSpec((ROWS, D), lambda i: (i, 0)),
    pl.BlockSpec((ROWS, DW), lambda i: (i, 0)),
    pl.BlockSpec((ROWS, D), lambda i: (i, 0)),
    pl.BlockSpec((D, D), lambda i: (0, 0)),
    pl.BlockSpec((D, D), lambda i: (0, 0)),
    pl.BlockSpec((1, D), lambda i: (0, 0)),
]


def _layer(agg, deg, x, wl, wr, b):
  return pl.pallas_call(
      _layer_body,
      grid=(NB_TC,),
      in_specs=_TC_IN_SPECS,
      out_specs=pl.BlockSpec((ROWS, D), lambda i: (i, 0)),
      out_shape=jax.ShapeDtypeStruct((2 * N, D), jnp.float32),
  )(agg, deg, x, wl, wr, b.reshape(1, D))


def _final(agg, deg, x, wl, wr, b):
  return pl.pallas_call(
      _final_body,
      grid=(NB_TC,),
      in_specs=_TC_IN_SPECS,
      out_specs=[pl.BlockSpec((ROWS, D), lambda i: (i, 0)),
                 pl.BlockSpec((ROWS, D), lambda i: (i, 0))],
      out_shape=[jax.ShapeDtypeStruct((2 * N, D), jnp.float32),
                 jax.ShapeDtypeStruct((2 * N, D), jnp.float32)],
  )(agg, deg, x, wl, wr, b.reshape(1, D))


def kernel(x, edge_index, noise, Wl0, Wr0, b0, Wl1, Wr1, b1, Wl2, Wr2, b2):
  src = edge_index[0]
  dst = edge_index[1]
  pad = EPAD - E
  srcp = jnp.concatenate([src, jnp.zeros((pad,), jnp.int32)])
  dstp = jnp.concatenate([dst, jnp.full((pad,), N, jnp.int32)])
  s0 = srcp.reshape(NS, STEPS, CHUNK)
  s1 = (srcp + N).reshape(NS, STEPS, CHUNK)
  dd = dstp.reshape(NS, STEPS, CHUNK)
  eidx = jnp.stack([jnp.stack([s0, dd]), jnp.stack([s1, dd])])

  zrows = jnp.zeros((ZROWS, D), jnp.float32)
  ones_h = jnp.ones((CHUNK, DW), jnp.float32)
  zrows_d = jnp.zeros((ZROWS, DW), jnp.float32)

  x0 = _stack_noisy(x, noise)
  deg = _deg(eidx, ones_h, zrows_d)
  agg0 = _agg(eidx, x0, zrows)
  x1 = _layer(agg0, deg, x0, Wl0, Wr0, b0)
  agg1 = _agg(eidx, x1, zrows)
  x2 = _layer(agg1, deg, x1, Wl1, Wr1, b1)
  agg2 = _agg(eidx, x2, zrows)
  xo, ls = _final(agg2, deg, x2, Wl2, Wr2, b2)

  return (x2[:N], ls[:N], xo[:N], x2[N:], ls[N:], xo[N:])

# --- scband reference (transcript-rebuilt; emitter-appended) ---
"""Pipeline reference for scband-sagepl-20100446946148 (READ-ONLY COPY).

The authoritative reference and input builder live on the scoring server;
editing this copy changes nothing except your own understanding.
"""

import jax, jax.numpy as jnp
import numpy as np

N = 10000
E = 320000
D = 128
NOISE_RATE = 0.1


def setup_inputs(seed: int = 0) -> dict:
    key = jax.random.key(seed)
    ks = jax.random.split(key, 12)
    s = 1.0 / np.sqrt(D)
    inp = {}
    inp['x'] = jax.random.normal(ks[0], (N, D), dtype=jnp.float32)
    inp['edge_index'] = jax.random.randint(ks[1], (2, E), 0, N, dtype=jnp.int32)
    inp['noise'] = jax.random.normal(ks[2], (N, D), dtype=jnp.float32)
    inp['Wl0'] = jax.random.normal(ks[3], (D, D), dtype=jnp.float32) * s
    inp['Wr0'] = jax.random.normal(ks[4], (D, D), dtype=jnp.float32) * s
    inp['b0'] = jnp.zeros((D,), dtype=jnp.float32)
    inp['Wl1'] = jax.random.normal(ks[5], (D, D), dtype=jnp.float32) * s
    inp['Wr1'] = jax.random.normal(ks[6], (D, D), dtype=jnp.float32) * s
    inp['b1'] = jnp.zeros((D,), dtype=jnp.float32)
    inp['Wl2'] = jax.random.normal(ks[7], (D, D), dtype=jnp.float32) * s
    inp['Wr2'] = jax.random.normal(ks[8], (D, D), dtype=jnp.float32) * s
    inp['b2'] = jnp.zeros((D,), dtype=jnp.float32)
    return inp


def _sage_conv(x, edge_index, Wl, Wr, b):
    # PyG SAGEConv (aggr='mean', root_weight=True):
    #   out = lin_l(mean_{j in N(i)} x_j) + lin_r(x_i)
    src = edge_index[0]
    dst = edge_index[1]
    msgs = x[src]                                   # gather (memory-bound)
    agg = jax.ops.segment_sum(msgs, dst, num_segments=N)
    deg = jax.ops.segment_sum(jnp.ones((msgs.shape[0],), x.dtype), dst, num_segments=N)
    mean = agg / jnp.maximum(deg, 1.0)[:, None]
    return mean @ Wl + x @ Wr + b


def _branch(x, edge_index, params):
    (Wl0, Wr0, b0, Wl1, Wr1, b1, Wl2, Wr2, b2) = params
    # num_layers=3; dropout is identity in eval mode
    x = jax.nn.relu(_sage_conv(x, edge_index, Wl0, Wr0, b0))
    x = jax.nn.relu(_sage_conv(x, edge_index, Wl1, Wr1, b1))
    h = x
    x = _sage_conv(x, edge_index, Wl2, Wr2, b2)
    return h, jax.nn.log_softmax(x, axis=1), x


def _add_noise(x, noise):
    # F.normalize(noise) : row-wise L2 normalize with eps=1e-12
    nrm = jnp.sqrt(jnp.sum(noise * noise, axis=1, keepdims=True))
    noise_n = noise / jnp.maximum(nrm, 1e-12)
    return x + jnp.sign(x) * noise_n * NOISE_RATE


def reference(x, edge_index, noise, Wl0, Wr0, b0, Wl1, Wr1, b1, Wl2, Wr2, b2):
    params = (Wl0, Wr0, b0, Wl1, Wr1, b1, Wl2, Wr2, b2)
    h_p, ls_p, x_p = _branch(x, edge_index, params)
    noisy_x = _add_noise(x, noise)
    h_n, ls_n, x_n = _branch(noisy_x, edge_index, params)
    return (h_p, ls_p, x_p, h_n, ls_n, x_n)

if __name__ == "__main__":
    import jax
    _d = setup_inputs()
    print(jax.jit(kernel)(*tuple(_d.values())))

</pallas_src>

<mosaic_0001>
#map = affine_map<(d0, d1) -> (0, 0, 0, 0, 0)>
#map1 = affine_map<(d0, d1) -> (0, 0)>
module attributes {stable_mosaic.version = 14 : i64} {
  func.func @body(%arg0: i32, %arg1: i32, %arg2: memref<2x2x16x320x64xi32, #tpu.memory_space<hbm>>, %arg3: memref<20000x128xf32, #tpu.memory_space<hbm>>, %arg4: memref<632x128xf32, #tpu.memory_space<hbm>>, %arg5: memref<20000x128xf32, #tpu.memory_space<hbm>>, %arg6: memref<16x64xi32, #tpu.memory_space<vmem>>, %arg7: memref<16x64xi32, #tpu.memory_space<vmem>>, %arg8: memref<4x64x128xf32, #tpu.memory_space<vmem>>, %arg9: memref<10112x128xf32, #tpu.memory_space<vmem_shared>>, %arg10: memref<!tpu.dma_semaphore, #tpu.memory_space<semaphore_mem>>, %arg11: memref<!tpu.dma_semaphore, #tpu.memory_space<semaphore_mem>>, %arg12: memref<!tpu.dma_semaphore, #tpu.memory_space<semaphore_mem>>, %arg13: memref<!tpu.dma_semaphore, #tpu.memory_space<semaphore_mem>>) attributes {dimension_semantics = [#tpu.dimension_semantics<core_parallel>, #tpu.dimension_semantics<subcore_parallel>], iteration_bounds = array<i64: 2, 16>, scalar_prefetch = 0 : i64, scratch_operands = 8 : i64, tpu.core_type = #tpu.core_type<sc_vector_subcore>, window_params = [{transform_indices = #map}, {transform_indices = #map1}, {transform_indices = #map1}, {transform_indices = #map1}]} {
    %mul3A = arith.constant 632 : i32
    %mul3A_0 = arith.muli %arg1, %mul3A : i32
    "tpu.region"() ({
      %run_scoped3A = tpu.sem_alloc : memref<!tpu.dma_semaphore, #tpu.memory_space<semaphore_mem>>
      %dma_start3A = arith.constant 0 : i32
      %dma_start3A_13 = tpu.memref_slice %arg9[%mul3A_0, %dma_start3A] : memref<10112x128xf32, #tpu.memory_space<vmem_shared>> -> memref<632x128xf32, #tpu.memory_space<vmem_shared>>
      tpu.enqueue_dma source(%arg4 : memref<632x128xf32, #tpu.memory_space<hbm>>) target(%dma_start3A_13 : memref<632x128xf32, #tpu.memory_space<vmem_shared>>) target_semaphore(%run_scoped3A : memref<!tpu.dma_semaphore, #tpu.memory_space<semaphore_mem>>)
      %dma_wait3A = arith.constant 0 : i32
      %dma_wait3A_14 = tpu.memref_slice %arg9[%mul3A_0, %dma_wait3A] : memref<10112x128xf32, #tpu.memory_space<vmem_shared>> -> memref<632x128xf32, #tpu.memory_space<vmem_shared>>
      tpu.wait_dma2 semaphore(%run_scoped3A : memref<!tpu.dma_semaphore, #tpu.memory_space<semaphore_mem>>) src(%arg4 : memref<632x128xf32, #tpu.memory_space<hbm>>) dst(%dma_wait3A_14 : memref<632x128xf32, #tpu.memory_space<vmem_shared>>)
      tpu.yield
    }) : () -> ()
    %barrier3A = arith.constant 0 : index
    tpu.barrier barrier_id(%barrier3A)
    %scan3A = arith.constant 0 : i32
    %scan3A_1 = arith.constant 0 : i32
    %scan3A_2 = arith.constant 20 : i32
    %scan3A_3 = arith.addi %scan3A_1, %scan3A_2 : i32
    %scan3A_4 = arith.constant 1 : i32
    scf.for %scan3A_13 = %scan3A_1 to %scan3A_3 step %scan3A_4  : i32 {
      %mul3A_14 = arith.constant 16 : i32
      %mul3A_15 = arith.muli %scan3A_13, %mul3A_14 : i32
      %run_scoped3A = arith.constant 0 : i32
      "tpu.region"() ({
        %run_scoped3A_72 = tpu.sem_alloc : memref<!tpu.dma_semaphore, #tpu.memory_space<semaphore_mem>>
        %dma_start3A_73 = arith.constant 0 : i32
        %dma_start3A_74 = tpu.memref_slice %arg2[%arg0, %run_scoped3A, %arg1, %mul3A_15, %dma_start3A_73] : memref<2x2x16x320x64xi32, #tpu.memory_space<hbm>> -> memref<1x1x1x16x64xi32, #tpu.memory_space<hbm>>
        %dma_start3A_75 = tpu.memref_squeeze %dma_start3A_74 : memref<1x1x1x16x64xi32, #tpu.memory_space<hbm>> -> memref<16x64xi32, #tpu.memory_space<hbm>>
        %dma_start3A_76 = arith.constant 0 : i32
        %dma_start3A_77 = tpu.memref_slice %arg2[%arg0, %run_scoped3A, %arg1, %mul3A_15, %dma_start3A_76] : memref<2x2x16x320x64xi32, #tpu.memory_space<hbm>> -> memref<1x1x1x16x64xi32, #tpu.memory_space<hbm>>
        %dma_start3A_78 = tpu.memref_squeeze %dma_start3A_77 : memref<1x1x1x16x64xi32, #tpu.memory_space<hbm>> -> memref<16x64xi32, #tpu.memory_space<hbm>>
        tpu.enqueue_dma source(%dma_start3A_78 : memref<16x64xi32, #tpu.memory_space<hbm>>) target(%arg6 : memref<16x64xi32, #tpu.memory_space<vmem>>) target_semaphore(%run_scoped3A_72 : memref<!tpu.dma_semaphore, #tpu.memory_space<semaphore_mem>>)
        %dma_wait3A = arith.constant 0 : i32
        %dma_wait3A_79 = tpu.memref_slice %arg2[%arg0, %run_scoped3A, %arg1, %mul3A_15, %dma_wait3A] : memref<2x2x16x320x64xi32, #tpu.memory_space<hbm>> -> memref<1x1x1x16x64xi32, #tpu.memory_space<hbm>>
        %dma_wait3A_80 = tpu.memref_squeeze %dma_wait3A_79 : memref<1x1x1x16x64xi32, #tpu.memory_space<hbm>> -> memref<16x64xi32, #tpu.memory_space<hbm>>
        %dma_wait3A_81 = arith.constant 0 : i32
        %dma_wait3A_82 = tpu.memref_slice %arg2[%arg0, %run_scoped3A, %arg1, %mul3A_15, %dma_wait3A_81] : memref<2x2x16x320x64xi32, #tpu.memory_space<hbm>> -> memref<1x1x1x16x64xi32, #tpu.memory_space<hbm>>
        %dma_wait3A_83 = tpu.memref_squeeze %dma_wait3A_82 : memref<1x1x1x16x64xi32, #tpu.memory_space<hbm>> -> memref<16x64xi32, #tpu.memory_space<hbm>>
        tpu.wait_dma2 semaphore(%run_scoped3A_72 : memref<!tpu.dma_semaphore, #tpu.memory_space<semaphore_mem>>) src(%dma_wait3A_83 : memref<16x64xi32, #tpu.memory_space<hbm>>) dst(%arg6 : memref<16x64xi32, #tpu.memory_space<vmem>>)
        tpu.yield
      }) : () -> ()
      %mul3A_16 = arith.constant 16 : i32
      %mul3A_17 = arith.muli %scan3A_13, %mul3A_16 : i32
      %run_scoped3A_18 = arith.constant 1 : i32
      "tpu.region"() ({
        %run_scoped3A_72 = tpu.sem_alloc : memref<!tpu.dma_semaphore, #tpu.memory_space<semaphore_mem>>
        %dma_start3A_73 = arith.constant 0 : i32
        %dma_start3A_74 = tpu.memref_slice %arg2[%arg0, %run_scoped3A_18, %arg1, %mul3A_17, %dma_start3A_73] : memref<2x2x16x320x64xi32, #tpu.memory_space<hbm>> -> memref<1x1x1x16x64xi32, #tpu.memory_space<hbm>>
        %dma_start3A_75 = tpu.memref_squeeze %dma_start3A_74 : memref<1x1x1x16x64xi32, #tpu.memory_space<hbm>> -> memref<16x64xi32, #tpu.memory_space<hbm>>
        %dma_start3A_76 = arith.constant 0 : i32
        %dma_start3A_77 = tpu.memref_slice %arg2[%arg0, %run_scoped3A_18, %arg1, %mul3A_17, %dma_start3A_76] : memref<2x2x16x320x64xi32, #tpu.memory_space<hbm>> -> memref<1x1x1x16x64xi32, #tpu.memory_space<hbm>>
        %dma_start3A_78 = tpu.memref_squeeze %dma_start3A_77 : memref<1x1x1x16x64xi32, #tpu.memory_space<hbm>> -> memref<16x64xi32, #tpu.memory_space<hbm>>
        tpu.enqueue_dma source(%dma_start3A_78 : memref<16x64xi32, #tpu.memory_space<hbm>>) target(%arg7 : memref<16x64xi32, #tpu.memory_space<vmem>>) target_semaphore(%run_scoped3A_72 : memref<!tpu.dma_semaphore, #tpu.memory_space<semaphore_mem>>)
        %dma_wait3A = arith.constant 0 : i32
        %dma_wait3A_79 = tpu.memref_slice %arg2[%arg0, %run_scoped3A_18, %arg1, %mul3A_17, %dma_wait3A] : memref<2x2x16x320x64xi32, #tpu.memory_space<hbm>> -> memref<1x1x1x16x64xi32, #tpu.memory_space<hbm>>
        %dma_wait3A_80 = tpu.memref_squeeze %dma_wait3A_79 : memref<1x1x1x16x64xi32, #tpu.memory_space<hbm>> -> memref<16x64xi32, #tpu.memory_space<hbm>>
        %dma_wait3A_81 = arith.constant 0 : i32
        %dma_wait3A_82 = tpu.memref_slice %arg2[%arg0, %run_scoped3A_18, %arg1, %mul3A_17, %dma_wait3A_81] : memref<2x2x16x320x64xi32, #tpu.memory_space<hbm>> -> memref<1x1x1x16x64xi32, #tpu.memory_space<hbm>>
        %dma_wait3A_83 = tpu.memref_squeeze %dma_wait3A_82 : memref<1x1x1x16x64xi32, #tpu.memory_space<hbm>> -> memref<16x64xi32, #tpu.memory_space<hbm>>
        tpu.wait_dma2 semaphore(%run_scoped3A_72 : memref<!tpu.dma_semaphore, #tpu.memory_space<semaphore_mem>>) src(%dma_wait3A_83 : memref<16x64xi32, #tpu.memory_space<hbm>>) dst(%arg7 : memref<16x64xi32, #tpu.memory_space<vmem>>)
        tpu.yield
      }) : () -> ()
      %dma_start3A = arith.constant 0 : i32
      %dma_start3A_19 = arith.constant 0 : i32
      %dma_start3A_20 = arith.constant 0 : i32
      %dma_start3A_21 = arith.constant 0 : i32
      %dma_start3A_22 = tpu.memref_slice %arg8[%dma_start3A_19, %dma_start3A_20, %dma_start3A_21] : memref<4x64x128xf32, #tpu.memory_space<vmem>> -> memref<1x64x128xf32, #tpu.memory_space<vmem>>
      %dma_start3A_23 = tpu.memref_squeeze %dma_start3A_22 : memref<1x64x128xf32, #tpu.memory_space<vmem>> -> memref<64x128xf32, #tpu.memory_space<vmem>>
      %dma_start3A_24 = arith.constant 0 : i32
      %dma_start3A_25 = tpu.memref_slice %arg6[%dma_start3A, %dma_start3A_24] : memref<16x64xi32, #tpu.memory_space<vmem>> -> memref<1x64xi32, #tpu.memory_space<vmem>>
      %dma_start3A_26 = tpu.memref_squeeze %dma_start3A_25 : memref<1x64xi32, #tpu.memory_space<vmem>> -> memref<64xi32, #tpu.memory_space<vmem>>
      %dma_start3A_27 = arith.constant 0 : i32
      %dma_start3A_28 = arith.constant 0 : i32
      %dma_start3A_29 = tpu.memref_slice %arg3[%dma_start3A_27, %dma_start3A_28] : memref<20000x128xf32, #tpu.memory_space<hbm>> -> memref<20000x128xf32, #tpu.memory_space<hbm>>
      tpu.enqueue_indirect_dma source(%dma_start3A_29 : memref<20000x128xf32, #tpu.memory_space<hbm>>) target(%dma_start3A_23 : memref<64x128xf32, #tpu.memory_space<vmem>>) offsets(%dma_start3A_26 : memref<64xi32, #tpu.memory_space<vmem>>) semaphore(%arg10 : memref<!tpu.dma_semaphore, #tpu.memory_space<semaphore_mem>>)
      %dma_start3A_30 = arith.constant 1 : i32
      %dma_start3A_31 = arith.constant 1 : i32
      %dma_start3A_32 = arith.constant 0 : i32
      %dma_start3A_33 = arith.constant 0 : i32
      %dma_start3A_34 = tpu.memref_slice %arg8[%dma_start3A_31, %dma_start3A_32, %dma_start3A_33] : memref<4x64x128xf32, #tpu.memory_space<vmem>> -> memref<1x64x128xf32, #tpu.memory_space<vmem>>
      %dma_start3A_35 = tpu.memref_squeeze %dma_start3A_34 : memref<1x64x128xf32, #tpu.memory_space<vmem>> -> memref<64x128xf32, #tpu.memory_space<vmem>>
      %dma_start3A_36 = arith.constant 0 : i32
      %dma_start3A_37 = tpu.memref_slice %arg6[%dma_start3A_30, %dma_start3A_36] : memref<16x64xi32, #tpu.memory_space<vmem>> -> memref<1x64xi32, #tpu.memory_space<vmem>>
      %dma_start3A_38 = tpu.memref_squeeze %dma_start3A_37 : memref<1x64xi32, #tpu.memory_space<vmem>> -> memref<64xi32, #tpu.memory_space<vmem>>
      %dma_start3A_39 = arith.constant 0 : i32
      %dma_start3A_40 = arith.constant 0 : i32
      %dma_start3A_41 = tpu.memref_slice %arg3[%dma_start3A_39, %dma_start3A_40] : memref<20000x128xf32, #tpu.memory_space<hbm>> -> memref<20000x128xf32, #tpu.memory_space<hbm>>
      tpu.enqueue_indirect_dma source(%dma_start3A_41 : memref<20000x128xf32, #tpu.memory_space<hbm>>) target(%dma_start3A_35 : memref<64x128xf32, #tpu.memory_space<vmem>>) offsets(%dma_start3A_38 : memref<64xi32, #tpu.memory_space<vmem>>) semaphore(%arg11 : memref<!tpu.dma_semaphore, #tpu.memory_space<semaphore_mem>>)
      %dma_start3A_42 = arith.constant 2 : i32
      %dma_start3A_43 = arith.constant 2 : i32
      %dma_start3A_44 = arith.constant 0 : i32
      %dma_start3A_45 = arith.constant 0 : i32
      %dma_start3A_46 = tpu.memref_slice %arg8[%dma_start3A_43, %dma_start3A_44, %dma_start3A_45] : memref<4x64x128xf32, #tpu.memory_space<vmem>> -> memref<1x64x128xf32, #tpu.memory_space<vmem>>
      %dma_start3A_47 = tpu.memref_squeeze %dma_start3A_46 : memref<1x64x128xf32, #tpu.memory_space<vmem>> -> memref<64x128xf32, #tpu.memory_space<vmem>>
      %dma_start3A_48 = arith.constant 0 : i32
      %dma_start3A_49 = tpu.memref_slice %arg6[%dma_start3A_42, %dma_start3A_48] : memref<16x64xi32, #tpu.memory_space<vmem>> -> memref<1x64xi32, #tpu.memory_space<vmem>>
      %dma_start3A_50 = tpu.memref_squeeze %dma_start3A_49 : memref<1x64xi32, #tpu.memory_space<vmem>> -> memref<64xi32, #tpu.memory_space<vmem>>
      %dma_start3A_51 = arith.constant 0 : i32
      %dma_start3A_52 = arith.constant 0 : i32
      %dma_start3A_53 = tpu.memref_slice %arg3[%dma_start3A_51, %dma_start3A_52] : memref<20000x128xf32, #tpu.memory_space<hbm>> -> memref<20000x128xf32, #tpu.memory_space<hbm>>
      tpu.enqueue_indirect_dma source(%dma_start3A_53 : memref<20000x128xf32, #tpu.memory_space<hbm>>) target(%dma_start3A_47 : memref<64x128xf32, #tpu.memory_space<vmem>>) offsets(%dma_start3A_50 : memref<64xi32, #tpu.memory_space<vmem>>) semaphore(%arg12 : memref<!tpu.dma_semaphore, #tpu.memory_space<semaphore_mem>>)
      %dma_start3A_54 = arith.constant 3 : i32
      %dma_start3A_55 = arith.constant 3 : i32
      %dma_start3A_56 = arith.constant 0 : i32
      %dma_start3A_57 = arith.constant 0 : i32
      %dma_start3A_58 = tpu.memref_slice %arg8[%dma_start3A_55, %dma_start3A_56, %dma_start3A_57] : memref<4x64x128xf32, #tpu.memory_space<vmem>> -> memref<1x64x128xf32, #tpu.memory_space<vmem>>
      %dma_start3A_59 = tpu.memref_squeeze %dma_start3A_58 : memref<1x64x128xf32, #tpu.memory_space<vmem>> -> memref<64x128xf32, #tpu.memory_space<vmem>>
      %dma_start3A_60 = arith.constant 0 : i32
      %dma_start3A_61 = tpu.memref_slice %arg6[%dma_start3A_54, %dma_start3A_60] : memref<16x64xi32, #tpu.memory_space<vmem>> -> memref<1x64xi32, #tpu.memory_space<vmem>>
      %dma_start3A_62 = tpu.memref_squeeze %dma_start3A_61 : memref<1x64xi32, #tpu.memory_space<vmem>> -> memref<64xi32, #tpu.memory_space<vmem>>
      %dma_start3A_63 = arith.constant 0 : i32
      %dma_start3A_64 = arith.constant 0 : i32
      %dma_start3A_65 = tpu.memref_slice %arg3[%dma_start3A_63, %dma_start3A_64] : memref<20000x128xf32, #tpu.memory_space<hbm>> -> memref<20000x128xf32, #tpu.memory_space<hbm>>
      tpu.enqueue_indirect_dma source(%dma_start3A_65 : memref<20000x128xf32, #tpu.memory_space<hbm>>) target(%dma_start3A_59 : memref<64x128xf32, #tpu.memory_space<vmem>>) offsets(%dma_start3A_62 : memref<64xi32, #tpu.memory_space<vmem>>) semaphore(%arg13 : memref<!tpu.dma_semaphore, #tpu.memory_space<semaphore_mem>>)
      %scan3A_66 = arith.constant 0 : i32
      %scan3A_67 = arith.constant 0 : i32
      %scan3A_68 = arith.constant 4 : i32
      %scan3A_69 = arith.addi %scan3A_67, %scan3A_68 : i32
      %scan3A_70 = arith.constant 1 : i32
      scf.for %scan3A_72 = %scan3A_67 to %scan3A_69 step %scan3A_70  : i32 {
        %mul3A_73 = arith.constant 4 : i32
        %mul3A_74 = arith.muli %scan3A_72, %mul3A_73 : i32
        %add3A = arith.constant 0 : i32
        %add3A_75 = arith.addi %mul3A_74, %add3A : i32
        %dma_wait3A = arith.constant 0 : i32
        %dma_wait3A_76 = arith.constant 0 : i32
        %dma_wait3A_77 = arith.constant 0 : i32
        %dma_wait3A_78 = tpu.memref_slice %arg8[%dma_wait3A, %dma_wait3A_76, %dma_wait3A_77] : memref<4x64x128xf32, #tpu.memory_space<vmem>> -> memref<1x64x128xf32, #tpu.memory_space<vmem>>
        %dma_wait3A_79 = tpu.memref_squeeze %dma_wait3A_78 : memref<1x64x128xf32, #tpu.memory_space<vmem>> -> memref<64x128xf32, #tpu.memory_space<vmem>>
        %dma_wait3A_80 = arith.constant 0 : i32
        %dma_wait3A_81 = tpu.memref_slice %arg6[%add3A_75, %dma_wait3A_80] : memref<16x64xi32, #tpu.memory_space<vmem>> -> memref<1x64xi32, #tpu.memory_space<vmem>>
        %dma_wait3A_82 = tpu.memref_squeeze %dma_wait3A_81 : memref<1x64xi32, #tpu.memory_space<vmem>> -> memref<64xi32, #tpu.memory_space<vmem>>
        %dma_wait3A_83 = arith.constant 0 : i32
        %dma_wait3A_84 = arith.constant 0 : i32
        %dma_wait3A_85 = tpu.memref_slice %arg3[%dma_wait3A_83, %dma_wait3A_84] : memref<20000x128xf32, #tpu.memory_space<hbm>> -> memref<20000x128xf32, #tpu.memory_space<hbm>>
        tpu.wait_indirect_dma semaphore(%arg10 : memref<!tpu.dma_semaphore, #tpu.memory_space<semaphore_mem>>) src(%dma_wait3A_85 : memref<20000x128xf32, #tpu.memory_space<hbm>>) dst(%dma_wait3A_79 : memref<64x128xf32, #tpu.memory_space<vmem>>)
        %run_scoped3A_86 = arith.constant 0 : i32
        "tpu.region"() ({
          %run_scoped3A_157 = tpu.sem_alloc : memref<!tpu.dma_semaphore, #tpu.memory_space<semaphore_mem>>
          %dma_start3A_158 = arith.constant 0 : i32
          %dma_start3A_159 = arith.constant 0 : i32
          %dma_start3A_160 = tpu.memref_slice %arg8[%run_scoped3A_86, %dma_start3A_158, %dma_start3A_159] : memref<4x64x128xf32, #tpu.memory_space<vmem>> -> memref<1x64x128xf32, #tpu.memory_space<vmem>>
          %dma_start3A_161 = tpu.memref_squeeze %dma_start3A_160 : memref<1x64x128xf32, #tpu.memory_space<vmem>> -> memref<64x128xf32, #tpu.memory_space<vmem>>
          %dma_start3A_162 = arith.constant 0 : i32
          %dma_start3A_163 = tpu.memref_slice %arg7[%add3A_75, %dma_start3A_162] : memref<16x64xi32, #tpu.memory_space<vmem>> -> memref<1x64xi32, #tpu.memory_space<vmem>>
          %dma_start3A_164 = tpu.memref_squeeze %dma_start3A_163 : memref<1x64xi32, #tpu.memory_space<vmem>> -> memref<64xi32, #tpu.memory_space<vmem>>
          %dma_start3A_165 = arith.constant 0 : i32
          %dma_start3A_166 = arith.constant 0 : i32
          %dma_start3A_167 = tpu.memref_slice %arg9[%dma_start3A_165, %dma_start3A_166] : memref<10112x128xf32, #tpu.memory_space<vmem_shared>> -> memref<10112x128xf32, #tpu.memory_space<vmem_shared>>
          tpu.enqueue_indirect_dma source(%dma_start3A_161 : memref<64x128xf32, #tpu.memory_space<vmem>>) target(%dma_start3A_167 : memref<10112x128xf32, #tpu.memory_space<vmem_shared>>) offsets(%dma_start3A_164 : memref<64xi32, #tpu.memory_space<vmem>>) semaphore(%run_scoped3A_157 : memref<!tpu.dma_semaphore, #tpu.memory_space<semaphore_mem>>) {add = true}
          %dma_wait3A_168 = arith.constant 0 : i32
          %dma_wait3A_169 = arith.constant 0 : i32
          %dma_wait3A_170 = tpu.memref_slice %arg8[%run_scoped3A_86, %dma_wait3A_168, %dma_wait3A_169] : memref<4x64x128xf32, #tpu.memory_space<vmem>> -> memref<1x64x128xf32, #tpu.memory_space<vmem>>
          %dma_wait3A_171 = tpu.memref_squeeze %dma_wait3A_170 : memref<1x64x128xf32, #tpu.memory_space<vmem>> -> memref<64x128xf32, #tpu.memory_space<vmem>>
          %dma_wait3A_172 = arith.constant 0 : i32
          %dma_wait3A_173 = tpu.memref_slice %arg7[%add3A_75, %dma_wait3A_172] : memref<16x64xi32, #tpu.memory_space<vmem>> -> memref<1x64xi32, #tpu.memory_space<vmem>>
          %dma_wait3A_174 = tpu.memref_squeeze %dma_wait3A_173 : memref<1x64xi32, #tpu.memory_space<vmem>> -> memref<64xi32, #tpu.memory_space<vmem>>
          %dma_wait3A_175 = arith.constant 0 : i32
          %dma_wait3A_176 = arith.constant 0 : i32
          %dma_wait3A_177 = tpu.memref_slice %arg9[%dma_wait3A_175, %dma_wait3A_176] : memref<10112x128xf32, #tpu.memory_space<vmem_shared>> -> memref<10112x128xf32, #tpu.memory_space<vmem_shared>>
          tpu.wait_indirect_dma semaphore(%run_scoped3A_157 : memref<!tpu.dma_semaphore, #tpu.memory_space<semaphore_mem>>) src(%dma_wait3A_171 : memref<64x128xf32, #tpu.memory_space<vmem>>) dst(%dma_wait3A_177 : memref<10112x128xf32, #tpu.memory_space<vmem_shared>>)
          tpu.yield
        }) : () -> ()
        %add3A_87 = arith.constant 4 : i32
        %add3A_88 = arith.addi %add3A_75, %add3A_87 : i32
        %lt3A_89 = arith.constant 16 : i32
        %lt3A_90 = arith.cmpi slt, %add3A_88, %lt3A_89 : i32
        %convert_element_type3A_91 = arith.extui %lt3A_90 : i1 to i32
        %cond3A_92 = arith.constant 0 : i32
        %cond3A_93 = arith.cmpi ne, %convert_element_type3A_91, %cond3A_92 : i32
        scf.if %cond3A_93 {
          %dma_start3A_157 = arith.constant 0 : i32
          %dma_start3A_158 = arith.constant 0 : i32
          %dma_start3A_159 = arith.constant 0 : i32
          %dma_start3A_160 = tpu.memref_slice %arg8[%dma_start3A_157, %dma_start3A_158, %dma_start3A_159] : memref<4x64x128xf32, #tpu.memory_space<vmem>> -> memref<1x64x128xf32, #tpu.memory_space<vmem>>
          %dma_start3A_161 = tpu.memref_squeeze %dma_start3A_160 : memref<1x64x128xf32, #tpu.memory_space<vmem>> -> memref<64x128xf32, #tpu.memory_space<vmem>>
          %dma_start3A_162 = arith.constant 0 : i32
          %dma_start3A_163 = tpu.memref_slice %arg6[%add3A_88, %dma_start3A_162] : memref<16x64xi32, #tpu.memory_space<vmem>> -> memref<1x64xi32, #tpu.memory_space<vmem>>
          %dma_start3A_164 = tpu.memref_squeeze %dma_start3A_163 : memref<1x64xi32, #tpu.memory_space<vmem>> -> memref<64xi32, #tpu.memory_space<vmem>>
          %dma_start3A_165 = arith.constant 0 : i32
          %dma_start3A_166 = arith.constant 0 : i32
          %dma_start3A_167 = tpu.memref_slice %arg3[%dma_start3A_165, %dma_start3A_166] : memref<20000x128xf32, #tpu.memory_space<hbm>> -> memref<20000x128xf32, #tpu.memory_space<hbm>>
          tpu.enqueue_indirect_dma source(%dma_start3A_167 : memref<20000x128xf32, #tpu.memory_space<hbm>>) target(%dma_start3A_161 : memref<64x128xf32, #tpu.memory_space<vmem>>) offsets(%dma_start3A_164 : memref<64xi32, #tpu.memory_space<vmem>>) semaphore(%arg10 : memref<!tpu.dma_semaphore, #tpu.memory_space<semaphore_mem>>)
        } else {
        }
        %add3A_94 = arith.constant 1 : i32
        %add3A_95 = arith.addi %mul3A_74, %add3A_94 : i32
        %dma_wait3A_96 = arith.constant 1 : i32
        %dma_wait3A_97 = arith.constant 0 : i32
        %dma_wait3A_98 = arith.constant 0 : i32
        %dma_wait3A_99 = tpu.memref_slice %arg8[%dma_wait3A_96, %dma_wait3A_97, %dma_wait3A_98] : memref<4x64x128xf32, #tpu.memory_space<vmem>> -> memref<1x64x128xf32, #tpu.memory_space<vmem>>
        %dma_wait3A_100 = tpu.memref_squeeze %dma_wait3A_99 : memref<1x64x128xf32, #tpu.memory_space<vmem>> -> memref<64x128xf32, #tpu.memory_space<vmem>>
        %dma_wait3A_101 = arith.constant 0 : i32
        %dma_wait3A_102 = tpu.memref_slice %arg6[%add3A_95, %dma_wait3A_101] : memref<16x64xi32, #tpu.memory_space<vmem>> -> memref<1x64xi32, #tpu.memory_space<vmem>>
        %dma_wait3A_103 = tpu.memref_squeeze %dma_wait3A_102 : memref<1x64xi32, #tpu.memory_space<vmem>> -> memref<64xi32, #tpu.memory_space<vmem>>
        %dma_wait3A_104 = arith.constant 0 : i32
        %dma_wait3A_105 = arith.constant 0 : i32
        %dma_wait3A_106 = tpu.memref_slice %arg3[%dma_wait3A_104, %dma_wait3A_105] : memref<20000x128xf32, #tpu.memory_space<hbm>> -> memref<20000x128xf32, #tpu.memory_space<hbm>>
        tpu.wait_indirect_dma semaphore(%arg11 : memref<!tpu.dma_semaphore, #tpu.memory_space<semaphore_mem>>) src(%dma_wait3A_106 : memref<20000x128xf32, #tpu.memory_space<hbm>>) dst(%dma_wait3A_100 : memref<64x128xf32, #tpu.memory_space<vmem>>)
        %run_scoped3A_107 = arith.constant 1 : i32
        "tpu.region"() ({
          %run_scoped3A_157 = tpu.sem_alloc : memref<!tpu.dma_semaphore, #tpu.memory_space<semaphore_mem>>
          %dma_start3A_158 = arith.constant 0 : i32
          %dma_start3A_159 = arith.constant 0 : i32
          %dma_start3A_160 = tpu.memref_slice %arg8[%run_scoped3A_107, %dma_start3A_158, %dma_start3A_159] : memref<4x64x128xf32, #tpu.memory_space<vmem>> -> memref<1x64x128xf32, #tpu.memory_space<vmem>>
          %dma_start3A_161 = tpu.memref_squeeze %dma_start3A_160 : memref<1x64x128xf32, #tpu.memory_space<vmem>> -> memref<64x128xf32, #tpu.memory_space<vmem>>
          %dma_start3A_162 = arith.constant 0 : i32
          %dma_start3A_163 = tpu.memref_slice %arg7[%add3A_95, %dma_start3A_162] : memref<16x64xi32, #tpu.memory_space<vmem>> -> memref<1x64xi32, #tpu.memory_space<vmem>>
          %dma_start3A_164 = tpu.memref_squeeze %dma_start3A_163 : memref<1x64xi32, #tpu.memory_space<vmem>> -> memref<64xi32, #tpu.memory_space<vmem>>
          %dma_start3A_165 = arith.constant 0 : i32
          %dma_start3A_166 = arith.constant 0 : i32
          %dma_start3A_167 = tpu.memref_slice %arg9[%dma_start3A_165, %dma_start3A_166] : memref<10112x128xf32, #tpu.memory_space<vmem_shared>> -> memref<10112x128xf32, #tpu.memory_space<vmem_shared>>
          tpu.enqueue_indirect_dma source(%dma_start3A_161 : memref<64x128xf32, #tpu.memory_space<vmem>>) target(%dma_start3A_167 : memref<10112x128xf32, #tpu.memory_space<vmem_shared>>) offsets(%dma_start3A_164 : memref<64xi32, #tpu.memory_space<vmem>>) semaphore(%run_scoped3A_157 : memref<!tpu.dma_semaphore, #tpu.memory_space<semaphore_mem>>) {add = true}
          %dma_wait3A_168 = arith.constant 0 : i32
          %dma_wait3A_169 = arith.constant 0 : i32
          %dma_wait3A_170 = tpu.memref_slice %arg8[%run_scoped3A_107, %dma_wait3A_168, %dma_wait3A_169] : memref<4x64x128xf32, #tpu.memory_space<vmem>> -> memref<1x64x128xf32, #tpu.memory_space<vmem>>
          %dma_wait3A_171 = tpu.memref_squeeze %dma_wait3A_170 : memref<1x64x128xf32, #tpu.memory_space<vmem>> -> memref<64x128xf32, #tpu.memory_space<vmem>>
          %dma_wait3A_172 = arith.constant 0 : i32
          %dma_wait3A_173 = tpu.memref_slice %arg7[%add3A_95, %dma_wait3A_172] : memref<16x64xi32, #tpu.memory_space<vmem>> -> memref<1x64xi32, #tpu.memory_space<vmem>>
          %dma_wait3A_174 = tpu.memref_squeeze %dma_wait3A_173 : memref<1x64xi32, #tpu.memory_space<vmem>> -> memref<64xi32, #tpu.memory_space<vmem>>
          %dma_wait3A_175 = arith.constant 0 : i32
          %dma_wait3A_176 = arith.constant 0 : i32
          %dma_wait3A_177 = tpu.memref_slice %arg9[%dma_wait3A_175, %dma_wait3A_176] : memref<10112x128xf32, #tpu.memory_space<vmem_shared>> -> memref<10112x128xf32, #tpu.memory_space<vmem_shared>>
          tpu.wait_indirect_dma semaphore(%run_scoped3A_157 : memref<!tpu.dma_semaphore, #tpu.memory_space<semaphore_mem>>) src(%dma_wait3A_171 : memref<64x128xf32, #tpu.memory_space<vmem>>) dst(%dma_wait3A_177 : memref<10112x128xf32, #tpu.memory_space<vmem_shared>>)
          tpu.yield
        }) : () -> ()
        %add3A_108 = arith.constant 4 : i32
        %add3A_109 = arith.addi %add3A_95, %add3A_108 : i32
        %lt3A_110 = arith.constant 16 : i32
        %lt3A_111 = arith.cmpi slt, %add3A_109, %lt3A_110 : i32
        %convert_element_type3A_112 = arith.extui %lt3A_111 : i1 to i32
        %cond3A_113 = arith.constant 0 : i32
        %cond3A_114 = arith.cmpi ne, %convert_element_type3A_112, %cond3A_113 : i32
        scf.if %cond3A_114 {
          %dma_start3A_157 = arith.constant 1 : i32
          %dma_start3A_158 = arith.constant 0 : i32
          %dma_start3A_159 = arith.constant 0 : i32
          %dma_start3A_160 = tpu.memref_slice %arg8[%dma_start3A_157, %dma_start3A_158, %dma_start3A_159] : memref<4x64x128xf32, #tpu.memory_space<vmem>> -> memref<1x64x128xf32, #tpu.memory_space<vmem>>
          %dma_start3A_161 = tpu.memref_squeeze %dma_start3A_160 : memref<1x64x128xf32, #tpu.memory_space<vmem>> -> memref<64x128xf32, #tpu.memory_space<vmem>>
          %dma_start3A_162 = arith.constant 0 : i32
          %dma_start3A_163 = tpu.memref_slice %arg6[%add3A_109, %dma_start3A_162] : memref<16x64xi32, #tpu.memory_space<vmem>> -> memref<1x64xi32, #tpu.memory_space<vmem>>
          %dma_start3A_164 = tpu.memref_squeeze %dma_start3A_163 : memref<1x64xi32, #tpu.memory_space<vmem>> -> memref<64xi32, #tpu.memory_space<vmem>>
          %dma_start3A_165 = arith.constant 0 : i32
          %dma_start3A_166 = arith.constant 0 : i32
          %dma_start3A_167 = tpu.memref_slice %arg3[%dma_start3A_165, %dma_start3A_166] : memref<20000x128xf32, #tpu.memory_space<hbm>> -> memref<20000x128xf32, #tpu.memory_space<hbm>>
          tpu.enqueue_indirect_dma source(%dma_start3A_167 : memref<20000x128xf32, #tpu.memory_space<hbm>>) target(%dma_start3A_161 : memref<64x128xf32, #tpu.memory_space<vmem>>) offsets(%dma_start3A_164 : memref<64xi32, #tpu.memory_space<vmem>>) semaphore(%arg11 : memref<!tpu.dma_semaphore, #tpu.memory_space<semaphore_mem>>)
        } else {
        }
        %add3A_115 = arith.constant 2 : i32
        %add3A_116 = arith.addi %mul3A_74, %add3A_115 : i32
        %dma_wait3A_117 = arith.constant 2 : i32
        %dma_wait3A_118 = arith.constant 0 : i32
        %dma_wait3A_119 = arith.constant 0 : i32
        %dma_wait3A_120 = tpu.memref_slice %arg8[%dma_wait3A_117, %dma_wait3A_118, %dma_wait3A_119] : memref<4x64x128xf32, #tpu.memory_space<vmem>> -> memref<1x64x128xf32, #tpu.memory_space<vmem>>
        %dma_wait3A_121 = tpu.memref_squeeze %dma_wait3A_120 : memref<1x64x128xf32, #tpu.memory_space<vmem>> -> memref<64x128xf32, #tpu.memory_space<vmem>>
        %dma_wait3A_122 = arith.constant 0 : i32
        %dma_wait3A_123 = tpu.memref_slice %arg6[%add3A_116, %dma_wait3A_122] : memref<16x64xi32, #tpu.memory_space<vmem>> -> memref<1x64xi32, #tpu.memory_space<vmem>>
        %dma_wait3A_124 = tpu.memref_squeeze %dma_wait3A_123 : memref<1x64xi32, #tpu.memory_space<vmem>> -> memref<64xi32, #tpu.memory_space<vmem>>
        %dma_wait3A_125 = arith.constant 0 : i32
        %dma_wait3A_126 = arith.constant 0 : i32
        %dma_wait3A_127 = tpu.memref_slice %arg3[%dma_wait3A_125, %dma_wait3A_126] : memref<20000x128xf32, #tpu.memory_space<hbm>> -> memref<20000x128xf32, #tpu.memory_space<hbm>>
        tpu.wait_indirect_dma semaphore(%arg12 : memref<!tpu.dma_semaphore, #tpu.memory_space<semaphore_mem>>) src(%dma_wait3A_127 : memref<20000x128xf32, #tpu.memory_space<hbm>>) dst(%dma_wait3A_121 : memref<64x128xf32, #tpu.memory_space<vmem>>)
        %run_scoped3A_128 = arith.constant 2 : i32
        "tpu.region"() ({
          %run_scoped3A_157 = tpu.sem_alloc : memref<!tpu.dma_semaphore, #tpu.memory_space<semaphore_mem>>
          %dma_start3A_158 = arith.constant 0 : i32
          %dma_start3A_159 = arith.constant 0 : i32
          %dma_start3A_160 = tpu.memref_slice %arg8[%run_scoped3A_128, %dma_start3A_158, %dma_start3A_159] : memref<4x64x128xf32, #tpu.memory_space<vmem>> -> memref<1x64x128xf32, #tpu.memory_space<vmem>>
          %dma_start3A_161 = tpu.memref_squeeze %dma_start3A_160 : memref<1x64x128xf32, #tpu.memory_space<vmem>> -> memref<64x128xf32, #tpu.memory_space<vmem>>
          %dma_start3A_162 = arith.constant 0 : i32
          %dma_start3A_163 = tpu.memref_slice %arg7[%add3A_116, %dma_start3A_162] : memref<16x64xi32, #tpu.memory_space<vmem>> -> memref<1x64xi32, #tpu.memory_space<vmem>>
          %dma_start3A_164 = tpu.memref_squeeze %dma_start3A_163 : memref<1x64xi32, #tpu.memory_space<vmem>> -> memref<64xi32, #tpu.memory_space<vmem>>
          %dma_start3A_165 = arith.constant 0 : i32
          %dma_start3A_166 = arith.constant 0 : i32
          %dma_start3A_167 = tpu.memref_slice %arg9[%dma_start3A_165, %dma_start3A_166] : memref<10112x128xf32, #tpu.memory_space<vmem_shared>> -> memref<10112x128xf32, #tpu.memory_space<vmem_shared>>
          tpu.enqueue_indirect_dma source(%dma_start3A_161 : memref<64x128xf32, #tpu.memory_space<vmem>>) target(%dma_start3A_167 : memref<10112x128xf32, #tpu.memory_space<vmem_shared>>) offsets(%dma_start3A_164 : memref<64xi32, #tpu.memory_space<vmem>>) semaphore(%run_scoped3A_157 : memref<!tpu.dma_semaphore, #tpu.memory_space<semaphore_mem>>) {add = true}
          %dma_wait3A_168 = arith.constant 0 : i32
          %dma_wait3A_169 = arith.constant 0 : i32
          %dma_wait3A_170 = tpu.memref_slice %arg8[%run_scoped3A_128, %dma_wait3A_168, %dma_wait3A_169] : memref<4x64x128xf32, #tpu.memory_space<vmem>> -> memref<1x64x128xf32, #tpu.memory_space<vmem>>
          %dma_wait3A_171 = tpu.memref_squeeze %dma_wait3A_170 : memref<1x64x128xf32, #tpu.memory_space<vmem>> -> memref<64x128xf32, #tpu.memory_space<vmem>>
          %dma_wait3A_172 = arith.constant 0 : i32
          %dma_wait3A_173 = tpu.memref_slice %arg7[%add3A_116, %dma_wait3A_172] : memref<16x64xi32, #tpu.memory_space<vmem>> -> memref<1x64xi32, #tpu.memory_space<vmem>>
          %dma_wait3A_174 = tpu.memref_squeeze %dma_wait3A_173 : memref<1x64xi32, #tpu.memory_space<vmem>> -> memref<64xi32, #tpu.memory_space<vmem>>
          %dma_wait3A_175 = arith.constant 0 : i32
          %dma_wait3A_176 = arith.constant 0 : i32
          %dma_wait3A_177 = tpu.memref_slice %arg9[%dma_wait3A_175, %dma_wait3A_176] : memref<10112x128xf32, #tpu.memory_space<vmem_shared>> -> memref<10112x128xf32, #tpu.memory_space<vmem_shared>>
          tpu.wait_indirect_dma semaphore(%run_scoped3A_157 : memref<!tpu.dma_semaphore, #tpu.memory_space<semaphore_mem>>) src(%dma_wait3A_171 : memref<64x128xf32, #tpu.memory_space<vmem>>) dst(%dma_wait3A_177 : memref<10112x128xf32, #tpu.memory_space<vmem_shared>>)
          tpu.yield
        }) : () -> ()
        %add3A_129 = arith.constant 4 : i32
        %add3A_130 = arith.addi %add3A_116, %add3A_129 : i32
        %lt3A_131 = arith.constant 16 : i32
        %lt3A_132 = arith.cmpi slt, %add3A_130, %lt3A_131 : i32
        %convert_element_type3A_133 = arith.extui %lt3A_132 : i1 to i32
        %cond3A_134 = arith.constant 0 : i32
        %cond3A_135 = arith.cmpi ne, %convert_element_type3A_133, %cond3A_134 : i32
        scf.if %cond3A_135 {
          %dma_start3A_157 = arith.constant 2 : i32
          %dma_start3A_158 = arith.constant 0 : i32
          %dma_start3A_159 = arith.constant 0 : i32
          %dma_start3A_160 = tpu.memref_slice %arg8[%dma_start3A_157, %dma_start3A_158, %dma_start3A_159] : memref<4x64x128xf32, #tpu.memory_space<vmem>> -> memref<1x64x128xf32, #tpu.memory_space<vmem>>
          %dma_start3A_161 = tpu.memref_squeeze %dma_start3A_160 : memref<1x64x128xf32, #tpu.memory_space<vmem>> -> memref<64x128xf32, #tpu.memory_space<vmem>>
          %dma_start3A_162 = arith.constant 0 : i32
          %dma_start3A_163 = tpu.memref_slice %arg6[%add3A_130, %dma_start3A_162] : memref<16x64xi32, #tpu.memory_space<vmem>> -> memref<1x64xi32, #tpu.memory_space<vmem>>
          %dma_start3A_164 = tpu.memref_squeeze %dma_start3A_163 : memref<1x64xi32, #tpu.memory_space<vmem>> -> memref<64xi32, #tpu.memory_space<vmem>>
          %dma_start3A_165 = arith.constant 0 : i32
          %dma_start3A_166 = arith.constant 0 : i32
          %dma_start3A_167 = tpu.memref_slice %arg3[%dma_start3A_165, %dma_start3A_166] : memref<20000x128xf32, #tpu.memory_space<hbm>> -> memref<20000x128xf32, #tpu.memory_space<hbm>>
          tpu.enqueue_indirect_dma source(%dma_start3A_167 : memref<20000x128xf32, #tpu.memory_space<hbm>>) target(%dma_start3A_161 : memref<64x128xf32, #tpu.memory_space<vmem>>) offsets(%dma_start3A_164 : memref<64xi32, #tpu.memory_space<vmem>>) semaphore(%arg12 : memref<!tpu.dma_semaphore, #tpu.memory_space<semaphore_mem>>)
        } else {
        }
        %add3A_136 = arith.constant 3 : i32
        %add3A_137 = arith.addi %mul3A_74, %add3A_136 : i32
        %dma_wait3A_138 = arith.constant 3 : i32
        %dma_wait3A_139 = arith.constant 0 : i32
        %dma_wait3A_140 = arith.constant 0 : i32
        %dma_wait3A_141 = tpu.memref_slice %arg8[%dma_wait3A_138, %dma_wait3A_139, %dma_wait3A_140] : memref<4x64x128xf32, #tpu.memory_space<vmem>> -> memref<1x64x128xf32, #tpu.memory_space<vmem>>
        %dma_wait3A_142 = tpu.memref_squeeze %dma_wait3A_141 : memref<1x64x128xf32, #tpu.memory_space<vmem>> -> memref<64x128xf32, #tpu.memory_space<vmem>>
        %dma_wait3A_143 = arith.constant 0 : i32
        %dma_wait3A_144 = tpu.memref_slice %arg6[%add3A_137, %dma_wait3A_143] : memref<16x64xi32, #tpu.memory_space<vmem>> -> memref<1x64xi32, #tpu.memory_space<vmem>>
        %dma_wait3A_145 = tpu.memref_squeeze %dma_wait3A_144 : memref<1x64xi32, #tpu.memory_space<vmem>> -> memref<64xi32, #tpu.memory_space<vmem>>
        %dma_wait3A_146 = arith.constant 0 : i32
        %dma_wait3A_147 = arith.constant 0 : i32
        %dma_wait3A_148 = tpu.memref_slice %arg3[%dma_wait3A_146, %dma_wait3A_147] : memref<20000x128xf32, #tpu.memory_space<hbm>> -> memref<20000x128xf32, #tpu.memory_space<hbm>>
        tpu.wait_indirect_dma semaphore(%arg13 : memref<!tpu.dma_semaphore, #tpu.memory_space<semaphore_mem>>) src(%dma_wait3A_148 : memref<20000x128xf32, #tpu.memory_space<hbm>>) dst(%dma_wait3A_142 : memref<64x128xf32, #tpu.memory_space<vmem>>)
        %run_scoped3A_149 = arith.constant 3 : i32
        "tpu.region"() ({
          %run_scoped3A_157 = tpu.sem_alloc : memref<!tpu.dma_semaphore, #tpu.memory_space<semaphore_mem>>
          %dma_start3A_158 = arith.constant 0 : i32
          %dma_start3A_159 = arith.constant 0 : i32
          %dma_start3A_160 = tpu.memref_slice %arg8[%run_scoped3A_149, %dma_start3A_158, %dma_start3A_159] : memref<4x64x128xf32, #tpu.memory_space<vmem>> -> memref<1x64x128xf32, #tpu.memory_space<vmem>>
          %dma_start3A_161 = tpu.memref_squeeze %dma_start3A_160 : memref<1x64x128xf32, #tpu.memory_space<vmem>> -> memref<64x128xf32, #tpu.memory_space<vmem>>
          %dma_start3A_162 = arith.constant 0 : i32
          %dma_start3A_163 = tpu.memref_slice %arg7[%add3A_137, %dma_start3A_162] : memref<16x64xi32, #tpu.memory_space<vmem>> -> memref<1x64xi32, #tpu.memory_space<vmem>>
          %dma_start3A_164 = tpu.memref_squeeze %dma_start3A_163 : memref<1x64xi32, #tpu.memory_space<vmem>> -> memref<64xi32, #tpu.memory_space<vmem>>
          %dma_start3A_165 = arith.constant 0 : i32
          %dma_start3A_166 = arith.constant 0 : i32
          %dma_start3A_167 = tpu.memref_slice %arg9[%dma_start3A_165, %dma_start3A_166] : memref<10112x128xf32, #tpu.memory_space<vmem_shared>> -> memref<10112x128xf32, #tpu.memory_space<vmem_shared>>
          tpu.enqueue_indirect_dma source(%dma_start3A_161 : memref<64x128xf32, #tpu.memory_space<vmem>>) target(%dma_start3A_167 : memref<10112x128xf32, #tpu.memory_space<vmem_shared>>) offsets(%dma_start3A_164 : memref<64xi32, #tpu.memory_space<vmem>>) semaphore(%run_scoped3A_157 : memref<!tpu.dma_semaphore, #tpu.memory_space<semaphore_mem>>) {add = true}
          %dma_wait3A_168 = arith.constant 0 : i32
          %dma_wait3A_169 = arith.constant 0 : i32
          %dma_wait3A_170 = tpu.memref_slice %arg8[%run_scoped3A_149, %dma_wait3A_168, %dma_wait3A_169] : memref<4x64x128xf32, #tpu.memory_space<vmem>> -> memref<1x64x128xf32, #tpu.memory_space<vmem>>
          %dma_wait3A_171 = tpu.memref_squeeze %dma_wait3A_170 : memref<1x64x128xf32, #tpu.memory_space<vmem>> -> memref<64x128xf32, #tpu.memory_space<vmem>>
          %dma_wait3A_172 = arith.constant 0 : i32
          %dma_wait3A_173 = tpu.memref_slice %arg7[%add3A_137, %dma_wait3A_172] : memref<16x64xi32, #tpu.memory_space<vmem>> -> memref<1x64xi32, #tpu.memory_space<vmem>>
          %dma_wait3A_174 = tpu.memref_squeeze %dma_wait3A_173 : memref<1x64xi32, #tpu.memory_space<vmem>> -> memref<64xi32, #tpu.memory_space<vmem>>
          %dma_wait3A_175 = arith.constant 0 : i32
          %dma_wait3A_176 = arith.constant 0 : i32
          %dma_wait3A_177 = tpu.memref_slice %arg9[%dma_wait3A_175, %dma_wait3A_176] : memref<10112x128xf32, #tpu.memory_space<vmem_shared>> -> memref<10112x128xf32, #tpu.memory_space<vmem_shared>>
          tpu.wait_indirect_dma semaphore(%run_scoped3A_157 : memref<!tpu.dma_semaphore, #tpu.memory_space<semaphore_mem>>) src(%dma_wait3A_171 : memref<64x128xf32, #tpu.memory_space<vmem>>) dst(%dma_wait3A_177 : memref<10112x128xf32, #tpu.memory_space<vmem_shared>>)
          tpu.yield
        }) : () -> ()
        %add3A_150 = arith.constant 4 : i32
        %add3A_151 = arith.addi %add3A_137, %add3A_150 : i32
        %lt3A_152 = arith.constant 16 : i32
        %lt3A_153 = arith.cmpi slt, %add3A_151, %lt3A_152 : i32
        %convert_element_type3A_154 = arith.extui %lt3A_153 : i1 to i32
        %cond3A_155 = arith.constant 0 : i32
        %cond3A_156 = arith.cmpi ne, %convert_element_type3A_154, %cond3A_155 : i32
        scf.if %cond3A_156 {
          %dma_start3A_157 = arith.constant 3 : i32
          %dma_start3A_158 = arith.constant 0 : i32
          %dma_start3A_159 = arith.constant 0 : i32
          %dma_start3A_160 = tpu.memref_slice %arg8[%dma_start3A_157, %dma_start3A_158, %dma_start3A_159] : memref<4x64x128xf32, #tpu.memory_space<vmem>> -> memref<1x64x128xf32, #tpu.memory_space<vmem>>
          %dma_start3A_161 = tpu.memref_squeeze %dma_start3A_160 : memref<1x64x128xf32, #tpu.memory_space<vmem>> -> memref<64x128xf32, #tpu.memory_space<vmem>>
          %dma_start3A_162 = arith.constant 0 : i32
          %dma_start3A_163 = tpu.memref_slice %arg6[%add3A_151, %dma_start3A_162] : memref<16x64xi32, #tpu.memory_space<vmem>> -> memref<1x64xi32, #tpu.memory_space<vmem>>
          %dma_start3A_164 = tpu.memref_squeeze %dma_start3A_163 : memref<1x64xi32, #tpu.memory_space<vmem>> -> memref<64xi32, #tpu.memory_space<vmem>>
          %dma_start3A_165 = arith.constant 0 : i32
          %dma_start3A_166 = arith.constant 0 : i32
          %dma_start3A_167 = tpu.memref_slice %arg3[%dma_start3A_165, %dma_start3A_166] : memref<20000x128xf32, #tpu.memory_space<hbm>> -> memref<20000x128xf32, #tpu.memory_space<hbm>>
          tpu.enqueue_indirect_dma source(%dma_start3A_167 : memref<20000x128xf32, #tpu.memory_space<hbm>>) target(%dma_start3A_161 : memref<64x128xf32, #tpu.memory_space<vmem>>) offsets(%dma_start3A_164 : memref<64xi32, #tpu.memory_space<vmem>>) semaphore(%arg13 : memref<!tpu.dma_semaphore, #tpu.memory_space<semaphore_mem>>)
        } else {
        }
      }
      %scan3A_71 = arith.constant 4 : i32
    }
    %scan3A_5 = arith.constant 20 : i32
    %barrier3A_6 = arith.constant 0 : index
    tpu.barrier barrier_id(%barrier3A_6)
    %lt3A = arith.constant 15 : i32
    %lt3A_7 = arith.cmpi slt, %arg1, %lt3A : i32
    %convert_element_type3A = arith.extui %lt3A_7 : i1 to i32
    %cond3A = arith.constant 0 : i32
    %cond3A_8 = arith.cmpi ne, %convert_element_type3A, %cond3A : i32
    scf.if %cond3A_8 {
      %mul3A_13 = arith.constant 632 : i32
      %mul3A_14 = arith.muli %arg1, %mul3A_13 : i32
      %mul3A_15 = arith.constant 10000 : i32
      %mul3A_16 = arith.muli %arg0, %mul3A_15 : i32
      %mul3A_17 = arith.constant 632 : i32
      %mul3A_18 = arith.muli %arg1, %mul3A_17 : i32
      %add3A = arith.addi %mul3A_16, %mul3A_18 : i32
      "tpu.region"() ({
        %run_scoped3A = tpu.sem_alloc : memref<!tpu.dma_semaphore, #tpu.memory_space<semaphore_mem>>
        %dma_start3A = arith.constant 0 : i32
        %dma_start3A_19 = tpu.memref_slice %arg5[%add3A, %dma_start3A] : memref<20000x128xf32, #tpu.memory_space<hbm>> -> memref<632x128xf32, #tpu.memory_space<hbm>>
        %dma_start3A_20 = arith.constant 0 : i32
        %dma_start3A_21 = tpu.memref_slice %arg9[%mul3A_14, %dma_start3A_20] : memref<10112x128xf32, #tpu.memory_space<vmem_shared>> -> memref<632x128xf32, #tpu.memory_space<vmem_shared>>
        tpu.enqueue_dma source(%dma_start3A_21 : memref<632x128xf32, #tpu.memory_space<vmem_shared>>) target(%dma_start3A_19 : memref<632x128xf32, #tpu.memory_space<hbm>>) target_semaphore(%run_scoped3A : memref<!tpu.dma_semaphore, #tpu.memory_space<semaphore_mem>>)
        %dma_wait3A = arith.constant 0 : i32
        %dma_wait3A_22 = tpu.memref_slice %arg5[%add3A, %dma_wait3A] : memref<20000x128xf32, #tpu.memory_space<hbm>> -> memref<632x128xf32, #tpu.memory_space<hbm>>
        %dma_wait3A_23 = arith.constant 0 : i32
        %dma_wait3A_24 = tpu.memref_slice %arg9[%mul3A_14, %dma_wait3A_23] : memref<10112x128xf32, #tpu.memory_space<vmem_shared>> -> memref<632x128xf32, #tpu.memory_space<vmem_shared>>
        tpu.wait_dma2 semaphore(%run_scoped3A : memref<!tpu.dma_semaphore, #tpu.memory_space<semaphore_mem>>) src(%dma_wait3A_24 : memref<632x128xf32, #tpu.memory_space<vmem_shared>>) dst(%dma_wait3A_22 : memref<632x128xf32, #tpu.memory_space<hbm>>)
        tpu.yield
      }) : () -> ()
    } else {
    }
    %eq3A = arith.constant 15 : i32
    %eq3A_9 = arith.cmpi eq, %arg1, %eq3A : i32
    %convert_element_type3A_10 = arith.extui %eq3A_9 : i1 to i32
    %cond3A_11 = arith.constant 0 : i32
    %cond3A_12 = arith.cmpi ne, %convert_element_type3A_10, %cond3A_11 : i32
    scf.if %cond3A_12 {
      %mul3A_13 = arith.constant 10000 : i32
      %mul3A_14 = arith.muli %arg0, %mul3A_13 : i32
      %add3A = arith.constant 9480 : i32
      %add3A_15 = arith.addi %mul3A_14, %add3A : i32
      "tpu.region"() ({
        %run_scoped3A = tpu.sem_alloc : memref<!tpu.dma_semaphore, #tpu.memory_space<semaphore_mem>>
        %dma_start3A = arith.constant 0 : i32
        %dma_start3A_16 = tpu.memref_slice %arg5[%add3A_15, %dma_start3A] : memref<20000x128xf32, #tpu.memory_space<hbm>> -> memref<520x128xf32, #tpu.memory_space<hbm>>
        %dma_start3A_17 = arith.constant 9480 : i32
        %dma_start3A_18 = arith.constant 0 : i32
        %dma_start3A_19 = tpu.memref_slice %arg9[%dma_start3A_17, %dma_start3A_18] : memref<10112x128xf32, #tpu.memory_space<vmem_shared>> -> memref<520x128xf32, #tpu.memory_space<vmem_shared>>
        tpu.enqueue_dma source(%dma_start3A_19 : memref<520x128xf32, #tpu.memory_space<vmem_shared>>) target(%dma_start3A_16 : memref<520x128xf32, #tpu.memory_space<hbm>>) target_semaphore(%run_scoped3A : memref<!tpu.dma_semaphore, #tpu.memory_space<semaphore_mem>>)
        %dma_wait3A = arith.constant 0 : i32
        %dma_wait3A_20 = tpu.memref_slice %arg5[%add3A_15, %dma_wait3A] : memref<20000x128xf32, #tpu.memory_space<hbm>> -> memref<520x128xf32, #tpu.memory_space<hbm>>
        %dma_wait3A_21 = arith.constant 9480 : i32
        %dma_wait3A_22 = arith.constant 0 : i32
        %dma_wait3A_23 = tpu.memref_slice %arg9[%dma_wait3A_21, %dma_wait3A_22] : memref<10112x128xf32, #tpu.memory_space<vmem_shared>> -> memref<520x128xf32, #tpu.memory_space<vmem_shared>>
        tpu.wait_dma2 semaphore(%run_scoped3A : memref<!tpu.dma_semaphore, #tpu.memory_space<semaphore_mem>>) src(%dma_wait3A_23 : memref<520x128xf32, #tpu.memory_space<vmem_shared>>) dst(%dma_wait3A_20 : memref<520x128xf32, #tpu.memory_space<hbm>>)
        tpu.yield
      }) : () -> ()
    } else {
    }
    return
  }
}

#map = affine_map<(d0, d1) -> (0, 0, 0, 0, 0)>
#map1 = affine_map<(d0, d1) -> (0, 0)>
module attributes {stable_mosaic.version = 14 : i64} {
  func.func @body(%arg0: i32, %arg1: i32, %arg2: memref<2x2x16x320x64xi32, #tpu.memory_space<hbm>>, %arg3: memref<64x128xf32, #tpu.memory_space<hbm>>, %arg4: memref<632x128xf32, #tpu.memory_space<hbm>>, %arg5: memref<20000x128xf32, #tpu.memory_space<hbm>>, %arg6: memref<16x64xi32, #tpu.memory_space<vmem>>, %arg7: memref<64x128xf32, #tpu.memory_space<vmem>>, %arg8: memref<10112x128xf32, #tpu.memory_space<vmem_shared>>) attributes {dimension_semantics = [#tpu.dimension_semantics<core_parallel>, #tpu.dimension_semantics<subcore_parallel>], iteration_bounds = array<i64: 2, 16>, scalar_prefetch = 0 : i64, scratch_operands = 3 : i64, tpu.core_type = #tpu.core_type<sc_vector_subcore>, window_params = [{transform_indices = #map}, {transform_indices = #map1}, {transform_indices = #map1}, {transform_indices = #map1}]} {
    %mul3A = arith.constant 632 : i32
    %mul3A_0 = arith.muli %arg1, %mul3A : i32
    "tpu.region"() ({
      %run_scoped3A = tpu.sem_alloc : memref<!tpu.dma_semaphore, #tpu.memory_space<semaphore_mem>>
      %dma_start3A = arith.constant 0 : i32
      %dma_start3A_13 = tpu.memref_slice %arg8[%mul3A_0, %dma_start3A] : memref<10112x128xf32, #tpu.memory_space<vmem_shared>> -> memref<632x128xf32, #tpu.memory_space<vmem_shared>>
      tpu.enqueue_dma source(%arg4 : memref<632x128xf32, #tpu.memory_space<hbm>>) target(%dma_start3A_13 : memref<632x128xf32, #tpu.memory_space<vmem_shared>>) target_semaphore(%run_scoped3A : memref<!tpu.dma_semaphore, #tpu.memory_space<semaphore_mem>>)
      %dma_wait3A = arith.constant 0 : i32
      %dma_wait3A_14 = tpu.memref_slice %arg8[%mul3A_0, %dma_wait3A] : memref<10112x128xf32, #tpu.memory_space<vmem_shared>> -> memref<632x128xf32, #tpu.memory_space<vmem_shared>>
      tpu.wait_dma2 semaphore(%run_scoped3A : memref<!tpu.dma_semaphore, #tpu.memory_space<semaphore_mem>>) src(%arg4 : memref<632x128xf32, #tpu.memory_space<hbm>>) dst(%dma_wait3A_14 : memref<632x128xf32, #tpu.memory_space<vmem_shared>>)
      tpu.yield
    }) : () -> ()
    "tpu.region"() ({
      %run_scoped3A = tpu.sem_alloc : memref<!tpu.dma_semaphore, #tpu.memory_space<semaphore_mem>>
      tpu.enqueue_dma source(%arg3 : memref<64x128xf32, #tpu.memory_space<hbm>>) target(%arg7 : memref<64x128xf32, #tpu.memory_space<vmem>>) target_semaphore(%run_scoped3A : memref<!tpu.dma_semaphore, #tpu.memory_space<semaphore_mem>>)
      tpu.wait_dma2 semaphore(%run_scoped3A : memref<!tpu.dma_semaphore, #tpu.memory_space<semaphore_mem>>) src(%arg3 : memref<64x128xf32, #tpu.memory_space<hbm>>) dst(%arg7 : memref<64x128xf32, #tpu.memory_space<vmem>>)
      tpu.yield
    }) : () -> ()
    %barrier3A = arith.constant 0 : index
    tpu.barrier barrier_id(%barrier3A)
    %scan3A = arith.constant 0 : i32
    %scan3A_1 = arith.constant 0 : i32
    %scan3A_2 = arith.constant 20 : i32
    %scan3A_3 = arith.addi %scan3A_1, %scan3A_2 : i32
    %scan3A_4 = arith.constant 1 : i32
    scf.for %scan3A_13 = %scan3A_1 to %scan3A_3 step %scan3A_4  : i32 {
      %mul3A_14 = arith.constant 16 : i32
      %mul3A_15 = arith.muli %scan3A_13, %mul3A_14 : i32
      %run_scoped3A = arith.constant 1 : i32
      "tpu.region"() ({
        %run_scoped3A_22 = tpu.sem_alloc : memref<!tpu.dma_semaphore, #tpu.memory_space<semaphore_mem>>
        %dma_start3A = arith.constant 0 : i32
        %dma_start3A_23 = tpu.memref_slice %arg2[%arg0, %run_scoped3A, %arg1, %mul3A_15, %dma_start3A] : memref<2x2x16x320x64xi32, #tpu.memory_space<hbm>> -> memref<1x1x1x16x64xi32, #tpu.memory_space<hbm>>
        %dma_start3A_24 = tpu.memref_squeeze %dma_start3A_23 : memref<1x1x1x16x64xi32, #tpu.memory_space<hbm>> -> memref<16x64xi32, #tpu.memory_space<hbm>>
        %dma_start3A_25 = arith.constant 0 : i32
        %dma_start3A_26 = tpu.memref_slice %arg2[%arg0, %run_scoped3A, %arg1, %mul3A_15, %dma_start3A_25] : memref<2x2x16x320x64xi32, #tpu.memory_space<hbm>> -> memref<1x1x1x16x64xi32, #tpu.memory_space<hbm>>
        %dma_start3A_27 = tpu.memref_squeeze %dma_start3A_26 : memref<1x1x1x16x64xi32, #tpu.memory_space<hbm>> -> memref<16x64xi32, #tpu.memory_space<hbm>>
        tpu.enqueue_dma source(%dma_start3A_27 : memref<16x64xi32, #tpu.memory_space<hbm>>) target(%arg6 : memref<16x64xi32, #tpu.memory_space<vmem>>) target_semaphore(%run_scoped3A_22 : memref<!tpu.dma_semaphore, #tpu.memory_space<semaphore_mem>>)
        %dma_wait3A = arith.constant 0 : i32
        %dma_wait3A_28 = tpu.memref_slice %arg2[%arg0, %run_scoped3A, %arg1, %mul3A_15, %dma_wait3A] : memref<2x2x16x320x64xi32, #tpu.memory_space<hbm>> -> memref<1x1x1x16x64xi32, #tpu.memory_space<hbm>>
        %dma_wait3A_29 = tpu.memref_squeeze %dma_wait3A_28 : memref<1x1x1x16x64xi32, #tpu.memory_space<hbm>> -> memref<16x64xi32, #tpu.memory_space<hbm>>
        %dma_wait3A_30 = arith.constant 0 : i32
        %dma_wait3A_31 = tpu.memref_slice %arg2[%arg0, %run_scoped3A, %arg1, %mul3A_15, %dma_wait3A_30] : memref<2x2x16x320x64xi32, #tpu.memory_space<hbm>> -> memref<1x1x1x16x64xi32, #tpu.memory_space<hbm>>
        %dma_wait3A_32 = tpu.memref_squeeze %dma_wait3A_31 : memref<1x1x1x16x64xi32, #tpu.memory_space<hbm>> -> memref<16x64xi32, #tpu.memory_space<hbm>>
        tpu.wait_dma2 semaphore(%run_scoped3A_22 : memref<!tpu.dma_semaphore, #tpu.memory_space<semaphore_mem>>) src(%dma_wait3A_32 : memref<16x64xi32, #tpu.memory_space<hbm>>) dst(%arg6 : memref<16x64xi32, #tpu.memory_space<vmem>>)
        tpu.yield
      }) : () -> ()
      %scan3A_16 = arith.constant 0 : i32
      %scan3A_17 = arith.constant 0 : i32
      %scan3A_18 = arith.constant 16 : i32
      %scan3A_19 = arith.addi %scan3A_17, %scan3A_18 : i32
      %scan3A_20 = arith.constant 1 : i32
      scf.for %scan3A_22 = %scan3A_17 to %scan3A_19 step %scan3A_20  : i32 {
        "tpu.region"() ({
          %run_scoped3A_23 = tpu.sem_alloc : memref<!tpu.dma_semaphore, #tpu.memory_space<semaphore_mem>>
          %dma_start3A = arith.constant 0 : i32
          %dma_start3A_24 = tpu.memref_slice %arg6[%scan3A_22, %dma_start3A] : memref<16x64xi32, #tpu.memory_space<vmem>> -> memref<1x64xi32, #tpu.memory_space<vmem>>
          %dma_start3A_25 = tpu.memref_squeeze %dma_start3A_24 : memref<1x64xi32, #tpu.memory_space<vmem>> -> memref<64xi32, #tpu.memory_space<vmem>>
          %dma_start3A_26 = arith.constant 0 : i32
          %dma_start3A_27 = arith.constant 0 : i32
          %dma_start3A_28 = tpu.memref_slice %arg8[%dma_start3A_26, %dma_start3A_27] : memref<10112x128xf32, #tpu.memory_space<vmem_shared>> -> memref<10112x128xf32, #tpu.memory_space<vmem_shared>>
          tpu.enqueue_indirect_dma source(%arg7 : memref<64x128xf32, #tpu.memory_space<vmem>>) target(%dma_start3A_28 : memref<10112x128xf32, #tpu.memory_space<vmem_shared>>) offsets(%dma_start3A_25 : memref<64xi32, #tpu.memory_space<vmem>>) semaphore(%run_scoped3A_23 : memref<!tpu.dma_semaphore, #tpu.memory_space<semaphore_mem>>) {add = true}
          %dma_wait3A = arith.constant 0 : i32
          %dma_wait3A_29 = tpu.memref_slice %arg6[%scan3A_22, %dma_wait3A] : memref<16x64xi32, #tpu.memory_space<vmem>> -> memref<1x64xi32, #tpu.memory_space<vmem>>
          %dma_wait3A_30 = tpu.memref_squeeze %dma_wait3A_29 : memref<1x64xi32, #tpu.memory_space<vmem>> -> memref<64xi32, #tpu.memory_space<vmem>>
          %dma_wait3A_31 = arith.constant 0 : i32
          %dma_wait3A_32 = arith.constant 0 : i32
          %dma_wait3A_33 = tpu.memref_slice %arg8[%dma_wait3A_31, %dma_wait3A_32] : memref<10112x128xf32, #tpu.memory_space<vmem_shared>> -> memref<10112x128xf32, #tpu.memory_space<vmem_shared>>
          tpu.wait_indirect_dma semaphore(%run_scoped3A_23 : memref<!tpu.dma_semaphore, #tpu.memory_space<semaphore_mem>>) src(%arg7 : memref<64x128xf32, #tpu.memory_space<vmem>>) dst(%dma_wait3A_33 : memref<10112x128xf32, #tpu.memory_space<vmem_shared>>)
          tpu.yield
        }) : () -> ()
      }
      %scan3A_21 = arith.constant 16 : i32
    }
    %scan3A_5 = arith.constant 20 : i32
    %barrier3A_6 = arith.constant 0 : index
    tpu.barrier barrier_id(%barrier3A_6)
    %lt3A = arith.constant 15 : i32
    %lt3A_7 = arith.cmpi slt, %arg1, %lt3A : i32
    %convert_element_type3A = arith.extui %lt3A_7 : i1 to i32
    %cond3A = arith.constant 0 : i32
    %cond3A_8 = arith.cmpi ne, %convert_element_type3A, %cond3A : i32
    scf.if %cond3A_8 {
      %mul3A_13 = arith.constant 632 : i32
      %mul3A_14 = arith.muli %arg1, %mul3A_13 : i32
      %mul3A_15 = arith.constant 10000 : i32
      %mul3A_16 = arith.muli %arg0, %mul3A_15 : i32
      %mul3A_17 = arith.constant 632 : i32
      %mul3A_18 = arith.muli %arg1, %mul3A_17 : i32
      %add3A = arith.addi %mul3A_16, %mul3A_18 : i32
      "tpu.region"() ({
        %run_scoped3A = tpu.sem_alloc : memref<!tpu.dma_semaphore, #tpu.memory_space<semaphore_mem>>
        %dma_start3A = arith.constant 0 : i32
        %dma_start3A_19 = tpu.memref_slice %arg5[%add3A, %dma_start3A] : memref<20000x128xf32, #tpu.memory_space<hbm>> -> memref<632x128xf32, #tpu.memory_space<hbm>>
        %dma_start3A_20 = arith.constant 0 : i32
        %dma_start3A_21 = tpu.memref_slice %arg8[%mul3A_14, %dma_start3A_20] : memref<10112x128xf32, #tpu.memory_space<vmem_shared>> -> memref<632x128xf32, #tpu.memory_space<vmem_shared>>
        tpu.enqueue_dma source(%dma_start3A_21 : memref<632x128xf32, #tpu.memory_space<vmem_shared>>) target(%dma_start3A_19 : memref<632x128xf32, #tpu.memory_space<hbm>>) target_semaphore(%run_scoped3A : memref<!tpu.dma_semaphore, #tpu.memory_space<semaphore_mem>>)
        %dma_wait3A = arith.constant 0 : i32
        %dma_wait3A_22 = tpu.memref_slice %arg5[%add3A, %dma_wait3A] : memref<20000x128xf32, #tpu.memory_space<hbm>> -> memref<632x128xf32, #tpu.memory_space<hbm>>
        %dma_wait3A_23 = arith.constant 0 : i32
        %dma_wait3A_24 = tpu.memref_slice %arg8[%mul3A_14, %dma_wait3A_23] : memref<10112x128xf32, #tpu.memory_space<vmem_shared>> -> memref<632x128xf32, #tpu.memory_space<vmem_shared>>
        tpu.wait_dma2 semaphore(%run_scoped3A : memref<!tpu.dma_semaphore, #tpu.memory_space<semaphore_mem>>) src(%dma_wait3A_24 : memref<632x128xf32, #tpu.memory_space<vmem_shared>>) dst(%dma_wait3A_22 : memref<632x128xf32, #tpu.memory_space<hbm>>)
        tpu.yield
      }) : () -> ()
    } else {
    }
    %eq3A = arith.constant 15 : i32
    %eq3A_9 = arith.cmpi eq, %arg1, %eq3A : i32
    %convert_element_type3A_10 = arith.extui %eq3A_9 : i1 to i32
    %cond3A_11 = arith.constant 0 : i32
    %cond3A_12 = arith.cmpi ne, %convert_element_type3A_10, %cond3A_11 : i32
    scf.if %cond3A_12 {
      %mul3A_13 = arith.constant 10000 : i32
      %mul3A_14 = arith.muli %arg0, %mul3A_13 : i32
      %add3A = arith.constant 9480 : i32
      %add3A_15 = arith.addi %mul3A_14, %add3A : i32
      "tpu.region"() ({
        %run_scoped3A = tpu.sem_alloc : memref<!tpu.dma_semaphore, #tpu.memory_space<semaphore_mem>>
        %dma_start3A = arith.constant 0 : i32
        %dma_start3A_16 = tpu.memref_slice %arg5[%add3A_15, %dma_start3A] : memref<20000x128xf32, #tpu.memory_space<hbm>> -> memref<520x128xf32, #tpu.memory_space<hbm>>
        %dma_start3A_17 = arith.constant 9480 : i32
        %dma_start3A_18 = arith.constant 0 : i32
        %dma_start3A_19 = tpu.memref_slice %arg8[%dma_start3A_17, %dma_start3A_18] : memref<10112x128xf32, #tpu.memory_space<vmem_shared>> -> memref<520x128xf32, #tpu.memory_space<vmem_shared>>
        tpu.enqueue_dma source(%dma_start3A_19 : memref<520x128xf32, #tpu.memory_space<vmem_shared>>) target(%dma_start3A_16 : memref<520x128xf32, #tpu.memory_space<hbm>>) target_semaphore(%run_scoped3A : memref<!tpu.dma_semaphore, #tpu.memory_space<semaphore_mem>>)
        %dma_wait3A = arith.constant 0 : i32
        %dma_wait3A_20 = tpu.memref_slice %arg5[%add3A_15, %dma_wait3A] : memref<20000x128xf32, #tpu.memory_space<hbm>> -> memref<520x128xf32, #tpu.memory_space<hbm>>
        %dma_wait3A_21 = arith.constant 9480 : i32
        %dma_wait3A_22 = arith.constant 0 : i32
        %dma_wait3A_23 = tpu.memref_slice %arg8[%dma_wait3A_21, %dma_wait3A_22] : memref<10112x128xf32, #tpu.memory_space<vmem_shared>> -> memref<520x128xf32, #tpu.memory_space<vmem_shared>>
        tpu.wait_dma2 semaphore(%run_scoped3A : memref<!tpu.dma_semaphore, #tpu.memory_space<semaphore_mem>>) src(%dma_wait3A_23 : memref<520x128xf32, #tpu.memory_space<vmem_shared>>) dst(%dma_wait3A_20 : memref<520x128xf32, #tpu.memory_space<hbm>>)
        tpu.yield
      }) : () -> ()
    } else {
    }
    return
  }
}

#map = affine_map<(d0, d1) -> (0, 0, 0, 0, 0)>
#map1 = affine_map<(d0, d1) -> (0, 0)>
module attributes {stable_mosaic.version = 14 : i64} {
  func.func @body(%arg0: i32, %arg1: i32, %arg2: memref<2x2x16x320x64xi32, #tpu.memory_space<hbm>>, %arg3: memref<20000x128xf32, #tpu.memory_space<hbm>>, %arg4: memref<632x128xf32, #tpu.memory_space<hbm>>, %arg5: memref<20000x128xf32, #tpu.memory_space<hbm>>, %arg6: memref<16x64xi32, #tpu.memory_space<vmem>>, %arg7: memref<16x64xi32, #tpu.memory_space<vmem>>, %arg8: memref<4x64x128xf32, #tpu.memory_space<vmem>>, %arg9: memref<10112x128xf32, #tpu.memory_space<vmem_shared>>, %arg10: memref<!tpu.dma_semaphore, #tpu.memory_space<semaphore_mem>>, %arg11: memref<!tpu.dma_semaphore, #tpu.memory_space<semaphore_mem>>, %arg12: memref<!tpu.dma_semaphore, #tpu.memory_space<semaphore_mem>>, %arg13: memref<!tpu.dma_semaphore, #tpu.memory_space<semaphore_mem>>) attributes {dimension_semantics = [#tpu.dimension_semantics<core_parallel>, #tpu.dimension_semantics<subcore_parallel>], iteration_bounds = array<i64: 2, 16>, scalar_prefetch = 0 : i64, scratch_operands = 8 : i64, tpu.core_type = #tpu.core_type<sc_vector_subcore>, window_params = [{transform_indices = #map}, {transform_indices = #map1}, {transform_indices = #map1}, {transform_indices = #map1}]} {
    %mul3A = arith.constant 632 : i32
    %mul3A_0 = arith.muli %arg1, %mul3A : i32
    "tpu.region"() ({
      %run_scoped3A = tpu.sem_alloc : memref<!tpu.dma_semaphore, #tpu.memory_space<semaphore_mem>>
      %dma_start3A = arith.constant 0 : i32
      %dma_start3A_13 = tpu.memref_slice %arg9[%mul3A_0, %dma_start3A] : memref<10112x128xf32, #tpu.memory_space<vmem_shared>> -> memref<632x128xf32, #tpu.memory_space<vmem_shared>>
      tpu.enqueue_dma source(%arg4 : memref<632x128xf32, #tpu.memory_space<hbm>>) target(%dma_start3A_13 : memref<632x128xf32, #tpu.memory_space<vmem_shared>>) target_semaphore(%run_scoped3A : memref<!tpu.dma_semaphore, #tpu.memory_space<semaphore_mem>>)
      %dma_wait3A = arith.constant 0 : i32
      %dma_wait3A_14 = tpu.memref_slice %arg9[%mul3A_0, %dma_wait3A] : memref<10112x128xf32, #tpu.memory_space<vmem_shared>> -> memref<632x128xf32, #tpu.memory_space<vmem_shared>>
      tpu.wait_dma2 semaphore(%run_scoped3A : memref<!tpu.dma_semaphore, #tpu.memory_space<semaphore_mem>>) src(%arg4 : memref<632x128xf32, #tpu.memory_space<hbm>>) dst(%dma_wait3A_14 : memref<632x128xf32, #tpu.memory_space<vmem_shared>>)
      tpu.yield
    }) : () -> ()
    %barrier3A = arith.constant 0 : index
    tpu.barrier barrier_id(%barrier3A)
    %scan3A = arith.constant 0 : i32
    %scan3A_1 = arith.constant 0 : i32
    %scan3A_2 = arith.constant 20 : i32
    %scan3A_3 = arith.addi %scan3A_1, %scan3A_2 : i32
    %scan3A_4 = arith.constant 1 : i32
    scf.for %scan3A_13 = %scan3A_1 to %scan3A_3 step %scan3A_4  : i32 {
      %mul3A_14 = arith.constant 16 : i32
      %mul3A_15 = arith.muli %scan3A_13, %mul3A_14 : i32
      %run_scoped3A = arith.constant 0 : i32
      "tpu.region"() ({
        %run_scoped3A_72 = tpu.sem_alloc : memref<!tpu.dma_semaphore, #tpu.memory_space<semaphore_mem>>
        %dma_start3A_73 = arith.constant 0 : i32
        %dma_start3A_74 = tpu.memref_slice %arg2[%arg0, %run_scoped3A, %arg1, %mul3A_15, %dma_start3A_73] : memref<2x2x16x320x64xi32, #tpu.memory_space<hbm>> -> memref<1x1x1x16x64xi32, #tpu.memory_space<hbm>>
        %dma_start3A_75 = tpu.memref_squeeze %dma_start3A_74 : memref<1x1x1x16x64xi32, #tpu.memory_space<hbm>> -> memref<16x64xi32, #tpu.memory_space<hbm>>
        %dma_start3A_76 = arith.constant 0 : i32
        %dma_start3A_77 = tpu.memref_slice %arg2[%arg0, %run_scoped3A, %arg1, %mul3A_15, %dma_start3A_76] : memref<2x2x16x320x64xi32, #tpu.memory_space<hbm>> -> memref<1x1x1x16x64xi32, #tpu.memory_space<hbm>>
        %dma_start3A_78 = tpu.memref_squeeze %dma_start3A_77 : memref<1x1x1x16x64xi32, #tpu.memory_space<hbm>> -> memref<16x64xi32, #tpu.memory_space<hbm>>
        tpu.enqueue_dma source(%dma_start3A_78 : memref<16x64xi32, #tpu.memory_space<hbm>>) target(%arg6 : memref<16x64xi32, #tpu.memory_space<vmem>>) target_semaphore(%run_scoped3A_72 : memref<!tpu.dma_semaphore, #tpu.memory_space<semaphore_mem>>)
        %dma_wait3A = arith.constant 0 : i32
        %dma_wait3A_79 = tpu.memref_slice %arg2[%arg0, %run_scoped3A, %arg1, %mul3A_15, %dma_wait3A] : memref<2x2x16x320x64xi32, #tpu.memory_space<hbm>> -> memref<1x1x1x16x64xi32, #tpu.memory_space<hbm>>
        %dma_wait3A_80 = tpu.memref_squeeze %dma_wait3A_79 : memref<1x1x1x16x64xi32, #tpu.memory_space<hbm>> -> memref<16x64xi32, #tpu.memory_space<hbm>>
        %dma_wait3A_81 = arith.constant 0 : i32
        %dma_wait3A_82 = tpu.memref_slice %arg2[%arg0, %run_scoped3A, %arg1, %mul3A_15, %dma_wait3A_81] : memref<2x2x16x320x64xi32, #tpu.memory_space<hbm>> -> memref<1x1x1x16x64xi32, #tpu.memory_space<hbm>>
        %dma_wait3A_83 = tpu.memref_squeeze %dma_wait3A_82 : memref<1x1x1x16x64xi32, #tpu.memory_space<hbm>> -> memref<16x64xi32, #tpu.memory_space<hbm>>
        tpu.wait_dma2 semaphore(%run_scoped3A_72 : memref<!tpu.dma_semaphore, #tpu.memory_space<semaphore_mem>>) src(%dma_wait3A_83 : memref<16x64xi32, #tpu.memory_space<hbm>>) dst(%arg6 : memref<16x64xi32, #tpu.memory_space<vmem>>)
        tpu.yield
      }) : () -> ()
      %mul3A_16 = arith.constant 16 : i32
      %mul3A_17 = arith.muli %scan3A_13, %mul3A_16 : i32
      %run_scoped3A_18 = arith.constant 1 : i32
      "tpu.region"() ({
        %run_scoped3A_72 = tpu.sem_alloc : memref<!tpu.dma_semaphore, #tpu.memory_space<semaphore_mem>>
        %dma_start3A_73 = arith.constant 0 : i32
        %dma_start3A_74 = tpu.memref_slice %arg2[%arg0, %run_scoped3A_18, %arg1, %mul3A_17, %dma_start3A_73] : memref<2x2x16x320x64xi32, #tpu.memory_space<hbm>> -> memref<1x1x1x16x64xi32, #tpu.memory_space<hbm>>
        %dma_start3A_75 = tpu.memref_squeeze %dma_start3A_74 : memref<1x1x1x16x64xi32, #tpu.memory_space<hbm>> -> memref<16x64xi32, #tpu.memory_space<hbm>>
        %dma_start3A_76 = arith.constant 0 : i32
        %dma_start3A_77 = tpu.memref_slice %arg2[%arg0, %run_scoped3A_18, %arg1, %mul3A_17, %dma_start3A_76] : memref<2x2x16x320x64xi32, #tpu.memory_space<hbm>> -> memref<1x1x1x16x64xi32, #tpu.memory_space<hbm>>
        %dma_start3A_78 = tpu.memref_squeeze %dma_start3A_77 : memref<1x1x1x16x64xi32, #tpu.memory_space<hbm>> -> memref<16x64xi32, #tpu.memory_space<hbm>>
        tpu.enqueue_dma source(%dma_start3A_78 : memref<16x64xi32, #tpu.memory_space<hbm>>) target(%arg7 : memref<16x64xi32, #tpu.memory_space<vmem>>) target_semaphore(%run_scoped3A_72 : memref<!tpu.dma_semaphore, #tpu.memory_space<semaphore_mem>>)
        %dma_wait3A = arith.constant 0 : i32
        %dma_wait3A_79 = tpu.memref_slice %arg2[%arg0, %run_scoped3A_18, %arg1, %mul3A_17, %dma_wait3A] : memref<2x2x16x320x64xi32, #tpu.memory_space<hbm>> -> memref<1x1x1x16x64xi32, #tpu.memory_space<hbm>>
        %dma_wait3A_80 = tpu.memref_squeeze %dma_wait3A_79 : memref<1x1x1x16x64xi32, #tpu.memory_space<hbm>> -> memref<16x64xi32, #tpu.memory_space<hbm>>
        %dma_wait3A_81 = arith.constant 0 : i32
        %dma_wait3A_82 = tpu.memref_slice %arg2[%arg0, %run_scoped3A_18, %arg1, %mul3A_17, %dma_wait3A_81] : memref<2x2x16x320x64xi32, #tpu.memory_space<hbm>> -> memref<1x1x1x16x64xi32, #tpu.memory_space<hbm>>
        %dma_wait3A_83 = tpu.memref_squeeze %dma_wait3A_82 : memref<1x1x1x16x64xi32, #tpu.memory_space<hbm>> -> memref<16x64xi32, #tpu.memory_space<hbm>>
        tpu.wait_dma2 semaphore(%run_scoped3A_72 : memref<!tpu.dma_semaphore, #tpu.memory_space<semaphore_mem>>) src(%dma_wait3A_83 : memref<16x64xi32, #tpu.memory_space<hbm>>) dst(%arg7 : memref<16x64xi32, #tpu.memory_space<vmem>>)
        tpu.yield
      }) : () -> ()
      %dma_start3A = arith.constant 0 : i32
      %dma_start3A_19 = arith.constant 0 : i32
      %dma_start3A_20 = arith.constant 0 : i32
      %dma_start3A_21 = arith.constant 0 : i32
      %dma_start3A_22 = tpu.memref_slice %arg8[%dma_start3A_19, %dma_start3A_20, %dma_start3A_21] : memref<4x64x128xf32, #tpu.memory_space<vmem>> -> memref<1x64x128xf32, #tpu.memory_space<vmem>>
      %dma_start3A_23 = tpu.memref_squeeze %dma_start3A_22 : memref<1x64x128xf32, #tpu.memory_space<vmem>> -> memref<64x128xf32, #tpu.memory_space<vmem>>
      %dma_start3A_24 = arith.constant 0 : i32
      %dma_start3A_25 = tpu.memref_slice %arg6[%dma_start3A, %dma_start3A_24] : memref<16x64xi32, #tpu.memory_space<vmem>> -> memref<1x64xi32, #tpu.memory_space<vmem>>
      %dma_start3A_26 = tpu.memref_squeeze %dma_start3A_25 : memref<1x64xi32, #tpu.memory_space<vmem>> -> memref<64xi32, #tpu.memory_space<vmem>>
      %dma_start3A_27 = arith.constant 0 : i32
      %dma_start3A_28 = arith.constant 0 : i32
      %dma_start3A_29 = tpu.memref_slice %arg3[%dma_start3A_27, %dma_start3A_28] : memref<20000x128xf32, #tpu.memory_space<hbm>> -> memref<20000x128xf32, #tpu.memory_space<hbm>>
      tpu.enqueue_indirect_dma source(%dma_start3A_29 : memref<20000x128xf32, #tpu.memory_space<hbm>>) target(%dma_start3A_23 : memref<64x128xf32, #tpu.memory_space<vmem>>) offsets(%dma_start3A_26 : memref<64xi32, #tpu.memory_space<vmem>>) semaphore(%arg10 : memref<!tpu.dma_semaphore, #tpu.memory_space<semaphore_mem>>)
      %dma_start3A_30 = arith.constant 1 : i32
      %dma_start3A_31 = arith.constant 1 : i32
      %dma_start3A_32 = arith.constant 0 : i32
      %dma_start3A_33 = arith.constant 0 : i32
      %dma_start3A_34 = tpu.memref_slice %arg8[%dma_start3A_31, %dma_start3A_32, %dma_start3A_33] : memref<4x64x128xf32, #tpu.memory_space<vmem>> -> memref<1x64x128xf32, #tpu.memory_space<vmem>>
      %dma_start3A_35 = tpu.memref_squeeze %dma_start3A_34 : memref<1x64x128xf32, #tpu.memory_space<vmem>> -> memref<64x128xf32, #tpu.memory_space<vmem>>
      %dma_start3A_36 = arith.constant 0 : i32
      %dma_start3A_37 = tpu.memref_slice %arg6[%dma_start3A_30, %dma_start3A_36] : memref<16x64xi32, #tpu.memory_space<vmem>> -> memref<1x64xi32, #tpu.memory_space<vmem>>
      %dma_start3A_38 = tpu.memref_squeeze %dma_start3A_37 : memref<1x64xi32, #tpu.memory_space<vmem>> -> memref<64xi32, #tpu.memory_space<vmem>>
      %dma_start3A_39 = arith.constant 0 : i32
      %dma_start3A_40 = arith.constant 0 : i32
      %dma_start3A_41 = tpu.memref_slice %arg3[%dma_start3A_39, %dma_start3A_40] : memref<20000x128xf32, #tpu.memory_space<hbm>> -> memref<20000x128xf32, #tpu.memory_space<hbm>>
      tpu.enqueue_indirect_dma source(%dma_start3A_41 : memref<20000x128xf32, #tpu.memory_space<hbm>>) target(%dma_start3A_35 : memref<64x128xf32, #tpu.memory_space<vmem>>) offsets(%dma_start3A_38 : memref<64xi32, #tpu.memory_space<vmem>>) semaphore(%arg11 : memref<!tpu.dma_semaphore, #tpu.memory_space<semaphore_mem>>)
      %dma_start3A_42 = arith.constant 2 : i32
      %dma_start3A_43 = arith.constant 2 : i32
      %dma_start3A_44 = arith.constant 0 : i32
      %dma_start3A_45 = arith.constant 0 : i32
      %dma_start3A_46 = tpu.memref_slice %arg8[%dma_start3A_43, %dma_start3A_44, %dma_start3A_45] : memref<4x64x128xf32, #tpu.memory_space<vmem>> -> memref<1x64x128xf32, #tpu.memory_space<vmem>>
      %dma_start3A_47 = tpu.memref_squeeze %dma_start3A_46 : memref<1x64x128xf32, #tpu.memory_space<vmem>> -> memref<64x128xf32, #tpu.memory_space<vmem>>
      %dma_start3A_48 = arith.constant 0 : i32
      %dma_start3A_49 = tpu.memref_slice %arg6[%dma_start3A_42, %dma_start3A_48] : memref<16x64xi32, #tpu.memory_space<vmem>> -> memref<1x64xi32, #tpu.memory_space<vmem>>
      %dma_start3A_50 = tpu.memref_squeeze %dma_start3A_49 : memref<1x64xi32, #tpu.memory_space<vmem>> -> memref<64xi32, #tpu.memory_space<vmem>>
      %dma_start3A_51 = arith.constant 0 : i32
      %dma_start3A_52 = arith.constant 0 : i32
      %dma_start3A_53 = tpu.memref_slice %arg3[%dma_start3A_51, %dma_start3A_52] : memref<20000x128xf32, #tpu.memory_space<hbm>> -> memref<20000x128xf32, #tpu.memory_space<hbm>>
      tpu.enqueue_indirect_dma source(%dma_start3A_53 : memref<20000x128xf32, #tpu.memory_space<hbm>>) target(%dma_start3A_47 : memref<64x128xf32, #tpu.memory_space<vmem>>) offsets(%dma_start3A_50 : memref<64xi32, #tpu.memory_space<vmem>>) semaphore(%arg12 : memref<!tpu.dma_semaphore, #tpu.memory_space<semaphore_mem>>)
      %dma_start3A_54 = arith.constant 3 : i32
      %dma_start3A_55 = arith.constant 3 : i32
      %dma_start3A_56 = arith.constant 0 : i32
      %dma_start3A_57 = arith.constant 0 : i32
      %dma_start3A_58 = tpu.memref_slice %arg8[%dma_start3A_55, %dma_start3A_56, %dma_start3A_57] : memref<4x64x128xf32, #tpu.memory_space<vmem>> -> memref<1x64x128xf32, #tpu.memory_space<vmem>>
      %dma_start3A_59 = tpu.memref_squeeze %dma_start3A_58 : memref<1x64x128xf32, #tpu.memory_space<vmem>> -> memref<64x128xf32, #tpu.memory_space<vmem>>
      %dma_start3A_60 = arith.constant 0 : i32
      %dma_start3A_61 = tpu.memref_slice %arg6[%dma_start3A_54, %dma_start3A_60] : memref<16x64xi32, #tpu.memory_space<vmem>> -> memref<1x64xi32, #tpu.memory_space<vmem>>
      %dma_start3A_62 = tpu.memref_squeeze %dma_start3A_61 : memref<1x64xi32, #tpu.memory_space<vmem>> -> memref<64xi32, #tpu.memory_space<vmem>>
      %dma_start3A_63 = arith.constant 0 : i32
      %dma_start3A_64 = arith.constant 0 : i32
      %dma_start3A_65 = tpu.memref_slice %arg3[%dma_start3A_63, %dma_start3A_64] : memref<20000x128xf32, #tpu.memory_space<hbm>> -> memref<20000x128xf32, #tpu.memory_space<hbm>>
      tpu.enqueue_indirect_dma source(%dma_start3A_65 : memref<20000x128xf32, #tpu.memory_space<hbm>>) target(%dma_start3A_59 : memref<64x128xf32, #tpu.memory_space<vmem>>) offsets(%dma_start3A_62 : memref<64xi32, #tpu.memory_space<vmem>>) semaphore(%arg13 : memref<!tpu.dma_semaphore, #tpu.memory_space<semaphore_mem>>)
      %scan3A_66 = arith.constant 0 : i32
      %scan3A_67 = arith.constant 0 : i32
      %scan3A_68 = arith.constant 4 : i32
      %scan3A_69 = arith.addi %scan3A_67, %scan3A_68 : i32
      %scan3A_70 = arith.constant 1 : i32
      scf.for %scan3A_72 = %scan3A_67 to %scan3A_69 step %scan3A_70  : i32 {
        %mul3A_73 = arith.constant 4 : i32
        %mul3A_74 = arith.muli %scan3A_72, %mul3A_73 : i32
        %add3A = arith.constant 0 : i32
        %add3A_75 = arith.addi %mul3A_74, %add3A : i32
        %dma_wait3A = arith.constant 0 : i32
        %dma_wait3A_76 = arith.constant 0 : i32
        %dma_wait3A_77 = arith.constant 0 : i32
        %dma_wait3A_78 = tpu.memref_slice %arg8[%dma_wait3A, %dma_wait3A_76, %dma_wait3A_77] : memref<4x64x128xf32, #tpu.memory_space<vmem>> -> memref<1x64x128xf32, #tpu.memory_space<vmem>>
        %dma_wait3A_79 = tpu.memref_squeeze %dma_wait3A_78 : memref<1x64x128xf32, #tpu.memory_space<vmem>> -> memref<64x128xf32, #tpu.memory_space<vmem>>
        %dma_wait3A_80 = arith.constant 0 : i32
        %dma_wait3A_81 = tpu.memref_slice %arg6[%add3A_75, %dma_wait3A_80] : memref<16x64xi32, #tpu.memory_space<vmem>> -> memref<1x64xi32, #tpu.memory_space<vmem>>
        %dma_wait3A_82 = tpu.memref_squeeze %dma_wait3A_81 : memref<1x64xi32, #tpu.memory_space<vmem>> -> memref<64xi32, #tpu.memory_space<vmem>>
        %dma_wait3A_83 = arith.constant 0 : i32
        %dma_wait3A_84 = arith.constant 0 : i32
        %dma_wait3A_85 = tpu.memref_slice %arg3[%dma_wait3A_83, %dma_wait3A_84] : memref<20000x128xf32, #tpu.memory_space<hbm>> -> memref<20000x128xf32, #tpu.memory_space<hbm>>
        tpu.wait_indirect_dma semaphore(%arg10 : memref<!tpu.dma_semaphore, #tpu.memory_space<semaphore_mem>>) src(%dma_wait3A_85 : memref<20000x128xf32, #tpu.memory_space<hbm>>) dst(%dma_wait3A_79 : memref<64x128xf32, #tpu.memory_space<vmem>>)
        %run_scoped3A_86 = arith.constant 0 : i32
        "tpu.region"() ({
          %run_scoped3A_157 = tpu.sem_alloc : memref<!tpu.dma_semaphore, #tpu.memory_space<semaphore_mem>>
          %dma_start3A_158 = arith.constant 0 : i32
          %dma_start3A_159 = arith.constant 0 : i32
          %dma_start3A_160 = tpu.memref_slice %arg8[%run_scoped3A_86, %dma_start3A_158, %dma_start3A_159] : memref<4x64x128xf32, #tpu.memory_space<vmem>> -> memref<1x64x128xf32, #tpu.memory_space<vmem>>
          %dma_start3A_161 = tpu.memref_squeeze %dma_start3A_160 : memref<1x64x128xf32, #tpu.memory_space<vmem>> -> memref<64x128xf32, #tpu.memory_space<vmem>>
          %dma_start3A_162 = arith.constant 0 : i32
          %dma_start3A_163 = tpu.memref_slice %arg7[%add3A_75, %dma_start3A_162] : memref<16x64xi32, #tpu.memory_space<vmem>> -> memref<1x64xi32, #tpu.memory_space<vmem>>
          %dma_start3A_164 = tpu.memref_squeeze %dma_start3A_163 : memref<1x64xi32, #tpu.memory_space<vmem>> -> memref<64xi32, #tpu.memory_space<vmem>>
          %dma_start3A_165 = arith.constant 0 : i32
          %dma_start3A_166 = arith.constant 0 : i32
          %dma_start3A_167 = tpu.memref_slice %arg9[%dma_start3A_165, %dma_start3A_166] : memref<10112x128xf32, #tpu.memory_space<vmem_shared>> -> memref<10112x128xf32, #tpu.memory_space<vmem_shared>>
          tpu.enqueue_indirect_dma source(%dma_start3A_161 : memref<64x128xf32, #tpu.memory_space<vmem>>) target(%dma_start3A_167 : memref<10112x128xf32, #tpu.memory_space<vmem_shared>>) offsets(%dma_start3A_164 : memref<64xi32, #tpu.memory_space<vmem>>) semaphore(%run_scoped3A_157 : memref<!tpu.dma_semaphore, #tpu.memory_space<semaphore_mem>>) {add = true}
          %dma_wait3A_168 = arith.constant 0 : i32
          %dma_wait3A_169 = arith.constant 0 : i32
          %dma_wait3A_170 = tpu.memref_slice %arg8[%run_scoped3A_86, %dma_wait3A_168, %dma_wait3A_169] : memref<4x64x128xf32, #tpu.memory_space<vmem>> -> memref<1x64x128xf32, #tpu.memory_space<vmem>>
          %dma_wait3A_171 = tpu.memref_squeeze %dma_wait3A_170 : memref<1x64x128xf32, #tpu.memory_space<vmem>> -> memref<64x128xf32, #tpu.memory_space<vmem>>
          %dma_wait3A_172 = arith.constant 0 : i32
          %dma_wait3A_173 = tpu.memref_slice %arg7[%add3A_75, %dma_wait3A_172] : memref<16x64xi32, #tpu.memory_space<vmem>> -> memref<1x64xi32, #tpu.memory_space<vmem>>
          %dma_wait3A_174 = tpu.memref_squeeze %dma_wait3A_173 : memref<1x64xi32, #tpu.memory_space<vmem>> -> memref<64xi32, #tpu.memory_space<vmem>>
          %dma_wait3A_175 = arith.constant 0 : i32
          %dma_wait3A_176 = arith.constant 0 : i32
          %dma_wait3A_177 = tpu.memref_slice %arg9[%dma_wait3A_175, %dma_wait3A_176] : memref<10112x128xf32, #tpu.memory_space<vmem_shared>> -> memref<10112x128xf32, #tpu.memory_space<vmem_shared>>
          tpu.wait_indirect_dma semaphore(%run_scoped3A_157 : memref<!tpu.dma_semaphore, #tpu.memory_space<semaphore_mem>>) src(%dma_wait3A_171 : memref<64x128xf32, #tpu.memory_space<vmem>>) dst(%dma_wait3A_177 : memref<10112x128xf32, #tpu.memory_space<vmem_shared>>)
          tpu.yield
        }) : () -> ()
        %add3A_87 = arith.constant 4 : i32
        %add3A_88 = arith.addi %add3A_75, %add3A_87 : i32
        %lt3A_89 = arith.constant 16 : i32
        %lt3A_90 = arith.cmpi slt, %add3A_88, %lt3A_89 : i32
        %convert_element_type3A_91 = arith.extui %lt3A_90 : i1 to i32
        %cond3A_92 = arith.constant 0 : i32
        %cond3A_93 = arith.cmpi ne, %convert_element_type3A_91, %cond3A_92 : i32
        scf.if %cond3A_93 {
          %dma_start3A_157 = arith.constant 0 : i32
          %dma_start3A_158 = arith.constant 0 : i32
          %dma_start3A_159 = arith.constant 0 : i32
          %dma_start3A_160 = tpu.memref_slice %arg8[%dma_start3A_157, %dma_start3A_158, %dma_start3A_159] : memref<4x64x128xf32, #tpu.memory_space<vmem>> -> memref<1x64x128xf32, #tpu.memory_space<vmem>>
          %dma_start3A_161 = tpu.memref_squeeze %dma_start3A_160 : memref<1x64x128xf32, #tpu.memory_space<vmem>> -> memref<64x128xf32, #tpu.memory_space<vmem>>
          %dma_start3A_162 = arith.constant 0 : i32
          %dma_start3A_163 = tpu.memref_slice %arg6[%add3A_88, %dma_start3A_162] : memref<16x64xi32, #tpu.memory_space<vmem>> -> memref<1x64xi32, #tpu.memory_space<vmem>>
          %dma_start3A_164 = tpu.memref_squeeze %dma_start3A_163 : memref<1x64xi32, #tpu.memory_space<vmem>> -> memref<64xi32, #tpu.memory_space<vmem>>
          %dma_start3A_165 = arith.constant 0 : i32
          %dma_start3A_166 = arith.constant 0 : i32
          %dma_start3A_167 = tpu.memref_slice %arg3[%dma_start3A_165, %dma_start3A_166] : memref<20000x128xf32, #tpu.memory_space<hbm>> -> memref<20000x128xf32, #tpu.memory_space<hbm>>
          tpu.enqueue_indirect_dma source(%dma_start3A_167 : memref<20000x128xf32, #tpu.memory_space<hbm>>) target(%dma_start3A_161 : memref<64x128xf32, #tpu.memory_space<vmem>>) offsets(%dma_start3A_164 : memref<64xi32, #tpu.memory_space<vmem>>) semaphore(%arg10 : memref<!tpu.dma_semaphore, #tpu.memory_space<semaphore_mem>>)
        } else {
        }
        %add3A_94 = arith.constant 1 : i32
        %add3A_95 = arith.addi %mul3A_74, %add3A_94 : i32
        %dma_wait3A_96 = arith.constant 1 : i32
        %dma_wait3A_97 = arith.constant 0 : i32
        %dma_wait3A_98 = arith.constant 0 : i32
        %dma_wait3A_99 = tpu.memref_slice %arg8[%dma_wait3A_96, %dma_wait3A_97, %dma_wait3A_98] : memref<4x64x128xf32, #tpu.memory_space<vmem>> -> memref<1x64x128xf32, #tpu.memory_space<vmem>>
        %dma_wait3A_100 = tpu.memref_squeeze %dma_wait3A_99 : memref<1x64x128xf32, #tpu.memory_space<vmem>> -> memref<64x128xf32, #tpu.memory_space<vmem>>
        %dma_wait3A_101 = arith.constant 0 : i32
        %dma_wait3A_102 = tpu.memref_slice %arg6[%add3A_95, %dma_wait3A_101] : memref<16x64xi32, #tpu.memory_space<vmem>> -> memref<1x64xi32, #tpu.memory_space<vmem>>
        %dma_wait3A_103 = tpu.memref_squeeze %dma_wait3A_102 : memref<1x64xi32, #tpu.memory_space<vmem>> -> memref<64xi32, #tpu.memory_space<vmem>>
        %dma_wait3A_104 = arith.constant 0 : i32
        %dma_wait3A_105 = arith.constant 0 : i32
        %dma_wait3A_106 = tpu.memref_slice %arg3[%dma_wait3A_104, %dma_wait3A_105] : memref<20000x128xf32, #tpu.memory_space<hbm>> -> memref<20000x128xf32, #tpu.memory_space<hbm>>
        tpu.wait_indirect_dma semaphore(%arg11 : memref<!tpu.dma_semaphore, #tpu.memory_space<semaphore_mem>>) src(%dma_wait3A_106 : memref<20000x128xf32, #tpu.memory_space<hbm>>) dst(%dma_wait3A_100 : memref<64x128xf32, #tpu.memory_space<vmem>>)
        %run_scoped3A_107 = arith.constant 1 : i32
        "tpu.region"() ({
          %run_scoped3A_157 = tpu.sem_alloc : memref<!tpu.dma_semaphore, #tpu.memory_space<semaphore_mem>>
          %dma_start3A_158 = arith.constant 0 : i32
          %dma_start3A_159 = arith.constant 0 : i32
          %dma_start3A_160 = tpu.memref_slice %arg8[%run_scoped3A_107, %dma_start3A_158, %dma_start3A_159] : memref<4x64x128xf32, #tpu.memory_space<vmem>> -> memref<1x64x128xf32, #tpu.memory_space<vmem>>
          %dma_start3A_161 = tpu.memref_squeeze %dma_start3A_160 : memref<1x64x128xf32, #tpu.memory_space<vmem>> -> memref<64x128xf32, #tpu.memory_space<vmem>>
          %dma_start3A_162 = arith.constant 0 : i32
          %dma_start3A_163 = tpu.memref_slice %arg7[%add3A_95, %dma_start3A_162] : memref<16x64xi32, #tpu.memory_space<vmem>> -> memref<1x64xi32, #tpu.memory_space<vmem>>
          %dma_start3A_164 = tpu.memref_squeeze %dma_start3A_163 : memref<1x64xi32, #tpu.memory_space<vmem>> -> memref<64xi32, #tpu.memory_space<vmem>>
          %dma_start3A_165 = arith.constant 0 : i32
          %dma_start3A_166 = arith.constant 0 : i32
          %dma_start3A_167 = tpu.memref_slice %arg9[%dma_start3A_165, %dma_start3A_166] : memref<10112x128xf32, #tpu.memory_space<vmem_shared>> -> memref<10112x128xf32, #tpu.memory_space<vmem_shared>>
          tpu.enqueue_indirect_dma source(%dma_start3A_161 : memref<64x128xf32, #tpu.memory_space<vmem>>) target(%dma_start3A_167 : memref<10112x128xf32, #tpu.memory_space<vmem_shared>>) offsets(%dma_start3A_164 : memref<64xi32, #tpu.memory_space<vmem>>) semaphore(%run_scoped3A_157 : memref<!tpu.dma_semaphore, #tpu.memory_space<semaphore_mem>>) {add = true}
          %dma_wait3A_168 = arith.constant 0 : i32
          %dma_wait3A_169 = arith.constant 0 : i32
          %dma_wait3A_170 = tpu.memref_slice %arg8[%run_scoped3A_107, %dma_wait3A_168, %dma_wait3A_169] : memref<4x64x128xf32, #tpu.memory_space<vmem>> -> memref<1x64x128xf32, #tpu.memory_space<vmem>>
          %dma_wait3A_171 = tpu.memref_squeeze %dma_wait3A_170 : memref<1x64x128xf32, #tpu.memory_space<vmem>> -> memref<64x128xf32, #tpu.memory_space<vmem>>
          %dma_wait3A_172 = arith.constant 0 : i32
          %dma_wait3A_173 = tpu.memref_slice %arg7[%add3A_95, %dma_wait3A_172] : memref<16x64xi32, #tpu.memory_space<vmem>> -> memref<1x64xi32, #tpu.memory_space<vmem>>
          %dma_wait3A_174 = tpu.memref_squeeze %dma_wait3A_173 : memref<1x64xi32, #tpu.memory_space<vmem>> -> memref<64xi32, #tpu.memory_space<vmem>>
          %dma_wait3A_175 = arith.constant 0 : i32
          %dma_wait3A_176 = arith.constant 0 : i32
          %dma_wait3A_177 = tpu.memref_slice %arg9[%dma_wait3A_175, %dma_wait3A_176] : memref<10112x128xf32, #tpu.memory_space<vmem_shared>> -> memref<10112x128xf32, #tpu.memory_space<vmem_shared>>
          tpu.wait_indirect_dma semaphore(%run_scoped3A_157 : memref<!tpu.dma_semaphore, #tpu.memory_space<semaphore_mem>>) src(%dma_wait3A_171 : memref<64x128xf32, #tpu.memory_space<vmem>>) dst(%dma_wait3A_177 : memref<10112x128xf32, #tpu.memory_space<vmem_shared>>)
          tpu.yield
        }) : () -> ()
        %add3A_108 = arith.constant 4 : i32
        %add3A_109 = arith.addi %add3A_95, %add3A_108 : i32
        %lt3A_110 = arith.constant 16 : i32
        %lt3A_111 = arith.cmpi slt, %add3A_109, %lt3A_110 : i32
        %convert_element_type3A_112 = arith.extui %lt3A_111 : i1 to i32
        %cond3A_113 = arith.constant 0 : i32
        %cond3A_114 = arith.cmpi ne, %convert_element_type3A_112, %cond3A_113 : i32
        scf.if %cond3A_114 {
          %dma_start3A_157 = arith.constant 1 : i32
          %dma_start3A_158 = arith.constant 0 : i32
          %dma_start3A_159 = arith.constant 0 : i32
          %dma_start3A_160 = tpu.memref_slice %arg8[%dma_start3A_157, %dma_start3A_158, %dma_start3A_159] : memref<4x64x128xf32, #tpu.memory_space<vmem>> -> memref<1x64x128xf32, #tpu.memory_space<vmem>>
          %dma_start3A_161 = tpu.memref_squeeze %dma_start3A_160 : memref<1x64x128xf32, #tpu.memory_space<vmem>> -> memref<64x128xf32, #tpu.memory_space<vmem>>
          %dma_start3A_162 = arith.constant 0 : i32
          %dma_start3A_163 = tpu.memref_slice %arg6[%add3A_109, %dma_start3A_162] : memref<16x64xi32, #tpu.memory_space<vmem>> -> memref<1x64xi32, #tpu.memory_space<vmem>>
          %dma_start3A_164 = tpu.memref_squeeze %dma_start3A_163 : memref<1x64xi32, #tpu.memory_space<vmem>> -> memref<64xi32, #tpu.memory_space<vmem>>
          %dma_start3A_165 = arith.constant 0 : i32
          %dma_start3A_166 = arith.constant 0 : i32
          %dma_start3A_167 = tpu.memref_slice %arg3[%dma_start3A_165, %dma_start3A_166] : memref<20000x128xf32, #tpu.memory_space<hbm>> -> memref<20000x128xf32, #tpu.memory_space<hbm>>
          tpu.enqueue_indirect_dma source(%dma_start3A_167 : memref<20000x128xf32, #tpu.memory_space<hbm>>) target(%dma_start3A_161 : memref<64x128xf32, #tpu.memory_space<vmem>>) offsets(%dma_start3A_164 : memref<64xi32, #tpu.memory_space<vmem>>) semaphore(%arg11 : memref<!tpu.dma_semaphore, #tpu.memory_space<semaphore_mem>>)
        } else {
        }
        %add3A_115 = arith.constant 2 : i32
        %add3A_116 = arith.addi %mul3A_74, %add3A_115 : i32
        %dma_wait3A_117 = arith.constant 2 : i32
        %dma_wait3A_118 = arith.constant 0 : i32
        %dma_wait3A_119 = arith.constant 0 : i32
        %dma_wait3A_120 = tpu.memref_slice %arg8[%dma_wait3A_117, %dma_wait3A_118, %dma_wait3A_119] : memref<4x64x128xf32, #tpu.memory_space<vmem>> -> memref<1x64x128xf32, #tpu.memory_space<vmem>>
        %dma_wait3A_121 = tpu.memref_squeeze %dma_wait3A_120 : memref<1x64x128xf32, #tpu.memory_space<vmem>> -> memref<64x128xf32, #tpu.memory_space<vmem>>
        %dma_wait3A_122 = arith.constant 0 : i32
        %dma_wait3A_123 = tpu.memref_slice %arg6[%add3A_116, %dma_wait3A_122] : memref<16x64xi32, #tpu.memory_space<vmem>> -> memref<1x64xi32, #tpu.memory_space<vmem>>
        %dma_wait3A_124 = tpu.memref_squeeze %dma_wait3A_123 : memref<1x64xi32, #tpu.memory_space<vmem>> -> memref<64xi32, #tpu.memory_space<vmem>>
        %dma_wait3A_125 = arith.constant 0 : i32
        %dma_wait3A_126 = arith.constant 0 : i32
        %dma_wait3A_127 = tpu.memref_slice %arg3[%dma_wait3A_125, %dma_wait3A_126] : memref<20000x128xf32, #tpu.memory_space<hbm>> -> memref<20000x128xf32, #tpu.memory_space<hbm>>
        tpu.wait_indirect_dma semaphore(%arg12 : memref<!tpu.dma_semaphore, #tpu.memory_space<semaphore_mem>>) src(%dma_wait3A_127 : memref<20000x128xf32, #tpu.memory_space<hbm>>) dst(%dma_wait3A_121 : memref<64x128xf32, #tpu.memory_space<vmem>>)
        %run_scoped3A_128 = arith.constant 2 : i32
        "tpu.region"() ({
          %run_scoped3A_157 = tpu.sem_alloc : memref<!tpu.dma_semaphore, #tpu.memory_space<semaphore_mem>>
          %dma_start3A_158 = arith.constant 0 : i32
          %dma_start3A_159 = arith.constant 0 : i32
          %dma_start3A_160 = tpu.memref_slice %arg8[%run_scoped3A_128, %dma_start3A_158, %dma_start3A_159] : memref<4x64x128xf32, #tpu.memory_space<vmem>> -> memref<1x64x128xf32, #tpu.memory_space<vmem>>
          %dma_start3A_161 = tpu.memref_squeeze %dma_start3A_160 : memref<1x64x128xf32, #tpu.memory_space<vmem>> -> memref<64x128xf32, #tpu.memory_space<vmem>>
          %dma_start3A_162 = arith.constant 0 : i32
          %dma_start3A_163 = tpu.memref_slice %arg7[%add3A_116, %dma_start3A_162] : memref<16x64xi32, #tpu.memory_space<vmem>> -> memref<1x64xi32, #tpu.memory_space<vmem>>
          %dma_start3A_164 = tpu.memref_squeeze %dma_start3A_163 : memref<1x64xi32, #tpu.memory_space<vmem>> -> memref<64xi32, #tpu.memory_space<vmem>>
          %dma_start3A_165 = arith.constant 0 : i32
          %dma_start3A_166 = arith.constant 0 : i32
          %dma_start3A_167 = tpu.memref_slice %arg9[%dma_start3A_165, %dma_start3A_166] : memref<10112x128xf32, #tpu.memory_space<vmem_shared>> -> memref<10112x128xf32, #tpu.memory_space<vmem_shared>>
          tpu.enqueue_indirect_dma source(%dma_start3A_161 : memref<64x128xf32, #tpu.memory_space<vmem>>) target(%dma_start3A_167 : memref<10112x128xf32, #tpu.memory_space<vmem_shared>>) offsets(%dma_start3A_164 : memref<64xi32, #tpu.memory_space<vmem>>) semaphore(%run_scoped3A_157 : memref<!tpu.dma_semaphore, #tpu.memory_space<semaphore_mem>>) {add = true}
          %dma_wait3A_168 = arith.constant 0 : i32
          %dma_wait3A_169 = arith.constant 0 : i32
          %dma_wait3A_170 = tpu.memref_slice %arg8[%run_scoped3A_128, %dma_wait3A_168, %dma_wait3A_169] : memref<4x64x128xf32, #tpu.memory_space<vmem>> -> memref<1x64x128xf32, #tpu.memory_space<vmem>>
          %dma_wait3A_171 = tpu.memref_squeeze %dma_wait3A_170 : memref<1x64x128xf32, #tpu.memory_space<vmem>> -> memref<64x128xf32, #tpu.memory_space<vmem>>
          %dma_wait3A_172 = arith.constant 0 : i32
          %dma_wait3A_173 = tpu.memref_slice %arg7[%add3A_116, %dma_wait3A_172] : memref<16x64xi32, #tpu.memory_space<vmem>> -> memref<1x64xi32, #tpu.memory_space<vmem>>
          %dma_wait3A_174 = tpu.memref_squeeze %dma_wait3A_173 : memref<1x64xi32, #tpu.memory_space<vmem>> -> memref<64xi32, #tpu.memory_space<vmem>>
          %dma_wait3A_175 = arith.constant 0 : i32
          %dma_wait3A_176 = arith.constant 0 : i32
          %dma_wait3A_177 = tpu.memref_slice %arg9[%dma_wait3A_175, %dma_wait3A_176] : memref<10112x128xf32, #tpu.memory_space<vmem_shared>> -> memref<10112x128xf32, #tpu.memory_space<vmem_shared>>
          tpu.wait_indirect_dma semaphore(%run_scoped3A_157 : memref<!tpu.dma_semaphore, #tpu.memory_space<semaphore_mem>>) src(%dma_wait3A_171 : memref<64x128xf32, #tpu.memory_space<vmem>>) dst(%dma_wait3A_177 : memref<10112x128xf32, #tpu.memory_space<vmem_shared>>)
          tpu.yield
        }) : () -> ()
        %add3A_129 = arith.constant 4 : i32
        %add3A_130 = arith.addi %add3A_116, %add3A_129 : i32
        %lt3A_131 = arith.constant 16 : i32
        %lt3A_132 = arith.cmpi slt, %add3A_130, %lt3A_131 : i32
        %convert_element_type3A_133 = arith.extui %lt3A_132 : i1 to i32
        %cond3A_134 = arith.constant 0 : i32
        %cond3A_135 = arith.cmpi ne, %convert_element_type3A_133, %cond3A_134 : i32
        scf.if %cond3A_135 {
          %dma_start3A_157 = arith.constant 2 : i32
          %dma_start3A_158 = arith.constant 0 : i32
          %dma_start3A_159 = arith.constant 0 : i32
          %dma_start3A_160 = tpu.memref_slice %arg8[%dma_start3A_157, %dma_start3A_158, %dma_start3A_159] : memref<4x64x128xf32, #tpu.memory_space<vmem>> -> memref<1x64x128xf32, #tpu.memory_space<vmem>>
          %dma_start3A_161 = tpu.memref_squeeze %dma_start3A_160 : memref<1x64x128xf32, #tpu.memory_space<vmem>> -> memref<64x128xf32, #tpu.memory_space<vmem>>
          %dma_start3A_162 = arith.constant 0 : i32
          %dma_start3A_163 = tpu.memref_slice %arg6[%add3A_130, %dma_start3A_162] : memref<16x64xi32, #tpu.memory_space<vmem>> -> memref<1x64xi32, #tpu.memory_space<vmem>>
          %dma_start3A_164 = tpu.memref_squeeze %dma_start3A_163 : memref<1x64xi32, #tpu.memory_space<vmem>> -> memref<64xi32, #tpu.memory_space<vmem>>
          %dma_start3A_165 = arith.constant 0 : i32
          %dma_start3A_166 = arith.constant 0 : i32
          %dma_start3A_167 = tpu.memref_slice %arg3[%dma_start3A_165, %dma_start3A_166] : memref<20000x128xf32, #tpu.memory_space<hbm>> -> memref<20000x128xf32, #tpu.memory_space<hbm>>
          tpu.enqueue_indirect_dma source(%dma_start3A_167 : memref<20000x128xf32, #tpu.memory_space<hbm>>) target(%dma_start3A_161 : memref<64x128xf32, #tpu.memory_space<vmem>>) offsets(%dma_start3A_164 : memref<64xi32, #tpu.memory_space<vmem>>) semaphore(%arg12 : memref<!tpu.dma_semaphore, #tpu.memory_space<semaphore_mem>>)
        } else {
        }
        %add3A_136 = arith.constant 3 : i32
        %add3A_137 = arith.addi %mul3A_74, %add3A_136 : i32
        %dma_wait3A_138 = arith.constant 3 : i32
        %dma_wait3A_139 = arith.constant 0 : i32
        %dma_wait3A_140 = arith.constant 0 : i32
        %dma_wait3A_141 = tpu.memref_slice %arg8[%dma_wait3A_138, %dma_wait3A_139, %dma_wait3A_140] : memref<4x64x128xf32, #tpu.memory_space<vmem>> -> memref<1x64x128xf32, #tpu.memory_space<vmem>>
        %dma_wait3A_142 = tpu.memref_squeeze %dma_wait3A_141 : memref<1x64x128xf32, #tpu.memory_space<vmem>> -> memref<64x128xf32, #tpu.memory_space<vmem>>
        %dma_wait3A_143 = arith.constant 0 : i32
        %dma_wait3A_144 = tpu.memref_slice %arg6[%add3A_137, %dma_wait3A_143] : memref<16x64xi32, #tpu.memory_space<vmem>> -> memref<1x64xi32, #tpu.memory_space<vmem>>
        %dma_wait3A_145 = tpu.memref_squeeze %dma_wait3A_144 : memref<1x64xi32, #tpu.memory_space<vmem>> -> memref<64xi32, #tpu.memory_space<vmem>>
        %dma_wait3A_146 = arith.constant 0 : i32
        %dma_wait3A_147 = arith.constant 0 : i32
        %dma_wait3A_148 = tpu.memref_slice %arg3[%dma_wait3A_146, %dma_wait3A_147] : memref<20000x128xf32, #tpu.memory_space<hbm>> -> memref<20000x128xf32, #tpu.memory_space<hbm>>
        tpu.wait_indirect_dma semaphore(%arg13 : memref<!tpu.dma_semaphore, #tpu.memory_space<semaphore_mem>>) src(%dma_wait3A_148 : memref<20000x128xf32, #tpu.memory_space<hbm>>) dst(%dma_wait3A_142 : memref<64x128xf32, #tpu.memory_space<vmem>>)
        %run_scoped3A_149 = arith.constant 3 : i32
        "tpu.region"() ({
          %run_scoped3A_157 = tpu.sem_alloc : memref<!tpu.dma_semaphore, #tpu.memory_space<semaphore_mem>>
          %dma_start3A_158 = arith.constant 0 : i32
          %dma_start3A_159 = arith.constant 0 : i32
          %dma_start3A_160 = tpu.memref_slice %arg8[%run_scoped3A_149, %dma_start3A_158, %dma_start3A_159] : memref<4x64x128xf32, #tpu.memory_space<vmem>> -> memref<1x64x128xf32, #tpu.memory_space<vmem>>
          %dma_start3A_161 = tpu.memref_squeeze %dma_start3A_160 : memref<1x64x128xf32, #tpu.memory_space<vmem>> -> memref<64x128xf32, #tpu.memory_space<vmem>>
          %dma_start3A_162 = arith.constant 0 : i32
          %dma_start3A_163 = tpu.memref_slice %arg7[%add3A_137, %dma_start3A_162] : memref<16x64xi32, #tpu.memory_space<vmem>> -> memref<1x64xi32, #tpu.memory_space<vmem>>
          %dma_start3A_164 = tpu.memref_squeeze %dma_start3A_163 : memref<1x64xi32, #tpu.memory_space<vmem>> -> memref<64xi32, #tpu.memory_space<vmem>>
          %dma_start3A_165 = arith.constant 0 : i32
          %dma_start3A_166 = arith.constant 0 : i32
          %dma_start3A_167 = tpu.memref_slice %arg9[%dma_start3A_165, %dma_start3A_166] : memref<10112x128xf32, #tpu.memory_space<vmem_shared>> -> memref<10112x128xf32, #tpu.memory_space<vmem_shared>>
          tpu.enqueue_indirect_dma source(%dma_start3A_161 : memref<64x128xf32, #tpu.memory_space<vmem>>) target(%dma_start3A_167 : memref<10112x128xf32, #tpu.memory_space<vmem_shared>>) offsets(%dma_start3A_164 : memref<64xi32, #tpu.memory_space<vmem>>) semaphore(%run_scoped3A_157 : memref<!tpu.dma_semaphore, #tpu.memory_space<semaphore_mem>>) {add = true}
          %dma_wait3A_168 = arith.constant 0 : i32
          %dma_wait3A_169 = arith.constant 0 : i32
          %dma_wait3A_170 = tpu.memref_slice %arg8[%run_scoped3A_149, %dma_wait3A_168, %dma_wait3A_169] : memref<4x64x128xf32, #tpu.memory_space<vmem>> -> memref<1x64x128xf32, #tpu.memory_space<vmem>>
          %dma_wait3A_171 = tpu.memref_squeeze %dma_wait3A_170 : memref<1x64x128xf32, #tpu.memory_space<vmem>> -> memref<64x128xf32, #tpu.memory_space<vmem>>
          %dma_wait3A_172 = arith.constant 0 : i32
          %dma_wait3A_173 = tpu.memref_slice %arg7[%add3A_137, %dma_wait3A_172] : memref<16x64xi32, #tpu.memory_space<vmem>> -> memref<1x64xi32, #tpu.memory_space<vmem>>
          %dma_wait3A_174 = tpu.memref_squeeze %dma_wait3A_173 : memref<1x64xi32, #tpu.memory_space<vmem>> -> memref<64xi32, #tpu.memory_space<vmem>>
          %dma_wait3A_175 = arith.constant 0 : i32
          %dma_wait3A_176 = arith.constant 0 : i32
          %dma_wait3A_177 = tpu.memref_slice %arg9[%dma_wait3A_175, %dma_wait3A_176] : memref<10112x128xf32, #tpu.memory_space<vmem_shared>> -> memref<10112x128xf32, #tpu.memory_space<vmem_shared>>
          tpu.wait_indirect_dma semaphore(%run_scoped3A_157 : memref<!tpu.dma_semaphore, #tpu.memory_space<semaphore_mem>>) src(%dma_wait3A_171 : memref<64x128xf32, #tpu.memory_space<vmem>>) dst(%dma_wait3A_177 : memref<10112x128xf32, #tpu.memory_space<vmem_shared>>)
          tpu.yield
        }) : () -> ()
        %add3A_150 = arith.constant 4 : i32
        %add3A_151 = arith.addi %add3A_137, %add3A_150 : i32
        %lt3A_152 = arith.constant 16 : i32
        %lt3A_153 = arith.cmpi slt, %add3A_151, %lt3A_152 : i32
        %convert_element_type3A_154 = arith.extui %lt3A_153 : i1 to i32
        %cond3A_155 = arith.constant 0 : i32
        %cond3A_156 = arith.cmpi ne, %convert_element_type3A_154, %cond3A_155 : i32
        scf.if %cond3A_156 {
          %dma_start3A_157 = arith.constant 3 : i32
          %dma_start3A_158 = arith.constant 0 : i32
          %dma_start3A_159 = arith.constant 0 : i32
          %dma_start3A_160 = tpu.memref_slice %arg8[%dma_start3A_157, %dma_start3A_158, %dma_start3A_159] : memref<4x64x128xf32, #tpu.memory_space<vmem>> -> memref<1x64x128xf32, #tpu.memory_space<vmem>>
          %dma_start3A_161 = tpu.memref_squeeze %dma_start3A_160 : memref<1x64x128xf32, #tpu.memory_space<vmem>> -> memref<64x128xf32, #tpu.memory_space<vmem>>
          %dma_start3A_162 = arith.constant 0 : i32
          %dma_start3A_163 = tpu.memref_slice %arg6[%add3A_151, %dma_start3A_162] : memref<16x64xi32, #tpu.memory_space<vmem>> -> memref<1x64xi32, #tpu.memory_space<vmem>>
          %dma_start3A_164 = tpu.memref_squeeze %dma_start3A_163 : memref<1x64xi32, #tpu.memory_space<vmem>> -> memref<64xi32, #tpu.memory_space<vmem>>
          %dma_start3A_165 = arith.constant 0 : i32
          %dma_start3A_166 = arith.constant 0 : i32
          %dma_start3A_167 = tpu.memref_slice %arg3[%dma_start3A_165, %dma_start3A_166] : memref<20000x128xf32, #tpu.memory_space<hbm>> -> memref<20000x128xf32, #tpu.memory_space<hbm>>
          tpu.enqueue_indirect_dma source(%dma_start3A_167 : memref<20000x128xf32, #tpu.memory_space<hbm>>) target(%dma_start3A_161 : memref<64x128xf32, #tpu.memory_space<vmem>>) offsets(%dma_start3A_164 : memref<64xi32, #tpu.memory_space<vmem>>) semaphore(%arg13 : memref<!tpu.dma_semaphore, #tpu.memory_space<semaphore_mem>>)
        } else {
        }
      }
      %scan3A_71 = arith.constant 4 : i32
    }
    %scan3A_5 = arith.constant 20 : i32
    %barrier3A_6 = arith.constant 0 : index
    tpu.barrier barrier_id(%barrier3A_6)
    %lt3A = arith.constant 15 : i32
    %lt3A_7 = arith.cmpi slt, %arg1, %lt3A : i32
    %convert_element_type3A = arith.extui %lt3A_7 : i1 to i32
    %cond3A = arith.constant 0 : i32
    %cond3A_8 = arith.cmpi ne, %convert_element_type3A, %cond3A : i32
    scf.if %cond3A_8 {
      %mul3A_13 = arith.constant 632 : i32
      %mul3A_14 = arith.muli %arg1, %mul3A_13 : i32
      %mul3A_15 = arith.constant 10000 : i32
      %mul3A_16 = arith.muli %arg0, %mul3A_15 : i32
      %mul3A_17 = arith.constant 632 : i32
      %mul3A_18 = arith.muli %arg1, %mul3A_17 : i32
      %add3A = arith.addi %mul3A_16, %mul3A_18 : i32
      "tpu.region"() ({
        %run_scoped3A = tpu.sem_alloc : memref<!tpu.dma_semaphore, #tpu.memory_space<semaphore_mem>>
        %dma_start3A = arith.constant 0 : i32
        %dma_start3A_19 = tpu.memref_slice %arg5[%add3A, %dma_start3A] : memref<20000x128xf32, #tpu.memory_space<hbm>> -> memref<632x128xf32, #tpu.memory_space<hbm>>
        %dma_start3A_20 = arith.constant 0 : i32
        %dma_start3A_21 = tpu.memref_slice %arg9[%mul3A_14, %dma_start3A_20] : memref<10112x128xf32, #tpu.memory_space<vmem_shared>> -> memref<632x128xf32, #tpu.memory_space<vmem_shared>>
        tpu.enqueue_dma source(%dma_start3A_21 : memref<632x128xf32, #tpu.memory_space<vmem_shared>>) target(%dma_start3A_19 : memref<632x128xf32, #tpu.memory_space<hbm>>) target_semaphore(%run_scoped3A : memref<!tpu.dma_semaphore, #tpu.memory_space<semaphore_mem>>)
        %dma_wait3A = arith.constant 0 : i32
        %dma_wait3A_22 = tpu.memref_slice %arg5[%add3A, %dma_wait3A] : memref<20000x128xf32, #tpu.memory_space<hbm>> -> memref<632x128xf32, #tpu.memory_space<hbm>>
        %dma_wait3A_23 = arith.constant 0 : i32
        %dma_wait3A_24 = tpu.memref_slice %arg9[%mul3A_14, %dma_wait3A_23] : memref<10112x128xf32, #tpu.memory_space<vmem_shared>> -> memref<632x128xf32, #tpu.memory_space<vmem_shared>>
        tpu.wait_dma2 semaphore(%run_scoped3A : memref<!tpu.dma_semaphore, #tpu.memory_space<semaphore_mem>>) src(%dma_wait3A_24 : memref<632x128xf32, #tpu.memory_space<vmem_shared>>) dst(%dma_wait3A_22 : memref<632x128xf32, #tpu.memory_space<hbm>>)
        tpu.yield
      }) : () -> ()
    } else {
    }
    %eq3A = arith.constant 15 : i32
    %eq3A_9 = arith.cmpi eq, %arg1, %eq3A : i32
    %convert_element_type3A_10 = arith.extui %eq3A_9 : i1 to i32
    %cond3A_11 = arith.constant 0 : i32
    %cond3A_12 = arith.cmpi ne, %convert_element_type3A_10, %cond3A_11 : i32
    scf.if %cond3A_12 {
      %mul3A_13 = arith.constant 10000 : i32
      %mul3A_14 = arith.muli %arg0, %mul3A_13 : i32
      %add3A = arith.constant 9480 : i32
      %add3A_15 = arith.addi %mul3A_14, %add3A : i32
      "tpu.region"() ({
        %run_scoped3A = tpu.sem_alloc : memref<!tpu.dma_semaphore, #tpu.memory_space<semaphore_mem>>
        %dma_start3A = arith.constant 0 : i32
        %dma_start3A_16 = tpu.memref_slice %arg5[%add3A_15, %dma_start3A] : memref<20000x128xf32, #tpu.memory_space<hbm>> -> memref<520x128xf32, #tpu.memory_space<hbm>>
        %dma_start3A_17 = arith.constant 9480 : i32
        %dma_start3A_18 = arith.constant 0 : i32
        %dma_start3A_19 = tpu.memref_slice %arg9[%dma_start3A_17, %dma_start3A_18] : memref<10112x128xf32, #tpu.memory_space<vmem_shared>> -> memref<520x128xf32, #tpu.memory_space<vmem_shared>>
        tpu.enqueue_dma source(%dma_start3A_19 : memref<520x128xf32, #tpu.memory_space<vmem_shared>>) target(%dma_start3A_16 : memref<520x128xf32, #tpu.memory_space<hbm>>) target_semaphore(%run_scoped3A : memref<!tpu.dma_semaphore, #tpu.memory_space<semaphore_mem>>)
        %dma_wait3A = arith.constant 0 : i32
        %dma_wait3A_20 = tpu.memref_slice %arg5[%add3A_15, %dma_wait3A] : memref<20000x128xf32, #tpu.memory_space<hbm>> -> memref<520x128xf32, #tpu.memory_space<hbm>>
        %dma_wait3A_21 = arith.constant 9480 : i32
        %dma_wait3A_22 = arith.constant 0 : i32
        %dma_wait3A_23 = tpu.memref_slice %arg9[%dma_wait3A_21, %dma_wait3A_22] : memref<10112x128xf32, #tpu.memory_space<vmem_shared>> -> memref<520x128xf32, #tpu.memory_space<vmem_shared>>
        tpu.wait_dma2 semaphore(%run_scoped3A : memref<!tpu.dma_semaphore, #tpu.memory_space<semaphore_mem>>) src(%dma_wait3A_23 : memref<520x128xf32, #tpu.memory_space<vmem_shared>>) dst(%dma_wait3A_20 : memref<520x128xf32, #tpu.memory_space<hbm>>)
        tpu.yield
      }) : () -> ()
    } else {
    }
    return
  }
}

#map = affine_map<(d0, d1) -> (0, 0, 0, 0, 0)>
#map1 = affine_map<(d0, d1) -> (0, 0)>
module attributes {stable_mosaic.version = 14 : i64} {
  func.func @body(%arg0: i32, %arg1: i32, %arg2: memref<2x2x16x320x64xi32, #tpu.memory_space<hbm>>, %arg3: memref<20000x128xf32, #tpu.memory_space<hbm>>, %arg4: memref<632x128xf32, #tpu.memory_space<hbm>>, %arg5: memref<20000x128xf32, #tpu.memory_space<hbm>>, %arg6: memref<16x64xi32, #tpu.memory_space<vmem>>, %arg7: memref<16x64xi32, #tpu.memory_space<vmem>>, %arg8: memref<4x64x128xf32, #tpu.memory_space<vmem>>, %arg9: memref<10112x128xf32, #tpu.memory_space<vmem_shared>>, %arg10: memref<!tpu.dma_semaphore, #tpu.memory_space<semaphore_mem>>, %arg11: memref<!tpu.dma_semaphore, #tpu.memory_space<semaphore_mem>>, %arg12: memref<!tpu.dma_semaphore, #tpu.memory_space<semaphore_mem>>, %arg13: memref<!tpu.dma_semaphore, #tpu.memory_space<semaphore_mem>>) attributes {dimension_semantics = [#tpu.dimension_semantics<core_parallel>, #tpu.dimension_semantics<subcore_parallel>], iteration_bounds = array<i64: 2, 16>, scalar_prefetch = 0 : i64, scratch_operands = 8 : i64, tpu.core_type = #tpu.core_type<sc_vector_subcore>, window_params = [{transform_indices = #map}, {transform_indices = #map1}, {transform_indices = #map1}, {transform_indices = #map1}]} {
    %mul3A = arith.constant 632 : i32
    %mul3A_0 = arith.muli %arg1, %mul3A : i32
    "tpu.region"() ({
      %run_scoped3A = tpu.sem_alloc : memref<!tpu.dma_semaphore, #tpu.memory_space<semaphore_mem>>
      %dma_start3A = arith.constant 0 : i32
      %dma_start3A_13 = tpu.memref_slice %arg9[%mul3A_0, %dma_start3A] : memref<10112x128xf32, #tpu.memory_space<vmem_shared>> -> memref<632x128xf32, #tpu.memory_space<vmem_shared>>
      tpu.enqueue_dma source(%arg4 : memref<632x128xf32, #tpu.memory_space<hbm>>) target(%dma_start3A_13 : memref<632x128xf32, #tpu.memory_space<vmem_shared>>) target_semaphore(%run_scoped3A : memref<!tpu.dma_semaphore, #tpu.memory_space<semaphore_mem>>)
      %dma_wait3A = arith.constant 0 : i32
      %dma_wait3A_14 = tpu.memref_slice %arg9[%mul3A_0, %dma_wait3A] : memref<10112x128xf32, #tpu.memory_space<vmem_shared>> -> memref<632x128xf32, #tpu.memory_space<vmem_shared>>
      tpu.wait_dma2 semaphore(%run_scoped3A : memref<!tpu.dma_semaphore, #tpu.memory_space<semaphore_mem>>) src(%arg4 : memref<632x128xf32, #tpu.memory_space<hbm>>) dst(%dma_wait3A_14 : memref<632x128xf32, #tpu.memory_space<vmem_shared>>)
      tpu.yield
    }) : () -> ()
    %barrier3A = arith.constant 0 : index
    tpu.barrier barrier_id(%barrier3A)
    %scan3A = arith.constant 0 : i32
    %scan3A_1 = arith.constant 0 : i32
    %scan3A_2 = arith.constant 20 : i32
    %scan3A_3 = arith.addi %scan3A_1, %scan3A_2 : i32
    %scan3A_4 = arith.constant 1 : i32
    scf.for %scan3A_13 = %scan3A_1 to %scan3A_3 step %scan3A_4  : i32 {
      %mul3A_14 = arith.constant 16 : i32
      %mul3A_15 = arith.muli %scan3A_13, %mul3A_14 : i32
      %run_scoped3A = arith.constant 0 : i32
      "tpu.region"() ({
        %run_scoped3A_72 = tpu.sem_alloc : memref<!tpu.dma_semaphore, #tpu.memory_space<semaphore_mem>>
        %dma_start3A_73 = arith.constant 0 : i32
        %dma_start3A_74 = tpu.memref_slice %arg2[%arg0, %run_scoped3A, %arg1, %mul3A_15, %dma_start3A_73] : memref<2x2x16x320x64xi32, #tpu.memory_space<hbm>> -> memref<1x1x1x16x64xi32, #tpu.memory_space<hbm>>
        %dma_start3A_75 = tpu.memref_squeeze %dma_start3A_74 : memref<1x1x1x16x64xi32, #tpu.memory_space<hbm>> -> memref<16x64xi32, #tpu.memory_space<hbm>>
        %dma_start3A_76 = arith.constant 0 : i32
        %dma_start3A_77 = tpu.memref_slice %arg2[%arg0, %run_scoped3A, %arg1, %mul3A_15, %dma_start3A_76] : memref<2x2x16x320x64xi32, #tpu.memory_space<hbm>> -> memref<1x1x1x16x64xi32, #tpu.memory_space<hbm>>
        %dma_start3A_78 = tpu.memref_squeeze %dma_start3A_77 : memref<1x1x1x16x64xi32, #tpu.memory_space<hbm>> -> memref<16x64xi32, #tpu.memory_space<hbm>>
        tpu.enqueue_dma source(%dma_start3A_78 : memref<16x64xi32, #tpu.memory_space<hbm>>) target(%arg6 : memref<16x64xi32, #tpu.memory_space<vmem>>) target_semaphore(%run_scoped3A_72 : memref<!tpu.dma_semaphore, #tpu.memory_space<semaphore_mem>>)
        %dma_wait3A = arith.constant 0 : i32
        %dma_wait3A_79 = tpu.memref_slice %arg2[%arg0, %run_scoped3A, %arg1, %mul3A_15, %dma_wait3A] : memref<2x2x16x320x64xi32, #tpu.memory_space<hbm>> -> memref<1x1x1x16x64xi32, #tpu.memory_space<hbm>>
        %dma_wait3A_80 = tpu.memref_squeeze %dma_wait3A_79 : memref<1x1x1x16x64xi32, #tpu.memory_space<hbm>> -> memref<16x64xi32, #tpu.memory_space<hbm>>
        %dma_wait3A_81 = arith.constant 0 : i32
        %dma_wait3A_82 = tpu.memref_slice %arg2[%arg0, %run_scoped3A, %arg1, %mul3A_15, %dma_wait3A_81] : memref<2x2x16x320x64xi32, #tpu.memory_space<hbm>> -> memref<1x1x1x16x64xi32, #tpu.memory_space<hbm>>
        %dma_wait3A_83 = tpu.memref_squeeze %dma_wait3A_82 : memref<1x1x1x16x64xi32, #tpu.memory_space<hbm>> -> memref<16x64xi32, #tpu.memory_space<hbm>>
        tpu.wait_dma2 semaphore(%run_scoped3A_72 : memref<!tpu.dma_semaphore, #tpu.memory_space<semaphore_mem>>) src(%dma_wait3A_83 : memref<16x64xi32, #tpu.memory_space<hbm>>) dst(%arg6 : memref<16x64xi32, #tpu.memory_space<vmem>>)
        tpu.yield
      }) : () -> ()
      %mul3A_16 = arith.constant 16 : i32
      %mul3A_17 = arith.muli %scan3A_13, %mul3A_16 : i32
      %run_scoped3A_18 = arith.constant 1 : i32
      "tpu.region"() ({
        %run_scoped3A_72 = tpu.sem_alloc : memref<!tpu.dma_semaphore, #tpu.memory_space<semaphore_mem>>
        %dma_start3A_73 = arith.constant 0 : i32
        %dma_start3A_74 = tpu.memref_slice %arg2[%arg0, %run_scoped3A_18, %arg1, %mul3A_17, %dma_start3A_73] : memref<2x2x16x320x64xi32, #tpu.memory_space<hbm>> -> memref<1x1x1x16x64xi32, #tpu.memory_space<hbm>>
        %dma_start3A_75 = tpu.memref_squeeze %dma_start3A_74 : memref<1x1x1x16x64xi32, #tpu.memory_space<hbm>> -> memref<16x64xi32, #tpu.memory_space<hbm>>
        %dma_start3A_76 = arith.constant 0 : i32
        %dma_start3A_77 = tpu.memref_slice %arg2[%arg0, %run_scoped3A_18, %arg1, %mul3A_17, %dma_start3A_76] : memref<2x2x16x320x64xi32, #tpu.memory_space<hbm>> -> memref<1x1x1x16x64xi32, #tpu.memory_space<hbm>>
        %dma_start3A_78 = tpu.memref_squeeze %dma_start3A_77 : memref<1x1x1x16x64xi32, #tpu.memory_space<hbm>> -> memref<16x64xi32, #tpu.memory_space<hbm>>
        tpu.enqueue_dma source(%dma_start3A_78 : memref<16x64xi32, #tpu.memory_space<hbm>>) target(%arg7 : memref<16x64xi32, #tpu.memory_space<vmem>>) target_semaphore(%run_scoped3A_72 : memref<!tpu.dma_semaphore, #tpu.memory_space<semaphore_mem>>)
        %dma_wait3A = arith.constant 0 : i32
        %dma_wait3A_79 = tpu.memref_slice %arg2[%arg0, %run_scoped3A_18, %arg1, %mul3A_17, %dma_wait3A] : memref<2x2x16x320x64xi32, #tpu.memory_space<hbm>> -> memref<1x1x1x16x64xi32, #tpu.memory_space<hbm>>
        %dma_wait3A_80 = tpu.memref_squeeze %dma_wait3A_79 : memref<1x1x1x16x64xi32, #tpu.memory_space<hbm>> -> memref<16x64xi32, #tpu.memory_space<hbm>>
        %dma_wait3A_81 = arith.constant 0 : i32
        %dma_wait3A_82 = tpu.memref_slice %arg2[%arg0, %run_scoped3A_18, %arg1, %mul3A_17, %dma_wait3A_81] : memref<2x2x16x320x64xi32, #tpu.memory_space<hbm>> -> memref<1x1x1x16x64xi32, #tpu.memory_space<hbm>>
        %dma_wait3A_83 = tpu.memref_squeeze %dma_wait3A_82 : memref<1x1x1x16x64xi32, #tpu.memory_space<hbm>> -> memref<16x64xi32, #tpu.memory_space<hbm>>
        tpu.wait_dma2 semaphore(%run_scoped3A_72 : memref<!tpu.dma_semaphore, #tpu.memory_space<semaphore_mem>>) src(%dma_wait3A_83 : memref<16x64xi32, #tpu.memory_space<hbm>>) dst(%arg7 : memref<16x64xi32, #tpu.memory_space<vmem>>)
        tpu.yield
      }) : () -> ()
      %dma_start3A = arith.constant 0 : i32
      %dma_start3A_19 = arith.constant 0 : i32
      %dma_start3A_20 = arith.constant 0 : i32
      %dma_start3A_21 = arith.constant 0 : i32
      %dma_start3A_22 = tpu.memref_slice %arg8[%dma_start3A_19, %dma_start3A_20, %dma_start3A_21] : memref<4x64x128xf32, #tpu.memory_space<vmem>> -> memref<1x64x128xf32, #tpu.memory_space<vmem>>
      %dma_start3A_23 = tpu.memref_squeeze %dma_start3A_22 : memref<1x64x128xf32, #tpu.memory_space<vmem>> -> memref<64x128xf32, #tpu.memory_space<vmem>>
      %dma_start3A_24 = arith.constant 0 : i32
      %dma_start3A_25 = tpu.memref_slice %arg6[%dma_start3A, %dma_start3A_24] : memref<16x64xi32, #tpu.memory_space<vmem>> -> memref<1x64xi32, #tpu.memory_space<vmem>>
      %dma_start3A_26 = tpu.memref_squeeze %dma_start3A_25 : memref<1x64xi32, #tpu.memory_space<vmem>> -> memref<64xi32, #tpu.memory_space<vmem>>
      %dma_start3A_27 = arith.constant 0 : i32
      %dma_start3A_28 = arith.constant 0 : i32
      %dma_start3A_29 = tpu.memref_slice %arg3[%dma_start3A_27, %dma_start3A_28] : memref<20000x128xf32, #tpu.memory_space<hbm>> -> memref<20000x128xf32, #tpu.memory_space<hbm>>
      tpu.enqueue_indirect_dma source(%dma_start3A_29 : memref<20000x128xf32, #tpu.memory_space<hbm>>) target(%dma_start3A_23 : memref<64x128xf32, #tpu.memory_space<vmem>>) offsets(%dma_start3A_26 : memref<64xi32, #tpu.memory_space<vmem>>) semaphore(%arg10 : memref<!tpu.dma_semaphore, #tpu.memory_space<semaphore_mem>>)
      %dma_start3A_30 = arith.constant 1 : i32
      %dma_start3A_31 = arith.constant 1 : i32
      %dma_start3A_32 = arith.constant 0 : i32
      %dma_start3A_33 = arith.constant 0 : i32
      %dma_start3A_34 = tpu.memref_slice %arg8[%dma_start3A_31, %dma_start3A_32, %dma_start3A_33] : memref<4x64x128xf32, #tpu.memory_space<vmem>> -> memref<1x64x128xf32, #tpu.memory_space<vmem>>
      %dma_start3A_35 = tpu.memref_squeeze %dma_start3A_34 : memref<1x64x128xf32, #tpu.memory_space<vmem>> -> memref<64x128xf32, #tpu.memory_space<vmem>>
      %dma_start3A_36 = arith.constant 0 : i32
      %dma_start3A_37 = tpu.memref_slice %arg6[%dma_start3A_30, %dma_start3A_36] : memref<16x64xi32, #tpu.memory_space<vmem>> -> memref<1x64xi32, #tpu.memory_space<vmem>>
      %dma_start3A_38 = tpu.memref_squeeze %dma_start3A_37 : memref<1x64xi32, #tpu.memory_space<vmem>> -> memref<64xi32, #tpu.memory_space<vmem>>
      %dma_start3A_39 = arith.constant 0 : i32
      %dma_start3A_40 = arith.constant 0 : i32
      %dma_start3A_41 = tpu.memref_slice %arg3[%dma_start3A_39, %dma_start3A_40] : memref<20000x128xf32, #tpu.memory_space<hbm>> -> memref<20000x128xf32, #tpu.memory_space<hbm>>
      tpu.enqueue_indirect_dma source(%dma_start3A_41 : memref<20000x128xf32, #tpu.memory_space<hbm>>) target(%dma_start3A_35 : memref<64x128xf32, #tpu.memory_space<vmem>>) offsets(%dma_start3A_38 : memref<64xi32, #tpu.memory_space<vmem>>) semaphore(%arg11 : memref<!tpu.dma_semaphore, #tpu.memory_space<semaphore_mem>>)
      %dma_start3A_42 = arith.constant 2 : i32
      %dma_start3A_43 = arith.constant 2 : i32
      %dma_start3A_44 = arith.constant 0 : i32
      %dma_start3A_45 = arith.constant 0 : i32
      %dma_start3A_46 = tpu.memref_slice %arg8[%dma_start3A_43, %dma_start3A_44, %dma_start3A_45] : memref<4x64x128xf32, #tpu.memory_space<vmem>> -> memref<1x64x128xf32, #tpu.memory_space<vmem>>
      %dma_start3A_47 = tpu.memref_squeeze %dma_start3A_46 : memref<1x64x128xf32, #tpu.memory_space<vmem>> -> memref<64x128xf32, #tpu.memory_space<vmem>>
      %dma_start3A_48 = arith.constant 0 : i32
      %dma_start3A_49 = tpu.memref_slice %arg6[%dma_start3A_42, %dma_start3A_48] : memref<16x64xi32, #tpu.memory_space<vmem>> -> memref<1x64xi32, #tpu.memory_space<vmem>>
      %dma_start3A_50 = tpu.memref_squeeze %dma_start3A_49 : memref<1x64xi32, #tpu.memory_space<vmem>> -> memref<64xi32, #tpu.memory_space<vmem>>
      %dma_start3A_51 = arith.constant 0 : i32
      %dma_start3A_52 = arith.constant 0 : i32
      %dma_start3A_53 = tpu.memref_slice %arg3[%dma_start3A_51, %dma_start3A_52] : memref<20000x128xf32, #tpu.memory_space<hbm>> -> memref<20000x128xf32, #tpu.memory_space<hbm>>
      tpu.enqueue_indirect_dma source(%dma_start3A_53 : memref<20000x128xf32, #tpu.memory_space<hbm>>) target(%dma_start3A_47 : memref<64x128xf32, #tpu.memory_space<vmem>>) offsets(%dma_start3A_50 : memref<64xi32, #tpu.memory_space<vmem>>) semaphore(%arg12 : memref<!tpu.dma_semaphore, #tpu.memory_space<semaphore_mem>>)
      %dma_start3A_54 = arith.constant 3 : i32
      %dma_start3A_55 = arith.constant 3 : i32
      %dma_start3A_56 = arith.constant 0 : i32
      %dma_start3A_57 = arith.constant 0 : i32
      %dma_start3A_58 = tpu.memref_slice %arg8[%dma_start3A_55, %dma_start3A_56, %dma_start3A_57] : memref<4x64x128xf32, #tpu.memory_space<vmem>> -> memref<1x64x128xf32, #tpu.memory_space<vmem>>
      %dma_start3A_59 = tpu.memref_squeeze %dma_start3A_58 : memref<1x64x128xf32, #tpu.memory_space<vmem>> -> memref<64x128xf32, #tpu.memory_space<vmem>>
      %dma_start3A_60 = arith.constant 0 : i32
      %dma_start3A_61 = tpu.memref_slice %arg6[%dma_start3A_54, %dma_start3A_60] : memref<16x64xi32, #tpu.memory_space<vmem>> -> memref<1x64xi32, #tpu.memory_space<vmem>>
      %dma_start3A_62 = tpu.memref_squeeze %dma_start3A_61 : memref<1x64xi32, #tpu.memory_space<vmem>> -> memref<64xi32, #tpu.memory_space<vmem>>
      %dma_start3A_63 = arith.constant 0 : i32
      %dma_start3A_64 = arith.constant 0 : i32
      %dma_start3A_65 = tpu.memref_slice %arg3[%dma_start3A_63, %dma_start3A_64] : memref<20000x128xf32, #tpu.memory_space<hbm>> -> memref<20000x128xf32, #tpu.memory_space<hbm>>
      tpu.enqueue_indirect_dma source(%dma_start3A_65 : memref<20000x128xf32, #tpu.memory_space<hbm>>) target(%dma_start3A_59 : memref<64x128xf32, #tpu.memory_space<vmem>>) offsets(%dma_start3A_62 : memref<64xi32, #tpu.memory_space<vmem>>) semaphore(%arg13 : memref<!tpu.dma_semaphore, #tpu.memory_space<semaphore_mem>>)
      %scan3A_66 = arith.constant 0 : i32
      %scan3A_67 = arith.constant 0 : i32
      %scan3A_68 = arith.constant 4 : i32
      %scan3A_69 = arith.addi %scan3A_67, %scan3A_68 : i32
      %scan3A_70 = arith.constant 1 : i32
      scf.for %scan3A_72 = %scan3A_67 to %scan3A_69 step %scan3A_70  : i32 {
        %mul3A_73 = arith.constant 4 : i32
        %mul3A_74 = arith.muli %scan3A_72, %mul3A_73 : i32
        %add3A = arith.constant 0 : i32
        %add3A_75 = arith.addi %mul3A_74, %add3A : i32
        %dma_wait3A = arith.constant 0 : i32
        %dma_wait3A_76 = arith.constant 0 : i32
        %dma_wait3A_77 = arith.constant 0 : i32
        %dma_wait3A_78 = tpu.memref_slice %arg8[%dma_wait3A, %dma_wait3A_76, %dma_wait3A_77] : memref<4x64x128xf32, #tpu.memory_space<vmem>> -> memref<1x64x128xf32, #tpu.memory_space<vmem>>
        %dma_wait3A_79 = tpu.memref_squeeze %dma_wait3A_78 : memref<1x64x128xf32, #tpu.memory_space<vmem>> -> memref<64x128xf32, #tpu.memory_space<vmem>>
        %dma_wait3A_80 = arith.constant 0 : i32
        %dma_wait3A_81 = tpu.memref_slice %arg6[%add3A_75, %dma_wait3A_80] : memref<16x64xi32, #tpu.memory_space<vmem>> -> memref<1x64xi32, #tpu.memory_space<vmem>>
        %dma_wait3A_82 = tpu.memref_squeeze %dma_wait3A_81 : memref<1x64xi32, #tpu.memory_space<vmem>> -> memref<64xi32, #tpu.memory_space<vmem>>
        %dma_wait3A_83 = arith.constant 0 : i32
        %dma_wait3A_84 = arith.constant 0 : i32
        %dma_wait3A_85 = tpu.memref_slice %arg3[%dma_wait3A_83, %dma_wait3A_84] : memref<20000x128xf32, #tpu.memory_space<hbm>> -> memref<20000x128xf32, #tpu.memory_space<hbm>>
        tpu.wait_indirect_dma semaphore(%arg10 : memref<!tpu.dma_semaphore, #tpu.memory_space<semaphore_mem>>) src(%dma_wait3A_85 : memref<20000x128xf32, #tpu.memory_space<hbm>>) dst(%dma_wait3A_79 : memref<64x128xf32, #tpu.memory_space<vmem>>)
        %run_scoped3A_86 = arith.constant 0 : i32
        "tpu.region"() ({
          %run_scoped3A_157 = tpu.sem_alloc : memref<!tpu.dma_semaphore, #tpu.memory_space<semaphore_mem>>
          %dma_start3A_158 = arith.constant 0 : i32
          %dma_start3A_159 = arith.constant 0 : i32
          %dma_start3A_160 = tpu.memref_slice %arg8[%run_scoped3A_86, %dma_start3A_158, %dma_start3A_159] : memref<4x64x128xf32, #tpu.memory_space<vmem>> -> memref<1x64x128xf32, #tpu.memory_space<vmem>>
          %dma_start3A_161 = tpu.memref_squeeze %dma_start3A_160 : memref<1x64x128xf32, #tpu.memory_space<vmem>> -> memref<64x128xf32, #tpu.memory_space<vmem>>
          %dma_start3A_162 = arith.constant 0 : i32
          %dma_start3A_163 = tpu.memref_slice %arg7[%add3A_75, %dma_start3A_162] : memref<16x64xi32, #tpu.memory_space<vmem>> -> memref<1x64xi32, #tpu.memory_space<vmem>>
          %dma_start3A_164 = tpu.memref_squeeze %dma_start3A_163 : memref<1x64xi32, #tpu.memory_space<vmem>> -> memref<64xi32, #tpu.memory_space<vmem>>
          %dma_start3A_165 = arith.constant 0 : i32
          %dma_start3A_166 = arith.constant 0 : i32
          %dma_start3A_167 = tpu.memref_slice %arg9[%dma_start3A_165, %dma_start3A_166] : memref<10112x128xf32, #tpu.memory_space<vmem_shared>> -> memref<10112x128xf32, #tpu.memory_space<vmem_shared>>
          tpu.enqueue_indirect_dma source(%dma_start3A_161 : memref<64x128xf32, #tpu.memory_space<vmem>>) target(%dma_start3A_167 : memref<10112x128xf32, #tpu.memory_space<vmem_shared>>) offsets(%dma_start3A_164 : memref<64xi32, #tpu.memory_space<vmem>>) semaphore(%run_scoped3A_157 : memref<!tpu.dma_semaphore, #tpu.memory_space<semaphore_mem>>) {add = true}
          %dma_wait3A_168 = arith.constant 0 : i32
          %dma_wait3A_169 = arith.constant 0 : i32
          %dma_wait3A_170 = tpu.memref_slice %arg8[%run_scoped3A_86, %dma_wait3A_168, %dma_wait3A_169] : memref<4x64x128xf32, #tpu.memory_space<vmem>> -> memref<1x64x128xf32, #tpu.memory_space<vmem>>
          %dma_wait3A_171 = tpu.memref_squeeze %dma_wait3A_170 : memref<1x64x128xf32, #tpu.memory_space<vmem>> -> memref<64x128xf32, #tpu.memory_space<vmem>>
          %dma_wait3A_172 = arith.constant 0 : i32
          %dma_wait3A_173 = tpu.memref_slice %arg7[%add3A_75, %dma_wait3A_172] : memref<16x64xi32, #tpu.memory_space<vmem>> -> memref<1x64xi32, #tpu.memory_space<vmem>>
          %dma_wait3A_174 = tpu.memref_squeeze %dma_wait3A_173 : memref<1x64xi32, #tpu.memory_space<vmem>> -> memref<64xi32, #tpu.memory_space<vmem>>
          %dma_wait3A_175 = arith.constant 0 : i32
          %dma_wait3A_176 = arith.constant 0 : i32
          %dma_wait3A_177 = tpu.memref_slice %arg9[%dma_wait3A_175, %dma_wait3A_176] : memref<10112x128xf32, #tpu.memory_space<vmem_shared>> -> memref<10112x128xf32, #tpu.memory_space<vmem_shared>>
          tpu.wait_indirect_dma semaphore(%run_scoped3A_157 : memref<!tpu.dma_semaphore, #tpu.memory_space<semaphore_mem>>) src(%dma_wait3A_171 : memref<64x128xf32, #tpu.memory_space<vmem>>) dst(%dma_wait3A_177 : memref<10112x128xf32, #tpu.memory_space<vmem_shared>>)
          tpu.yield
        }) : () -> ()
        %add3A_87 = arith.constant 4 : i32
        %add3A_88 = arith.addi %add3A_75, %add3A_87 : i32
        %lt3A_89 = arith.constant 16 : i32
        %lt3A_90 = arith.cmpi slt, %add3A_88, %lt3A_89 : i32
        %convert_element_type3A_91 = arith.extui %lt3A_90 : i1 to i32
        %cond3A_92 = arith.constant 0 : i32
        %cond3A_93 = arith.cmpi ne, %convert_element_type3A_91, %cond3A_92 : i32
        scf.if %cond3A_93 {
          %dma_start3A_157 = arith.constant 0 : i32
          %dma_start3A_158 = arith.constant 0 : i32
          %dma_start3A_159 = arith.constant 0 : i32
          %dma_start3A_160 = tpu.memref_slice %arg8[%dma_start3A_157, %dma_start3A_158, %dma_start3A_159] : memref<4x64x128xf32, #tpu.memory_space<vmem>> -> memref<1x64x128xf32, #tpu.memory_space<vmem>>
          %dma_start3A_161 = tpu.memref_squeeze %dma_start3A_160 : memref<1x64x128xf32, #tpu.memory_space<vmem>> -> memref<64x128xf32, #tpu.memory_space<vmem>>
          %dma_start3A_162 = arith.constant 0 : i32
          %dma_start3A_163 = tpu.memref_slice %arg6[%add3A_88, %dma_start3A_162] : memref<16x64xi32, #tpu.memory_space<vmem>> -> memref<1x64xi32, #tpu.memory_space<vmem>>
          %dma_start3A_164 = tpu.memref_squeeze %dma_start3A_163 : memref<1x64xi32, #tpu.memory_space<vmem>> -> memref<64xi32, #tpu.memory_space<vmem>>
          %dma_start3A_165 = arith.constant 0 : i32
          %dma_start3A_166 = arith.constant 0 : i32
          %dma_start3A_167 = tpu.memref_slice %arg3[%dma_start3A_165, %dma_start3A_166] : memref<20000x128xf32, #tpu.memory_space<hbm>> -> memref<20000x128xf32, #tpu.memory_space<hbm>>
          tpu.enqueue_indirect_dma source(%dma_start3A_167 : memref<20000x128xf32, #tpu.memory_space<hbm>>) target(%dma_start3A_161 : memref<64x128xf32, #tpu.memory_space<vmem>>) offsets(%dma_start3A_164 : memref<64xi32, #tpu.memory_space<vmem>>) semaphore(%arg10 : memref<!tpu.dma_semaphore, #tpu.memory_space<semaphore_mem>>)
        } else {
        }
        %add3A_94 = arith.constant 1 : i32
        %add3A_95 = arith.addi %mul3A_74, %add3A_94 : i32
        %dma_wait3A_96 = arith.constant 1 : i32
        %dma_wait3A_97 = arith.constant 0 : i32
        %dma_wait3A_98 = arith.constant 0 : i32
        %dma_wait3A_99 = tpu.memref_slice %arg8[%dma_wait3A_96, %dma_wait3A_97, %dma_wait3A_98] : memref<4x64x128xf32, #tpu.memory_space<vmem>> -> memref<1x64x128xf32, #tpu.memory_space<vmem>>
        %dma_wait3A_100 = tpu.memref_squeeze %dma_wait3A_99 : memref<1x64x128xf32, #tpu.memory_space<vmem>> -> memref<64x128xf32, #tpu.memory_space<vmem>>
        %dma_wait3A_101 = arith.constant 0 : i32
        %dma_wait3A_102 = tpu.memref_slice %arg6[%add3A_95, %dma_wait3A_101] : memref<16x64xi32, #tpu.memory_space<vmem>> -> memref<1x64xi32, #tpu.memory_space<vmem>>
        %dma_wait3A_103 = tpu.memref_squeeze %dma_wait3A_102 : memref<1x64xi32, #tpu.memory_space<vmem>> -> memref<64xi32, #tpu.memory_space<vmem>>
        %dma_wait3A_104 = arith.constant 0 : i32
        %dma_wait3A_105 = arith.constant 0 : i32
        %dma_wait3A_106 = tpu.memref_slice %arg3[%dma_wait3A_104, %dma_wait3A_105] : memref<20000x128xf32, #tpu.memory_space<hbm>> -> memref<20000x128xf32, #tpu.memory_space<hbm>>
        tpu.wait_indirect_dma semaphore(%arg11 : memref<!tpu.dma_semaphore, #tpu.memory_space<semaphore_mem>>) src(%dma_wait3A_106 : memref<20000x128xf32, #tpu.memory_space<hbm>>) dst(%dma_wait3A_100 : memref<64x128xf32, #tpu.memory_space<vmem>>)
        %run_scoped3A_107 = arith.constant 1 : i32
        "tpu.region"() ({
          %run_scoped3A_157 = tpu.sem_alloc : memref<!tpu.dma_semaphore, #tpu.memory_space<semaphore_mem>>
          %dma_start3A_158 = arith.constant 0 : i32
          %dma_start3A_159 = arith.constant 0 : i32
          %dma_start3A_160 = tpu.memref_slice %arg8[%run_scoped3A_107, %dma_start3A_158, %dma_start3A_159] : memref<4x64x128xf32, #tpu.memory_space<vmem>> -> memref<1x64x128xf32, #tpu.memory_space<vmem>>
          %dma_start3A_161 = tpu.memref_squeeze %dma_start3A_160 : memref<1x64x128xf32, #tpu.memory_space<vmem>> -> memref<64x128xf32, #tpu.memory_space<vmem>>
          %dma_start3A_162 = arith.constant 0 : i32
          %dma_start3A_163 = tpu.memref_slice %arg7[%add3A_95, %dma_start3A_162] : memref<16x64xi32, #tpu.memory_space<vmem>> -> memref<1x64xi32, #tpu.memory_space<vmem>>
          %dma_start3A_164 = tpu.memref_squeeze %dma_start3A_163 : memref<1x64xi32, #tpu.memory_space<vmem>> -> memref<64xi32, #tpu.memory_space<vmem>>
          %dma_start3A_165 = arith.constant 0 : i32
          %dma_start3A_166 = arith.constant 0 : i32
          %dma_start3A_167 = tpu.memref_slice %arg9[%dma_start3A_165, %dma_start3A_166] : memref<10112x128xf32, #tpu.memory_space<vmem_shared>> -> memref<10112x128xf32, #tpu.memory_space<vmem_shared>>
          tpu.enqueue_indirect_dma source(%dma_start3A_161 : memref<64x128xf32, #tpu.memory_space<vmem>>) target(%dma_start3A_167 : memref<10112x128xf32, #tpu.memory_space<vmem_shared>>) offsets(%dma_start3A_164 : memref<64xi32, #tpu.memory_space<vmem>>) semaphore(%run_scoped3A_157 : memref<!tpu.dma_semaphore, #tpu.memory_space<semaphore_mem>>) {add = true}
          %dma_wait3A_168 = arith.constant 0 : i32
          %dma_wait3A_169 = arith.constant 0 : i32
          %dma_wait3A_170 = tpu.memref_slice %arg8[%run_scoped3A_107, %dma_wait3A_168, %dma_wait3A_169] : memref<4x64x128xf32, #tpu.memory_space<vmem>> -> memref<1x64x128xf32, #tpu.memory_space<vmem>>
          %dma_wait3A_171 = tpu.memref_squeeze %dma_wait3A_170 : memref<1x64x128xf32, #tpu.memory_space<vmem>> -> memref<64x128xf32, #tpu.memory_space<vmem>>
          %dma_wait3A_172 = arith.constant 0 : i32
          %dma_wait3A_173 = tpu.memref_slice %arg7[%add3A_95, %dma_wait3A_172] : memref<16x64xi32, #tpu.memory_space<vmem>> -> memref<1x64xi32, #tpu.memory_space<vmem>>
          %dma_wait3A_174 = tpu.memref_squeeze %dma_wait3A_173 : memref<1x64xi32, #tpu.memory_space<vmem>> -> memref<64xi32, #tpu.memory_space<vmem>>
          %dma_wait3A_175 = arith.constant 0 : i32
          %dma_wait3A_176 = arith.constant 0 : i32
          %dma_wait3A_177 = tpu.memref_slice %arg9[%dma_wait3A_175, %dma_wait3A_176] : memref<10112x128xf32, #tpu.memory_space<vmem_shared>> -> memref<10112x128xf32, #tpu.memory_space<vmem_shared>>
          tpu.wait_indirect_dma semaphore(%run_scoped3A_157 : memref<!tpu.dma_semaphore, #tpu.memory_space<semaphore_mem>>) src(%dma_wait3A_171 : memref<64x128xf32, #tpu.memory_space<vmem>>) dst(%dma_wait3A_177 : memref<10112x128xf32, #tpu.memory_space<vmem_shared>>)
          tpu.yield
        }) : () -> ()
        %add3A_108 = arith.constant 4 : i32
        %add3A_109 = arith.addi %add3A_95, %add3A_108 : i32
        %lt3A_110 = arith.constant 16 : i32
        %lt3A_111 = arith.cmpi slt, %add3A_109, %lt3A_110 : i32
        %convert_element_type3A_112 = arith.extui %lt3A_111 : i1 to i32
        %cond3A_113 = arith.constant 0 : i32
        %cond3A_114 = arith.cmpi ne, %convert_element_type3A_112, %cond3A_113 : i32
        scf.if %cond3A_114 {
          %dma_start3A_157 = arith.constant 1 : i32
          %dma_start3A_158 = arith.constant 0 : i32
          %dma_start3A_159 = arith.constant 0 : i32
          %dma_start3A_160 = tpu.memref_slice %arg8[%dma_start3A_157, %dma_start3A_158, %dma_start3A_159] : memref<4x64x128xf32, #tpu.memory_space<vmem>> -> memref<1x64x128xf32, #tpu.memory_space<vmem>>
          %dma_start3A_161 = tpu.memref_squeeze %dma_start3A_160 : memref<1x64x128xf32, #tpu.memory_space<vmem>> -> memref<64x128xf32, #tpu.memory_space<vmem>>
          %dma_start3A_162 = arith.constant 0 : i32
          %dma_start3A_163 = tpu.memref_slice %arg6[%add3A_109, %dma_start3A_162] : memref<16x64xi32, #tpu.memory_space<vmem>> -> memref<1x64xi32, #tpu.memory_space<vmem>>
          %dma_start3A_164 = tpu.memref_squeeze %dma_start3A_163 : memref<1x64xi32, #tpu.memory_space<vmem>> -> memref<64xi32, #tpu.memory_space<vmem>>
          %dma_start3A_165 = arith.constant 0 : i32
          %dma_start3A_166 = arith.constant 0 : i32
          %dma_start3A_167 = tpu.memref_slice %arg3[%dma_start3A_165, %dma_start3A_166] : memref<20000x128xf32, #tpu.memory_space<hbm>> -> memref<20000x128xf32, #tpu.memory_space<hbm>>
          tpu.enqueue_indirect_dma source(%dma_start3A_167 : memref<20000x128xf32, #tpu.memory_space<hbm>>) target(%dma_start3A_161 : memref<64x128xf32, #tpu.memory_space<vmem>>) offsets(%dma_start3A_164 : memref<64xi32, #tpu.memory_space<vmem>>) semaphore(%arg11 : memref<!tpu.dma_semaphore, #tpu.memory_space<semaphore_mem>>)
        } else {
        }
        %add3A_115 = arith.constant 2 : i32
        %add3A_116 = arith.addi %mul3A_74, %add3A_115 : i32
        %dma_wait3A_117 = arith.constant 2 : i32
        %dma_wait3A_118 = arith.constant 0 : i32
        %dma_wait3A_119 = arith.constant 0 : i32
        %dma_wait3A_120 = tpu.memref_slice %arg8[%dma_wait3A_117, %dma_wait3A_118, %dma_wait3A_119] : memref<4x64x128xf32, #tpu.memory_space<vmem>> -> memref<1x64x128xf32, #tpu.memory_space<vmem>>
        %dma_wait3A_121 = tpu.memref_squeeze %dma_wait3A_120 : memref<1x64x128xf32, #tpu.memory_space<vmem>> -> memref<64x128xf32, #tpu.memory_space<vmem>>
        %dma_wait3A_122 = arith.constant 0 : i32
        %dma_wait3A_123 = tpu.memref_slice %arg6[%add3A_116, %dma_wait3A_122] : memref<16x64xi32, #tpu.memory_space<vmem>> -> memref<1x64xi32, #tpu.memory_space<vmem>>
        %dma_wait3A_124 = tpu.memref_squeeze %dma_wait3A_123 : memref<1x64xi32, #tpu.memory_space<vmem>> -> memref<64xi32, #tpu.memory_space<vmem>>
        %dma_wait3A_125 = arith.constant 0 : i32
        %dma_wait3A_126 = arith.constant 0 : i32
        %dma_wait3A_127 = tpu.memref_slice %arg3[%dma_wait3A_125, %dma_wait3A_126] : memref<20000x128xf32, #tpu.memory_space<hbm>> -> memref<20000x128xf32, #tpu.memory_space<hbm>>
        tpu.wait_indirect_dma semaphore(%arg12 : memref<!tpu.dma_semaphore, #tpu.memory_space<semaphore_mem>>) src(%dma_wait3A_127 : memref<20000x128xf32, #tpu.memory_space<hbm>>) dst(%dma_wait3A_121 : memref<64x128xf32, #tpu.memory_space<vmem>>)
        %run_scoped3A_128 = arith.constant 2 : i32
        "tpu.region"() ({
          %run_scoped3A_157 = tpu.sem_alloc : memref<!tpu.dma_semaphore, #tpu.memory_space<semaphore_mem>>
          %dma_start3A_158 = arith.constant 0 : i32
          %dma_start3A_159 = arith.constant 0 : i32
          %dma_start3A_160 = tpu.memref_slice %arg8[%run_scoped3A_128, %dma_start3A_158, %dma_start3A_159] : memref<4x64x128xf32, #tpu.memory_space<vmem>> -> memref<1x64x128xf32, #tpu.memory_space<vmem>>
          %dma_start3A_161 = tpu.memref_squeeze %dma_start3A_160 : memref<1x64x128xf32, #tpu.memory_space<vmem>> -> memref<64x128xf32, #tpu.memory_space<vmem>>
          %dma_start3A_162 = arith.constant 0 : i32
          %dma_start3A_163 = tpu.memref_slice %arg7[%add3A_116, %dma_start3A_162] : memref<16x64xi32, #tpu.memory_space<vmem>> -> memref<1x64xi32, #tpu.memory_space<vmem>>
          %dma_start3A_164 = tpu.memref_squeeze %dma_start3A_163 : memref<1x64xi32, #tpu.memory_space<vmem>> -> memref<64xi32, #tpu.memory_space<vmem>>
          %dma_start3A_165 = arith.constant 0 : i32
          %dma_start3A_166 = arith.constant 0 : i32
          %dma_start3A_167 = tpu.memref_slice %arg9[%dma_start3A_165, %dma_start3A_166] : memref<10112x128xf32, #tpu.memory_space<vmem_shared>> -> memref<10112x128xf32, #tpu.memory_space<vmem_shared>>
          tpu.enqueue_indirect_dma source(%dma_start3A_161 : memref<64x128xf32, #tpu.memory_space<vmem>>) target(%dma_start3A_167 : memref<10112x128xf32, #tpu.memory_space<vmem_shared>>) offsets(%dma_start3A_164 : memref<64xi32, #tpu.memory_space<vmem>>) semaphore(%run_scoped3A_157 : memref<!tpu.dma_semaphore, #tpu.memory_space<semaphore_mem>>) {add = true}
          %dma_wait3A_168 = arith.constant 0 : i32
          %dma_wait3A_169 = arith.constant 0 : i32
          %dma_wait3A_170 = tpu.memref_slice %arg8[%run_scoped3A_128, %dma_wait3A_168, %dma_wait3A_169] : memref<4x64x128xf32, #tpu.memory_space<vmem>> -> memref<1x64x128xf32, #tpu.memory_space<vmem>>
          %dma_wait3A_171 = tpu.memref_squeeze %dma_wait3A_170 : memref<1x64x128xf32, #tpu.memory_space<vmem>> -> memref<64x128xf32, #tpu.memory_space<vmem>>
          %dma_wait3A_172 = arith.constant 0 : i32
          %dma_wait3A_173 = tpu.memref_slice %arg7[%add3A_116, %dma_wait3A_172] : memref<16x64xi32, #tpu.memory_space<vmem>> -> memref<1x64xi32, #tpu.memory_space<vmem>>
          %dma_wait3A_174 = tpu.memref_squeeze %dma_wait3A_173 : memref<1x64xi32, #tpu.memory_space<vmem>> -> memref<64xi32, #tpu.memory_space<vmem>>
          %dma_wait3A_175 = arith.constant 0 : i32
          %dma_wait3A_176 = arith.constant 0 : i32
          %dma_wait3A_177 = tpu.memref_slice %arg9[%dma_wait3A_175, %dma_wait3A_176] : memref<10112x128xf32, #tpu.memory_space<vmem_shared>> -> memref<10112x128xf32, #tpu.memory_space<vmem_shared>>
          tpu.wait_indirect_dma semaphore(%run_scoped3A_157 : memref<!tpu.dma_semaphore, #tpu.memory_space<semaphore_mem>>) src(%dma_wait3A_171 : memref<64x128xf32, #tpu.memory_space<vmem>>) dst(%dma_wait3A_177 : memref<10112x128xf32, #tpu.memory_space<vmem_shared>>)
          tpu.yield
        }) : () -> ()
        %add3A_129 = arith.constant 4 : i32
        %add3A_130 = arith.addi %add3A_116, %add3A_129 : i32
        %lt3A_131 = arith.constant 16 : i32
        %lt3A_132 = arith.cmpi slt, %add3A_130, %lt3A_131 : i32
        %convert_element_type3A_133 = arith.extui %lt3A_132 : i1 to i32
        %cond3A_134 = arith.constant 0 : i32
        %cond3A_135 = arith.cmpi ne, %convert_element_type3A_133, %cond3A_134 : i32
        scf.if %cond3A_135 {
          %dma_start3A_157 = arith.constant 2 : i32
          %dma_start3A_158 = arith.constant 0 : i32
          %dma_start3A_159 = arith.constant 0 : i32
          %dma_start3A_160 = tpu.memref_slice %arg8[%dma_start3A_157, %dma_start3A_158, %dma_start3A_159] : memref<4x64x128xf32, #tpu.memory_space<vmem>> -> memref<1x64x128xf32, #tpu.memory_space<vmem>>
          %dma_start3A_161 = tpu.memref_squeeze %dma_start3A_160 : memref<1x64x128xf32, #tpu.memory_space<vmem>> -> memref<64x128xf32, #tpu.memory_space<vmem>>
          %dma_start3A_162 = arith.constant 0 : i32
          %dma_start3A_163 = tpu.memref_slice %arg6[%add3A_130, %dma_start3A_162] : memref<16x64xi32, #tpu.memory_space<vmem>> -> memref<1x64xi32, #tpu.memory_space<vmem>>
          %dma_start3A_164 = tpu.memref_squeeze %dma_start3A_163 : memref<1x64xi32, #tpu.memory_space<vmem>> -> memref<64xi32, #tpu.memory_space<vmem>>
          %dma_start3A_165 = arith.constant 0 : i32
          %dma_start3A_166 = arith.constant 0 : i32
          %dma_start3A_167 = tpu.memref_slice %arg3[%dma_start3A_165, %dma_start3A_166] : memref<20000x128xf32, #tpu.memory_space<hbm>> -> memref<20000x128xf32, #tpu.memory_space<hbm>>
          tpu.enqueue_indirect_dma source(%dma_start3A_167 : memref<20000x128xf32, #tpu.memory_space<hbm>>) target(%dma_start3A_161 : memref<64x128xf32, #tpu.memory_space<vmem>>) offsets(%dma_start3A_164 : memref<64xi32, #tpu.memory_space<vmem>>) semaphore(%arg12 : memref<!tpu.dma_semaphore, #tpu.memory_space<semaphore_mem>>)
        } else {
        }
        %add3A_136 = arith.constant 3 : i32
        %add3A_137 = arith.addi %mul3A_74, %add3A_136 : i32
        %dma_wait3A_138 = arith.constant 3 : i32
        %dma_wait3A_139 = arith.constant 0 : i32
        %dma_wait3A_140 = arith.constant 0 : i32
        %dma_wait3A_141 = tpu.memref_slice %arg8[%dma_wait3A_138, %dma_wait3A_139, %dma_wait3A_140] : memref<4x64x128xf32, #tpu.memory_space<vmem>> -> memref<1x64x128xf32, #tpu.memory_space<vmem>>
        %dma_wait3A_142 = tpu.memref_squeeze %dma_wait3A_141 : memref<1x64x128xf32, #tpu.memory_space<vmem>> -> memref<64x128xf32, #tpu.memory_space<vmem>>
        %dma_wait3A_143 = arith.constant 0 : i32
        %dma_wait3A_144 = tpu.memref_slice %arg6[%add3A_137, %dma_wait3A_143] : memref<16x64xi32, #tpu.memory_space<vmem>> -> memref<1x64xi32, #tpu.memory_space<vmem>>
        %dma_wait3A_145 = tpu.memref_squeeze %dma_wait3A_144 : memref<1x64xi32, #tpu.memory_space<vmem>> -> memref<64xi32, #tpu.memory_space<vmem>>
        %dma_wait3A_146 = arith.constant 0 : i32
        %dma_wait3A_147 = arith.constant 0 : i32
        %dma_wait3A_148 = tpu.memref_slice %arg3[%dma_wait3A_146, %dma_wait3A_147] : memref<20000x128xf32, #tpu.memory_space<hbm>> -> memref<20000x128xf32, #tpu.memory_space<hbm>>
        tpu.wait_indirect_dma semaphore(%arg13 : memref<!tpu.dma_semaphore, #tpu.memory_space<semaphore_mem>>) src(%dma_wait3A_148 : memref<20000x128xf32, #tpu.memory_space<hbm>>) dst(%dma_wait3A_142 : memref<64x128xf32, #tpu.memory_space<vmem>>)
        %run_scoped3A_149 = arith.constant 3 : i32
        "tpu.region"() ({
          %run_scoped3A_157 = tpu.sem_alloc : memref<!tpu.dma_semaphore, #tpu.memory_space<semaphore_mem>>
          %dma_start3A_158 = arith.constant 0 : i32
          %dma_start3A_159 = arith.constant 0 : i32
          %dma_start3A_160 = tpu.memref_slice %arg8[%run_scoped3A_149, %dma_start3A_158, %dma_start3A_159] : memref<4x64x128xf32, #tpu.memory_space<vmem>> -> memref<1x64x128xf32, #tpu.memory_space<vmem>>
          %dma_start3A_161 = tpu.memref_squeeze %dma_start3A_160 : memref<1x64x128xf32, #tpu.memory_space<vmem>> -> memref<64x128xf32, #tpu.memory_space<vmem>>
          %dma_start3A_162 = arith.constant 0 : i32
          %dma_start3A_163 = tpu.memref_slice %arg7[%add3A_137, %dma_start3A_162] : memref<16x64xi32, #tpu.memory_space<vmem>> -> memref<1x64xi32, #tpu.memory_space<vmem>>
          %dma_start3A_164 = tpu.memref_squeeze %dma_start3A_163 : memref<1x64xi32, #tpu.memory_space<vmem>> -> memref<64xi32, #tpu.memory_space<vmem>>
          %dma_start3A_165 = arith.constant 0 : i32
          %dma_start3A_166 = arith.constant 0 : i32
          %dma_start3A_167 = tpu.memref_slice %arg9[%dma_start3A_165, %dma_start3A_166] : memref<10112x128xf32, #tpu.memory_space<vmem_shared>> -> memref<10112x128xf32, #tpu.memory_space<vmem_shared>>
          tpu.enqueue_indirect_dma source(%dma_start3A_161 : memref<64x128xf32, #tpu.memory_space<vmem>>) target(%dma_start3A_167 : memref<10112x128xf32, #tpu.memory_space<vmem_shared>>) offsets(%dma_start3A_164 : memref<64xi32, #tpu.memory_space<vmem>>) semaphore(%run_scoped3A_157 : memref<!tpu.dma_semaphore, #tpu.memory_space<semaphore_mem>>) {add = true}
          %dma_wait3A_168 = arith.constant 0 : i32
          %dma_wait3A_169 = arith.constant 0 : i32
          %dma_wait3A_170 = tpu.memref_slice %arg8[%run_scoped3A_149, %dma_wait3A_168, %dma_wait3A_169] : memref<4x64x128xf32, #tpu.memory_space<vmem>> -> memref<1x64x128xf32, #tpu.memory_space<vmem>>
          %dma_wait3A_171 = tpu.memref_squeeze %dma_wait3A_170 : memref<1x64x128xf32, #tpu.memory_space<vmem>> -> memref<64x128xf32, #tpu.memory_space<vmem>>
          %dma_wait3A_172 = arith.constant 0 : i32
          %dma_wait3A_173 = tpu.memref_slice %arg7[%add3A_137, %dma_wait3A_172] : memref<16x64xi32, #tpu.memory_space<vmem>> -> memref<1x64xi32, #tpu.memory_space<vmem>>
          %dma_wait3A_174 = tpu.memref_squeeze %dma_wait3A_173 : memref<1x64xi32, #tpu.memory_space<vmem>> -> memref<64xi32, #tpu.memory_space<vmem>>
          %dma_wait3A_175 = arith.constant 0 : i32
          %dma_wait3A_176 = arith.constant 0 : i32
          %dma_wait3A_177 = tpu.memref_slice %arg9[%dma_wait3A_175, %dma_wait3A_176] : memref<10112x128xf32, #tpu.memory_space<vmem_shared>> -> memref<10112x128xf32, #tpu.memory_space<vmem_shared>>
          tpu.wait_indirect_dma semaphore(%run_scoped3A_157 : memref<!tpu.dma_semaphore, #tpu.memory_space<semaphore_mem>>) src(%dma_wait3A_171 : memref<64x128xf32, #tpu.memory_space<vmem>>) dst(%dma_wait3A_177 : memref<10112x128xf32, #tpu.memory_space<vmem_shared>>)
          tpu.yield
        }) : () -> ()
        %add3A_150 = arith.constant 4 : i32
        %add3A_151 = arith.addi %add3A_137, %add3A_150 : i32
        %lt3A_152 = arith.constant 16 : i32
        %lt3A_153 = arith.cmpi slt, %add3A_151, %lt3A_152 : i32
        %convert_element_type3A_154 = arith.extui %lt3A_153 : i1 to i32
        %cond3A_155 = arith.constant 0 : i32
        %cond3A_156 = arith.cmpi ne, %convert_element_type3A_154, %cond3A_155 : i32
        scf.if %cond3A_156 {
          %dma_start3A_157 = arith.constant 3 : i32
          %dma_start3A_158 = arith.constant 0 : i32
          %dma_start3A_159 = arith.constant 0 : i32
          %dma_start3A_160 = tpu.memref_slice %arg8[%dma_start3A_157, %dma_start3A_158, %dma_start3A_159] : memref<4x64x128xf32, #tpu.memory_space<vmem>> -> memref<1x64x128xf32, #tpu.memory_space<vmem>>
          %dma_start3A_161 = tpu.memref_squeeze %dma_start3A_160 : memref<1x64x128xf32, #tpu.memory_space<vmem>> -> memref<64x128xf32, #tpu.memory_space<vmem>>
          %dma_start3A_162 = arith.constant 0 : i32
          %dma_start3A_163 = tpu.memref_slice %arg6[%add3A_151, %dma_start3A_162] : memref<16x64xi32, #tpu.memory_space<vmem>> -> memref<1x64xi32, #tpu.memory_space<vmem>>
          %dma_start3A_164 = tpu.memref_squeeze %dma_start3A_163 : memref<1x64xi32, #tpu.memory_space<vmem>> -> memref<64xi32, #tpu.memory_space<vmem>>
          %dma_start3A_165 = arith.constant 0 : i32
          %dma_start3A_166 = arith.constant 0 : i32
          %dma_start3A_167 = tpu.memref_slice %arg3[%dma_start3A_165, %dma_start3A_166] : memref<20000x128xf32, #tpu.memory_space<hbm>> -> memref<20000x128xf32, #tpu.memory_space<hbm>>
          tpu.enqueue_indirect_dma source(%dma_start3A_167 : memref<20000x128xf32, #tpu.memory_space<hbm>>) target(%dma_start3A_161 : memref<64x128xf32, #tpu.memory_space<vmem>>) offsets(%dma_start3A_164 : memref<64xi32, #tpu.memory_space<vmem>>) semaphore(%arg13 : memref<!tpu.dma_semaphore, #tpu.memory_space<semaphore_mem>>)
        } else {
        }
      }
      %scan3A_71 = arith.constant 4 : i32
    }
    %scan3A_5 = arith.constant 20 : i32
    %barrier3A_6 = arith.constant 0 : index
    tpu.barrier barrier_id(%barrier3A_6)
    %lt3A = arith.constant 15 : i32
    %lt3A_7 = arith.cmpi slt, %arg1, %lt3A : i32
    %convert_element_type3A = arith.extui %lt3A_7 : i1 to i32
    %cond3A = arith.constant 0 : i32
    %cond3A_8 = arith.cmpi ne, %convert_element_type3A, %cond3A : i32
    scf.if %cond3A_8 {
      %mul3A_13 = arith.constant 632 : i32
      %mul3A_14 = arith.muli %arg1, %mul3A_13 : i32
      %mul3A_15 = arith.constant 10000 : i32
      %mul3A_16 = arith.muli %arg0, %mul3A_15 : i32
      %mul3A_17 = arith.constant 632 : i32
      %mul3A_18 = arith.muli %arg1, %mul3A_17 : i32
      %add3A = arith.addi %mul3A_16, %mul3A_18 : i32
      "tpu.region"() ({
        %run_scoped3A = tpu.sem_alloc : memref<!tpu.dma_semaphore, #tpu.memory_space<semaphore_mem>>
        %dma_start3A = arith.constant 0 : i32
        %dma_start3A_19 = tpu.memref_slice %arg5[%add3A, %dma_start3A] : memref<20000x128xf32, #tpu.memory_space<hbm>> -> memref<632x128xf32, #tpu.memory_space<hbm>>
        %dma_start3A_20 = arith.constant 0 : i32
        %dma_start3A_21 = tpu.memref_slice %arg9[%mul3A_14, %dma_start3A_20] : memref<10112x128xf32, #tpu.memory_space<vmem_shared>> -> memref<632x128xf32, #tpu.memory_space<vmem_shared>>
        tpu.enqueue_dma source(%dma_start3A_21 : memref<632x128xf32, #tpu.memory_space<vmem_shared>>) target(%dma_start3A_19 : memref<632x128xf32, #tpu.memory_space<hbm>>) target_semaphore(%run_scoped3A : memref<!tpu.dma_semaphore, #tpu.memory_space<semaphore_mem>>)
        %dma_wait3A = arith.constant 0 : i32
        %dma_wait3A_22 = tpu.memref_slice %arg5[%add3A, %dma_wait3A] : memref<20000x128xf32, #tpu.memory_space<hbm>> -> memref<632x128xf32, #tpu.memory_space<hbm>>
        %dma_wait3A_23 = arith.constant 0 : i32
        %dma_wait3A_24 = tpu.memref_slice %arg9[%mul3A_14, %dma_wait3A_23] : memref<10112x128xf32, #tpu.memory_space<vmem_shared>> -> memref<632x128xf32, #tpu.memory_space<vmem_shared>>
        tpu.wait_dma2 semaphore(%run_scoped3A : memref<!tpu.dma_semaphore, #tpu.memory_space<semaphore_mem>>) src(%dma_wait3A_24 : memref<632x128xf32, #tpu.memory_space<vmem_shared>>) dst(%dma_wait3A_22 : memref<632x128xf32, #tpu.memory_space<hbm>>)
        tpu.yield
      }) : () -> ()
    } else {
    }
    %eq3A = arith.constant 15 : i32
    %eq3A_9 = arith.cmpi eq, %arg1, %eq3A : i32
    %convert_element_type3A_10 = arith.extui %eq3A_9 : i1 to i32
    %cond3A_11 = arith.constant 0 : i32
    %cond3A_12 = arith.cmpi ne, %convert_element_type3A_10, %cond3A_11 : i32
    scf.if %cond3A_12 {
      %mul3A_13 = arith.constant 10000 : i32
      %mul3A_14 = arith.muli %arg0, %mul3A_13 : i32
      %add3A = arith.constant 9480 : i32
      %add3A_15 = arith.addi %mul3A_14, %add3A : i32
      "tpu.region"() ({
        %run_scoped3A = tpu.sem_alloc : memref<!tpu.dma_semaphore, #tpu.memory_space<semaphore_mem>>
        %dma_start3A = arith.constant 0 : i32
        %dma_start3A_16 = tpu.memref_slice %arg5[%add3A_15, %dma_start3A] : memref<20000x128xf32, #tpu.memory_space<hbm>> -> memref<520x128xf32, #tpu.memory_space<hbm>>
        %dma_start3A_17 = arith.constant 9480 : i32
        %dma_start3A_18 = arith.constant 0 : i32
        %dma_start3A_19 = tpu.memref_slice %arg9[%dma_start3A_17, %dma_start3A_18] : memref<10112x128xf32, #tpu.memory_space<vmem_shared>> -> memref<520x128xf32, #tpu.memory_space<vmem_shared>>
        tpu.enqueue_dma source(%dma_start3A_19 : memref<520x128xf32, #tpu.memory_space<vmem_shared>>) target(%dma_start3A_16 : memref<520x128xf32, #tpu.memory_space<hbm>>) target_semaphore(%run_scoped3A : memref<!tpu.dma_semaphore, #tpu.memory_space<semaphore_mem>>)
        %dma_wait3A = arith.constant 0 : i32
        %dma_wait3A_20 = tpu.memref_slice %arg5[%add3A_15, %dma_wait3A] : memref<20000x128xf32, #tpu.memory_space<hbm>> -> memref<520x128xf32, #tpu.memory_space<hbm>>
        %dma_wait3A_21 = arith.constant 9480 : i32
        %dma_wait3A_22 = arith.constant 0 : i32
        %dma_wait3A_23 = tpu.memref_slice %arg9[%dma_wait3A_21, %dma_wait3A_22] : memref<10112x128xf32, #tpu.memory_space<vmem_shared>> -> memref<520x128xf32, #tpu.memory_space<vmem_shared>>
        tpu.wait_dma2 semaphore(%run_scoped3A : memref<!tpu.dma_semaphore, #tpu.memory_space<semaphore_mem>>) src(%dma_wait3A_23 : memref<520x128xf32, #tpu.memory_space<vmem_shared>>) dst(%dma_wait3A_20 : memref<520x128xf32, #tpu.memory_space<hbm>>)
        tpu.yield
      }) : () -> ()
    } else {
    }
    return
  }
}

module attributes {stable_mosaic.version = 14 : i64} {
  func.func @_x0_body(%arg0: i32, %arg1: memref<1000x128xf32, #tpu.memory_space<vmem>>, %arg2: memref<1000x128xf32, #tpu.memory_space<vmem>>, %arg3: memref<1000x128xf32, #tpu.memory_space<vmem>>) attributes {dimension_semantics = [#tpu.dimension_semantics<arbitrary>], iteration_bounds = array<i64: 20>, scalar_prefetch = 0 : i64, scratch_operands = 0 : i64, tpu.core_type = #tpu.core_type<tc>, window_params = [{transform_indices = @transform_0, window_bounds = array<i64: 1000, 128>}, {transform_indices = @transform_1, window_bounds = array<i64: 1000, 128>}, {transform_indices = @transform_2, window_bounds = array<i64: 1000, 128>}]} {
    %get3A = arith.constant 0 : index
    %get3A_0 = arith.constant 0 : index
    %get3A_1 = vector.load %arg1[%get3A, %get3A_0] : memref<1000x128xf32, #tpu.memory_space<vmem>>, vector<1000x128xf32>
    %lt3A = arith.constant 10 : i32
    %lt3A_2 = arith.cmpi slt, %arg0, %lt3A : i32
    %convert_element_type3A = arith.extui %lt3A_2 : i1 to i32
    %cond3A = arith.constant 0 : i32
    %cond3A_3 = arith.cmpi ne, %convert_element_type3A, %cond3A : i32
    scf.if %cond3A_3 {
      %swap3A = arith.constant 0 : index
      %swap3A_8 = arith.constant 0 : index
      %swap3A_9 = vector.load %arg3[%swap3A, %swap3A_8] : memref<1000x128xf32, #tpu.memory_space<vmem>>, vector<1000x128xf32>
      tpu.vector_store %arg3[%swap3A, %swap3A_8], %get3A_1 {strides = array<i32>} : memref<1000x128xf32, #tpu.memory_space<vmem>>, vector<1000x128xf32>,
    } else {
    }
    %ge3A = arith.constant 10 : i32
    %ge3A_4 = arith.cmpi sge, %arg0, %ge3A : i32
    %convert_element_type3A_5 = arith.extui %ge3A_4 : i1 to i32
    %cond3A_6 = arith.constant 0 : i32
    %cond3A_7 = arith.cmpi ne, %convert_element_type3A_5, %cond3A_6 : i32
    scf.if %cond3A_7 {
      %get3A_8 = arith.constant 0 : index
      %get3A_9 = arith.constant 0 : index
      %get3A_10 = vector.load %arg2[%get3A_8, %get3A_9] : memref<1000x128xf32, #tpu.memory_space<vmem>>, vector<1000x128xf32>
      %mul3A = arith.mulf %get3A_10, %get3A_10 : vector<1000x128xf32>
      %reduce_sum3A = arith.constant dense<0.000000e+00> : vector<1000xf32>
      %reduce_sum3A_11 = vector.multi_reduction <add>, %mul3A, %reduce_sum3A [1] : vector<1000x128xf32> to vector<1000xf32>
      %broadcast_in_dim3A = vector.shape_cast %reduce_sum3A_11 : vector<1000xf32> to vector<1000x1xf32>
      %sqrt3A = math.sqrt %broadcast_in_dim3A : vector<1000x1xf32>
      %max3A = arith.constant 9.99999996E-13 : f32
      %max3A_12 = vector.broadcast %max3A : f32 to vector<1000x1xf32>
      %max3A_13 = arith.maximumf %sqrt3A, %max3A_12 : vector<1000x1xf32>
      %div3A = vector.broadcast %max3A_13 : vector<1000x1xf32> to vector<1000x128xf32>
      %div3A_14 = arith.divf %get3A_10, %div3A : vector<1000x128xf32>
      %sign3A = tpu.bitcast %get3A_1 : vector<1000x128xf32> -> vector<1000x128xi32>
      %sign3A_15 = arith.constant -2147483648 : i32
      %sign3A_16 = vector.broadcast %sign3A_15 : i32 to vector<1000x128xi32>
      %sign3A_17 = arith.andi %sign3A, %sign3A_16 : vector<1000x128xi32>
      %sign3A_18 = arith.constant 1065353216 : i32
      %sign3A_19 = vector.broadcast %sign3A_18 : i32 to vector<1000x128xi32>
      %sign3A_20 = arith.ori %sign3A_19, %sign3A_17 : vector<1000x128xi32>
      %sign3A_21 = tpu.bitcast %sign3A_20 : vector<1000x128xi32> -> vector<1000x128xf32>
      %sign3A_22 = math.absf %get3A_1 : vector<1000x128xf32>
      %sign3A_23 = arith.constant 0.000000e+00 : f32
      %sign3A_24 = vector.broadcast %sign3A_23 : f32 to vector<1000x128xf32>
      %sign3A_25 = arith.cmpf ogt, %sign3A_22, %sign3A_24 : vector<1000x128xf32>
      %sign3A_26 = arith.select %sign3A_25, %sign3A_21, %get3A_1 : vector<1000x128xi1>, vector<1000x128xf32>
      %mul3A_27 = arith.mulf %sign3A_26, %div3A_14 : vector<1000x128xf32>
      %mul3A_28 = arith.constant 1.000000e-01 : f32
      %mul3A_29 = vector.broadcast %mul3A_28 : f32 to vector<1000x128xf32>
      %mul3A_30 = arith.mulf %mul3A_27, %mul3A_29 : vector<1000x128xf32>
      %add3A = arith.addf %get3A_1, %mul3A_30 : vector<1000x128xf32>
      %swap3A = arith.constant 0 : index
      %swap3A_31 = arith.constant 0 : index
      %swap3A_32 = vector.load %arg3[%swap3A, %swap3A_31] : memref<1000x128xf32, #tpu.memory_space<vmem>>, vector<1000x128xf32>
      tpu.vector_store %arg3[%swap3A, %swap3A_31], %add3A {strides = array<i32>} : memref<1000x128xf32, #tpu.memory_space<vmem>>, vector<1000x128xf32>,
    } else {
    }
    return
  }
  func.func @transform_0(%arg0: i32) -> (i32, i32) {
    %jit3A = arith.constant 10 : i32
    %eq3A = arith.constant 0 : i32
    %eq3A_0 = arith.cmpi eq, %jit3A, %eq3A : i32
    %jit3A_1 = arith.constant 1 : i32
    %select_n3A = arith.select %eq3A_0, %jit3A_1, %jit3A : i32
    %rem3A = arith.remsi %arg0, %select_n3A : i32
    %ne3A = arith.constant 0 : i32
    %ne3A_2 = arith.cmpi ne, %rem3A, %ne3A : i32
    %lt3A = arith.constant 0 : i32
    %lt3A_3 = arith.cmpi slt, %rem3A, %lt3A : i32
    %lt3A_4 = arith.constant 0 : i32
    %lt3A_5 = arith.cmpi slt, %select_n3A, %lt3A_4 : i32
    %ne3A_6 = arith.xori %lt3A_3, %lt3A_5 : i1
    %and3A = arith.andi %ne3A_6, %ne3A_2 : i1
    %add3A = arith.addi %rem3A, %select_n3A : i32
    %select_n3A_7 = arith.select %and3A, %add3A, %rem3A : i32
    %c0_i32 = arith.constant 0 : i32
    %c0_i32_8 = arith.constant 0 : i32
    return %select_n3A_7, %c0_i32 : i32, i32
  }
  func.func @transform_1(%arg0: i32) -> (i32, i32) {
    %jit3A = arith.constant 10 : i32
    %eq3A = arith.constant 0 : i32
    %eq3A_0 = arith.cmpi eq, %jit3A, %eq3A : i32
    %jit3A_1 = arith.constant 1 : i32
    %select_n3A = arith.select %eq3A_0, %jit3A_1, %jit3A : i32
    %rem3A = arith.remsi %arg0, %select_n3A : i32
    %ne3A = arith.constant 0 : i32
    %ne3A_2 = arith.cmpi ne, %rem3A, %ne3A : i32
    %lt3A = arith.constant 0 : i32
    %lt3A_3 = arith.cmpi slt, %rem3A, %lt3A : i32
    %lt3A_4 = arith.constant 0 : i32
    %lt3A_5 = arith.cmpi slt, %select_n3A, %lt3A_4 : i32
    %ne3A_6 = arith.xori %lt3A_3, %lt3A_5 : i1
    %and3A = arith.andi %ne3A_6, %ne3A_2 : i1
    %add3A = arith.addi %rem3A, %select_n3A : i32
    %select_n3A_7 = arith.select %and3A, %add3A, %rem3A : i32
    %c0_i32 = arith.constant 0 : i32
    %c0_i32_8 = arith.constant 0 : i32
    return %select_n3A_7, %c0_i32 : i32, i32
  }
  func.func @transform_2(%arg0: i32) -> (i32, i32) {
    %c0_i32 = arith.constant 0 : i32
    %c0_i32_0 = arith.constant 0 : i32
    return %arg0, %c0_i32 : i32, i32
  }
}

module attributes {stable_mosaic.version = 14 : i64} {
  func.func @_layer_body(%arg0: i32, %arg1: memref<1000x128xf32, #tpu.memory_space<vmem>>, %arg2: memref<1000x128xf32, #tpu.memory_space<vmem>>, %arg3: memref<1000x128xf32, #tpu.memory_space<vmem>>, %arg4: memref<128x128xf32, #tpu.memory_space<vmem>>, %arg5: memref<128x128xf32, #tpu.memory_space<vmem>>, %arg6: memref<1x128xf32, #tpu.memory_space<vmem>>, %arg7: memref<1000x128xf32, #tpu.memory_space<vmem>>) attributes {dimension_semantics = [#tpu.dimension_semantics<arbitrary>], iteration_bounds = array<i64: 20>, scalar_prefetch = 0 : i64, scratch_operands = 0 : i64, tpu.core_type = #tpu.core_type<tc>, window_params = [{transform_indices = @transform_0, window_bounds = array<i64: 1000, 128>}, {transform_indices = @transform_1, window_bounds = array<i64: 1000, 128>}, {transform_indices = @transform_2, window_bounds = array<i64: 1000, 128>}, {pipeline_mode = #tpu.pipeline_mode<synchronous>, transform_indices = @transform_3, window_bounds = array<i64: 128, 128>}, {pipeline_mode = #tpu.pipeline_mode<synchronous>, transform_indices = @transform_4, window_bounds = array<i64: 128, 128>}, {pipeline_mode = #tpu.pipeline_mode<synchronous>, transform_indices = @transform_5, window_bounds = array<i64: 1, 128>}, {transform_indices = @transform_6, window_bounds = array<i64: 1000, 128>}]} {
    %get3A = arith.constant 0 : index
    %get3A_0 = arith.constant 0 : index
    %get3A_1 = vector.load %arg2[%get3A, %get3A_0] : memref<1000x128xf32, #tpu.memory_space<vmem>>, vector<1000x128xf32>
    %slice3A = vector.extract_strided_slice %get3A_1 {offsets = [0, 0], sizes = [1000, 1], strides = [1, 1]} : vector<1000x128xf32> to vector<1000x1xf32>
    %max3A = arith.constant 1.000000e+00 : f32
    %max3A_2 = vector.broadcast %max3A : f32 to vector<1000x1xf32>
    %max3A_3 = arith.maximumf %slice3A, %max3A_2 : vector<1000x1xf32>
    %get3A_4 = arith.constant 0 : index
    %get3A_5 = arith.constant 0 : index
    %get3A_6 = vector.load %arg1[%get3A_4, %get3A_5] : memref<1000x128xf32, #tpu.memory_space<vmem>>, vector<1000x128xf32>
    %div3A = vector.broadcast %max3A_3 : vector<1000x1xf32> to vector<1000x128xf32>
    %div3A_7 = arith.divf %get3A_6, %div3A : vector<1000x128xf32>
    %get3A_8 = arith.constant 0 : index
    %get3A_9 = arith.constant 0 : index
    %get3A_10 = vector.load %arg4[%get3A_8, %get3A_9] : memref<128x128xf32, #tpu.memory_space<vmem>>, vector<128x128xf32>
    %dot_general3A = arith.constant dense<0.000000e+00> : vector<1000x128xf32>
    %dot_general3A_11 = tpu.matmul %div3A_7, %get3A_10, %dot_general3A {dimension_numbers = #tpu.dot_dimension_numbers<[1], [0], [0], [1], [0, 0, 1, 1], [], []>, transpose_lhs_hint = false} : vector<1000x128xf32>, vector<128x128xf32>, vector<1000x128xf32> -> vector<1000x128xf32>
    %get3A_12 = arith.constant 0 : index
    %get3A_13 = arith.constant 0 : index
    %get3A_14 = vector.load %arg3[%get3A_12, %get3A_13] : memref<1000x128xf32, #tpu.memory_space<vmem>>, vector<1000x128xf32>
    %get3A_15 = arith.constant 0 : index
    %get3A_16 = arith.constant 0 : index
    %get3A_17 = vector.load %arg5[%get3A_15, %get3A_16] : memref<128x128xf32, #tpu.memory_space<vmem>>, vector<128x128xf32>
    %dot_general3A_18 = arith.constant dense<0.000000e+00> : vector<1000x128xf32>
    %dot_general3A_19 = tpu.matmul %get3A_14, %get3A_17, %dot_general3A_18 {dimension_numbers = #tpu.dot_dimension_numbers<[1], [0], [0], [1], [0, 0, 1, 1], [], []>, transpose_lhs_hint = false} : vector<1000x128xf32>, vector<128x128xf32>, vector<1000x128xf32> -> vector<1000x128xf32>
    %add3A = arith.addf %dot_general3A_11, %dot_general3A_19 : vector<1000x128xf32>
    %get3A_20 = arith.constant 0 : index
    %get3A_21 = arith.constant 0 : index
    %get3A_22 = vector.load %arg6[%get3A_20, %get3A_21] : memref<1x128xf32, #tpu.memory_space<vmem>>, vector<1x128xf32>
    %add3A_23 = vector.broadcast %get3A_22 : vector<1x128xf32> to vector<1000x128xf32>
    %add3A_24 = arith.addf %add3A, %add3A_23 : vector<1000x128xf32>
    %max3A_25 = arith.constant 0.000000e+00 : f32
    %max3A_26 = vector.broadcast %max3A_25 : f32 to vector<1000x128xf32>
    %max3A_27 = arith.maximumf %add3A_24, %max3A_26 : vector<1000x128xf32>
    %swap3A = arith.constant 0 : index
    %swap3A_28 = arith.constant 0 : index
    %swap3A_29 = vector.load %arg7[%swap3A, %swap3A_28] : memref<1000x128xf32, #tpu.memory_space<vmem>>, vector<1000x128xf32>
    tpu.vector_store %arg7[%swap3A, %swap3A_28], %max3A_27 {strides = array<i32>} : memref<1000x128xf32, #tpu.memory_space<vmem>>, vector<1000x128xf32>,
    return
  }
  func.func @transform_0(%arg0: i32) -> (i32, i32) {
    %c0_i32 = arith.constant 0 : i32
    %c0_i32_0 = arith.constant 0 : i32
    return %arg0, %c0_i32 : i32, i32
  }
  func.func @transform_1(%arg0: i32) -> (i32, i32) {
    %c0_i32 = arith.constant 0 : i32
    %c0_i32_0 = arith.constant 0 : i32
    return %arg0, %c0_i32 : i32, i32
  }
  func.func @transform_2(%arg0: i32) -> (i32, i32) {
    %c0_i32 = arith.constant 0 : i32
    %c0_i32_0 = arith.constant 0 : i32
    return %arg0, %c0_i32 : i32, i32
  }
  func.func @transform_3(%arg0: i32) -> (i32, i32) {
    %c0_i32 = arith.constant 0 : i32
    %c0_i32_0 = arith.constant 0 : i32
    %c0_i32_1 = arith.constant 0 : i32
    return %c0_i32, %c0_i32_0 : i32, i32
  }
  func.func @transform_4(%arg0: i32) -> (i32, i32) {
    %c0_i32 = arith.constant 0 : i32
    %c0_i32_0 = arith.constant 0 : i32
    %c0_i32_1 = arith.constant 0 : i32
    return %c0_i32, %c0_i32_0 : i32, i32
  }
  func.func @transform_5(%arg0: i32) -> (i32, i32) {
    %c0_i32 = arith.constant 0 : i32
    %c0_i32_0 = arith.constant 0 : i32
    %c0_i32_1 = arith.constant 0 : i32
    return %c0_i32, %c0_i32_0 : i32, i32
  }
  func.func @transform_6(%arg0: i32) -> (i32, i32) {
    %c0_i32 = arith.constant 0 : i32
    %c0_i32_0 = arith.constant 0 : i32
    return %arg0, %c0_i32 : i32, i32
  }
}

module attributes {stable_mosaic.version = 14 : i64} {
  func.func @_final_body(%arg0: i32, %arg1: memref<1000x128xf32, #tpu.memory_space<vmem>>, %arg2: memref<1000x128xf32, #tpu.memory_space<vmem>>, %arg3: memref<1000x128xf32, #tpu.memory_space<vmem>>, %arg4: memref<128x128xf32, #tpu.memory_space<vmem>>, %arg5: memref<128x128xf32, #tpu.memory_space<vmem>>, %arg6: memref<1x128xf32, #tpu.memory_space<vmem>>, %arg7: memref<1000x128xf32, #tpu.memory_space<vmem>>, %arg8: memref<1000x128xf32, #tpu.memory_space<vmem>>) attributes {dimension_semantics = [#tpu.dimension_semantics<arbitrary>], iteration_bounds = array<i64: 20>, scalar_prefetch = 0 : i64, scratch_operands = 0 : i64, tpu.core_type = #tpu.core_type<tc>, window_params = [{transform_indices = @transform_0, window_bounds = array<i64: 1000, 128>}, {transform_indices = @transform_1, window_bounds = array<i64: 1000, 128>}, {transform_indices = @transform_2, window_bounds = array<i64: 1000, 128>}, {pipeline_mode = #tpu.pipeline_mode<synchronous>, transform_indices = @transform_3, window_bounds = array<i64: 128, 128>}, {pipeline_mode = #tpu.pipeline_mode<synchronous>, transform_indices = @transform_4, window_bounds = array<i64: 128, 128>}, {pipeline_mode = #tpu.pipeline_mode<synchronous>, transform_indices = @transform_5, window_bounds = array<i64: 1, 128>}, {transform_indices = @transform_6, window_bounds = array<i64: 1000, 128>}, {transform_indices = @transform_7, window_bounds = array<i64: 1000, 128>}]} {
    %get3A = arith.constant 0 : index
    %get3A_0 = arith.constant 0 : index
    %get3A_1 = vector.load %arg2[%get3A, %get3A_0] : memref<1000x128xf32, #tpu.memory_space<vmem>>, vector<1000x128xf32>
    %slice3A = vector.extract_strided_slice %get3A_1 {offsets = [0, 0], sizes = [1000, 1], strides = [1, 1]} : vector<1000x128xf32> to vector<1000x1xf32>
    %max3A = arith.constant 1.000000e+00 : f32
    %max3A_2 = vector.broadcast %max3A : f32 to vector<1000x1xf32>
    %max3A_3 = arith.maximumf %slice3A, %max3A_2 : vector<1000x1xf32>
    %get3A_4 = arith.constant 0 : index
    %get3A_5 = arith.constant 0 : index
    %get3A_6 = vector.load %arg1[%get3A_4, %get3A_5] : memref<1000x128xf32, #tpu.memory_space<vmem>>, vector<1000x128xf32>
    %div3A = vector.broadcast %max3A_3 : vector<1000x1xf32> to vector<1000x128xf32>
    %div3A_7 = arith.divf %get3A_6, %div3A : vector<1000x128xf32>
    %get3A_8 = arith.constant 0 : index
    %get3A_9 = arith.constant 0 : index
    %get3A_10 = vector.load %arg4[%get3A_8, %get3A_9] : memref<128x128xf32, #tpu.memory_space<vmem>>, vector<128x128xf32>
    %dot_general3A = arith.constant dense<0.000000e+00> : vector<1000x128xf32>
    %dot_general3A_11 = tpu.matmul %div3A_7, %get3A_10, %dot_general3A {dimension_numbers = #tpu.dot_dimension_numbers<[1], [0], [0], [1], [0, 0, 1, 1], [], []>, transpose_lhs_hint = false} : vector<1000x128xf32>, vector<128x128xf32>, vector<1000x128xf32> -> vector<1000x128xf32>
    %get3A_12 = arith.constant 0 : index
    %get3A_13 = arith.constant 0 : index
    %get3A_14 = vector.load %arg3[%get3A_12, %get3A_13] : memref<1000x128xf32, #tpu.memory_space<vmem>>, vector<1000x128xf32>
    %get3A_15 = arith.constant 0 : index
    %get3A_16 = arith.constant 0 : index
    %get3A_17 = vector.load %arg5[%get3A_15, %get3A_16] : memref<128x128xf32, #tpu.memory_space<vmem>>, vector<128x128xf32>
    %dot_general3A_18 = arith.constant dense<0.000000e+00> : vector<1000x128xf32>
    %dot_general3A_19 = tpu.matmul %get3A_14, %get3A_17, %dot_general3A_18 {dimension_numbers = #tpu.dot_dimension_numbers<[1], [0], [0], [1], [0, 0, 1, 1], [], []>, transpose_lhs_hint = false} : vector<1000x128xf32>, vector<128x128xf32>, vector<1000x128xf32> -> vector<1000x128xf32>
    %add3A = arith.addf %dot_general3A_11, %dot_general3A_19 : vector<1000x128xf32>
    %get3A_20 = arith.constant 0 : index
    %get3A_21 = arith.constant 0 : index
    %get3A_22 = vector.load %arg6[%get3A_20, %get3A_21] : memref<1x128xf32, #tpu.memory_space<vmem>>, vector<1x128xf32>
    %add3A_23 = vector.broadcast %get3A_22 : vector<1x128xf32> to vector<1000x128xf32>
    %add3A_24 = arith.addf %add3A, %add3A_23 : vector<1000x128xf32>
    %swap3A = arith.constant 0 : index
    %swap3A_25 = arith.constant 0 : index
    %swap3A_26 = vector.load %arg7[%swap3A, %swap3A_25] : memref<1000x128xf32, #tpu.memory_space<vmem>>, vector<1000x128xf32>
    tpu.vector_store %arg7[%swap3A, %swap3A_25], %add3A_24 {strides = array<i32>} : memref<1000x128xf32, #tpu.memory_space<vmem>>, vector<1000x128xf32>,
    %reduce_max3A = arith.constant dense<0xFF800000> : vector<1000xf32>
    %reduce_max3A_27 = vector.multi_reduction <maximumf>, %add3A_24, %reduce_max3A [1] : vector<1000x128xf32> to vector<1000xf32>
    %broadcast_in_dim3A = vector.shape_cast %reduce_max3A_27 : vector<1000xf32> to vector<1000x1xf32>
    %sub3A = vector.broadcast %broadcast_in_dim3A : vector<1000x1xf32> to vector<1000x128xf32>
    %sub3A_28 = arith.subf %add3A_24, %sub3A : vector<1000x128xf32>
    %sub3A_29 = vector.broadcast %broadcast_in_dim3A : vector<1000x1xf32> to vector<1000x128xf32>
    %sub3A_30 = arith.subf %add3A_24, %sub3A_29 : vector<1000x128xf32>
    %exp3A = math.exp %sub3A_30 : vector<1000x128xf32>
    %reduce_sum3A = arith.constant dense<0.000000e+00> : vector<1000xf32>
    %reduce_sum3A_31 = vector.multi_reduction <add>, %exp3A, %reduce_sum3A [1] : vector<1000x128xf32> to vector<1000xf32>
    %broadcast_in_dim3A_32 = vector.shape_cast %reduce_sum3A_31 : vector<1000xf32> to vector<1000x1xf32>
    %log3A = math.log %broadcast_in_dim3A_32 : vector<1000x1xf32>
    %sub3A_33 = vector.broadcast %log3A : vector<1000x1xf32> to vector<1000x128xf32>
    %sub3A_34 = arith.subf %sub3A_28, %sub3A_33 : vector<1000x128xf32>
    %swap3A_35 = arith.constant 0 : index
    %swap3A_36 = arith.constant 0 : index
    %swap3A_37 = vector.load %arg8[%swap3A_35, %swap3A_36] : memref<1000x128xf32, #tpu.memory_space<vmem>>, vector<1000x128xf32>
    tpu.vector_store %arg8[%swap3A_35, %swap3A_36], %sub3A_34 {strides = array<i32>} : memref<1000x128xf32, #tpu.memory_space<vmem>>, vector<1000x128xf32>,
    return
  }
  func.func @transform_0(%arg0: i32) -> (i32, i32) {
    %c0_i32 = arith.constant 0 : i32
    %c0_i32_0 = arith.constant 0 : i32
    return %arg0, %c0_i32 : i32, i32
  }
  func.func @transform_1(%arg0: i32) -> (i32, i32) {
    %c0_i32 = arith.constant 0 : i32
    %c0_i32_0 = arith.constant 0 : i32
    return %arg0, %c0_i32 : i32, i32
  }
  func.func @transform_2(%arg0: i32) -> (i32, i32) {
    %c0_i32 = arith.constant 0 : i32
    %c0_i32_0 = arith.constant 0 : i32
    return %arg0, %c0_i32 : i32, i32
  }
  func.func @transform_3(%arg0: i32) -> (i32, i32) {
    %c0_i32 = arith.constant 0 : i32
    %c0_i32_0 = arith.constant 0 : i32
    %c0_i32_1 = arith.constant 0 : i32
    return %c0_i32, %c0_i32_0 : i32, i32
  }
  func.func @transform_4(%arg0: i32) -> (i32, i32) {
    %c0_i32 = arith.constant 0 : i32
    %c0_i32_0 = arith.constant 0 : i32
    %c0_i32_1 = arith.constant 0 : i32
    return %c0_i32, %c0_i32_0 : i32, i32
  }
  func.func @transform_5(%arg0: i32) -> (i32, i32) {
    %c0_i32 = arith.constant 0 : i32
    %c0_i32_0 = arith.constant 0 : i32
    %c0_i32_1 = arith.constant 0 : i32
    return %c0_i32, %c0_i32_0 : i32, i32
  }
  func.func @transform_6(%arg0: i32) -> (i32, i32) {
    %c0_i32 = arith.constant 0 : i32
    %c0_i32_0 = arith.constant 0 : i32
    return %arg0, %c0_i32 : i32, i32
  }
  func.func @transform_7(%arg0: i32) -> (i32, i32) {
    %c0_i32 = arith.constant 0 : i32
    %c0_i32_0 = arith.constant 0 : i32
    return %arg0, %c0_i32 : i32, i32
  }
}

</mosaic_0001>

<sc_bundles>
// kernel: kernel.10.cloned.1.call-start
scs
__scs_entry_jumppad:
0x0: {  	(pc) =	sbr.rel $0x88, $3  }
0x1: {  	(tag) =	ssettag $0x0;
	lr =	simm.s32 $0x1  }
0x2: {  	[smem:$0x3F95] =	sst lr;
	_ =	strace $0xD0000000  }
0x3: {  	_ = 	snop  }
0x4: {  	_ = 	snop  }
0x5: {  	_ = 	snop  }
0x6: {  	_ = 	snop  }
0x7: {  	_ = 	snop  }
__scs_overlays_trampoline_lowered:
0x8: {  	[smem:$0x3FA4] =	sst s0  }
0x9: {  	[smem:$0x3FA5] =	sst s1  }
0xa: {  	[smem:$0x3FA6] =	sst s2  }
0xb: {  	[smem:$0x3FA7] =	sst s3  }
0xc: {  	[smem:$0x3FA8] =	sst s4  }
0xd: {  	[smem:$0x3FA9] =	sst s5  }
0xe: {  	[smem:$0x3FAA] =	sst s6  }
0xf: {  	[smem:$0x3FAB] =	sst s7  }
0x10: {  	[smem:$0x3FAC] =	sst s8  }
0x11: {  	[smem:$0x3FAD] =	sst s9;
	s0 =	simm.s32 @!p0 $0x0  }
0x12: {  	s1 =	sld [smem:$0x3F93];
	s0 =	simm.s32 @p0 $0x1  }
0x13: {  	[smem:$0x3FAE] =	sst s0;
	s0 =	simm.s32 @!p1 $0x0  }
0x14: {  	s2 =	sld [smem:$0x3F92];
	s0 =	simm.s32 @p1 $0x1  }
0x15: {  	[smem:$0x3FAF] =	sst s0;
	s0 =	simm.s32 @!p2 $0x0  }
0x16: {  	s3 =	sld [smem:$0x3FDB];
	s0 =	simm.s32 @p2 $0x1  }
0x17: {  	s4 =	simm.s32 $0x1BF5;
	[smem:$0x3FB1] =	sst s0  }
0x18: {  	s0 =	sld [smem:$0x3F94];
	_ =	swait.ge [sflag:s4], $0x0  }
0x19: {  	s7 =	sld [smem:$0x3F95]  }
0x1a: {  	s8 =	sadd.s32 $0xFFFFE003, lr  }
0x1b: {  	s9 =	sadd.s32 $0xFFFFFEF7, lr;
	s5 =	simm.s32 $0xFFFFFFFF;
	p2 =	slt.u32 s8, $0xFFFFF086  }
0x1c: {  	p1 =	slt.u32 s9, $0xF7A;
	s5 =	simm.s32 @!p2 $0x0  }
0x1d: {  	s5 =	simm.s32 @p1 $0x1;
	p0 =	seq.s32 s7, s2  }
0x1e: {  	s7 =	smul.u32 @!p0 $0xF7A, s2;
	p2 =	seq.s32 @!p0 s5, $0x0  }
0x1f: {  	s9 =	smul.u32 $0xF7A, s1;
	s8 =	simm.s32 @!p0 $0x1BF5;
	p2 =	por !p2, p0  }
0x20: {  	[sflag:s8] =	ssyncset.s32 @!p0 $0xFFFFF086;
	s6 =	sadd.s32 @!p0 s3, s7;
	s7 =	simm.s32 @!p0 $0x108  }
0x21: {  	s3 =	sadd.s32 s3, s9;
	s6 =	sadd.s32 @!p0 $0x88, s6;
	s7 =	simm.s32 @p2 $0x1082  }
0x22: {  	[simem:s7], [sflag:s8] =	dma.local @!p0 [hbm:s6], $0xF7A  }
0x23: {  	s9 =	sor.u32 $0xD0000000, s2;
	s6 =	simm.s32 $0x108;
	_ =	swait.ge @!p0 [sflag:s8], $0x0  }
0x24: {  	s3 =	sadd.s32 $0x88, s3;
	s6 =	simm.s32 @!p1 $0x1082;
	[sflag:s4] =	ssyncset.s32 $0xFFFFF086  }
0x25: {  	[simem:s6], [sflag:s4] =	dma.local [hbm:s3], $0xF7A  }
0x26: {  	[smem:$0x3F95] =	sst s1;
	(tag) =	ssettag s2;
	_ =	strace s9  }
0x27: {  	s1 =	sld [smem:$0x3FA5]  }
0x28: {  	s2 =	sld [smem:$0x3FA6]  }
0x29: {  	s4 =	sld [smem:$0x3FA8]  }
0x2a: {  	p0 =	seq.s32 s5, $0x0;
	s5 =	sld [smem:$0x3FA9]  }
0x2b: {  	s6 =	sld [smem:$0x3FAA]  }
0x2c: {  	s7 =	sld [smem:$0x3FAB]  }
0x2d: {  	s3 =	simm.s32 $0x108;
	s8 =	sld [smem:$0x3FAC]  }
0x2e: {  	s3 =	simm.s32 @!p0 $0x1082;
	s9 =	sld [smem:$0x3FAD]  }
0x2f: {  	lr =	sadd.s32 s0, s3;
	s0 =	sld [smem:$0x3FA4]  }
0x30: {  	s3 =	sld [smem:$0x3FA7]  }
0x31: {  	[smem:$0x3FB0] =	sst s10  }
0x32: {  	s10 =	sld [smem:$0x3FAE];
	_ =	sdelay $0x3  }
0x33: {  	p0 =	seq.s32 s10, $0x1;
	s10 =	sld [smem:$0x3FB0];
	_ =	sdelay $0x3  }
0x34: {  	[smem:$0x3FB0] =	sst s10  }
0x35: {  	s10 =	sld [smem:$0x3FAF];
	_ =	sdelay $0x3  }
0x36: {  	p1 =	seq.s32 s10, $0x1;
	s10 =	sld [smem:$0x3FB0];
	_ =	sdelay $0x3  }
0x37: {  	[smem:$0x3FB0] =	sst s10  }
0x38: {  	s10 =	sld [smem:$0x3FB1]  }
0x39: {  	_ = 	snop;
	(pc) =	sbr.ind lr, $3  }
0x3a: {  	_ = 	snop  }
0x3b: {  	_ = 	snop  }
0x3c: {  	p2 =	seq.s32 s10, $0x1;
	s10 =	sld [smem:$0x3FB0]  }
0x3d: {  	_ =	shalt  }
0x3e: {  	_ =	shalt  }
0x3f: {  	_ =	shalt  }
0x40: {  	_ =	shalt  }
0x41: {  	_ =	shalt  }
0x42: {  	_ =	shalt  }
0x43: {  	_ =	shalt  }
0x44: {  	_ =	shalt  }
0x45: {  	_ =	shalt  }
0x46: {  	_ =	shalt  }
0x47: {  	_ =	shalt  }
0x48: {  	_ =	shalt  }
0x49: {  	_ =	shalt  }
0x4a: {  	_ =	shalt  }
0x4b: {  	_ =	shalt  }
0x4c: {  	_ =	shalt  }
0x4d: {  	_ =	shalt  }
0x4e: {  	_ =	shalt  }
0x4f: {  	_ =	shalt  }
0x50: {  	_ =	shalt  }
0x51: {  	_ =	shalt  }
0x52: {  	_ =	shalt  }
0x53: {  	_ =	shalt  }
0x54: {  	_ =	shalt  }
0x55: {  	_ =	shalt  }
0x56: {  	_ =	shalt  }
0x57: {  	_ =	shalt  }
0x58: {  	_ =	shalt  }
0x59: {  	_ =	shalt  }
0x5a: {  	_ =	shalt  }
0x5b: {  	_ =	shalt  }
0x5c: {  	_ =	shalt  }
0x5d: {  	_ =	shalt  }
0x5e: {  	_ =	shalt  }
0x5f: {  	_ =	shalt  }
0x60: {  	_ =	shalt  }
0x61: {  	_ =	shalt  }
0x62: {  	_ =	shalt  }
0x63: {  	_ =	shalt  }
0x64: {  	_ =	shalt  }
0x65: {  	_ =	shalt  }
0x66: {  	_ =	shalt  }
0x67: {  	_ =	shalt  }
0x68: {  	_ =	shalt  }
0x69: {  	_ =	shalt  }
0x6a: {  	_ =	shalt  }
0x6b: {  	_ =	shalt  }
0x6c: {  	_ =	shalt  }
0x6d: {  	_ =	shalt  }
0x6e: {  	_ =	shalt  }
0x6f: {  	_ =	shalt  }
0x70: {  	_ =	shalt  }
0x71: {  	_ =	shalt  }
0x72: {  	_ =	shalt  }
0x73: {  	_ =	shalt  }
0x74: {  	_ =	shalt  }
0x75: {  	_ =	shalt  }
0x76: {  	_ =	shalt  }
0x77: {  	_ =	shalt  }
0x78: {  	_ =	shalt  }
0x79: {  	_ =	shalt  }
0x7a: {  	_ =	shalt  }
0x7b: {  	_ =	shalt  }
0x7c: {  	_ =	shalt  }
0x7d: {  	_ =	shalt  }
0x7e: {  	_ =	shalt  }
0x7f: {  	_ =	shalt  }
0x80: {  	_ =	shalt  }
0x81: {  	_ =	shalt  }
0x82: {  	_ =	shalt  }
0x83: {  	_ =	shalt  }
0x84: {  	_ =	shalt  }
0x85: {  	_ =	shalt  }
0x86: {  	_ =	shalt  }
0x87: {  	_ =	shalt  }
.Lfunc_end0:
.L_simem_size_0:
called_computation_lowered:
.L_overlay_start_0:
0x88: {  	s2 =	sld [smem:$0x3FD9]  }
0x89: {  	s3 =	sld [smem:$0x3FFE];
	_ =	sdelay $0x1  }
0x8a: {  	s1 =	srdreg.scid  }
0x8b: {  	s0 =	sand.u32 $0x1, s1  }
0x8c: {  	s14 =	sshll.u32 s0, $0xA;
	s2 =	sadd.s32 s3, s2  }
0x8d: {  	s2 =	sadd.s32 s2, s14  }
0x8e: {  	[smem:$0x3FBC] =	sst s2  }
0x8f: {  	_ = 	snop  }
0x90: {  	s2 =	sld [smem:$0x3FD0];
	_ =	sdelay $0x2  }
0x91: {  	s15 =	simm.s32 $0xB;
	s4 =	simm.s32 $0x10  }
0x92: {  	[smem:s4], [sflag:s15] =	dma.local [hbm:s2], $0x1  }
0x93: {  	_ =	swait.eq [sflag:s15], $0x1  }
0x94: {  	[sflag:s15] =	ssyncset.done $0x0  }
0x95: {  	s16 =	sld [smem:$0x11];
	[sflag:s15] =	ssyncadd.s32 $0xFFFFFFFF  }
0x96: {  	s17 =	sld [smem:$0x14];
	(tm) =	ssettm $0x1  }
0x97: {  	s18 =	sld [smem:$0x3FFB];
	_ =	sdelay $0x3  }
0x98: {  	_ =	strace s18  }
0x99: {  	s4 =	sld [smem:$0x3FFC];
	_ =	sdelay $0x3  }
0x9a: {  	_ =	strace s4  }
0x9b: {  	s4 =	sld [smem:$0x3FFD];
	_ =	sdelay $0x3  }
0x9c: {  	_ =	strace s4  }
0x9d: {  	_ =	strace $0x8FFFFFFF  }
0x9e: {  	s19 =	sld [smem:$0x3FDB];
	_ =	sdelay $0x1  }
0x9f: {  	s5 =	simm.s32 $_scs_section_size  }
0xa0: {  	s6 =	simm.s32 $_size__tile_overlayer_lowered;
	s7 =	simm.s32 $_tile_overlayer_lowered  }
0xa1: {  	s22 =	simm.s32 $0x1BFF;
	s21 =	sshll.u32 s7, $0x1;
	s4 =	sadd.s32 s5, s19  }
0xa2: {  	s8 =	simm.s32 $0x0;
	s20 =	sshll.u32 s6, $0x1;
	s6 =	sadd.s32 s21, s4  }
0xa3: {  	[timem:s8], [sflag:s22] =	dma.local [hbm:s6], s20  }
0xa4: {  	_ =	swait.ge [sflag:s22], s20  }
0xa5: {  	s5 =	ssub.s32 $0x0, s20;
	[sflag:s22] =	ssyncset.done $0x0  }
0xa6: {  	[sflag:s22] =	ssyncadd.s32 s5;
	_ =	sdelay $0x1  }
0xa7: {  	s23 =	simm.s32 $0x1B8B  }
0xa8: {  	_ =	swait.ge [sflag:s23], $0x1  }
0xa9: {  	[sflag:s23] =	ssyncset.done $0x0  }
0xaa: {  	s25 =	simm.s32 $0x1B8E;
	s24 =	sld [smem:$0x3FFE];
	[sflag:s23] =	ssyncadd.s32 $0xFFFFFFFF  }
0xab: {  	s26 =	simm.s32 $execute0_lowered;
	[smem:$0x3FD2] =	sst s25  }
0xac: {  	s6 =	sshll.u32 s26, $0x1;
	_ =	strace $0x80000046;
	[dreg:$0x1] =	wrdreg $0xFFFFFFFF  }
0xad: {  	s28 =	simm.s32 $_size_execute0_lowered;
	s4 =	sadd.s32 s4, s6;
	[dreg:$0x0] =	wrdreg $0x0  }
0xae: {  	s6 =	sshll.u32 s28, $0x1;
	[dreg:$0x2] =	wrdreg s4  }
0xaf: {  	[dreg:$0x3] =	wrdreg s6  }
0xb0: {  	[dreg:$0x4] =	wrdreg $0xC0  }
0xb1: {  	_ =	task [dreg:s8], $0x5FFFF  }
0xb2: {  	[dreg:$0x1] =	wrdreg $0xFFFFFFFF  }
0xb3: {  	[dreg:$0x0] =	wrdreg $0x60  }
0xb4: {  	[dreg:$0x2] =	wrdreg s24  }
0xb5: {  	[dreg:$0x3] =	wrdreg s16  }
0xb6: {  	[dreg:$0x4] =	wrdreg s17  }
0xb7: {  	[dreg:$0x5] =	wrdreg $0x28000  }
0xb8: {  	[dreg:$0x6] =	wrdreg $0x9  }
0xb9: {  	_ =	task.clear_ibuf [dreg:s8], $0x7FFFF;
	_ =	strace $0x90000046  }
0xba: {  	s29 =	simm.s32 $0x9;
	_ =	strace $0x80000048  }
0xbb: {  	_ =	swait.ge [sflag:s29], $0x1  }
0xbc: {  	[sflag:s29] =	ssyncadd.s32 $0xFFFFFFFF  }
0xbd: {  	_ =	strace $0x90000048  }
0xbe: {  	_ =	sfence  }
0xbf: {  	s30 =	sld [smem:$0x0];
	_ =	sdelay $0x2  }
0xc0: {  	s31 =	sshll.u32 s1, $0xD;
	s1 =	sshrl.u32 s1, $0x2  }
0xc1: {  	s3 =	sand.u32 $0x4000, s31;
	s1 =	sadd.s32 s1, s30  }
0xc2: {  	s0 =	sor.u32 s3, s0;
	s1 =	sshll.u32 s1, $0x11  }
0xc3: {  	s0 =	sor.u32 s1, s0  }
0xc4: {  	s0 =	sadd.s32 $0x8F2B, s0  }
0xc5: {  	[sflag:s0] =	ssyncadd.remote.s32 $0x1  }
0xc6: {  	_ =	sfence.sel $0xFFFF  }
0xc7: {  	[dreg:$0x0] =	wrdreg $0xFFFFFFFF;
	(pc) =	sbr.abs _section_cstart, $3  }
0xc8: {  	[dreg:$0x1] =	wrdreg $0xFFFFFFFF  }
0xc9: {  	_ =	task.clear_ibuf [dreg:s8], $0x2FFFF;
	_ =	strace $0x9FFFFFFF  }
0xca: {  	(tm) =	ssettm $0x7FFFFFFF  }
0xcb: {  	_ =	shalt  }
tec
execute0_lowered:
.L_overlay_start_1:
0x0: {  	(tag) =	ssettag $0x1  }
0x1: {  	s0 =	rddreg [dreg:$0x0];
	s1 =	srdreg.scid  }
0x2: {  	s24 =	stileid.u32;
	s4 =	rddreg [dreg:$0x3]  }
0x3: {  	s5 =	simm.s32 $0x0;
	s13 =	simm.s32 $0x1;
	s14 =	simm.s32 $0x800  }
0x4: {  	s15 =	simm.s32 $0x40;
	s16 =	simm.s32 $0x80;
	s17 =	simm.s32 $0x100  }
0x5: {  	s18 =	simm.s32 $0x180;
	s19 =	simm.s32 $0x200;
	s20 =	simm.s32 $0x280  }
0x6: {  	s28 =	simm.s32 $0x580;
	s29 =	simm.s32 $0x600;
	s3 =	smul.u32 $0xA000, s24  }
0x7: {  	s30 =	simm.s32 $0x680;
	s31 =	simm.s32 $0x700;
	s21 =	smul.u32 $0x2780, s24  }
0x8: {  	s1 =	sand.u32 $0x1, s1;
	[smem:$0x7FF] =	sst s5;
	s7 =	smul.u32 $0x4F000, s24  }
0x9: {  	s23 =	sshll.u32 s24, $0x6;
	p0 =	seq.s32 s24, $0xF;
	s2 =	smul.u32 $0x140000, s1  }
0xa: {  	s24 =	simm.s32 $0x480;
	s6 =	ssub.s32 $0x2, s1;
	s9 =	smul.u32 $0x138800, s1  }
0xb: {  	_ =	strace $0x80000047;
	s1 =	smul.u32 $0x27100, s1;
	s8 =	sshrl.u32 s6, $0x1  }
0xc: {  	s22 =	sshrl.u32 s7, $0x2;
	s7 =	sor.u32 $0x1C01, s23;
	s23 =	simm.s32 $0x400  }
0xd: {  	s2 =	sadd.s32 s3, s2;
	s8 =	ssub.s32 s6, s8;
	s6 =	sadd.s32 s22, s4  }
0xe: {  	s9 =	sshrl.u32 s9, $0x3;
	s1 =	sadd.s32 s21, s1;
	s2 =	sadd.s32 $0xA0000, s2  }
0xf: {  	s21 =	simm.s32 $0x300;
	s22 =	simm.s32 $0x380;
	s2 =	sshrl.u32 s2, $0x3  }
0x10: {  	s10 =	smax.u32 s8, $0x1;
	s2 =	sadd.s32 s2, s0;
	s0 =	sadd.s32 $0x54000, s0  }
0x11: {  	s12 =	sshrl.u32 s6, $0x3;
	s25 =	sadd.s32 s0, s9;
	s0 =	sadd.s32 s0, s1  }
0x12: {  	s11 =	sadd.s32 $0x4000, s2;
	[dreg:$0x5] =	wrdreg s0;
	s26 =	sadd.s32 $0x25080, s25  }
0x13: {  	s2 =	simm.s32 $0x780;
	s0 =	sadd.s32 $0x128400, s4;
	[dreg:$0x6] =	wrdreg s26  }
0x14: {  	s25 =	sshrl.u32 @p0 s0, $0x3;
	s26 =	simm.s32 $0x500;
	s0 =	simm.s32 $0x0  }
.LBB2_1:
0x15: {  	s1 =	rddreg [dreg:$0x2]  }
0x16: {  	[spmem:s12], [sflag:s7] =	dma.local [hbm:s1], $0x2780  }
0x17: {  	_ =	swait.ge [sflag:s13], $0x2780  }
0x18: {  	[sflag:s13] =	ssyncset.done $0x0  }
0x19: {  	[sflag:s13] =	ssyncadd.s32 $0xFFFFD880  }
0x1a: {  	s8 =	rddreg [dreg:$0x1]  }
0x1b: {  	[tilespmem:s14], [sflag:$0x1] =	stream.linear.gather [hbm4b:s8+s5], $0x2000, $0x38;
	[tilespmem:$0x16400] =	vst v63  }
0x1c: {  	_ =	swait.ge [sflag:s13], $0x2000  }
0x1d: {  	[sflag:s13] =	ssyncset.done $0x0  }
0x1e: {  	[sflag:s13] =	ssyncadd.s32 $0xFFFFE000  }
0x1f: {  	s9 =	sadd.s32 $0x0, s11;
	[bflag:$0x0] =	sbarrier.arrive $0xFFFF  }
0x20: {  	[tilespmem:s5], [sflag:$0x1] =	stream.linear.gather [hbm4b:s9+s5], $0x800, $0x38;
	[tilespmem:$0x16400] =	vst v63  }
0x21: {  	_ =	swait.ge [sflag:s13], $0x800  }
0x22: {  	[sflag:s13] =	ssyncset.done $0x0  }
0x23: {  	[sflag:s13] =	ssyncadd.s32 $0xFFFFF800  }
0x24: {  	[spmem:s4] =	stream.indirect.scatter.add.f32 [tilespmem:s14], [sflag:$0x1], $0x80, s5, s15, $0xb8;
	[tilespmem:$0x16400] =	vst v63  }
0x25: {  	_ =	swait.ge [sflag:s13], $0x2000  }
0x26: {  	[sflag:s13] =	ssyncset.done $0x0  }
0x27: {  	[sflag:s13] =	ssyncadd.s32 $0xFFFFE000  }
0x28: {  	[spmem:s4] =	stream.indirect.scatter.add.f32 [tilespmem:s14], [sflag:$0x1], $0x80, s16, s15, $0xb8;
	[tilespmem:$0x16400] =	vst v63  }
0x29: {  	_ =	swait.ge [sflag:s13], $0x2000  }
0x2a: {  	[sflag:s13] =	ssyncset.done $0x0  }
0x2b: {  	[sflag:s13] =	ssyncadd.s32 $0xFFFFE000  }
0x2c: {  	[spmem:s4] =	stream.indirect.scatter.add.f32 [tilespmem:s14], [sflag:$0x1], $0x80, s17, s15, $0xb8;
	[tilespmem:$0x16400] =	vst v63  }
0x2d: {  	_ =	swait.ge [sflag:s13], $0x2000  }
0x2e: {  	[sflag:s13] =	ssyncset.done $0x0  }
0x2f: {  	[sflag:s13] =	ssyncadd.s32 $0xFFFFE000  }
0x30: {  	[spmem:s4] =	stream.indirect.scatter.add.f32 [tilespmem:s14], [sflag:$0x1], $0x80, s18, s15, $0xb8;
	[tilespmem:$0x16400] =	vst v63  }
0x31: {  	_ =	swait.ge [sflag:s13], $0x2000  }
0x32: {  	[sflag:s13] =	ssyncset.done $0x0  }
0x33: {  	[sflag:s13] =	ssyncadd.s32 $0xFFFFE000  }
0x34: {  	[spmem:s4] =	stream.indirect.scatter.add.f32 [tilespmem:s14], [sflag:$0x1], $0x80, s19, s15, $0xb8;
	[tilespmem:$0x16400] =	vst v63  }
0x35: {  	_ =	swait.ge [sflag:s13], $0x2000  }
0x36: {  	[sflag:s13] =	ssyncset.done $0x0  }
0x37: {  	[sflag:s13] =	ssyncadd.s32 $0xFFFFE000  }
0x38: {  	[spmem:s4] =	stream.indirect.scatter.add.f32 [tilespmem:s14], [sflag:$0x1], $0x80, s20, s15, $0xb8;
	[tilespmem:$0x16400] =	vst v63  }
0x39: {  	_ =	swait.ge [sflag:s13], $0x2000  }
0x3a: {  	[sflag:s13] =	ssyncset.done $0x0  }
0x3b: {  	[sflag:s13] =	ssyncadd.s32 $0xFFFFE000  }
0x3c: {  	[spmem:s4] =	stream.indirect.scatter.add.f32 [tilespmem:s14], [sflag:$0x1], $0x80, s21, s15, $0xb8;
	[tilespmem:$0x16400] =	vst v63  }
0x3d: {  	_ =	swait.ge [sflag:s13], $0x2000  }
0x3e: {  	[sflag:s13] =	ssyncset.done $0x0  }
0x3f: {  	[sflag:s13] =	ssyncadd.s32 $0xFFFFE000  }
0x40: {  	[spmem:s4] =	stream.indirect.scatter.add.f32 [tilespmem:s14], [sflag:$0x1], $0x80, s22, s15, $0xb8;
	[tilespmem:$0x16400] =	vst v63  }
0x41: {  	_ =	swait.ge [sflag:s13], $0x2000  }
0x42: {  	[sflag:s13] =	ssyncset.done $0x0  }
0x43: {  	[sflag:s13] =	ssyncadd.s32 $0xFFFFE000  }
0x44: {  	[spmem:s4] =	stream.indirect.scatter.add.f32 [tilespmem:s14], [sflag:$0x1], $0x80, s23, s15, $0xb8;
	[tilespmem:$0x16400] =	vst v63  }
0x45: {  	_ =	swait.ge [sflag:s13], $0x2000  }
0x46: {  	[sflag:s13] =	ssyncset.done $0x0  }
0x47: {  	[sflag:s13] =	ssyncadd.s32 $0xFFFFE000  }
0x48: {  	[spmem:s4] =	stream.indirect.scatter.add.f32 [tilespmem:s14], [sflag:$0x1], $0x80, s24, s15, $0xb8;
	[tilespmem:$0x16400] =	vst v63  }
0x49: {  	_ =	swait.ge [sflag:s13], $0x2000  }
0x4a: {  	[sflag:s13] =	ssyncset.done $0x0  }
0x4b: {  	[sflag:s13] =	ssyncadd.s32 $0xFFFFE000  }
0x4c: {  	[spmem:s4] =	stream.indirect.scatter.add.f32 [tilespmem:s14], [sflag:$0x1], $0x80, s26, s15, $0xb8;
	[tilespmem:$0x16400] =	vst v63  }
0x4d: {  	_ =	swait.ge [sflag:s13], $0x2000  }
0x4e: {  	[sflag:s13] =	ssyncset.done $0x0  }
0x4f: {  	[sflag:s13] =	ssyncadd.s32 $0xFFFFE000  }
0x50: {  	[spmem:s4] =	stream.indirect.scatter.add.f32 [tilespmem:s14], [sflag:$0x1], $0x80, s28, s15, $0xb8;
	[tilespmem:$0x16400] =	vst v63  }
0x51: {  	_ =	swait.ge [sflag:s13], $0x2000  }
0x52: {  	[sflag:s13] =	ssyncset.done $0x0  }
0x53: {  	[sflag:s13] =	ssyncadd.s32 $0xFFFFE000  }
0x54: {  	[spmem:s4] =	stream.indirect.scatter.add.f32 [tilespmem:s14], [sflag:$0x1], $0x80, s29, s15, $0xb8;
	[tilespmem:$0x16400] =	vst v63  }
0x55: {  	_ =	swait.ge [sflag:s13], $0x2000  }
0x56: {  	[sflag:s13] =	ssyncset.done $0x0  }
0x57: {  	[sflag:s13] =	ssyncadd.s32 $0xFFFFE000  }
0x58: {  	[spmem:s4] =	stream.indirect.scatter.add.f32 [tilespmem:s14], [sflag:$0x1], $0x80, s30, s15, $0xb8;
	[tilespmem:$0x16400] =	vst v63  }
0x59: {  	_ =	swait.ge [sflag:s13], $0x2000  }
0x5a: {  	[sflag:s13] =	ssyncset.done $0x0  }
0x5b: {  	[sflag:s13] =	ssyncadd.s32 $0xFFFFE000  }
0x5c: {  	[spmem:s4] =	stream.indirect.scatter.add.f32 [tilespmem:s14], [sflag:$0x1], $0x80, s31, s15, $0xb8;
	[tilespmem:$0x16400] =	vst v63  }
0x5d: {  	_ =	swait.ge [sflag:s13], $0x2000  }
0x5e: {  	[sflag:s13] =	ssyncset.done $0x0  }
0x5f: {  	[sflag:s13] =	ssyncadd.s32 $0xFFFFE000  }
0x60: {  	[spmem:s4] =	stream.indirect.scatter.add.f32 [tilespmem:s14], [sflag:$0x1], $0x80, s2, s15, $0xb8;
	[tilespmem:$0x16400] =	vst v63  }
0x61: {  	_ =	swait.ge [sflag:s13], $0x2000  }
0x62: {  	s3 =	simm.s32 $0x200;
	s1 =	simm.s32 $0x100;
	[sflag:s13] =	ssyncset.done $0x0  }
.LBB2_2:
0x63: {  	s9 =	sadd.s32 s1, s11  }
0x64: {  	[sflag:s13] =	ssyncadd.s32 $0xFFFFE000;
	s1 =	smov.u32 s3;
	s8 =	sadd.s32 $0x100, s3  }
0x65: {  	[tilespmem:s5], [sflag:$0x1] =	stream.linear.gather [hbm4b:s9+s5], $0x800, $0x38;
	[tilespmem:$0x16400] =	vst v63  }
0x66: {  	p1 =	sne.s32 s3, $0x1300;
	_ =	swait.ge [sflag:s13], $0x800  }
0x67: {  	[sflag:s13] =	ssyncset.done $0x0  }
0x68: {  	[sflag:s13] =	ssyncadd.s32 $0xFFFFF800  }
0x69: {  	[spmem:s4] =	stream.indirect.scatter.add.f32 [tilespmem:s14], [sflag:$0x1], $0x80, s5, s15, $0xb8;
	[tilespmem:$0x16400] =	vst v63  }
0x6a: {  	_ =	swait.ge [sflag:s13], $0x2000  }
0x6b: {  	[sflag:s13] =	ssyncset.done $0x0  }
0x6c: {  	[sflag:s13] =	ssyncadd.s32 $0xFFFFE000  }
0x6d: {  	[spmem:s4] =	stream.indirect.scatter.add.f32 [tilespmem:s14], [sflag:$0x1], $0x80, s16, s15, $0xb8;
	[tilespmem:$0x16400] =	vst v63  }
0x6e: {  	_ =	swait.ge [sflag:s13], $0x2000  }
0x6f: {  	[sflag:s13] =	ssyncset.done $0x0  }
0x70: {  	[sflag:s13] =	ssyncadd.s32 $0xFFFFE000  }
0x71: {  	[spmem:s4] =	stream.indirect.scatter.add.f32 [tilespmem:s14], [sflag:$0x1], $0x80, s17, s15, $0xb8;
	[tilespmem:$0x16400] =	vst v63  }
0x72: {  	_ =	swait.ge [sflag:s13], $0x2000  }
0x73: {  	[sflag:s13] =	ssyncset.done $0x0  }
0x74: {  	[sflag:s13] =	ssyncadd.s32 $0xFFFFE000  }
0x75: {  	[spmem:s4] =	stream.indirect.scatter.add.f32 [tilespmem:s14], [sflag:$0x1], $0x80, s18, s15, $0xb8;
	[tilespmem:$0x16400] =	vst v63  }
0x76: {  	_ =	swait.ge [sflag:s13], $0x2000  }
0x77: {  	[sflag:s13] =	ssyncset.done $0x0  }
0x78: {  	[sflag:s13] =	ssyncadd.s32 $0xFFFFE000  }
0x79: {  	[spmem:s4] =	stream.indirect.scatter.add.f32 [tilespmem:s14], [sflag:$0x1], $0x80, s19, s15, $0xb8;
	[tilespmem:$0x16400] =	vst v63  }
0x7a: {  	_ =	swait.ge [sflag:s13], $0x2000  }
0x7b: {  	[sflag:s13] =	ssyncset.done $0x0  }
0x7c: {  	[sflag:s13] =	ssyncadd.s32 $0xFFFFE000  }
0x7d: {  	[spmem:s4] =	stream.indirect.scatter.add.f32 [tilespmem:s14], [sflag:$0x1], $0x80, s20, s15, $0xb8;
	[tilespmem:$0x16400] =	vst v63  }
0x7e: {  	_ =	swait.ge [sflag:s13], $0x2000  }
0x7f: {  	[sflag:s13] =	ssyncset.done $0x0  }
0x80: {  	[sflag:s13] =	ssyncadd.s32 $0xFFFFE000  }
0x81: {  	[spmem:s4] =	stream.indirect.scatter.add.f32 [tilespmem:s14], [sflag:$0x1], $0x80, s21, s15, $0xb8;
	[tilespmem:$0x16400] =	vst v63  }
0x82: {  	_ =	swait.ge [sflag:s13], $0x2000  }
0x83: {  	[sflag:s13] =	ssyncset.done $0x0  }
0x84: {  	[sflag:s13] =	ssyncadd.s32 $0xFFFFE000  }
0x85: {  	[spmem:s4] =	stream.indirect.scatter.add.f32 [tilespmem:s14], [sflag:$0x1], $0x80, s22, s15, $0xb8;
	[tilespmem:$0x16400] =	vst v63  }
0x86: {  	_ =	swait.ge [sflag:s13], $0x2000  }
0x87: {  	[sflag:s13] =	ssyncset.done $0x0  }
0x88: {  	[sflag:s13] =	ssyncadd.s32 $0xFFFFE000  }
0x89: {  	[spmem:s4] =	stream.indirect.scatter.add.f32 [tilespmem:s14], [sflag:$0x1], $0x80, s23, s15, $0xb8;
	[tilespmem:$0x16400] =	vst v63  }
0x8a: {  	_ =	swait.ge [sflag:s13], $0x2000  }
0x8b: {  	[sflag:s13] =	ssyncset.done $0x0  }
0x8c: {  	[sflag:s13] =	ssyncadd.s32 $0xFFFFE000  }
0x8d: {  	[spmem:s4] =	stream.indirect.scatter.add.f32 [tilespmem:s14], [sflag:$0x1], $0x80, s24, s15, $0xb8;
	[tilespmem:$0x16400] =	vst v63  }
0x8e: {  	_ =	swait.ge [sflag:s13], $0x2000  }
0x8f: {  	[sflag:s13] =	ssyncset.done $0x0  }
0x90: {  	[sflag:s13] =	ssyncadd.s32 $0xFFFFE000  }
0x91: {  	[spmem:s4] =	stream.indirect.scatter.add.f32 [tilespmem:s14], [sflag:$0x1], $0x80, s26, s15, $0xb8;
	[tilespmem:$0x16400] =	vst v63  }
0x92: {  	_ =	swait.ge [sflag:s13], $0x2000  }
0x93: {  	[sflag:s13] =	ssyncset.done $0x0  }
0x94: {  	[sflag:s13] =	ssyncadd.s32 $0xFFFFE000  }
0x95: {  	[spmem:s4] =	stream.indirect.scatter.add.f32 [tilespmem:s14], [sflag:$0x1], $0x80, s28, s15, $0xb8;
	[tilespmem:$0x16400] =	vst v63  }
0x96: {  	_ =	swait.ge [sflag:s13], $0x2000  }
0x97: {  	[sflag:s13] =	ssyncset.done $0x0  }
0x98: {  	[sflag:s13] =	ssyncadd.s32 $0xFFFFE000  }
0x99: {  	[spmem:s4] =	stream.indirect.scatter.add.f32 [tilespmem:s14], [sflag:$0x1], $0x80, s29, s15, $0xb8;
	[tilespmem:$0x16400] =	vst v63  }
0x9a: {  	_ =	swait.ge [sflag:s13], $0x2000  }
0x9b: {  	[sflag:s13] =	ssyncset.done $0x0  }
0x9c: {  	[sflag:s13] =	ssyncadd.s32 $0xFFFFE000  }
0x9d: {  	[spmem:s4] =	stream.indirect.scatter.add.f32 [tilespmem:s14], [sflag:$0x1], $0x80, s30, s15, $0xb8;
	[tilespmem:$0x16400] =	vst v63  }
0x9e: {  	_ =	swait.ge [sflag:s13], $0x2000  }
0x9f: {  	[sflag:s13] =	ssyncset.done $0x0  }
0xa0: {  	[sflag:s13] =	ssyncadd.s32 $0xFFFFE000  }
0xa1: {  	[spmem:s4] =	stream.indirect.scatter.add.f32 [tilespmem:s14], [sflag:$0x1], $0x80, s31, s15, $0xb8;
	[tilespmem:$0x16400] =	vst v63  }
0xa2: {  	_ =	swait.ge [sflag:s13], $0x2000  }
.Ltmp0:
0xa3: {  	[sflag:s13] =	ssyncset.done $0x0;
	(pc) =	sbr.rel @p1 .LBB2_2-.Ltmp0, $4  }
0xa4: {  	[sflag:s13] =	ssyncadd.s32 $0xFFFFE000  }
0xa5: {  	[spmem:s4] =	stream.indirect.scatter.add.f32 [tilespmem:s14], [sflag:$0x1], $0x80, s2, s15, $0xb8;
	[tilespmem:$0x16400] =	vst v63  }
0xa6: {  	_ =	swait.ge [sflag:s13], $0x2000  }
0xa7: {  	s3 =	smov.u32 s8;
	[sflag:s13] =	ssyncset.done $0x0  }
0xa8: {  	s1 =	sadd.s32 s1, s11;
	[sflag:s13] =	ssyncadd.s32 $0xFFFFE000  }
0xa9: {  	[tilespmem:s5], [sflag:$0x1] =	stream.linear.gather [hbm4b:s1+s5], $0x800, $0x38;
	[tilespmem:$0x16400] =	vst v63  }
0xaa: {  	_ =	swait.ge [sflag:s13], $0x800  }
0xab: {  	[sflag:s13] =	ssyncset.done $0x0  }
0xac: {  	[sflag:s13] =	ssyncadd.s32 $0xFFFFF800  }
0xad: {  	[spmem:s4] =	stream.indirect.scatter.add.f32 [tilespmem:s14], [sflag:$0x1], $0x80, s5, s15, $0xb8;
	[tilespmem:$0x16400] =	vst v63  }
0xae: {  	_ =	swait.ge [sflag:s13], $0x2000  }
0xaf: {  	[sflag:s13] =	ssyncset.done $0x0  }
0xb0: {  	[sflag:s13] =	ssyncadd.s32 $0xFFFFE000  }
0xb1: {  	[spmem:s4] =	stream.indirect.scatter.add.f32 [tilespmem:s14], [sflag:$0x1], $0x80, s16, s15, $0xb8;
	[tilespmem:$0x16400] =	vst v63  }
0xb2: {  	_ =	swait.ge [sflag:s13], $0x2000  }
0xb3: {  	[sflag:s13] =	ssyncset.done $0x0  }
0xb4: {  	[sflag:s13] =	ssyncadd.s32 $0xFFFFE000  }
0xb5: {  	[spmem:s4] =	stream.indirect.scatter.add.f32 [tilespmem:s14], [sflag:$0x1], $0x80, s17, s15, $0xb8;
	[tilespmem:$0x16400] =	vst v63  }
0xb6: {  	_ =	swait.ge [sflag:s13], $0x2000  }
0xb7: {  	[sflag:s13] =	ssyncset.done $0x0  }
0xb8: {  	[sflag:s13] =	ssyncadd.s32 $0xFFFFE000  }
0xb9: {  	[spmem:s4] =	stream.indirect.scatter.add.f32 [tilespmem:s14], [sflag:$0x1], $0x80, s18, s15, $0xb8;
	[tilespmem:$0x16400] =	vst v63  }
0xba: {  	_ =	swait.ge [sflag:s13], $0x2000  }
0xbb: {  	[sflag:s13] =	ssyncset.done $0x0  }
0xbc: {  	[sflag:s13] =	ssyncadd.s32 $0xFFFFE000  }
0xbd: {  	[spmem:s4] =	stream.indirect.scatter.add.f32 [tilespmem:s14], [sflag:$0x1], $0x80, s19, s15, $0xb8;
	[tilespmem:$0x16400] =	vst v63  }
0xbe: {  	_ =	swait.ge [sflag:s13], $0x2000  }
0xbf: {  	[sflag:s13] =	ssyncset.done $0x0  }
0xc0: {  	[sflag:s13] =	ssyncadd.s32 $0xFFFFE000  }
0xc1: {  	[spmem:s4] =	stream.indirect.scatter.add.f32 [tilespmem:s14], [sflag:$0x1], $0x80, s20, s15, $0xb8;
	[tilespmem:$0x16400] =	vst v63  }
0xc2: {  	_ =	swait.ge [sflag:s13], $0x2000  }
0xc3: {  	[sflag:s13] =	ssyncset.done $0x0  }
0xc4: {  	[sflag:s13] =	ssyncadd.s32 $0xFFFFE000  }
0xc5: {  	[spmem:s4] =	stream.indirect.scatter.add.f32 [tilespmem:s14], [sflag:$0x1], $0x80, s21, s15, $0xb8;
	[tilespmem:$0x16400] =	vst v63  }
0xc6: {  	_ =	swait.ge [sflag:s13], $0x2000  }
0xc7: {  	[sflag:s13] =	ssyncset.done $0x0  }
0xc8: {  	[sflag:s13] =	ssyncadd.s32 $0xFFFFE000  }
0xc9: {  	[spmem:s4] =	stream.indirect.scatter.add.f32 [tilespmem:s14], [sflag:$0x1], $0x80, s22, s15, $0xb8;
	[tilespmem:$0x16400] =	vst v63  }
0xca: {  	_ =	swait.ge [sflag:s13], $0x2000  }
0xcb: {  	[sflag:s13] =	ssyncset.done $0x0  }
0xcc: {  	[sflag:s13] =	ssyncadd.s32 $0xFFFFE000  }
0xcd: {  	[spmem:s4] =	stream.indirect.scatter.add.f32 [tilespmem:s14], [sflag:$0x1], $0x80, s23, s15, $0xb8;
	[tilespmem:$0x16400] =	vst v63  }
0xce: {  	_ =	swait.ge [sflag:s13], $0x2000  }
0xcf: {  	[sflag:s13] =	ssyncset.done $0x0  }
0xd0: {  	[sflag:s13] =	ssyncadd.s32 $0xFFFFE000  }
0xd1: {  	[spmem:s4] =	stream.indirect.scatter.add.f32 [tilespmem:s14], [sflag:$0x1], $0x80, s24, s15, $0xb8;
	[tilespmem:$0x16400] =	vst v63  }
0xd2: {  	_ =	swait.ge [sflag:s13], $0x2000  }
0xd3: {  	[sflag:s13] =	ssyncset.done $0x0  }
0xd4: {  	[sflag:s13] =	ssyncadd.s32 $0xFFFFE000  }
0xd5: {  	[spmem:s4] =	stream.indirect.scatter.add.f32 [tilespmem:s14], [sflag:$0x1], $0x80, s26, s15, $0xb8;
	[tilespmem:$0x16400] =	vst v63  }
0xd6: {  	_ =	swait.ge [sflag:s13], $0x2000  }
0xd7: {  	[sflag:s13] =	ssyncset.done $0x0  }
0xd8: {  	[sflag:s13] =	ssyncadd.s32 $0xFFFFE000  }
0xd9: {  	[spmem:s4] =	stream.indirect.scatter.add.f32 [tilespmem:s14], [sflag:$0x1], $0x80, s28, s15, $0xb8;
	[tilespmem:$0x16400] =	vst v63  }
0xda: {  	_ =	swait.ge [sflag:s13], $0x2000  }
0xdb: {  	[sflag:s13] =	ssyncset.done $0x0  }
0xdc: {  	[sflag:s13] =	ssyncadd.s32 $0xFFFFE000  }
0xdd: {  	[spmem:s4] =	stream.indirect.scatter.add.f32 [tilespmem:s14], [sflag:$0x1], $0x80, s29, s15, $0xb8;
	[tilespmem:$0x16400] =	vst v63  }
0xde: {  	_ =	swait.ge [sflag:s13], $0x2000  }
0xdf: {  	[sflag:s13] =	ssyncset.done $0x0  }
0xe0: {  	[sflag:s13] =	ssyncadd.s32 $0xFFFFE000  }
0xe1: {  	[spmem:s4] =	stream.indirect.scatter.add.f32 [tilespmem:s14], [sflag:$0x1], $0x80, s30, s15, $0xb8;
	[tilespmem:$0x16400] =	vst v63  }
0xe2: {  	_ =	swait.ge [sflag:s13], $0x2000  }
0xe3: {  	[sflag:s13] =	ssyncset.done $0x0  }
0xe4: {  	[sflag:s13] =	ssyncadd.s32 $0xFFFFE000  }
0xe5: {  	[spmem:s4] =	stream.indirect.scatter.add.f32 [tilespmem:s14], [sflag:$0x1], $0x80, s31, s15, $0xb8;
	[tilespmem:$0x16400] =	vst v63  }
0xe6: {  	_ =	swait.ge [sflag:s13], $0x2000  }
0xe7: {  	[sflag:s13] =	ssyncset.done $0x0  }
0xe8: {  	[sflag:s13] =	ssyncadd.s32 $0xFFFFE000  }
0xe9: {  	[spmem:s4] =	stream.indirect.scatter.add.f32 [tilespmem:s14], [sflag:$0x1], $0x80, s2, s15, $0xb8;
	[tilespmem:$0x16400] =	vst v63  }
0xea: {  	_ =	swait.ge [sflag:s13], $0x2000  }
0xeb: {  	[sflag:s13] =	ssyncset.done $0x0  }
0xec: {  	[sflag:s13] =	ssyncadd.s32 $0xFFFFE000  }
0xed: {  	[bflag:$0x0] =	sbarrier.arrive $0xFFFF  }
0xee: {  	s1 =	rddreg [dreg:$0x6]  }
0xef: {  	[hbm:s1], [sflag:s7] =	dma.local @p0 [spmem:s25], $0x2080  }
0xf0: {  	s1 =	simm.s32 @p0 $0x1  }
0xf1: {  	s0 =	sadd.s32 $0x1, s0;
	_ =	swait.ge @p0 [sflag:s1], $0x2080  }
0xf2: {  	p1 =	sne.s32 s0, s10;
	[sflag:s1] =	ssyncset.done @p0 $0x0  }
0xf3: {  	s3 =	rddreg [dreg:$0x5];
	[sflag:s1] =	ssyncadd.s32 @p0 $0xFFFFDF80;
	s1 =	sshrl.u32 @!p0 s6, $0x3  }
0xf4: {  	[hbm:s3], [sflag:s7] =	dma.local @!p0 [spmem:s1], $0x2780  }
.Ltmp1:
0xf5: {  	_ = 	snop;
	(pc) =	sbr.rel @p1 .LBB2_1-.Ltmp1, $4  }
0xf6: {  	s1 =	simm.s32 @!p0 $0x1  }
0xf7: {  	_ =	swait.ge @!p0 [sflag:s1], $0x2780  }
0xf8: {  	[sflag:s1] =	ssyncset.done @!p0 $0x0  }
0xf9: {  	[sflag:s1] =	ssyncadd.s32 @!p0 $0xFFFFD880  }
0xfa: {  	_ =	sfence.sel $0x180000  }
0xfb: {  	[bflag:$0x0] =	sbarrier.arrive $0xFFFF  }
0xfc: {  	_ =	strace $0x90000047  }
0xfd: {  	s0 =	stileid.u32;
	[bflag:$0x2] =	sbarrier.arrive $0xFFFF  }
0xfe: {  	p0 =	sne.s32 s0, $0x0;
	s0 =	rddreg [dreg:$0x4]  }
0xff: {  	s0 =	sadd.s32 @!p0 $0x100000, s0  }
0x100: {  	[sflag:s0] =	ssyncadd.tile.s32 @!p0 $0x1;
	_ =	shalt  }
.Lfunc_end2:
_tile_overlayer_lowered:
.L_overlay_start_2:
0x101: {  	(tag) =	ssettag $0x2  }
0x102: {  	s0 =	rddreg [dreg:$0x0];
	s2 =	stileid.u32  }
0x103: {  	s1 =	rddreg [dreg:$0x1];
	p0 =	sne.s32 s2, $0x0  }
0x104: {  	s3 =	rddreg [dreg:$0x2];
	[bflag:$0x3] =	sbarrier.arrive $0xFFFF;
	s2 =	simm.s32 @!p0 $0x1C01  }
0x105: {  	[timem:s3], [sflag:s2] =	dma.local @!p0 [hbm:s0], s1  }
0x106: {  	s0 =	simm.s32 @!p0 $0x1  }
0x107: {  	_ =	swait.ge @!p0 [sflag:s0], s1  }
0x108: {  	s1 =	ssub.s32 @!p0 $0x0, s1;
	[sflag:s0] =	ssyncset.done @!p0 $0x0  }
0x109: {  	[sflag:s0] =	ssyncadd.s32 @!p0 s1  }
0x10a: {  	[bflag:$0x3] =	sbarrier.arrive $0xFFFF  }
0x10b: {  	_ =	shalt  }

// kernel: kernel.13.cloned.1.call-start
scs
__scs_entry_jumppad:
0x0: {  	(pc) =	sbr.rel $0x88, $3  }
0x1: {  	(tag) =	ssettag $0x0;
	lr =	simm.s32 $0x1  }
0x2: {  	[smem:$0x3F95] =	sst lr;
	_ =	strace $0xD0000000  }
0x3: {  	_ = 	snop  }
0x4: {  	_ = 	snop  }
0x5: {  	_ = 	snop  }
0x6: {  	_ = 	snop  }
0x7: {  	_ = 	snop  }
__scs_overlays_trampoline_lowered:
0x8: {  	[smem:$0x3FA4] =	sst s0  }
0x9: {  	[smem:$0x3FA5] =	sst s1  }
0xa: {  	[smem:$0x3FA6] =	sst s2  }
0xb: {  	[smem:$0x3FA7] =	sst s3  }
0xc: {  	[smem:$0x3FA8] =	sst s4  }
0xd: {  	[smem:$0x3FA9] =	sst s5  }
0xe: {  	[smem:$0x3FAA] =	sst s6  }
0xf: {  	[smem:$0x3FAB] =	sst s7  }
0x10: {  	[smem:$0x3FAC] =	sst s8  }
0x11: {  	[smem:$0x3FAD] =	sst s9;
	s0 =	simm.s32 @!p0 $0x0  }
0x12: {  	s1 =	sld [smem:$0x3F93];
	s0 =	simm.s32 @p0 $0x1  }
0x13: {  	[smem:$0x3FAE] =	sst s0;
	s0 =	simm.s32 @!p1 $0x0  }
0x14: {  	s2 =	sld [smem:$0x3F92];
	s0 =	simm.s32 @p1 $0x1  }
0x15: {  	[smem:$0x3FAF] =	sst s0;
	s0 =	simm.s32 @!p2 $0x0  }
0x16: {  	s3 =	sld [smem:$0x3FDB];
	s0 =	simm.s32 @p2 $0x1  }
0x17: {  	s4 =	simm.s32 $0x1BF5;
	[smem:$0x3FB1] =	sst s0  }
0x18: {  	s0 =	sld [smem:$0x3F94];
	_ =	swait.ge [sflag:s4], $0x0  }
0x19: {  	s7 =	sld [smem:$0x3F95]  }
0x1a: {  	s8 =	sadd.s32 $0xFFFFE003, lr  }
0x1b: {  	s9 =	sadd.s32 $0xFFFFFEF7, lr;
	s5 =	simm.s32 $0xFFFFFFFF;
	p2 =	slt.u32 s8, $0xFFFFF086  }
0x1c: {  	p1 =	slt.u32 s9, $0xF7A;
	s5 =	simm.s32 @!p2 $0x0  }
0x1d: {  	s5 =	simm.s32 @p1 $0x1;
	p0 =	seq.s32 s7, s2  }
0x1e: {  	s7 =	smul.u32 @!p0 $0xF7A, s2;
	p2 =	seq.s32 @!p0 s5, $0x0  }
0x1f: {  	s9 =	smul.u32 $0xF7A, s1;
	s8 =	simm.s32 @!p0 $0x1BF5;
	p2 =	por !p2, p0  }
0x20: {  	[sflag:s8] =	ssyncset.s32 @!p0 $0xFFFFF086;
	s6 =	sadd.s32 @!p0 s3, s7;
	s7 =	simm.s32 @!p0 $0x108  }
0x21: {  	s3 =	sadd.s32 s3, s9;
	s6 =	sadd.s32 @!p0 $0x88, s6;
	s7 =	simm.s32 @p2 $0x1082  }
0x22: {  	[simem:s7], [sflag:s8] =	dma.local @!p0 [hbm:s6], $0xF7A  }
0x23: {  	s9 =	sor.u32 $0xD0000000, s2;
	s6 =	simm.s32 $0x108;
	_ =	swait.ge @!p0 [sflag:s8], $0x0  }
0x24: {  	s3 =	sadd.s32 $0x88, s3;
	s6 =	simm.s32 @!p1 $0x1082;
	[sflag:s4] =	ssyncset.s32 $0xFFFFF086  }
0x25: {  	[simem:s6], [sflag:s4] =	dma.local [hbm:s3], $0xF7A  }
0x26: {  	[smem:$0x3F95] =	sst s1;
	(tag) =	ssettag s2;
	_ =	strace s9  }
0x27: {  	s1 =	sld [smem:$0x3FA5]  }
0x28: {  	s2 =	sld [smem:$0x3FA6]  }
0x29: {  	s4 =	sld [smem:$0x3FA8]  }
0x2a: {  	p0 =	seq.s32 s5, $0x0;
	s5 =	sld [smem:$0x3FA9]  }
0x2b: {  	s6 =	sld [smem:$0x3FAA]  }
0x2c: {  	s7 =	sld [smem:$0x3FAB]  }
0x2d: {  	s3 =	simm.s32 $0x108;
	s8 =	sld [smem:$0x3FAC]  }
0x2e: {  	s3 =	simm.s32 @!p0 $0x1082;
	s9 =	sld [smem:$0x3FAD]  }
0x2f: {  	lr =	sadd.s32 s0, s3;
	s0 =	sld [smem:$0x3FA4]  }
0x30: {  	s3 =	sld [smem:$0x3FA7]  }
0x31: {  	[smem:$0x3FB0] =	sst s10  }
0x32: {  	s10 =	sld [smem:$0x3FAE];
	_ =	sdelay $0x3  }
0x33: {  	p0 =	seq.s32 s10, $0x1;
	s10 =	sld [smem:$0x3FB0];
	_ =	sdelay $0x3  }
0x34: {  	[smem:$0x3FB0] =	sst s10  }
0x35: {  	s10 =	sld [smem:$0x3FAF];
	_ =	sdelay $0x3  }
0x36: {  	p1 =	seq.s32 s10, $0x1;
	s10 =	sld [smem:$0x3FB0];
	_ =	sdelay $0x3  }
0x37: {  	[smem:$0x3FB0] =	sst s10  }
0x38: {  	s10 =	sld [smem:$0x3FB1]  }
0x39: {  	_ = 	snop;
	(pc) =	sbr.ind lr, $3  }
0x3a: {  	_ = 	snop  }
0x3b: {  	_ = 	snop  }
0x3c: {  	p2 =	seq.s32 s10, $0x1;
	s10 =	sld [smem:$0x3FB0]  }
0x3d: {  	_ =	shalt  }
0x3e: {  	_ =	shalt  }
0x3f: {  	_ =	shalt  }
0x40: {  	_ =	shalt  }
0x41: {  	_ =	shalt  }
0x42: {  	_ =	shalt  }
0x43: {  	_ =	shalt  }
0x44: {  	_ =	shalt  }
0x45: {  	_ =	shalt  }
0x46: {  	_ =	shalt  }
0x47: {  	_ =	shalt  }
0x48: {  	_ =	shalt  }
0x49: {  	_ =	shalt  }
0x4a: {  	_ =	shalt  }
0x4b: {  	_ =	shalt  }
0x4c: {  	_ =	shalt  }
0x4d: {  	_ =	shalt  }
0x4e: {  	_ =	shalt  }
0x4f: {  	_ =	shalt  }
0x50: {  	_ =	shalt  }
0x51: {  	_ =	shalt  }
0x52: {  	_ =	shalt  }
0x53: {  	_ =	shalt  }
0x54: {  	_ =	shalt  }
0x55: {  	_ =	shalt  }
0x56: {  	_ =	shalt  }
0x57: {  	_ =	shalt  }
0x58: {  	_ =	shalt  }
0x59: {  	_ =	shalt  }
0x5a: {  	_ =	shalt  }
0x5b: {  	_ =	shalt  }
0x5c: {  	_ =	shalt  }
0x5d: {  	_ =	shalt  }
0x5e: {  	_ =	shalt  }
0x5f: {  	_ =	shalt  }
0x60: {  	_ =	shalt  }
0x61: {  	_ =	shalt  }
0x62: {  	_ =	shalt  }
0x63: {  	_ =	shalt  }
0x64: {  	_ =	shalt  }
0x65: {  	_ =	shalt  }
0x66: {  	_ =	shalt  }
0x67: {  	_ =	shalt  }
0x68: {  	_ =	shalt  }
0x69: {  	_ =	shalt  }
0x6a: {  	_ =	shalt  }
0x6b: {  	_ =	shalt  }
0x6c: {  	_ =	shalt  }
0x6d: {  	_ =	shalt  }
0x6e: {  	_ =	shalt  }
0x6f: {  	_ =	shalt  }
0x70: {  	_ =	shalt  }
0x71: {  	_ =	shalt  }
0x72: {  	_ =	shalt  }
0x73: {  	_ =	shalt  }
0x74: {  	_ =	shalt  }
0x75: {  	_ =	shalt  }
0x76: {  	_ =	shalt  }
0x77: {  	_ =	shalt  }
0x78: {  	_ =	shalt  }
0x79: {  	_ =	shalt  }
0x7a: {  	_ =	shalt  }
0x7b: {  	_ =	shalt  }
0x7c: {  	_ =	shalt  }
0x7d: {  	_ =	shalt  }
0x7e: {  	_ =	shalt  }
0x7f: {  	_ =	shalt  }
0x80: {  	_ =	shalt  }
0x81: {  	_ =	shalt  }
0x82: {  	_ =	shalt  }
0x83: {  	_ =	shalt  }
0x84: {  	_ =	shalt  }
0x85: {  	_ =	shalt  }
0x86: {  	_ =	shalt  }
0x87: {  	_ =	shalt  }
.Lfunc_end0:
.L_simem_size_0:
called_computation.1_lowered:
.L_overlay_start_0:
0x88: {  	s2 =	sld [smem:$0x3FD9]  }
0x89: {  	s3 =	sld [smem:$0x3FFE];
	_ =	sdelay $0x1  }
0x8a: {  	s1 =	srdreg.scid  }
0x8b: {  	s0 =	sand.u32 $0x1, s1  }
0x8c: {  	s15 =	sshll.u32 s0, $0xA;
	s2 =	sadd.s32 s3, s2  }
0x8d: {  	s2 =	sadd.s32 s2, s15  }
0x8e: {  	[smem:$0x3FBC] =	sst s2  }
0x8f: {  	_ = 	snop  }
0x90: {  	s2 =	sld [smem:$0x3FD0];
	_ =	sdelay $0x2  }
0x91: {  	s16 =	simm.s32 $0xB;
	s4 =	simm.s32 $0x10  }
0x92: {  	[smem:s4], [sflag:s16] =	dma.local [hbm:s2], $0x1  }
0x93: {  	_ =	swait.eq [sflag:s16], $0x1  }
0x94: {  	[sflag:s16] =	ssyncset.done $0x0  }
0x95: {  	[sflag:s16] =	ssyncadd.s32 $0xFFFFFFFF  }
0x96: {  	s17 =	sld [smem:$0x14];
	(tm) =	ssettm $0x1  }
0x97: {  	s18 =	sld [smem:$0x3FFB];
	_ =	sdelay $0x3  }
0x98: {  	_ =	strace s18  }
0x99: {  	s2 =	sld [smem:$0x3FFC];
	_ =	sdelay $0x3  }
0x9a: {  	_ =	strace s2  }
0x9b: {  	s2 =	sld [smem:$0x3FFD];
	_ =	sdelay $0x3  }
0x9c: {  	_ =	strace s2  }
0x9d: {  	_ =	strace $0x8FFFFFFF  }
0x9e: {  	s19 =	sld [smem:$0x3FDB];
	_ =	sdelay $0x1  }
0x9f: {  	s20 =	simm.s32 $_scs_section_size  }
0xa0: {  	s5 =	simm.s32 $_size__tile_overlayer_lowered;
	s6 =	simm.s32 $_tile_overlayer_lowered  }
0xa1: {  	s7 =	simm.s32 $0x1BFF;
	s21 =	sshll.u32 s6, $0x1;
	s4 =	sadd.s32 s20, s19  }
0xa2: {  	s22 =	simm.s32 $0x0;
	s5 =	sshll.u32 s5, $0x1;
	s6 =	sadd.s32 s21, s4  }
0xa3: {  	[timem:s22], [sflag:s7] =	dma.local [hbm:s6], s5  }
0xa4: {  	_ =	swait.ge [sflag:s7], s5  }
0xa5: {  	s5 =	ssub.s32 $0x0, s5;
	[sflag:s7] =	ssyncset.done $0x0  }
0xa6: {  	[sflag:s7] =	ssyncadd.s32 s5;
	_ =	sdelay $0x1  }
0xa7: {  	s23 =	simm.s32 $0x1B8B  }
0xa8: {  	_ =	swait.ge [sflag:s23], $0x1  }
0xa9: {  	[sflag:s23] =	ssyncset.done $0x0  }
0xaa: {  	[sflag:s23] =	ssyncadd.s32 $0xFFFFFFFF  }
0xab: {  	s5 =	sld [smem:$0x0]  }
0xac: {  	s6 =	sand.u32 $0xFFFFFFFE, s1  }
0xad: {  	p0 =	sne.s32 s1, s6  }
0xae: {  	s6 =	sshll.u32 @p0 s6, $0xE  }
0xaf: {  	s6 =	sadd.s32 @p0 $0x11B8D, s6;
	s7 =	sshll.u32 @p0 s5, $0x11  }
0xb0: {  	s6 =	sor.u32 @p0 s7, s6  }
0xb1: {  	[sflag:s6] =	ssyncadd.remote.s32 @p0 $0x1;
	_ =	sdelay $0x1  }
0xb2: {  	s6 =	simm.s32 @p0 $0x1B8D  }
0xb3: {  	_ =	swait.eq @p0 [sflag:s6], $0x1  }
0xb4: {  	[sflag:s6] =	ssyncadd.s32 @p0 $0xFFFFFFFF  }
0xb5: {  	s7 =	sshll.u32 @!p0 s1, $0xE  }
0xb6: {  	s7 =	sor.u32 @!p0 $0x4000, s7;
	s6 =	simm.s32 @!p0 $0x1B8D  }
0xb7: {  	s5 =	sshll.u32 @!p0 s5, $0x11;
	s7 =	sadd.s32 @!p0 $0x11B8D, s7;
	_ =	swait.eq @!p0 [sflag:s6], $0x1  }
0xb8: {  	s5 =	sor.u32 @!p0 s5, s7;
	[sflag:s6] =	ssyncadd.s32 @!p0 $0xFFFFFFFF  }
0xb9: {  	s25 =	simm.s32 $0x1B8E;
	s24 =	sld [smem:$0x3FFE];
	[sflag:s5] =	ssyncadd.remote.s32 @!p0 $0x1  }
0xba: {  	s26 =	simm.s32 $execute0_lowered;
	[smem:$0x3FD2] =	sst s25  }
0xbb: {  	s6 =	sshll.u32 s26, $0x1;
	_ =	strace $0x80000049;
	[dreg:$0x1] =	wrdreg $0xFFFFFFFF  }
0xbc: {  	s28 =	simm.s32 $_size_execute0_lowered;
	s4 =	sadd.s32 s4, s6;
	[dreg:$0x0] =	wrdreg $0x0  }
0xbd: {  	s6 =	sshll.u32 s28, $0x1;
	[dreg:$0x2] =	wrdreg s4  }
0xbe: {  	[dreg:$0x3] =	wrdreg s6  }
0xbf: {  	[dreg:$0x4] =	wrdreg $0xC0  }
0xc0: {  	_ =	task [dreg:s22], $0x5FFFF  }
0xc1: {  	[dreg:$0x1] =	wrdreg $0xFFFFFFFF  }
0xc2: {  	[dreg:$0x0] =	wrdreg $0x60  }
0xc3: {  	[dreg:$0x2] =	wrdreg s24  }
0xc4: {  	[dreg:$0x3] =	wrdreg s17  }
0xc5: {  	[dreg:$0x4] =	wrdreg $0x90000  }
0xc6: {  	[dreg:$0x5] =	wrdreg $0xA  }
0xc7: {  	_ =	task.clear_ibuf [dreg:s22], $0x6FFFF;
	_ =	strace $0x90000049  }
0xc8: {  	s29 =	simm.s32 $0xA;
	_ =	strace $0x8000004B  }
0xc9: {  	_ =	swait.ge [sflag:s29], $0x1  }
0xca: {  	[sflag:s29] =	ssyncadd.s32 $0xFFFFFFFF  }
0xcb: {  	_ =	strace $0x9000004B  }
0xcc: {  	_ =	sfence  }
0xcd: {  	s30 =	sld [smem:$0x0];
	_ =	sdelay $0x2  }
0xce: {  	s31 =	sshll.u32 s1, $0xD;
	s1 =	sshrl.u32 s1, $0x2  }
0xcf: {  	s4 =	sand.u32 $0x4000, s31;
	s1 =	sadd.s32 s1, s30  }
0xd0: {  	s0 =	sor.u32 s4, s0;
	s1 =	sshll.u32 s1, $0x11  }
0xd1: {  	s0 =	sor.u32 s1, s0  }
0xd2: {  	s0 =	sadd.s32 $0x8F2B, s0  }
0xd3: {  	[sflag:s0] =	ssyncadd.remote.s32 $0x1  }
0xd4: {  	_ =	sfence.sel $0xFFFF  }
0xd5: {  	[dreg:$0x0] =	wrdreg $0xFFFFFFFF;
	(pc) =	sbr.abs _section_cstart, $3  }
0xd6: {  	[dreg:$0x1] =	wrdreg $0xFFFFFFFF  }
0xd7: {  	_ =	task.clear_ibuf [dreg:s22], $0x2FFFF;
	_ =	strace $0x9FFFFFFF  }
0xd8: {  	(tm) =	ssettm $0x7FFFFFFF  }
0xd9: {  	_ =	shalt  }
tec
execute0_lowered:
.L_overlay_start_1:
0x0: {  	(tag) =	ssettag $0x1  }
0x1: {  	s0 =	rddreg [dreg:$0x0]  }
0x2: {  	s2 =	rddreg [dreg:$0x2];
	s3 =	simm.s32 $0x0  }
0x3: {  	s4 =	srdreg.scid;
	s23 =	stileid.u32;
	s24 =	simm.s32 $0x80  }
0x4: {  	s25 =	simm.s32 $0x100;
	s26 =	simm.s32 $0x180;
	s13 =	simm.s32 $0x280  }
0x5: {  	s15 =	simm.s32 $0x900;
	s16 =	simm.s32 $0x300;
	s17 =	simm.s32 $0x980  }
0x6: {  	s18 =	simm.s32 $0x380;
	s19 =	simm.s32 $0xA00;
	s28 =	simm.s32 $0xC80  }
0x7: {  	s29 =	simm.s32 $0x680;
	s30 =	simm.s32 $0xD00;
	s31 =	simm.s32 $0x700  }
0x8: {  	[smem:$0x7FF] =	sst s3;
	s1 =	sadd.s32 $0x4000, s0;
	s5 =	sadd.s32 $0xA2200, s0  }
0x9: {  	s6 =	smul.u32 $0x4F000, s23;
	_ =	strace $0x8000004A;
	[dreg:$0x6] =	wrdreg s24  }
0xa: {  	s4 =	sand.u32 $0x1, s4;
	s10 =	smul.u32 $0xA000, s23;
	[dreg:$0x7] =	wrdreg s25  }
0xb: {  	s0 =	sadd.s32 $0xF0400, s0;
	s20 =	smul.u32 $0x2780, s23;
	[dreg:$0x8] =	wrdreg s26  }
0xc: {  	s21 =	sshll.u32 s23, $0x6;
	p0 =	seq.s32 s23, $0xF;
	[dreg:$0xb] =	wrdreg s13  }
0xd: {  	s23 =	simm.s32 $0x580;
	s8 =	smul.u32 $0x140000, s4;
	[dreg:$0xc] =	wrdreg s15  }
0xe: {  	s7 =	ssub.s32 $0x2, s4;
	s11 =	smul.u32 $0x27100, s4;
	[dreg:$0xd] =	wrdreg s16  }
0xf: {  	s4 =	smul.u32 $0x138800, s4;
	s13 =	simm.s32 $0x800;
	[dreg:$0xe] =	wrdreg s17  }
0x10: {  	s15 =	simm.s32 $0x1000;
	[dreg:$0xf] =	wrdreg s18;
	s16 =	simm.s32 $0x3000  }
0x11: {  	[dreg:$0x10] =	wrdreg s19;
	s17 =	simm.s32 $0x5000;
	s24 =	simm.s32 $0xB00  }
0x12: {  	s18 =	simm.s32 $0x7000;
	s25 =	simm.s32 $0x500;
	[dreg:$0x14] =	wrdreg s24  }
0x13: {  	s19 =	simm.s32 $0x1;
	s26 =	simm.s32 $0xB80;
	[dreg:$0x15] =	wrdreg s25  }
0x14: {  	s9 =	sshrl.u32 s7, $0x1;
	s6 =	sshrl.u32 s6, $0x2;
	[dreg:$0x16] =	wrdreg s26  }
0x15: {  	s24 =	simm.s32 $0xC00;
	s26 =	simm.s32 $0x600;
	s25 =	simm.s32 $0x0  }
0x16: {  	s7 =	ssub.s32 s7, s9;
	s12 =	sadd.s32 s6, s2;
	s8 =	sadd.s32 s10, s8  }
0x17: {  	s9 =	sadd.s32 s20, s11;
	s20 =	simm.s32 $0x400;
	[dreg:$0x17] =	wrdreg s12  }
0x18: {  	s10 =	sor.u32 $0x1C05, s21;
	s21 =	simm.s32 $0xA80;
	[dreg:$0x11] =	wrdreg s20  }
0x19: {  	s4 =	sshrl.u32 s4, $0x3;
	s22 =	sshrl.u32 s8, $0x3;
	[dreg:$0x12] =	wrdreg s21  }
0x1a: {  	s8 =	sadd.s32 $0xA0000, s8;
	s9 =	sadd.s32 s0, s9;
	[dreg:$0x18] =	wrdreg s10  }
0x1b: {  	s0 =	sadd.s32 s0, s4;
	s11 =	smax.u32 s7, $0x1;
	[dreg:$0x19] =	wrdreg s9  }
0x1c: {  	s14 =	sshrl.u32 s12, $0x3;
	s12 =	simm.s32 $0x5;
	[dreg:$0x1b] =	wrdreg s11  }
0x1d: {  	s20 =	simm.s32 $0x2;
	s6 =	sadd.s32 s22, s1;
	[dreg:$0x1c] =	wrdreg s14  }
0x1e: {  	s21 =	simm.s32 $0x3;
	s0 =	sadd.s32 $0x25080, s0;
	[dreg:$0x4] =	wrdreg s6  }
0x1f: {  	s4 =	simm.s32 $0x780;
	s9 =	simm.s32 $0x880;
	[dreg:$0x1a] =	wrdreg s0  }
0x20: {  	s8 =	sshrl.u32 s8, $0x3;
	s22 =	simm.s32 $0x480;
	[dreg:$0xa] =	wrdreg s9  }
0x21: {  	s14 =	simm.s32 $0x40;
	s1 =	sadd.s32 s8, s1;
	[dreg:$0x13] =	wrdreg s22  }
0x22: {  	s6 =	sadd.s32 $0x128400, s2;
	s8 =	simm.s32 $0x200;
	[dreg:$0x5] =	wrdreg s1  }
0x23: {  	s22 =	simm.s32 $0x4;
	s9 =	simm.s32 $0xF80;
	[dreg:$0x9] =	wrdreg s8  }
0x24: {  	s0 =	sshrl.u32 @p0 s6, $0x3;
	s1 =	simm.s32 $0xE00;
	s8 =	simm.s32 $0xE80  }
0x25: {  	s6 =	simm.s32 $0xF00;
	[dreg:$0x1d] =	wrdreg s0;
	s0 =	simm.s32 $0xD80  }
.LBB2_1:
0x26: {  	[dreg:$0x1e] =	wrdreg s25  }
0x27: {  	s7 =	rddreg [dreg:$0x1]  }
0x28: {  	s11 =	rddreg [dreg:$0x1c]  }
0x29: {  	[spmem:s11], [sflag:s10] =	dma.local [hbm:s7], $0x2780  }
0x2a: {  	_ =	swait.ge [sflag:s12], $0x2780  }
0x2b: {  	[sflag:s12] =	ssyncset.done $0x0  }
0x2c: {  	[sflag:s12] =	ssyncadd.s32 $0xFFFFD880  }
0x2d: {  	[bflag:$0x0] =	sbarrier.arrive $0xFFFF  }
0x2e: {  	s25 =	rddreg [dreg:$0x4]  }
0x2f: {  	s7 =	sadd.s32 $0x0, s25  }
0x30: {  	[tilespmem:s3], [sflag:$0x5] =	stream.linear.gather [hbm4b:s7+s3], $0x800, $0x38;
	[tilespmem:$0x1CC00] =	vst v63  }
0x31: {  	_ =	swait.ge [sflag:s12], $0x800  }
0x32: {  	s10 =	rddreg [dreg:$0x5];
	[sflag:s12] =	ssyncset.done $0x0  }
0x33: {  	[sflag:s12] =	ssyncadd.s32 $0xFFFFF800;
	s7 =	sadd.s32 $0x0, s10  }
0x34: {  	[tilespmem:s13], [sflag:$0x5] =	stream.linear.gather [hbm4b:s7+s3], $0x800, $0x38;
	[tilespmem:$0x1CC00] =	vst v63  }
0x35: {  	_ =	swait.ge [sflag:s12], $0x800  }
0x36: {  	[sflag:s12] =	ssyncset.done $0x0  }
0x37: {  	[sflag:s12] =	ssyncadd.s32 $0xFFFFF800  }
0x38: {  	[tilespmem:s15], [sflag:$0x1] =	stream.indirect.gather [hbm4b:s5+s14], $0x80, s3, s14, $0xb8;
	[tilespmem:$0x1CC00] =	vst v63  }
0x39: {  	s11 =	rddreg [dreg:$0x6]  }
0x3a: {  	[tilespmem:s16], [sflag:$0x2] =	stream.indirect.gather [hbm4b:s5+s14], $0x80, s11, s14, $0xb8;
	[tilespmem:$0x1CC00] =	vst v63  }
0x3b: {  	s25 =	rddreg [dreg:$0x7]  }
0x3c: {  	[tilespmem:s17], [sflag:$0x3] =	stream.indirect.gather [hbm4b:s5+s14], $0x80, s25, s14, $0xb8;
	[tilespmem:$0x1CC00] =	vst v63  }
0x3d: {  	s10 =	rddreg [dreg:$0x8]  }
0x3e: {  	[tilespmem:s18], [sflag:$0x4] =	stream.indirect.gather [hbm4b:s5+s14], $0x80, s10, s14, $0xb8;
	[tilespmem:$0x1CC00] =	vst v63  }
0x3f: {  	_ =	swait.ge [sflag:s19], $0x2000  }
0x40: {  	[sflag:s19] =	ssyncset.done $0x0  }
0x41: {  	[sflag:s19] =	ssyncadd.s32 $0xFFFFE000  }
0x42: {  	[spmem:s2] =	stream.indirect.scatter.add.f32 [tilespmem:s15], [sflag:$0x5], $0x80, s13, s14, $0xb8;
	[tilespmem:$0x1CC00] =	vst v63  }
0x43: {  	_ =	swait.ge [sflag:s12], $0x2000  }
0x44: {  	[sflag:s12] =	ssyncset.done $0x0  }
0x45: {  	s11 =	rddreg [dreg:$0x9];
	[sflag:s12] =	ssyncadd.s32 $0xFFFFE000  }
0x46: {  	[tilespmem:s15], [sflag:$0x1] =	stream.indirect.gather [hbm4b:s5+s14], $0x80, s11, s14, $0xb8;
	[tilespmem:$0x1CC00] =	vst v63  }
0x47: {  	_ =	swait.ge [sflag:s20], $0x2000  }
0x48: {  	[sflag:s20] =	ssyncset.done $0x0  }
0x49: {  	s25 =	rddreg [dreg:$0xa];
	[sflag:s20] =	ssyncadd.s32 $0xFFFFE000  }
0x4a: {  	[spmem:s2] =	stream.indirect.scatter.add.f32 [tilespmem:s16], [sflag:$0x5], $0x80, s25, s14, $0xb8;
	[tilespmem:$0x1CC00] =	vst v63  }
0x4b: {  	_ =	swait.ge [sflag:s12], $0x2000  }
0x4c: {  	[sflag:s12] =	ssyncset.done $0x0  }
0x4d: {  	s10 =	rddreg [dreg:$0xb];
	[sflag:s12] =	ssyncadd.s32 $0xFFFFE000  }
0x4e: {  	[tilespmem:s16], [sflag:$0x2] =	stream.indirect.gather [hbm4b:s5+s14], $0x80, s10, s14, $0xb8;
	[tilespmem:$0x1CC00] =	vst v63  }
0x4f: {  	_ =	swait.ge [sflag:s21], $0x2000  }
0x50: {  	[sflag:s21] =	ssyncset.done $0x0  }
0x51: {  	s11 =	rddreg [dreg:$0xc];
	[sflag:s21] =	ssyncadd.s32 $0xFFFFE000  }
0x52: {  	[spmem:s2] =	stream.indirect.scatter.add.f32 [tilespmem:s17], [sflag:$0x5], $0x80, s11, s14, $0xb8;
	[tilespmem:$0x1CC00] =	vst v63  }
0x53: {  	_ =	swait.ge [sflag:s12], $0x2000  }
0x54: {  	[sflag:s12] =	ssyncset.done $0x0  }
0x55: {  	s25 =	rddreg [dreg:$0xd];
	[sflag:s12] =	ssyncadd.s32 $0xFFFFE000  }
0x56: {  	[tilespmem:s17], [sflag:$0x3] =	stream.indirect.gather [hbm4b:s5+s14], $0x80, s25, s14, $0xb8;
	[tilespmem:$0x1CC00] =	vst v63  }
0x57: {  	_ =	swait.ge [sflag:s22], $0x2000  }
0x58: {  	[sflag:s22] =	ssyncset.done $0x0  }
0x59: {  	s10 =	rddreg [dreg:$0xe];
	[sflag:s22] =	ssyncadd.s32 $0xFFFFE000  }
0x5a: {  	[spmem:s2] =	stream.indirect.scatter.add.f32 [tilespmem:s18], [sflag:$0x5], $0x80, s10, s14, $0xb8;
	[tilespmem:$0x1CC00] =	vst v63  }
0x5b: {  	_ =	swait.ge [sflag:s12], $0x2000  }
0x5c: {  	[sflag:s12] =	ssyncset.done $0x0  }
0x5d: {  	s11 =	rddreg [dreg:$0xf];
	[sflag:s12] =	ssyncadd.s32 $0xFFFFE000  }
0x5e: {  	[tilespmem:s18], [sflag:$0x4] =	stream.indirect.gather [hbm4b:s5+s14], $0x80, s11, s14, $0xb8;
	[tilespmem:$0x1CC00] =	vst v63  }
0x5f: {  	_ =	swait.ge [sflag:s19], $0x2000  }
0x60: {  	[sflag:s19] =	ssyncset.done $0x0  }
0x61: {  	s25 =	rddreg [dreg:$0x10];
	[sflag:s19] =	ssyncadd.s32 $0xFFFFE000  }
0x62: {  	[spmem:s2] =	stream.indirect.scatter.add.f32 [tilespmem:s15], [sflag:$0x5], $0x80, s25, s14, $0xb8;
	[tilespmem:$0x1CC00] =	vst v63  }
0x63: {  	_ =	swait.ge [sflag:s12], $0x2000  }
0x64: {  	[sflag:s12] =	ssyncset.done $0x0  }
0x65: {  	s10 =	rddreg [dreg:$0x11];
	[sflag:s12] =	ssyncadd.s32 $0xFFFFE000  }
0x66: {  	[tilespmem:s15], [sflag:$0x1] =	stream.indirect.gather [hbm4b:s5+s14], $0x80, s10, s14, $0xb8;
	[tilespmem:$0x1CC00] =	vst v63  }
0x67: {  	_ =	swait.ge [sflag:s20], $0x2000  }
0x68: {  	[sflag:s20] =	ssyncset.done $0x0  }
0x69: {  	s11 =	rddreg [dreg:$0x12];
	[sflag:s20] =	ssyncadd.s32 $0xFFFFE000  }
0x6a: {  	[spmem:s2] =	stream.indirect.scatter.add.f32 [tilespmem:s16], [sflag:$0x5], $0x80, s11, s14, $0xb8;
	[tilespmem:$0x1CC00] =	vst v63  }
0x6b: {  	_ =	swait.ge [sflag:s12], $0x2000  }
0x6c: {  	[sflag:s12] =	ssyncset.done $0x0  }
0x6d: {  	s25 =	rddreg [dreg:$0x13];
	[sflag:s12] =	ssyncadd.s32 $0xFFFFE000  }
0x6e: {  	[tilespmem:s16], [sflag:$0x2] =	stream.indirect.gather [hbm4b:s5+s14], $0x80, s25, s14, $0xb8;
	[tilespmem:$0x1CC00] =	vst v63  }
0x6f: {  	_ =	swait.ge [sflag:s21], $0x2000  }
0x70: {  	[sflag:s21] =	ssyncset.done $0x0  }
0x71: {  	s10 =	rddreg [dreg:$0x14];
	[sflag:s21] =	ssyncadd.s32 $0xFFFFE000  }
0x72: {  	[spmem:s2] =	stream.indirect.scatter.add.f32 [tilespmem:s17], [sflag:$0x5], $0x80, s10, s14, $0xb8;
	[tilespmem:$0x1CC00] =	vst v63  }
0x73: {  	_ =	swait.ge [sflag:s12], $0x2000  }
0x74: {  	[sflag:s12] =	ssyncset.done $0x0  }
0x75: {  	s11 =	rddreg [dreg:$0x15];
	[sflag:s12] =	ssyncadd.s32 $0xFFFFE000  }
0x76: {  	[tilespmem:s17], [sflag:$0x3] =	stream.indirect.gather [hbm4b:s5+s14], $0x80, s11, s14, $0xb8;
	[tilespmem:$0x1CC00] =	vst v63  }
0x77: {  	_ =	swait.ge [sflag:s22], $0x2000  }
0x78: {  	[sflag:s22] =	ssyncset.done $0x0  }
0x79: {  	s25 =	rddreg [dreg:$0x16];
	[sflag:s22] =	ssyncadd.s32 $0xFFFFE000  }
0x7a: {  	[spmem:s2] =	stream.indirect.scatter.add.f32 [tilespmem:s18], [sflag:$0x5], $0x80, s25, s14, $0xb8;
	[tilespmem:$0x1CC00] =	vst v63  }
0x7b: {  	_ =	swait.ge [sflag:s12], $0x2000  }
0x7c: {  	[sflag:s12] =	ssyncset.done $0x0  }
0x7d: {  	[sflag:s12] =	ssyncadd.s32 $0xFFFFE000  }
0x7e: {  	[tilespmem:s18], [sflag:$0x4] =	stream.indirect.gather [hbm4b:s5+s14], $0x80, s23, s14, $0xb8;
	[tilespmem:$0x1CC00] =	vst v63  }
0x7f: {  	_ =	swait.ge [sflag:s19], $0x2000  }
0x80: {  	[sflag:s19] =	ssyncset.done $0x0  }
0x81: {  	[sflag:s19] =	ssyncadd.s32 $0xFFFFE000  }
0x82: {  	[spmem:s2] =	stream.indirect.scatter.add.f32 [tilespmem:s15], [sflag:$0x5], $0x80, s24, s14, $0xb8;
	[tilespmem:$0x1CC00] =	vst v63  }
0x83: {  	_ =	swait.ge [sflag:s12], $0x2000  }
0x84: {  	[sflag:s12] =	ssyncset.done $0x0  }
0x85: {  	[sflag:s12] =	ssyncadd.s32 $0xFFFFE000  }
0x86: {  	[tilespmem:s15], [sflag:$0x1] =	stream.indirect.gather [hbm4b:s5+s14], $0x80, s26, s14, $0xb8;
	[tilespmem:$0x1CC00] =	vst v63  }
0x87: {  	_ =	swait.ge [sflag:s20], $0x2000  }
0x88: {  	[sflag:s20] =	ssyncset.done $0x0  }
0x89: {  	[sflag:s20] =	ssyncadd.s32 $0xFFFFE000  }
0x8a: {  	[spmem:s2] =	stream.indirect.scatter.add.f32 [tilespmem:s16], [sflag:$0x5], $0x80, s28, s14, $0xb8;
	[tilespmem:$0x1CC00] =	vst v63  }
0x8b: {  	_ =	swait.ge [sflag:s12], $0x2000  }
0x8c: {  	[sflag:s12] =	ssyncset.done $0x0  }
0x8d: {  	[sflag:s12] =	ssyncadd.s32 $0xFFFFE000  }
0x8e: {  	[tilespmem:s16], [sflag:$0x2] =	stream.indirect.gather [hbm4b:s5+s14], $0x80, s29, s14, $0xb8;
	[tilespmem:$0x1CC00] =	vst v63  }
0x8f: {  	_ =	swait.ge [sflag:s21], $0x2000  }
0x90: {  	[sflag:s21] =	ssyncset.done $0x0  }
0x91: {  	[sflag:s21] =	ssyncadd.s32 $0xFFFFE000  }
0x92: {  	[spmem:s2] =	stream.indirect.scatter.add.f32 [tilespmem:s17], [sflag:$0x5], $0x80, s30, s14, $0xb8;
	[tilespmem:$0x1CC00] =	vst v63  }
0x93: {  	_ =	swait.ge [sflag:s12], $0x2000  }
0x94: {  	[sflag:s12] =	ssyncset.done $0x0  }
0x95: {  	[sflag:s12] =	ssyncadd.s32 $0xFFFFE000  }
0x96: {  	[tilespmem:s17], [sflag:$0x3] =	stream.indirect.gather [hbm4b:s5+s14], $0x80, s31, s14, $0xb8;
	[tilespmem:$0x1CC00] =	vst v63  }
0x97: {  	_ =	swait.ge [sflag:s22], $0x2000  }
0x98: {  	[sflag:s22] =	ssyncset.done $0x0  }
0x99: {  	[sflag:s22] =	ssyncadd.s32 $0xFFFFE000  }
0x9a: {  	[spmem:s2] =	stream.indirect.scatter.add.f32 [tilespmem:s18], [sflag:$0x5], $0x80, s0, s14, $0xb8;
	[tilespmem:$0x1CC00] =	vst v63  }
0x9b: {  	_ =	swait.ge [sflag:s12], $0x2000  }
0x9c: {  	[sflag:s12] =	ssyncset.done $0x0  }
0x9d: {  	[sflag:s12] =	ssyncadd.s32 $0xFFFFE000  }
0x9e: {  	[tilespmem:s18], [sflag:$0x4] =	stream.indirect.gather [hbm4b:s5+s14], $0x80, s4, s14, $0xb8;
	[tilespmem:$0x1CC00] =	vst v63  }
0x9f: {  	_ =	swait.ge [sflag:s19], $0x2000  }
0xa0: {  	[sflag:s19] =	ssyncset.done $0x0  }
0xa1: {  	[sflag:s19] =	ssyncadd.s32 $0xFFFFE000  }
0xa2: {  	[spmem:s2] =	stream.indirect.scatter.add.f32 [tilespmem:s15], [sflag:$0x5], $0x80, s1, s14, $0xb8;
	[tilespmem:$0x1CC00] =	vst v63  }
0xa3: {  	_ =	swait.ge [sflag:s12], $0x2000  }
0xa4: {  	[sflag:s12] =	ssyncset.done $0x0  }
0xa5: {  	[sflag:s12] =	ssyncadd.s32 $0xFFFFE000  }
0xa6: {  	_ =	swait.ge [sflag:s20], $0x2000  }
0xa7: {  	[sflag:s20] =	ssyncset.done $0x0  }
0xa8: {  	[sflag:s20] =	ssyncadd.s32 $0xFFFFE000  }
0xa9: {  	[spmem:s2] =	stream.indirect.scatter.add.f32 [tilespmem:s16], [sflag:$0x5], $0x80, s8, s14, $0xb8;
	[tilespmem:$0x1CC00] =	vst v63  }
0xaa: {  	_ =	swait.ge [sflag:s12], $0x2000  }
0xab: {  	[sflag:s12] =	ssyncset.done $0x0  }
0xac: {  	[sflag:s12] =	ssyncadd.s32 $0xFFFFE000  }
0xad: {  	_ =	swait.ge [sflag:s21], $0x2000  }
0xae: {  	[sflag:s21] =	ssyncset.done $0x0  }
0xaf: {  	[sflag:s21] =	ssyncadd.s32 $0xFFFFE000  }
0xb0: {  	[spmem:s2] =	stream.indirect.scatter.add.f32 [tilespmem:s17], [sflag:$0x5], $0x80, s6, s14, $0xb8;
	[tilespmem:$0x1CC00] =	vst v63  }
0xb1: {  	_ =	swait.ge [sflag:s12], $0x2000  }
0xb2: {  	[sflag:s12] =	ssyncset.done $0x0  }
0xb3: {  	[sflag:s12] =	ssyncadd.s32 $0xFFFFE000  }
0xb4: {  	_ =	swait.ge [sflag:s22], $0x2000  }
0xb5: {  	[sflag:s22] =	ssyncset.done $0x0  }
0xb6: {  	[sflag:s22] =	ssyncadd.s32 $0xFFFFE000  }
0xb7: {  	[spmem:s2] =	stream.indirect.scatter.add.f32 [tilespmem:s18], [sflag:$0x5], $0x80, s9, s14, $0xb8;
	[tilespmem:$0x1CC00] =	vst v63  }
0xb8: {  	s11 =	simm.s32 $0x100;
	_ =	swait.ge [sflag:s12], $0x2000  }
0xb9: {  	s25 =	simm.s32 $0x200;
	s7 =	rddreg [dreg:$0x4];
	[sflag:s12] =	ssyncset.done $0x0  }
.LBB2_2:
0xba: {  	[sflag:s12] =	ssyncadd.s32 $0xFFFFE000;
	s7 =	sadd.s32 s11, s7  }
0xbb: {  	[tilespmem:s3], [sflag:$0x5] =	stream.linear.gather [hbm4b:s7+s3], $0x800, $0x38;
	[tilespmem:$0x1CC00] =	vst v63  }
0xbc: {  	_ =	swait.ge [sflag:s12], $0x800  }
0xbd: {  	s7 =	rddreg [dreg:$0x5];
	[sflag:s12] =	ssyncset.done $0x0  }
0xbe: {  	[sflag:s12] =	ssyncadd.s32 $0xFFFFF800;
	s7 =	sadd.s32 s11, s7  }
0xbf: {  	[tilespmem:s13], [sflag:$0x5] =	stream.linear.gather [hbm4b:s7+s3], $0x800, $0x38;
	[tilespmem:$0x1CC00] =	vst v63  }
0xc0: {  	_ =	swait.ge [sflag:s12], $0x800  }
0xc1: {  	[sflag:s12] =	ssyncset.done $0x0  }
0xc2: {  	[sflag:s12] =	ssyncadd.s32 $0xFFFFF800  }
0xc3: {  	[tilespmem:s15], [sflag:$0x1] =	stream.indirect.gather [hbm4b:s5+s14], $0x80, s3, s14, $0xb8;
	[tilespmem:$0x1CC00] =	vst v63  }
0xc4: {  	s10 =	smov.u32 s25;
	s7 =	rddreg [dreg:$0x6]  }
0xc5: {  	[tilespmem:s16], [sflag:$0x2] =	stream.indirect.gather [hbm4b:s5+s14], $0x80, s7, s14, $0xb8;
	[tilespmem:$0x1CC00] =	vst v63  }
0xc6: {  	s11 =	smov.u32 s10;
	s10 =	rddreg [dreg:$0x7]  }
0xc7: {  	[tilespmem:s17], [sflag:$0x3] =	stream.indirect.gather [hbm4b:s5+s14], $0x80, s10, s14, $0xb8;
	[tilespmem:$0x1CC00] =	vst v63  }
0xc8: {  	s7 =	rddreg [dreg:$0x8]  }
0xc9: {  	[tilespmem:s18], [sflag:$0x4] =	stream.indirect.gather [hbm4b:s5+s14], $0x80, s7, s14, $0xb8;
	[tilespmem:$0x1CC00] =	vst v63  }
0xca: {  	_ =	swait.ge [sflag:s19], $0x2000  }
0xcb: {  	[sflag:s19] =	ssyncset.done $0x0  }
0xcc: {  	[sflag:s19] =	ssyncadd.s32 $0xFFFFE000  }
0xcd: {  	[spmem:s2] =	stream.indirect.scatter.add.f32 [tilespmem:s15], [sflag:$0x5], $0x80, s13, s14, $0xb8;
	[tilespmem:$0x1CC00] =	vst v63  }
0xce: {  	_ =	swait.ge [sflag:s12], $0x2000  }
0xcf: {  	[sflag:s12] =	ssyncset.done $0x0  }
0xd0: {  	s10 =	rddreg [dreg:$0x9];
	[sflag:s12] =	ssyncadd.s32 $0xFFFFE000  }
0xd1: {  	[tilespmem:s15], [sflag:$0x1] =	stream.indirect.gather [hbm4b:s5+s14], $0x80, s10, s14, $0xb8;
	[tilespmem:$0x1CC00] =	vst v63  }
0xd2: {  	_ =	swait.ge [sflag:s20], $0x2000  }
0xd3: {  	[sflag:s20] =	ssyncset.done $0x0  }
0xd4: {  	s10 =	rddreg [dreg:$0xa];
	[sflag:s20] =	ssyncadd.s32 $0xFFFFE000  }
0xd5: {  	[spmem:s2] =	stream.indirect.scatter.add.f32 [tilespmem:s16], [sflag:$0x5], $0x80, s10, s14, $0xb8;
	[tilespmem:$0x1CC00] =	vst v63  }
0xd6: {  	_ =	swait.ge [sflag:s12], $0x2000  }
0xd7: {  	[sflag:s12] =	ssyncset.done $0x0  }
0xd8: {  	s10 =	rddreg [dreg:$0xb];
	[sflag:s12] =	ssyncadd.s32 $0xFFFFE000  }
0xd9: {  	[tilespmem:s16], [sflag:$0x2] =	stream.indirect.gather [hbm4b:s5+s14], $0x80, s10, s14, $0xb8;
	[tilespmem:$0x1CC00] =	vst v63  }
0xda: {  	_ =	swait.ge [sflag:s21], $0x2000  }
0xdb: {  	[sflag:s21] =	ssyncset.done $0x0  }
0xdc: {  	s10 =	rddreg [dreg:$0xc];
	[sflag:s21] =	ssyncadd.s32 $0xFFFFE000  }
0xdd: {  	[spmem:s2] =	stream.indirect.scatter.add.f32 [tilespmem:s17], [sflag:$0x5], $0x80, s10, s14, $0xb8;
	[tilespmem:$0x1CC00] =	vst v63  }
0xde: {  	_ =	swait.ge [sflag:s12], $0x2000  }
0xdf: {  	[sflag:s12] =	ssyncset.done $0x0  }
0xe0: {  	s10 =	rddreg [dreg:$0xd];
	[sflag:s12] =	ssyncadd.s32 $0xFFFFE000  }
0xe1: {  	[tilespmem:s17], [sflag:$0x3] =	stream.indirect.gather [hbm4b:s5+s14], $0x80, s10, s14, $0xb8;
	[tilespmem:$0x1CC00] =	vst v63  }
0xe2: {  	_ =	swait.ge [sflag:s22], $0x2000  }
0xe3: {  	[sflag:s22] =	ssyncset.done $0x0  }
0xe4: {  	s10 =	rddreg [dreg:$0xe];
	[sflag:s22] =	ssyncadd.s32 $0xFFFFE000  }
0xe5: {  	[spmem:s2] =	stream.indirect.scatter.add.f32 [tilespmem:s18], [sflag:$0x5], $0x80, s10, s14, $0xb8;
	[tilespmem:$0x1CC00] =	vst v63  }
0xe6: {  	_ =	swait.ge [sflag:s12], $0x2000  }
0xe7: {  	[sflag:s12] =	ssyncset.done $0x0  }
0xe8: {  	s10 =	rddreg [dreg:$0xf];
	[sflag:s12] =	ssyncadd.s32 $0xFFFFE000  }
0xe9: {  	[tilespmem:s18], [sflag:$0x4] =	stream.indirect.gather [hbm4b:s5+s14], $0x80, s10, s14, $0xb8;
	[tilespmem:$0x1CC00] =	vst v63  }
0xea: {  	_ =	swait.ge [sflag:s19], $0x2000  }
0xeb: {  	[sflag:s19] =	ssyncset.done $0x0  }
0xec: {  	s10 =	rddreg [dreg:$0x10];
	[sflag:s19] =	ssyncadd.s32 $0xFFFFE000  }
0xed: {  	[spmem:s2] =	stream.indirect.scatter.add.f32 [tilespmem:s15], [sflag:$0x5], $0x80, s10, s14, $0xb8;
	[tilespmem:$0x1CC00] =	vst v63  }
0xee: {  	_ =	swait.ge [sflag:s12], $0x2000  }
0xef: {  	[sflag:s12] =	ssyncset.done $0x0  }
0xf0: {  	s10 =	rddreg [dreg:$0x11];
	[sflag:s12] =	ssyncadd.s32 $0xFFFFE000  }
0xf1: {  	[tilespmem:s15], [sflag:$0x1] =	stream.indirect.gather [hbm4b:s5+s14], $0x80, s10, s14, $0xb8;
	[tilespmem:$0x1CC00] =	vst v63  }
0xf2: {  	_ =	swait.ge [sflag:s20], $0x2000  }
0xf3: {  	[sflag:s20] =	ssyncset.done $0x0  }
0xf4: {  	s10 =	rddreg [dreg:$0x12];
	[sflag:s20] =	ssyncadd.s32 $0xFFFFE000  }
0xf5: {  	[spmem:s2] =	stream.indirect.scatter.add.f32 [tilespmem:s16], [sflag:$0x5], $0x80, s10, s14, $0xb8;
	[tilespmem:$0x1CC00] =	vst v63  }
0xf6: {  	_ =	swait.ge [sflag:s12], $0x2000  }
0xf7: {  	[sflag:s12] =	ssyncset.done $0x0  }
0xf8: {  	s10 =	rddreg [dreg:$0x13];
	[sflag:s12] =	ssyncadd.s32 $0xFFFFE000  }
0xf9: {  	[tilespmem:s16], [sflag:$0x2] =	stream.indirect.gather [hbm4b:s5+s14], $0x80, s10, s14, $0xb8;
	[tilespmem:$0x1CC00] =	vst v63  }
0xfa: {  	_ =	swait.ge [sflag:s21], $0x2000  }
0xfb: {  	[sflag:s21] =	ssyncset.done $0x0  }
0xfc: {  	s10 =	rddreg [dreg:$0x14];
	[sflag:s21] =	ssyncadd.s32 $0xFFFFE000  }
0xfd: {  	[spmem:s2] =	stream.indirect.scatter.add.f32 [tilespmem:s17], [sflag:$0x5], $0x80, s10, s14, $0xb8;
	[tilespmem:$0x1CC00] =	vst v63  }
0xfe: {  	_ =	swait.ge [sflag:s12], $0x2000  }
0xff: {  	[sflag:s12] =	ssyncset.done $0x0  }
0x100: {  	s10 =	rddreg [dreg:$0x15];
	[sflag:s12] =	ssyncadd.s32 $0xFFFFE000  }
0x101: {  	[tilespmem:s17], [sflag:$0x3] =	stream.indirect.gather [hbm4b:s5+s14], $0x80, s10, s14, $0xb8;
	[tilespmem:$0x1CC00] =	vst v63  }
0x102: {  	_ =	swait.ge [sflag:s22], $0x2000  }
0x103: {  	[sflag:s22] =	ssyncset.done $0x0  }
0x104: {  	s10 =	rddreg [dreg:$0x16];
	[sflag:s22] =	ssyncadd.s32 $0xFFFFE000  }
0x105: {  	[spmem:s2] =	stream.indirect.scatter.add.f32 [tilespmem:s18], [sflag:$0x5], $0x80, s10, s14, $0xb8;
	[tilespmem:$0x1CC00] =	vst v63  }
0x106: {  	_ =	swait.ge [sflag:s12], $0x2000  }
0x107: {  	[sflag:s12] =	ssyncset.done $0x0  }
0x108: {  	[sflag:s12] =	ssyncadd.s32 $0xFFFFE000  }
0x109: {  	[tilespmem:s18], [sflag:$0x4] =	stream.indirect.gather [hbm4b:s5+s14], $0x80, s23, s14, $0xb8;
	[tilespmem:$0x1CC00] =	vst v63  }
0x10a: {  	_ =	swait.ge [sflag:s19], $0x2000  }
0x10b: {  	[sflag:s19] =	ssyncset.done $0x0  }
0x10c: {  	[sflag:s19] =	ssyncadd.s32 $0xFFFFE000  }
0x10d: {  	[spmem:s2] =	stream.indirect.scatter.add.f32 [tilespmem:s15], [sflag:$0x5], $0x80, s24, s14, $0xb8;
	[tilespmem:$0x1CC00] =	vst v63  }
0x10e: {  	_ =	swait.ge [sflag:s12], $0x2000  }
0x10f: {  	[sflag:s12] =	ssyncset.done $0x0  }
0x110: {  	[sflag:s12] =	ssyncadd.s32 $0xFFFFE000  }
0x111: {  	[tilespmem:s15], [sflag:$0x1] =	stream.indirect.gather [hbm4b:s5+s14], $0x80, s26, s14, $0xb8;
	[tilespmem:$0x1CC00] =	vst v63  }
0x112: {  	_ =	swait.ge [sflag:s20], $0x2000  }
0x113: {  	[sflag:s20] =	ssyncset.done $0x0  }
0x114: {  	[sflag:s20] =	ssyncadd.s32 $0xFFFFE000  }
0x115: {  	[spmem:s2] =	stream.indirect.scatter.add.f32 [tilespmem:s16], [sflag:$0x5], $0x80, s28, s14, $0xb8;
	[tilespmem:$0x1CC00] =	vst v63  }
0x116: {  	_ =	swait.ge [sflag:s12], $0x2000  }
0x117: {  	[sflag:s12] =	ssyncset.done $0x0  }
0x118: {  	[sflag:s12] =	ssyncadd.s32 $0xFFFFE000  }
0x119: {  	[tilespmem:s16], [sflag:$0x2] =	stream.indirect.gather [hbm4b:s5+s14], $0x80, s29, s14, $0xb8;
	[tilespmem:$0x1CC00] =	vst v63  }
0x11a: {  	_ =	swait.ge [sflag:s21], $0x2000  }
0x11b: {  	[sflag:s21] =	ssyncset.done $0x0  }
0x11c: {  	[sflag:s21] =	ssyncadd.s32 $0xFFFFE000  }
0x11d: {  	[spmem:s2] =	stream.indirect.scatter.add.f32 [tilespmem:s17], [sflag:$0x5], $0x80, s30, s14, $0xb8;
	[tilespmem:$0x1CC00] =	vst v63  }
0x11e: {  	_ =	swait.ge [sflag:s12], $0x2000  }
0x11f: {  	[sflag:s12] =	ssyncset.done $0x0  }
0x120: {  	[sflag:s12] =	ssyncadd.s32 $0xFFFFE000  }
0x121: {  	[tilespmem:s17], [sflag:$0x3] =	stream.indirect.gather [hbm4b:s5+s14], $0x80, s31, s14, $0xb8;
	[tilespmem:$0x1CC00] =	vst v63  }
0x122: {  	_ =	swait.ge [sflag:s22], $0x2000  }
0x123: {  	[sflag:s22] =	ssyncset.done $0x0  }
0x124: {  	[sflag:s22] =	ssyncadd.s32 $0xFFFFE000  }
0x125: {  	[spmem:s2] =	stream.indirect.scatter.add.f32 [tilespmem:s18], [sflag:$0x5], $0x80, s0, s14, $0xb8;
	[tilespmem:$0x1CC00] =	vst v63  }
0x126: {  	_ =	swait.ge [sflag:s12], $0x2000  }
0x127: {  	[sflag:s12] =	ssyncset.done $0x0  }
0x128: {  	[sflag:s12] =	ssyncadd.s32 $0xFFFFE000  }
0x129: {  	[tilespmem:s18], [sflag:$0x4] =	stream.indirect.gather [hbm4b:s5+s14], $0x80, s4, s14, $0xb8;
	[tilespmem:$0x1CC00] =	vst v63  }
0x12a: {  	_ =	swait.ge [sflag:s19], $0x2000  }
0x12b: {  	[sflag:s19] =	ssyncset.done $0x0  }
0x12c: {  	[sflag:s19] =	ssyncadd.s32 $0xFFFFE000  }
0x12d: {  	[spmem:s2] =	stream.indirect.scatter.add.f32 [tilespmem:s15], [sflag:$0x5], $0x80, s1, s14, $0xb8;
	[tilespmem:$0x1CC00] =	vst v63  }
0x12e: {  	_ =	swait.ge [sflag:s12], $0x2000  }
0x12f: {  	[sflag:s12] =	ssyncset.done $0x0  }
0x130: {  	[sflag:s12] =	ssyncadd.s32 $0xFFFFE000  }
0x131: {  	_ =	swait.ge [sflag:s20], $0x2000  }
0x132: {  	[sflag:s20] =	ssyncset.done $0x0  }
0x133: {  	[sflag:s20] =	ssyncadd.s32 $0xFFFFE000  }
0x134: {  	[spmem:s2] =	stream.indirect.scatter.add.f32 [tilespmem:s16], [sflag:$0x5], $0x80, s8, s14, $0xb8;
	[tilespmem:$0x1CC00] =	vst v63  }
0x135: {  	_ =	swait.ge [sflag:s12], $0x2000  }
0x136: {  	[sflag:s12] =	ssyncset.done $0x0  }
0x137: {  	[sflag:s12] =	ssyncadd.s32 $0xFFFFE000  }
0x138: {  	_ =	swait.ge [sflag:s21], $0x2000  }
0x139: {  	[sflag:s21] =	ssyncset.done $0x0  }
0x13a: {  	[sflag:s21] =	ssyncadd.s32 $0xFFFFE000  }
0x13b: {  	[spmem:s2] =	stream.indirect.scatter.add.f32 [tilespmem:s17], [sflag:$0x5], $0x80, s6, s14, $0xb8;
	[tilespmem:$0x1CC00] =	vst v63  }
0x13c: {  	_ =	swait.ge [sflag:s12], $0x2000  }
0x13d: {  	[sflag:s12] =	ssyncset.done $0x0  }
0x13e: {  	[sflag:s12] =	ssyncadd.s32 $0xFFFFE000  }
0x13f: {  	p1 =	sne.s32 s25, $0x1300;
	_ =	swait.ge [sflag:s22], $0x2000  }
.Ltmp0:
0x140: {  	[sflag:s22] =	ssyncset.done $0x0;
	(pc) =	sbr.rel @p1 .LBB2_2-.Ltmp0, $4  }
0x141: {  	[sflag:s22] =	ssyncadd.s32 $0xFFFFE000  }
0x142: {  	[spmem:s2] =	stream.indirect.scatter.add.f32 [tilespmem:s18], [sflag:$0x5], $0x80, s9, s14, $0xb8;
	[tilespmem:$0x1CC00] =	vst v63  }
0x143: {  	_ =	swait.ge [sflag:s12], $0x2000  }
0x144: {  	s25 =	sadd.s32 $0x100, s25;
	s7 =	rddreg [dreg:$0x4];
	[sflag:s12] =	ssyncset.done $0x0  }
0x145: {  	[sflag:s12] =	ssyncadd.s32 $0xFFFFE000;
	s7 =	sadd.s32 s11, s7  }
0x146: {  	[tilespmem:s3], [sflag:$0x5] =	stream.linear.gather [hbm4b:s7+s3], $0x800, $0x38;
	[tilespmem:$0x1CC00] =	vst v63  }
0x147: {  	_ =	swait.ge [sflag:s12], $0x800  }
0x148: {  	s10 =	rddreg [dreg:$0x5];
	[sflag:s12] =	ssyncset.done $0x0  }
0x149: {  	[sflag:s12] =	ssyncadd.s32 $0xFFFFF800;
	s7 =	sadd.s32 s11, s10  }
0x14a: {  	[tilespmem:s13], [sflag:$0x5] =	stream.linear.gather [hbm4b:s7+s3], $0x800, $0x38;
	[tilespmem:$0x1CC00] =	vst v63  }
0x14b: {  	_ =	swait.ge [sflag:s12], $0x800  }
0x14c: {  	[sflag:s12] =	ssyncset.done $0x0  }
0x14d: {  	[sflag:s12] =	ssyncadd.s32 $0xFFFFF800  }
0x14e: {  	[tilespmem:s15], [sflag:$0x1] =	stream.indirect.gather [hbm4b:s5+s14], $0x80, s3, s14, $0xb8;
	[tilespmem:$0x1CC00] =	vst v63  }
0x14f: {  	s11 =	rddreg [dreg:$0x6]  }
0x150: {  	[tilespmem:s16], [sflag:$0x2] =	stream.indirect.gather [hbm4b:s5+s14], $0x80, s11, s14, $0xb8;
	[tilespmem:$0x1CC00] =	vst v63  }
0x151: {  	s10 =	rddreg [dreg:$0x7]  }
0x152: {  	[tilespmem:s17], [sflag:$0x3] =	stream.indirect.gather [hbm4b:s5+s14], $0x80, s10, s14, $0xb8;
	[tilespmem:$0x1CC00] =	vst v63  }
0x153: {  	s25 =	rddreg [dreg:$0x8]  }
0x154: {  	[tilespmem:s18], [sflag:$0x4] =	stream.indirect.gather [hbm4b:s5+s14], $0x80, s25, s14, $0xb8;
	[tilespmem:$0x1CC00] =	vst v63  }
0x155: {  	_ =	swait.ge [sflag:s19], $0x2000  }
0x156: {  	[sflag:s19] =	ssyncset.done $0x0  }
0x157: {  	[sflag:s19] =	ssyncadd.s32 $0xFFFFE000  }
0x158: {  	[spmem:s2] =	stream.indirect.scatter.add.f32 [tilespmem:s15], [sflag:$0x5], $0x80, s13, s14, $0xb8;
	[tilespmem:$0x1CC00] =	vst v63  }
0x159: {  	_ =	swait.ge [sflag:s12], $0x2000  }
0x15a: {  	[sflag:s12] =	ssyncset.done $0x0  }
0x15b: {  	s11 =	rddreg [dreg:$0x9];
	[sflag:s12] =	ssyncadd.s32 $0xFFFFE000  }
0x15c: {  	[tilespmem:s15], [sflag:$0x1] =	stream.indirect.gather [hbm4b:s5+s14], $0x80, s11, s14, $0xb8;
	[tilespmem:$0x1CC00] =	vst v63  }
0x15d: {  	_ =	swait.ge [sflag:s20], $0x2000  }
0x15e: {  	[sflag:s20] =	ssyncset.done $0x0  }
0x15f: {  	s25 =	rddreg [dreg:$0xa];
	[sflag:s20] =	ssyncadd.s32 $0xFFFFE000  }
0x160: {  	[spmem:s2] =	stream.indirect.scatter.add.f32 [tilespmem:s16], [sflag:$0x5], $0x80, s25, s14, $0xb8;
	[tilespmem:$0x1CC00] =	vst v63  }
0x161: {  	_ =	swait.ge [sflag:s12], $0x2000  }
0x162: {  	[sflag:s12] =	ssyncset.done $0x0  }
0x163: {  	s10 =	rddreg [dreg:$0xb];
	[sflag:s12] =	ssyncadd.s32 $0xFFFFE000  }
0x164: {  	[tilespmem:s16], [sflag:$0x2] =	stream.indirect.gather [hbm4b:s5+s14], $0x80, s10, s14, $0xb8;
	[tilespmem:$0x1CC00] =	vst v63  }
0x165: {  	_ =	swait.ge [sflag:s21], $0x2000  }
0x166: {  	[sflag:s21] =	ssyncset.done $0x0  }
0x167: {  	s11 =	rddreg [dreg:$0xc];
	[sflag:s21] =	ssyncadd.s32 $0xFFFFE000  }
0x168: {  	[spmem:s2] =	stream.indirect.scatter.add.f32 [tilespmem:s17], [sflag:$0x5], $0x80, s11, s14, $0xb8;
	[tilespmem:$0x1CC00] =	vst v63  }
0x169: {  	_ =	swait.ge [sflag:s12], $0x2000  }
0x16a: {  	[sflag:s12] =	ssyncset.done $0x0  }
0x16b: {  	s25 =	rddreg [dreg:$0xd];
	[sflag:s12] =	ssyncadd.s32 $0xFFFFE000  }
0x16c: {  	[tilespmem:s17], [sflag:$0x3] =	stream.indirect.gather [hbm4b:s5+s14], $0x80, s25, s14, $0xb8;
	[tilespmem:$0x1CC00] =	vst v63  }
0x16d: {  	_ =	swait.ge [sflag:s22], $0x2000  }
0x16e: {  	[sflag:s22] =	ssyncset.done $0x0  }
0x16f: {  	s10 =	rddreg [dreg:$0xe];
	[sflag:s22] =	ssyncadd.s32 $0xFFFFE000  }
0x170: {  	[spmem:s2] =	stream.indirect.scatter.add.f32 [tilespmem:s18], [sflag:$0x5], $0x80, s10, s14, $0xb8;
	[tilespmem:$0x1CC00] =	vst v63  }
0x171: {  	_ =	swait.ge [sflag:s12], $0x2000  }
0x172: {  	[sflag:s12] =	ssyncset.done $0x0  }
0x173: {  	s11 =	rddreg [dreg:$0xf];
	[sflag:s12] =	ssyncadd.s32 $0xFFFFE000  }
0x174: {  	[tilespmem:s18], [sflag:$0x4] =	stream.indirect.gather [hbm4b:s5+s14], $0x80, s11, s14, $0xb8;
	[tilespmem:$0x1CC00] =	vst v63  }
0x175: {  	_ =	swait.ge [sflag:s19], $0x2000  }
0x176: {  	[sflag:s19] =	ssyncset.done $0x0  }
0x177: {  	s25 =	rddreg [dreg:$0x10];
	[sflag:s19] =	ssyncadd.s32 $0xFFFFE000  }
0x178: {  	[spmem:s2] =	stream.indirect.scatter.add.f32 [tilespmem:s15], [sflag:$0x5], $0x80, s25, s14, $0xb8;
	[tilespmem:$0x1CC00] =	vst v63  }
0x179: {  	_ =	swait.ge [sflag:s12], $0x2000  }
0x17a: {  	[sflag:s12] =	ssyncset.done $0x0  }
0x17b: {  	s10 =	rddreg [dreg:$0x11];
	[sflag:s12] =	ssyncadd.s32 $0xFFFFE000  }
0x17c: {  	[tilespmem:s15], [sflag:$0x1] =	stream.indirect.gather [hbm4b:s5+s14], $0x80, s10, s14, $0xb8;
	[tilespmem:$0x1CC00] =	vst v63  }
0x17d: {  	_ =	swait.ge [sflag:s20], $0x2000  }
0x17e: {  	[sflag:s20] =	ssyncset.done $0x0  }
0x17f: {  	s11 =	rddreg [dreg:$0x12];
	[sflag:s20] =	ssyncadd.s32 $0xFFFFE000  }
0x180: {  	[spmem:s2] =	stream.indirect.scatter.add.f32 [tilespmem:s16], [sflag:$0x5], $0x80, s11, s14, $0xb8;
	[tilespmem:$0x1CC00] =	vst v63  }
0x181: {  	_ =	swait.ge [sflag:s12], $0x2000  }
0x182: {  	[sflag:s12] =	ssyncset.done $0x0  }
0x183: {  	s25 =	rddreg [dreg:$0x13];
	[sflag:s12] =	ssyncadd.s32 $0xFFFFE000  }
0x184: {  	[tilespmem:s16], [sflag:$0x2] =	stream.indirect.gather [hbm4b:s5+s14], $0x80, s25, s14, $0xb8;
	[tilespmem:$0x1CC00] =	vst v63  }
0x185: {  	_ =	swait.ge [sflag:s21], $0x2000  }
0x186: {  	[sflag:s21] =	ssyncset.done $0x0  }
0x187: {  	s10 =	rddreg [dreg:$0x14];
	[sflag:s21] =	ssyncadd.s32 $0xFFFFE000  }
0x188: {  	[spmem:s2] =	stream.indirect.scatter.add.f32 [tilespmem:s17], [sflag:$0x5], $0x80, s10, s14, $0xb8;
	[tilespmem:$0x1CC00] =	vst v63  }
0x189: {  	_ =	swait.ge [sflag:s12], $0x2000  }
0x18a: {  	[sflag:s12] =	ssyncset.done $0x0  }
0x18b: {  	s11 =	rddreg [dreg:$0x15];
	[sflag:s12] =	ssyncadd.s32 $0xFFFFE000  }
0x18c: {  	[tilespmem:s17], [sflag:$0x3] =	stream.indirect.gather [hbm4b:s5+s14], $0x80, s11, s14, $0xb8;
	[tilespmem:$0x1CC00] =	vst v63  }
0x18d: {  	_ =	swait.ge [sflag:s22], $0x2000  }
0x18e: {  	[sflag:s22] =	ssyncset.done $0x0  }
0x18f: {  	s25 =	rddreg [dreg:$0x16];
	[sflag:s22] =	ssyncadd.s32 $0xFFFFE000  }
0x190: {  	[spmem:s2] =	stream.indirect.scatter.add.f32 [tilespmem:s18], [sflag:$0x5], $0x80, s25, s14, $0xb8;
	[tilespmem:$0x1CC00] =	vst v63  }
0x191: {  	_ =	swait.ge [sflag:s12], $0x2000  }
0x192: {  	[sflag:s12] =	ssyncset.done $0x0  }
0x193: {  	[sflag:s12] =	ssyncadd.s32 $0xFFFFE000  }
0x194: {  	[tilespmem:s18], [sflag:$0x4] =	stream.indirect.gather [hbm4b:s5+s14], $0x80, s23, s14, $0xb8;
	[tilespmem:$0x1CC00] =	vst v63  }
0x195: {  	_ =	swait.ge [sflag:s19], $0x2000  }
0x196: {  	[sflag:s19] =	ssyncset.done $0x0  }
0x197: {  	[sflag:s19] =	ssyncadd.s32 $0xFFFFE000  }
0x198: {  	[spmem:s2] =	stream.indirect.scatter.add.f32 [tilespmem:s15], [sflag:$0x5], $0x80, s24, s14, $0xb8;
	[tilespmem:$0x1CC00] =	vst v63  }
0x199: {  	_ =	swait.ge [sflag:s12], $0x2000  }
0x19a: {  	[sflag:s12] =	ssyncset.done $0x0  }
0x19b: {  	[sflag:s12] =	ssyncadd.s32 $0xFFFFE000  }
0x19c: {  	[tilespmem:s15], [sflag:$0x1] =	stream.indirect.gather [hbm4b:s5+s14], $0x80, s26, s14, $0xb8;
	[tilespmem:$0x1CC00] =	vst v63  }
0x19d: {  	_ =	swait.ge [sflag:s20], $0x2000  }
0x19e: {  	[sflag:s20] =	ssyncset.done $0x0  }
0x19f: {  	[sflag:s20] =	ssyncadd.s32 $0xFFFFE000  }
0x1a0: {  	[spmem:s2] =	stream.indirect.scatter.add.f32 [tilespmem:s16], [sflag:$0x5], $0x80, s28, s14, $0xb8;
	[tilespmem:$0x1CC00] =	vst v63  }
0x1a1: {  	_ =	swait.ge [sflag:s12], $0x2000  }
0x1a2: {  	[sflag:s12] =	ssyncset.done $0x0  }
0x1a3: {  	[sflag:s12] =	ssyncadd.s32 $0xFFFFE000  }
0x1a4: {  	[tilespmem:s16], [sflag:$0x2] =	stream.indirect.gather [hbm4b:s5+s14], $0x80, s29, s14, $0xb8;
	[tilespmem:$0x1CC00] =	vst v63  }
0x1a5: {  	_ =	swait.ge [sflag:s21], $0x2000  }
0x1a6: {  	[sflag:s21] =	ssyncset.done $0x0  }
0x1a7: {  	[sflag:s21] =	ssyncadd.s32 $0xFFFFE000  }
0x1a8: {  	[spmem:s2] =	stream.indirect.scatter.add.f32 [tilespmem:s17], [sflag:$0x5], $0x80, s30, s14, $0xb8;
	[tilespmem:$0x1CC00] =	vst v63  }
0x1a9: {  	_ =	swait.ge [sflag:s12], $0x2000  }
0x1aa: {  	[sflag:s12] =	ssyncset.done $0x0  }
0x1ab: {  	[sflag:s12] =	ssyncadd.s32 $0xFFFFE000  }
0x1ac: {  	[tilespmem:s17], [sflag:$0x3] =	stream.indirect.gather [hbm4b:s5+s14], $0x80, s31, s14, $0xb8;
	[tilespmem:$0x1CC00] =	vst v63  }
0x1ad: {  	_ =	swait.ge [sflag:s22], $0x2000  }
0x1ae: {  	[sflag:s22] =	ssyncset.done $0x0  }
0x1af: {  	[sflag:s22] =	ssyncadd.s32 $0xFFFFE000  }
0x1b0: {  	[spmem:s2] =	stream.indirect.scatter.add.f32 [tilespmem:s18], [sflag:$0x5], $0x80, s0, s14, $0xb8;
	[tilespmem:$0x1CC00] =	vst v63  }
0x1b1: {  	_ =	swait.ge [sflag:s12], $0x2000  }
0x1b2: {  	[sflag:s12] =	ssyncset.done $0x0  }
0x1b3: {  	[sflag:s12] =	ssyncadd.s32 $0xFFFFE000  }
0x1b4: {  	[tilespmem:s18], [sflag:$0x4] =	stream.indirect.gather [hbm4b:s5+s14], $0x80, s4, s14, $0xb8;
	[tilespmem:$0x1CC00] =	vst v63  }
0x1b5: {  	_ =	swait.ge [sflag:s19], $0x2000  }
0x1b6: {  	[sflag:s19] =	ssyncset.done $0x0  }
0x1b7: {  	[sflag:s19] =	ssyncadd.s32 $0xFFFFE000  }
0x1b8: {  	[spmem:s2] =	stream.indirect.scatter.add.f32 [tilespmem:s15], [sflag:$0x5], $0x80, s1, s14, $0xb8;
	[tilespmem:$0x1CC00] =	vst v63  }
0x1b9: {  	_ =	swait.ge [sflag:s12], $0x2000  }
0x1ba: {  	[sflag:s12] =	ssyncset.done $0x0  }
0x1bb: {  	[sflag:s12] =	ssyncadd.s32 $0xFFFFE000  }
0x1bc: {  	_ =	swait.ge [sflag:s20], $0x2000  }
0x1bd: {  	[sflag:s20] =	ssyncset.done $0x0  }
0x1be: {  	[sflag:s20] =	ssyncadd.s32 $0xFFFFE000  }
0x1bf: {  	[spmem:s2] =	stream.indirect.scatter.add.f32 [tilespmem:s16], [sflag:$0x5], $0x80, s8, s14, $0xb8;
	[tilespmem:$0x1CC00] =	vst v63  }
0x1c0: {  	_ =	swait.ge [sflag:s12], $0x2000  }
0x1c1: {  	[sflag:s12] =	ssyncset.done $0x0  }
0x1c2: {  	[sflag:s12] =	ssyncadd.s32 $0xFFFFE000  }
0x1c3: {  	_ =	swait.ge [sflag:s21], $0x2000  }
0x1c4: {  	[sflag:s21] =	ssyncset.done $0x0  }
0x1c5: {  	[sflag:s21] =	ssyncadd.s32 $0xFFFFE000  }
0x1c6: {  	[spmem:s2] =	stream.indirect.scatter.add.f32 [tilespmem:s17], [sflag:$0x5], $0x80, s6, s14, $0xb8;
	[tilespmem:$0x1CC00] =	vst v63  }
0x1c7: {  	_ =	swait.ge [sflag:s12], $0x2000  }
0x1c8: {  	[sflag:s12] =	ssyncset.done $0x0  }
0x1c9: {  	[sflag:s12] =	ssyncadd.s32 $0xFFFFE000  }
0x1ca: {  	_ =	swait.ge [sflag:s22], $0x2000  }
0x1cb: {  	[sflag:s22] =	ssyncset.done $0x0  }
0x1cc: {  	[sflag:s22] =	ssyncadd.s32 $0xFFFFE000  }
0x1cd: {  	[spmem:s2] =	stream.indirect.scatter.add.f32 [tilespmem:s18], [sflag:$0x5], $0x80, s9, s14, $0xb8;
	[tilespmem:$0x1CC00] =	vst v63  }
0x1ce: {  	_ =	swait.ge [sflag:s12], $0x2000  }
0x1cf: {  	[sflag:s12] =	ssyncset.done $0x0  }
0x1d0: {  	[sflag:s12] =	ssyncadd.s32 $0xFFFFE000  }
0x1d1: {  	[bflag:$0x0] =	sbarrier.arrive $0xFFFF  }
0x1d2: {  	s10 =	rddreg [dreg:$0x18]  }
0x1d3: {  	s7 =	rddreg [dreg:$0x1a]  }
0x1d4: {  	s11 =	rddreg [dreg:$0x1d]  }
0x1d5: {  	[hbm:s7], [sflag:s10] =	dma.local @p0 [spmem:s11], $0x2080  }
0x1d6: {  	s7 =	simm.s32 @p0 $0x5  }
0x1d7: {  	_ =	swait.ge @p0 [sflag:s7], $0x2080  }
0x1d8: {  	[sflag:s7] =	ssyncset.done @p0 $0x0  }
0x1d9: {  	[sflag:s7] =	ssyncadd.s32 @p0 $0xFFFFDF80;
	s7 =	rddreg [dreg:$0x17]  }
0x1da: {  	s11 =	rddreg [dreg:$0x19];
	s7 =	sshrl.u32 @!p0 s7, $0x3  }
0x1db: {  	[hbm:s11], [sflag:s10] =	dma.local @!p0 [spmem:s7], $0x2780  }
0x1dc: {  	s7 =	simm.s32 @!p0 $0x5  }
0x1dd: {  	_ =	swait.ge @!p0 [sflag:s7], $0x2780  }
0x1de: {  	s25 =	rddreg [dreg:$0x1e]  }
0x1df: {  	s11 =	rddreg [dreg:$0x1b];
	s25 =	sadd.s32 $0x1, s25  }
0x1e0: {  	p1 =	sne.s32 s25, s11  }
.Ltmp1:
0x1e1: {  	_ = 	snop;
	(pc) =	sbr.rel @p1 .LBB2_1-.Ltmp1, $3  }
0x1e2: {  	_ =	sdelay $0x1  }
0x1e3: {  	[sflag:s7] =	ssyncset.done @!p0 $0x0  }
0x1e4: {  	[sflag:s7] =	ssyncadd.s32 @!p0 $0xFFFFD880  }
0x1e5: {  	_ =	sfence.sel $0x180000  }
0x1e6: {  	[bflag:$0x0] =	sbarrier.arrive $0xFFFF  }
0x1e7: {  	_ =	strace $0x9000004A  }
0x1e8: {  	s0 =	stileid.u32;
	[bflag:$0x2] =	sbarrier.arrive $0xFFFF  }
0x1e9: {  	p0 =	sne.s32 s0, $0x0;
	s0 =	rddreg [dreg:$0x3]  }
0x1ea: {  	s0 =	sadd.s32 @!p0 $0x100000, s0  }
0x1eb: {  	[sflag:s0] =	ssyncadd.tile.s32 @!p0 $0x1;
	_ =	shalt  }
.Lfunc_end2:
_tile_overlayer_lowered:
.L_overlay_start_2:
0x1ec: {  	(tag) =	ssettag $0x2  }
0x1ed: {  	s0 =	rddreg [dreg:$0x0];
	s2 =	stileid.u32  }
0x1ee: {  	s1 =	rddreg [dreg:$0x1];
	p0 =	sne.s32 s2, $0x0  }
0x1ef: {  	s3 =	rddreg [dreg:$0x2];
	[bflag:$0x3] =	sbarrier.arrive $0xFFFF;
	s2 =	simm.s32 @!p0 $0x1C05  }
0x1f0: {  	[timem:s3], [sflag:s2] =	dma.local @!p0 [hbm:s0], s1  }
0x1f1: {  	s0 =	simm.s32 @!p0 $0x5  }
0x1f2: {  	_ =	swait.ge @!p0 [sflag:s0], s1  }
0x1f3: {  	s1 =	ssub.s32 @!p0 $0x0, s1;
	[sflag:s0] =	ssyncset.done @!p0 $0x0  }
0x1f4: {  	[sflag:s0] =	ssyncadd.s32 @!p0 s1  }
0x1f5: {  	[bflag:$0x3] =	sbarrier.arrive $0xFFFF  }
0x1f6: {  	_ =	shalt  }

// kernel: kernel.16.cloned.1.call-start
scs
__scs_entry_jumppad:
0x0: {  	(pc) =	sbr.rel $0x88, $3  }
0x1: {  	(tag) =	ssettag $0x0;
	lr =	simm.s32 $0x1  }
0x2: {  	[smem:$0x3F95] =	sst lr;
	_ =	strace $0xD0000000  }
0x3: {  	_ = 	snop  }
0x4: {  	_ = 	snop  }
0x5: {  	_ = 	snop  }
0x6: {  	_ = 	snop  }
0x7: {  	_ = 	snop  }
__scs_overlays_trampoline_lowered:
0x8: {  	[smem:$0x3FA4] =	sst s0  }
0x9: {  	[smem:$0x3FA5] =	sst s1  }
0xa: {  	[smem:$0x3FA6] =	sst s2  }
0xb: {  	[smem:$0x3FA7] =	sst s3  }
0xc: {  	[smem:$0x3FA8] =	sst s4  }
0xd: {  	[smem:$0x3FA9] =	sst s5  }
0xe: {  	[smem:$0x3FAA] =	sst s6  }
0xf: {  	[smem:$0x3FAB] =	sst s7  }
0x10: {  	[smem:$0x3FAC] =	sst s8  }
0x11: {  	[smem:$0x3FAD] =	sst s9;
	s0 =	simm.s32 @!p0 $0x0  }
0x12: {  	s1 =	sld [smem:$0x3F93];
	s0 =	simm.s32 @p0 $0x1  }
0x13: {  	[smem:$0x3FAE] =	sst s0;
	s0 =	simm.s32 @!p1 $0x0  }
0x14: {  	s2 =	sld [smem:$0x3F92];
	s0 =	simm.s32 @p1 $0x1  }
0x15: {  	[smem:$0x3FAF] =	sst s0;
	s0 =	simm.s32 @!p2 $0x0  }
0x16: {  	s3 =	sld [smem:$0x3FDB];
	s0 =	simm.s32 @p2 $0x1  }
0x17: {  	s4 =	simm.s32 $0x1BF5;
	[smem:$0x3FB1] =	sst s0  }
0x18: {  	s0 =	sld [smem:$0x3F94];
	_ =	swait.ge [sflag:s4], $0x0  }
0x19: {  	s7 =	sld [smem:$0x3F95]  }
0x1a: {  	s8 =	sadd.s32 $0xFFFFE003, lr  }
0x1b: {  	s9 =	sadd.s32 $0xFFFFFEF7, lr;
	s5 =	simm.s32 $0xFFFFFFFF;
	p2 =	slt.u32 s8, $0xFFFFF086  }
0x1c: {  	p1 =	slt.u32 s9, $0xF7A;
	s5 =	simm.s32 @!p2 $0x0  }
0x1d: {  	s5 =	simm.s32 @p1 $0x1;
	p0 =	seq.s32 s7, s2  }
0x1e: {  	s7 =	smul.u32 @!p0 $0xF7A, s2;
	p2 =	seq.s32 @!p0 s5, $0x0  }
0x1f: {  	s9 =	smul.u32 $0xF7A, s1;
	s8 =	simm.s32 @!p0 $0x1BF5;
	p2 =	por !p2, p0  }
0x20: {  	[sflag:s8] =	ssyncset.s32 @!p0 $0xFFFFF086;
	s6 =	sadd.s32 @!p0 s3, s7;
	s7 =	simm.s32 @!p0 $0x108  }
0x21: {  	s3 =	sadd.s32 s3, s9;
	s6 =	sadd.s32 @!p0 $0x88, s6;
	s7 =	simm.s32 @p2 $0x1082  }
0x22: {  	[simem:s7], [sflag:s8] =	dma.local @!p0 [hbm:s6], $0xF7A  }
0x23: {  	s9 =	sor.u32 $0xD0000000, s2;
	s6 =	simm.s32 $0x108;
	_ =	swait.ge @!p0 [sflag:s8], $0x0  }
0x24: {  	s3 =	sadd.s32 $0x88, s3;
	s6 =	simm.s32 @!p1 $0x1082;
	[sflag:s4] =	ssyncset.s32 $0xFFFFF086  }
0x25: {  	[simem:s6], [sflag:s4] =	dma.local [hbm:s3], $0xF7A  }
0x26: {  	[smem:$0x3F95] =	sst s1;
	(tag) =	ssettag s2;
	_ =	strace s9  }
0x27: {  	s1 =	sld [smem:$0x3FA5]  }
0x28: {  	s2 =	sld [smem:$0x3FA6]  }
0x29: {  	s4 =	sld [smem:$0x3FA8]  }
0x2a: {  	p0 =	seq.s32 s5, $0x0;
	s5 =	sld [smem:$0x3FA9]  }
0x2b: {  	s6 =	sld [smem:$0x3FAA]  }
0x2c: {  	s7 =	sld [smem:$0x3FAB]  }
0x2d: {  	s3 =	simm.s32 $0x108;
	s8 =	sld [smem:$0x3FAC]  }
0x2e: {  	s3 =	simm.s32 @!p0 $0x1082;
	s9 =	sld [smem:$0x3FAD]  }
0x2f: {  	lr =	sadd.s32 s0, s3;
	s0 =	sld [smem:$0x3FA4]  }
0x30: {  	s3 =	sld [smem:$0x3FA7]  }
0x31: {  	[smem:$0x3FB0] =	sst s10  }
0x32: {  	s10 =	sld [smem:$0x3FAE];
	_ =	sdelay $0x3  }
0x33: {  	p0 =	seq.s32 s10, $0x1;
	s10 =	sld [smem:$0x3FB0];
	_ =	sdelay $0x3  }
0x34: {  	[smem:$0x3FB0] =	sst s10  }
0x35: {  	s10 =	sld [smem:$0x3FAF];
	_ =	sdelay $0x3  }
0x36: {  	p1 =	seq.s32 s10, $0x1;
	s10 =	sld [smem:$0x3FB0];
	_ =	sdelay $0x3  }
0x37: {  	[smem:$0x3FB0] =	sst s10  }
0x38: {  	s10 =	sld [smem:$0x3FB1]  }
0x39: {  	_ = 	snop;
	(pc) =	sbr.ind lr, $3  }
0x3a: {  	_ = 	snop  }
0x3b: {  	_ = 	snop  }
0x3c: {  	p2 =	seq.s32 s10, $0x1;
	s10 =	sld [smem:$0x3FB0]  }
0x3d: {  	_ =	shalt  }
0x3e: {  	_ =	shalt  }
0x3f: {  	_ =	shalt  }
0x40: {  	_ =	shalt  }
0x41: {  	_ =	shalt  }
0x42: {  	_ =	shalt  }
0x43: {  	_ =	shalt  }
0x44: {  	_ =	shalt  }
0x45: {  	_ =	shalt  }
0x46: {  	_ =	shalt  }
0x47: {  	_ =	shalt  }
0x48: {  	_ =	shalt  }
0x49: {  	_ =	shalt  }
0x4a: {  	_ =	shalt  }
0x4b: {  	_ =	shalt  }
0x4c: {  	_ =	shalt  }
0x4d: {  	_ =	shalt  }
0x4e: {  	_ =	shalt  }
0x4f: {  	_ =	shalt  }
0x50: {  	_ =	shalt  }
0x51: {  	_ =	shalt  }
0x52: {  	_ =	shalt  }
0x53: {  	_ =	shalt  }
0x54: {  	_ =	shalt  }
0x55: {  	_ =	shalt  }
0x56: {  	_ =	shalt  }
0x57: {  	_ =	shalt  }
0x58: {  	_ =	shalt  }
0x59: {  	_ =	shalt  }
0x5a: {  	_ =	shalt  }
0x5b: {  	_ =	shalt  }
0x5c: {  	_ =	shalt  }
0x5d: {  	_ =	shalt  }
0x5e: {  	_ =	shalt  }
0x5f: {  	_ =	shalt  }
0x60: {  	_ =	shalt  }
0x61: {  	_ =	shalt  }
0x62: {  	_ =	shalt  }
0x63: {  	_ =	shalt  }
0x64: {  	_ =	shalt  }
0x65: {  	_ =	shalt  }
0x66: {  	_ =	shalt  }
0x67: {  	_ =	shalt  }
0x68: {  	_ =	shalt  }
0x69: {  	_ =	shalt  }
0x6a: {  	_ =	shalt  }
0x6b: {  	_ =	shalt  }
0x6c: {  	_ =	shalt  }
0x6d: {  	_ =	shalt  }
0x6e: {  	_ =	shalt  }
0x6f: {  	_ =	shalt  }
0x70: {  	_ =	shalt  }
0x71: {  	_ =	shalt  }
0x72: {  	_ =	shalt  }
0x73: {  	_ =	shalt  }
0x74: {  	_ =	shalt  }
0x75: {  	_ =	shalt  }
0x76: {  	_ =	shalt  }
0x77: {  	_ =	shalt  }
0x78: {  	_ =	shalt  }
0x79: {  	_ =	shalt  }
0x7a: {  	_ =	shalt  }
0x7b: {  	_ =	shalt  }
0x7c: {  	_ =	shalt  }
0x7d: {  	_ =	shalt  }
0x7e: {  	_ =	shalt  }
0x7f: {  	_ =	shalt  }
0x80: {  	_ =	shalt  }
0x81: {  	_ =	shalt  }
0x82: {  	_ =	shalt  }
0x83: {  	_ =	shalt  }
0x84: {  	_ =	shalt  }
0x85: {  	_ =	shalt  }
0x86: {  	_ =	shalt  }
0x87: {  	_ =	shalt  }
.Lfunc_end0:
.L_simem_size_0:
called_computation.2_lowered:
.L_overlay_start_0:
0x88: {  	s2 =	sld [smem:$0x3FD9]  }
0x89: {  	s3 =	sld [smem:$0x3FFE];
	_ =	sdelay $0x1  }
0x8a: {  	s1 =	srdreg.scid  }
0x8b: {  	s0 =	sand.u32 $0x1, s1  }
0x8c: {  	s14 =	sshll.u32 s0, $0xA;
	s2 =	sadd.s32 s3, s2  }
0x8d: {  	s2 =	sadd.s32 s2, s14  }
0x8e: {  	[smem:$0x3FBC] =	sst s2  }
0x8f: {  	_ = 	snop  }
0x90: {  	s2 =	sld [smem:$0x3FD0];
	_ =	sdelay $0x2  }
0x91: {  	s15 =	simm.s32 $0xB;
	s4 =	simm.s32 $0x10  }
0x92: {  	[smem:s4], [sflag:s15] =	dma.local [hbm:s2], $0x1  }
0x93: {  	_ =	swait.eq [sflag:s15], $0x1  }
0x94: {  	[sflag:s15] =	ssyncset.done $0x0  }
0x95: {  	[sflag:s15] =	ssyncadd.s32 $0xFFFFFFFF  }
0x96: {  	s16 =	sld [smem:$0x14];
	(tm) =	ssettm $0x1  }
0x97: {  	s17 =	sld [smem:$0x3FFB];
	_ =	sdelay $0x3  }
0x98: {  	_ =	strace s17  }
0x99: {  	s3 =	sld [smem:$0x3FFC];
	_ =	sdelay $0x3  }
0x9a: {  	_ =	strace s3  }
0x9b: {  	s3 =	sld [smem:$0x3FFD];
	_ =	sdelay $0x3  }
0x9c: {  	_ =	strace s3  }
0x9d: {  	_ =	strace $0x8FFFFFFF  }
0x9e: {  	s18 =	sld [smem:$0x3FDB];
	_ =	sdelay $0x1  }
0x9f: {  	s19 =	simm.s32 $_scs_section_size  }
0xa0: {  	s5 =	simm.s32 $_size__tile_overlayer_lowered;
	s6 =	simm.s32 $_tile_overlayer_lowered  }
0xa1: {  	s22 =	simm.s32 $0x1BFF;
	s21 =	sshll.u32 s6, $0x1;
	s3 =	sadd.s32 s19, s18  }
0xa2: {  	s7 =	simm.s32 $0x0;
	s20 =	sshll.u32 s5, $0x1;
	s5 =	sadd.s32 s21, s3  }
0xa3: {  	[timem:s7], [sflag:s22] =	dma.local [hbm:s5], s20  }
0xa4: {  	_ =	swait.ge [sflag:s22], s20  }
0xa5: {  	s4 =	ssub.s32 $0x0, s20;
	[sflag:s22] =	ssyncset.done $0x0  }
0xa6: {  	[sflag:s22] =	ssyncadd.s32 s4;
	_ =	sdelay $0x1  }
0xa7: {  	s23 =	simm.s32 $0x1B8B  }
0xa8: {  	_ =	swait.ge [sflag:s23], $0x1  }
0xa9: {  	[sflag:s23] =	ssyncset.done $0x0  }
0xaa: {  	s25 =	simm.s32 $0x1B8E;
	s24 =	sld [smem:$0x3FFE];
	[sflag:s23] =	ssyncadd.s32 $0xFFFFFFFF  }
0xab: {  	s26 =	simm.s32 $execute0_lowered;
	[smem:$0x3FD2] =	sst s25  }
0xac: {  	s5 =	sshll.u32 s26, $0x1;
	_ =	strace $0x8000004C;
	[dreg:$0x1] =	wrdreg $0xFFFFFFFF  }
0xad: {  	s28 =	simm.s32 $_size_execute0_lowered;
	s3 =	sadd.s32 s3, s5;
	[dreg:$0x0] =	wrdreg $0x0  }
0xae: {  	s5 =	sshll.u32 s28, $0x1;
	[dreg:$0x2] =	wrdreg s3  }
0xaf: {  	[dreg:$0x3] =	wrdreg s5  }
0xb0: {  	[dreg:$0x4] =	wrdreg $0xC0  }
0xb1: {  	_ =	task [dreg:s7], $0x5FFFF  }
0xb2: {  	[dreg:$0x1] =	wrdreg $0xFFFFFFFF  }
0xb3: {  	[dreg:$0x0] =	wrdreg $0x60  }
0xb4: {  	[dreg:$0x2] =	wrdreg s24  }
0xb5: {  	[dreg:$0x3] =	wrdreg s16  }
0xb6: {  	[dreg:$0x4] =	wrdreg $0x90000  }
0xb7: {  	[dreg:$0x5] =	wrdreg $0x9  }
0xb8: {  	_ =	task.clear_ibuf [dreg:s7], $0x6FFFF;
	_ =	strace $0x9000004C  }
0xb9: {  	s29 =	simm.s32 $0x9;
	_ =	strace $0x8000004E  }
0xba: {  	_ =	swait.ge [sflag:s29], $0x1  }
0xbb: {  	[sflag:s29] =	ssyncadd.s32 $0xFFFFFFFF  }
0xbc: {  	_ =	strace $0x9000004E  }
0xbd: {  	_ =	sfence  }
0xbe: {  	s30 =	sld [smem:$0x0];
	_ =	sdelay $0x2  }
0xbf: {  	s31 =	sshll.u32 s1, $0xD;
	s1 =	sshrl.u32 s1, $0x2  }
0xc0: {  	s3 =	sand.u32 $0x4000, s31;
	s1 =	sadd.s32 s1, s30  }
0xc1: {  	s0 =	sor.u32 s3, s0;
	s1 =	sshll.u32 s1, $0x11  }
0xc2: {  	s0 =	sor.u32 s1, s0  }
0xc3: {  	s0 =	sadd.s32 $0x8F2B, s0  }
0xc4: {  	[sflag:s0] =	ssyncadd.remote.s32 $0x1  }
0xc5: {  	_ =	sfence.sel $0xFFFF  }
0xc6: {  	[dreg:$0x0] =	wrdreg $0xFFFFFFFF;
	(pc) =	sbr.abs _section_cstart, $3  }
0xc7: {  	[dreg:$0x1] =	wrdreg $0xFFFFFFFF  }
0xc8: {  	_ =	task.clear_ibuf [dreg:s7], $0x2FFFF;
	_ =	strace $0x9FFFFFFF  }
0xc9: {  	(tm) =	ssettm $0x7FFFFFFF  }
tec
execute0_lowered:
.L_overlay_start_1:
0x0: {  	(tag) =	ssettag $0x1  }
0x1: {  	s0 =	rddreg [dreg:$0x0]  }
0x2: {  	s2 =	rddreg [dreg:$0x2];
	s3 =	simm.s32 $0x0  }
0x3: {  	s4 =	srdreg.scid;
	s23 =	stileid.u32;
	s24 =	simm.s32 $0x80  }
0x4: {  	s25 =	simm.s32 $0x100;
	s26 =	simm.s32 $0x180;
	s13 =	simm.s32 $0x280  }
0x5: {  	s15 =	simm.s32 $0x900;
	s16 =	simm.s32 $0x300;
	s17 =	simm.s32 $0x980  }
0x6: {  	s18 =	simm.s32 $0x380;
	s19 =	simm.s32 $0xA00;
	s28 =	simm.s32 $0xC80  }
0x7: {  	s29 =	simm.s32 $0x680;
	s30 =	simm.s32 $0xD00;
	s31 =	simm.s32 $0x700  }
0x8: {  	[smem:$0x7FF] =	sst s3;
	s1 =	sadd.s32 $0x4000, s0;
	s5 =	sadd.s32 $0xA2200, s0  }
0x9: {  	s6 =	smul.u32 $0x4F000, s23;
	_ =	strace $0x8000004D;
	[dreg:$0x6] =	wrdreg s24  }
0xa: {  	s4 =	sand.u32 $0x1, s4;
	s10 =	smul.u32 $0xA000, s23;
	[dreg:$0x7] =	wrdreg s25  }
0xb: {  	s0 =	sadd.s32 $0xF0400, s0;
	s20 =	smul.u32 $0x2780, s23;
	[dreg:$0x8] =	wrdreg s26  }
0xc: {  	s21 =	sshll.u32 s23, $0x6;
	p0 =	seq.s32 s23, $0xF;
	[dreg:$0xb] =	wrdreg s13  }
0xd: {  	s23 =	simm.s32 $0x580;
	s8 =	smul.u32 $0x140000, s4;
	[dreg:$0xc] =	wrdreg s15  }
0xe: {  	s7 =	ssub.s32 $0x2, s4;
	s11 =	smul.u32 $0x27100, s4;
	[dreg:$0xd] =	wrdreg s16  }
0xf: {  	s4 =	smul.u32 $0x138800, s4;
	s13 =	simm.s32 $0x800;
	[dreg:$0xe] =	wrdreg s17  }
0x10: {  	s15 =	simm.s32 $0x1000;
	[dreg:$0xf] =	wrdreg s18;
	s16 =	simm.s32 $0x3000  }
0x11: {  	[dreg:$0x10] =	wrdreg s19;
	s17 =	simm.s32 $0x5000;
	s24 =	simm.s32 $0xB00  }
0x12: {  	s18 =	simm.s32 $0x7000;
	s25 =	simm.s32 $0x500;
	[dreg:$0x14] =	wrdreg s24  }
0x13: {  	s19 =	simm.s32 $0x1;
	s26 =	simm.s32 $0xB80;
	[dreg:$0x15] =	wrdreg s25  }
0x14: {  	s9 =	sshrl.u32 s7, $0x1;
	s6 =	sshrl.u32 s6, $0x2;
	[dreg:$0x16] =	wrdreg s26  }
0x15: {  	s24 =	simm.s32 $0xC00;
	s26 =	simm.s32 $0x600;
	s25 =	simm.s32 $0x0  }
0x16: {  	s7 =	ssub.s32 s7, s9;
	s12 =	sadd.s32 s6, s2;
	s8 =	sadd.s32 s10, s8  }
0x17: {  	s9 =	sadd.s32 s20, s11;
	s20 =	simm.s32 $0x400;
	[dreg:$0x17] =	wrdreg s12  }
0x18: {  	s10 =	sor.u32 $0x1C05, s21;
	s21 =	simm.s32 $0xA80;
	[dreg:$0x11] =	wrdreg s20  }
0x19: {  	s4 =	sshrl.u32 s4, $0x3;
	s22 =	sshrl.u32 s8, $0x3;
	[dreg:$0x12] =	wrdreg s21  }
0x1a: {  	s8 =	sadd.s32 $0xA0000, s8;
	s9 =	sadd.s32 s0, s9;
	[dreg:$0x18] =	wrdreg s10  }
0x1b: {  	s0 =	sadd.s32 s0, s4;
	s11 =	smax.u32 s7, $0x1;
	[dreg:$0x19] =	wrdreg s9  }
0x1c: {  	s14 =	sshrl.u32 s12, $0x3;
	s12 =	simm.s32 $0x5;
	[dreg:$0x1b] =	wrdreg s11  }
0x1d: {  	s20 =	simm.s32 $0x2;
	s6 =	sadd.s32 s22, s1;
	[dreg:$0x1c] =	wrdreg s14  }
0x1e: {  	s21 =	simm.s32 $0x3;
	s0 =	sadd.s32 $0x25080, s0;
	[dreg:$0x4] =	wrdreg s6  }
0x1f: {  	s4 =	simm.s32 $0x780;
	s9 =	simm.s32 $0x880;
	[dreg:$0x1a] =	wrdreg s0  }
0x20: {  	s8 =	sshrl.u32 s8, $0x3;
	s22 =	simm.s32 $0x480;
	[dreg:$0xa] =	wrdreg s9  }
0x21: {  	s14 =	simm.s32 $0x40;
	s1 =	sadd.s32 s8, s1;
	[dreg:$0x13] =	wrdreg s22  }
0x22: {  	s6 =	sadd.s32 $0x128400, s2;
	s8 =	simm.s32 $0x200;
	[dreg:$0x5] =	wrdreg s1  }
0x23: {  	s22 =	simm.s32 $0x4;
	s9 =	simm.s32 $0xF80;
	[dreg:$0x9] =	wrdreg s8  }
0x24: {  	s0 =	sshrl.u32 @p0 s6, $0x3;
	s1 =	simm.s32 $0xE00;
	s8 =	simm.s32 $0xE80  }
0x25: {  	s6 =	simm.s32 $0xF00;
	[dreg:$0x1d] =	wrdreg s0;
	s0 =	simm.s32 $0xD80  }
.LBB2_1:
0x26: {  	[dreg:$0x1e] =	wrdreg s25  }
0x27: {  	s7 =	rddreg [dreg:$0x1]  }
0x28: {  	s11 =	rddreg [dreg:$0x1c]  }
0x29: {  	[spmem:s11], [sflag:s10] =	dma.local [hbm:s7], $0x2780  }
0x2a: {  	_ =	swait.ge [sflag:s12], $0x2780  }
0x2b: {  	[sflag:s12] =	ssyncset.done $0x0  }
0x2c: {  	[sflag:s12] =	ssyncadd.s32 $0xFFFFD880  }
0x2d: {  	[bflag:$0x0] =	sbarrier.arrive $0xFFFF  }
0x2e: {  	s25 =	rddreg [dreg:$0x4]  }
0x2f: {  	s7 =	sadd.s32 $0x0, s25  }
0x30: {  	[tilespmem:s3], [sflag:$0x5] =	stream.linear.gather [hbm4b:s7+s3], $0x800, $0x38;
	[tilespmem:$0x1CC00] =	vst v63  }
0x31: {  	_ =	swait.ge [sflag:s12], $0x800  }
0x32: {  	s10 =	rddreg [dreg:$0x5];
	[sflag:s12] =	ssyncset.done $0x0  }
0x33: {  	[sflag:s12] =	ssyncadd.s32 $0xFFFFF800;
	s7 =	sadd.s32 $0x0, s10  }
0x34: {  	[tilespmem:s13], [sflag:$0x5] =	stream.linear.gather [hbm4b:s7+s3], $0x800, $0x38;
	[tilespmem:$0x1CC00] =	vst v63  }
0x35: {  	_ =	swait.ge [sflag:s12], $0x800  }
0x36: {  	[sflag:s12] =	ssyncset.done $0x0  }
0x37: {  	[sflag:s12] =	ssyncadd.s32 $0xFFFFF800  }
0x38: {  	[tilespmem:s15], [sflag:$0x1] =	stream.indirect.gather [hbm4b:s5+s14], $0x80, s3, s14, $0xb8;
	[tilespmem:$0x1CC00] =	vst v63  }
0x39: {  	s11 =	rddreg [dreg:$0x6]  }
0x3a: {  	[tilespmem:s16], [sflag:$0x2] =	stream.indirect.gather [hbm4b:s5+s14], $0x80, s11, s14, $0xb8;
	[tilespmem:$0x1CC00] =	vst v63  }
0x3b: {  	s25 =	rddreg [dreg:$0x7]  }
0x3c: {  	[tilespmem:s17], [sflag:$0x3] =	stream.indirect.gather [hbm4b:s5+s14], $0x80, s25, s14, $0xb8;
	[tilespmem:$0x1CC00] =	vst v63  }
0x3d: {  	s10 =	rddreg [dreg:$0x8]  }
0x3e: {  	[tilespmem:s18], [sflag:$0x4] =	stream.indirect.gather [hbm4b:s5+s14], $0x80, s10, s14, $0xb8;
	[tilespmem:$0x1CC00] =	vst v63  }
0x3f: {  	_ =	swait.ge [sflag:s19], $0x2000  }
0x40: {  	[sflag:s19] =	ssyncset.done $0x0  }
0x41: {  	[sflag:s19] =	ssyncadd.s32 $0xFFFFE000  }
0x42: {  	[spmem:s2] =	stream.indirect.scatter.add.f32 [tilespmem:s15], [sflag:$0x5], $0x80, s13, s14, $0xb8;
	[tilespmem:$0x1CC00] =	vst v63  }
0x43: {  	_ =	swait.ge [sflag:s12], $0x2000  }
0x44: {  	[sflag:s12] =	ssyncset.done $0x0  }
0x45: {  	s11 =	rddreg [dreg:$0x9];
	[sflag:s12] =	ssyncadd.s32 $0xFFFFE000  }
0x46: {  	[tilespmem:s15], [sflag:$0x1] =	stream.indirect.gather [hbm4b:s5+s14], $0x80, s11, s14, $0xb8;
	[tilespmem:$0x1CC00] =	vst v63  }
0x47: {  	_ =	swait.ge [sflag:s20], $0x2000  }
0x48: {  	[sflag:s20] =	ssyncset.done $0x0  }
0x49: {  	s25 =	rddreg [dreg:$0xa];
	[sflag:s20] =	ssyncadd.s32 $0xFFFFE000  }
0x4a: {  	[spmem:s2] =	stream.indirect.scatter.add.f32 [tilespmem:s16], [sflag:$0x5], $0x80, s25, s14, $0xb8;
	[tilespmem:$0x1CC00] =	vst v63  }
0x4b: {  	_ =	swait.ge [sflag:s12], $0x2000  }
0x4c: {  	[sflag:s12] =	ssyncset.done $0x0  }
0x4d: {  	s10 =	rddreg [dreg:$0xb];
	[sflag:s12] =	ssyncadd.s32 $0xFFFFE000  }
0x4e: {  	[tilespmem:s16], [sflag:$0x2] =	stream.indirect.gather [hbm4b:s5+s14], $0x80, s10, s14, $0xb8;
	[tilespmem:$0x1CC00] =	vst v63  }
0x4f: {  	_ =	swait.ge [sflag:s21], $0x2000  }
0x50: {  	[sflag:s21] =	ssyncset.done $0x0  }
0x51: {  	s11 =	rddreg [dreg:$0xc];
	[sflag:s21] =	ssyncadd.s32 $0xFFFFE000  }
0x52: {  	[spmem:s2] =	stream.indirect.scatter.add.f32 [tilespmem:s17], [sflag:$0x5], $0x80, s11, s14, $0xb8;
	[tilespmem:$0x1CC00] =	vst v63  }
0x53: {  	_ =	swait.ge [sflag:s12], $0x2000  }
0x54: {  	[sflag:s12] =	ssyncset.done $0x0  }
0x55: {  	s25 =	rddreg [dreg:$0xd];
	[sflag:s12] =	ssyncadd.s32 $0xFFFFE000  }
0x56: {  	[tilespmem:s17], [sflag:$0x3] =	stream.indirect.gather [hbm4b:s5+s14], $0x80, s25, s14, $0xb8;
	[tilespmem:$0x1CC00] =	vst v63  }
0x57: {  	_ =	swait.ge [sflag:s22], $0x2000  }
0x58: {  	[sflag:s22] =	ssyncset.done $0x0  }
0x59: {  	s10 =	rddreg [dreg:$0xe];
	[sflag:s22] =	ssyncadd.s32 $0xFFFFE000  }
0x5a: {  	[spmem:s2] =	stream.indirect.scatter.add.f32 [tilespmem:s18], [sflag:$0x5], $0x80, s10, s14, $0xb8;
	[tilespmem:$0x1CC00] =	vst v63  }
0x5b: {  	_ =	swait.ge [sflag:s12], $0x2000  }
0x5c: {  	[sflag:s12] =	ssyncset.done $0x0  }
0x5d: {  	s11 =	rddreg [dreg:$0xf];
	[sflag:s12] =	ssyncadd.s32 $0xFFFFE000  }
0x5e: {  	[tilespmem:s18], [sflag:$0x4] =	stream.indirect.gather [hbm4b:s5+s14], $0x80, s11, s14, $0xb8;
	[tilespmem:$0x1CC00] =	vst v63  }
0x5f: {  	_ =	swait.ge [sflag:s19], $0x2000  }
0x60: {  	[sflag:s19] =	ssyncset.done $0x0  }
0x61: {  	s25 =	rddreg [dreg:$0x10];
	[sflag:s19] =	ssyncadd.s32 $0xFFFFE000  }
0x62: {  	[spmem:s2] =	stream.indirect.scatter.add.f32 [tilespmem:s15], [sflag:$0x5], $0x80, s25, s14, $0xb8;
	[tilespmem:$0x1CC00] =	vst v63  }
0x63: {  	_ =	swait.ge [sflag:s12], $0x2000  }
0x64: {  	[sflag:s12] =	ssyncset.done $0x0  }
0x65: {  	s10 =	rddreg [dreg:$0x11];
	[sflag:s12] =	ssyncadd.s32 $0xFFFFE000  }
0x66: {  	[tilespmem:s15], [sflag:$0x1] =	stream.indirect.gather [hbm4b:s5+s14], $0x80, s10, s14, $0xb8;
	[tilespmem:$0x1CC00] =	vst v63  }
0x67: {  	_ =	swait.ge [sflag:s20], $0x2000  }
0x68: {  	[sflag:s20] =	ssyncset.done $0x0  }
0x69: {  	s11 =	rddreg [dreg:$0x12];
	[sflag:s20] =	ssyncadd.s32 $0xFFFFE000  }
0x6a: {  	[spmem:s2] =	stream.indirect.scatter.add.f32 [tilespmem:s16], [sflag:$0x5], $0x80, s11, s14, $0xb8;
	[tilespmem:$0x1CC00] =	vst v63  }
0x6b: {  	_ =	swait.ge [sflag:s12], $0x2000  }
0x6c: {  	[sflag:s12] =	ssyncset.done $0x0  }
0x6d: {  	s25 =	rddreg [dreg:$0x13];
	[sflag:s12] =	ssyncadd.s32 $0xFFFFE000  }
0x6e: {  	[tilespmem:s16], [sflag:$0x2] =	stream.indirect.gather [hbm4b:s5+s14], $0x80, s25, s14, $0xb8;
	[tilespmem:$0x1CC00] =	vst v63  }
0x6f: {  	_ =	swait.ge [sflag:s21], $0x2000  }
0x70: {  	[sflag:s21] =	ssyncset.done $0x0  }
0x71: {  	s10 =	rddreg [dreg:$0x14];
	[sflag:s21] =	ssyncadd.s32 $0xFFFFE000  }
0x72: {  	[spmem:s2] =	stream.indirect.scatter.add.f32 [tilespmem:s17], [sflag:$0x5], $0x80, s10, s14, $0xb8;
	[tilespmem:$0x1CC00] =	vst v63  }
0x73: {  	_ =	swait.ge [sflag:s12], $0x2000  }
0x74: {  	[sflag:s12] =	ssyncset.done $0x0  }
0x75: {  	s11 =	rddreg [dreg:$0x15];
	[sflag:s12] =	ssyncadd.s32 $0xFFFFE000  }
0x76: {  	[tilespmem:s17], [sflag:$0x3] =	stream.indirect.gather [hbm4b:s5+s14], $0x80, s11, s14, $0xb8;
	[tilespmem:$0x1CC00] =	vst v63  }
0x77: {  	_ =	swait.ge [sflag:s22], $0x2000  }
0x78: {  	[sflag:s22] =	ssyncset.done $0x0  }
0x79: {  	s25 =	rddreg [dreg:$0x16];
	[sflag:s22] =	ssyncadd.s32 $0xFFFFE000  }
0x7a: {  	[spmem:s2] =	stream.indirect.scatter.add.f32 [tilespmem:s18], [sflag:$0x5], $0x80, s25, s14, $0xb8;
	[tilespmem:$0x1CC00] =	vst v63  }
0x7b: {  	_ =	swait.ge [sflag:s12], $0x2000  }
0x7c: {  	[sflag:s12] =	ssyncset.done $0x0  }
0x7d: {  	[sflag:s12] =	ssyncadd.s32 $0xFFFFE000  }
0x7e: {  	[tilespmem:s18], [sflag:$0x4] =	stream.indirect.gather [hbm4b:s5+s14], $0x80, s23, s14, $0xb8;
	[tilespmem:$0x1CC00] =	vst v63  }
0x7f: {  	_ =	swait.ge [sflag:s19], $0x2000  }
0x80: {  	[sflag:s19] =	ssyncset.done $0x0  }
0x81: {  	[sflag:s19] =	ssyncadd.s32 $0xFFFFE000  }
0x82: {  	[spmem:s2] =	stream.indirect.scatter.add.f32 [tilespmem:s15], [sflag:$0x5], $0x80, s24, s14, $0xb8;
	[tilespmem:$0x1CC00] =	vst v63  }
0x83: {  	_ =	swait.ge [sflag:s12], $0x2000  }
0x84: {  	[sflag:s12] =	ssyncset.done $0x0  }
0x85: {  	[sflag:s12] =	ssyncadd.s32 $0xFFFFE000  }
0x86: {  	[tilespmem:s15], [sflag:$0x1] =	stream.indirect.gather [hbm4b:s5+s14], $0x80, s26, s14, $0xb8;
	[tilespmem:$0x1CC00] =	vst v63  }
0x87: {  	_ =	swait.ge [sflag:s20], $0x2000  }
0x88: {  	[sflag:s20] =	ssyncset.done $0x0  }
0x89: {  	[sflag:s20] =	ssyncadd.s32 $0xFFFFE000  }
0x8a: {  	[spmem:s2] =	stream.indirect.scatter.add.f32 [tilespmem:s16], [sflag:$0x5], $0x80, s28, s14, $0xb8;
	[tilespmem:$0x1CC00] =	vst v63  }
0x8b: {  	_ =	swait.ge [sflag:s12], $0x2000  }
0x8c: {  	[sflag:s12] =	ssyncset.done $0x0  }
0x8d: {  	[sflag:s12] =	ssyncadd.s32 $0xFFFFE000  }
0x8e: {  	[tilespmem:s16], [sflag:$0x2] =	stream.indirect.gather [hbm4b:s5+s14], $0x80, s29, s14, $0xb8;
	[tilespmem:$0x1CC00] =	vst v63  }
0x8f: {  	_ =	swait.ge [sflag:s21], $0x2000  }
0x90: {  	[sflag:s21] =	ssyncset.done $0x0  }
0x91: {  	[sflag:s21] =	ssyncadd.s32 $0xFFFFE000  }
0x92: {  	[spmem:s2] =	stream.indirect.scatter.add.f32 [tilespmem:s17], [sflag:$0x5], $0x80, s30, s14, $0xb8;
	[tilespmem:$0x1CC00] =	vst v63  }
0x93: {  	_ =	swait.ge [sflag:s12], $0x2000  }
0x94: {  	[sflag:s12] =	ssyncset.done $0x0  }
0x95: {  	[sflag:s12] =	ssyncadd.s32 $0xFFFFE000  }
0x96: {  	[tilespmem:s17], [sflag:$0x3] =	stream.indirect.gather [hbm4b:s5+s14], $0x80, s31, s14, $0xb8;
	[tilespmem:$0x1CC00] =	vst v63  }
0x97: {  	_ =	swait.ge [sflag:s22], $0x2000  }
0x98: {  	[sflag:s22] =	ssyncset.done $0x0  }
0x99: {  	[sflag:s22] =	ssyncadd.s32 $0xFFFFE000  }
0x9a: {  	[spmem:s2] =	stream.indirect.scatter.add.f32 [tilespmem:s18], [sflag:$0x5], $0x80, s0, s14, $0xb8;
	[tilespmem:$0x1CC00] =	vst v63  }
0x9b: {  	_ =	swait.ge [sflag:s12], $0x2000  }
0x9c: {  	[sflag:s12] =	ssyncset.done $0x0  }
0x9d: {  	[sflag:s12] =	ssyncadd.s32 $0xFFFFE000  }
0x9e: {  	[tilespmem:s18], [sflag:$0x4] =	stream.indirect.gather [hbm4b:s5+s14], $0x80, s4, s14, $0xb8;
	[tilespmem:$0x1CC00] =	vst v63  }
0x9f: {  	_ =	swait.ge [sflag:s19], $0x2000  }
0xa0: {  	[sflag:s19] =	ssyncset.done $0x0  }
0xa1: {  	[sflag:s19] =	ssyncadd.s32 $0xFFFFE000  }
0xa2: {  	[spmem:s2] =	stream.indirect.scatter.add.f32 [tilespmem:s15], [sflag:$0x5], $0x80, s1, s14, $0xb8;
	[tilespmem:$0x1CC00] =	vst v63  }
0xa3: {  	_ =	swait.ge [sflag:s12], $0x2000  }
0xa4: {  	[sflag:s12] =	ssyncset.done $0x0  }
0xa5: {  	[sflag:s12] =	ssyncadd.s32 $0xFFFFE000  }
0xa6: {  	_ =	swait.ge [sflag:s20], $0x2000  }
0xa7: {  	[sflag:s20] =	ssyncset.done $0x0  }
0xa8: {  	[sflag:s20] =	ssyncadd.s32 $0xFFFFE000  }
0xa9: {  	[spmem:s2] =	stream.indirect.scatter.add.f32 [tilespmem:s16], [sflag:$0x5], $0x80, s8, s14, $0xb8;
	[tilespmem:$0x1CC00] =	vst v63  }
0xaa: {  	_ =	swait.ge [sflag:s12], $0x2000  }
0xab: {  	[sflag:s12] =	ssyncset.done $0x0  }
0xac: {  	[sflag:s12] =	ssyncadd.s32 $0xFFFFE000  }
0xad: {  	_ =	swait.ge [sflag:s21], $0x2000  }
0xae: {  	[sflag:s21] =	ssyncset.done $0x0  }
0xaf: {  	[sflag:s21] =	ssyncadd.s32 $0xFFFFE000  }
0xb0: {  	[spmem:s2] =	stream.indirect.scatter.add.f32 [tilespmem:s17], [sflag:$0x5], $0x80, s6, s14, $0xb8;
	[tilespmem:$0x1CC00] =	vst v63  }
0xb1: {  	_ =	swait.ge [sflag:s12], $0x2000  }
0xb2: {  	[sflag:s12] =	ssyncset.done $0x0  }
0xb3: {  	[sflag:s12] =	ssyncadd.s32 $0xFFFFE000  }
0xb4: {  	_ =	swait.ge [sflag:s22], $0x2000  }
0xb5: {  	[sflag:s22] =	ssyncset.done $0x0  }
0xb6: {  	[sflag:s22] =	ssyncadd.s32 $0xFFFFE000  }
0xb7: {  	[spmem:s2] =	stream.indirect.scatter.add.f32 [tilespmem:s18], [sflag:$0x5], $0x80, s9, s14, $0xb8;
	[tilespmem:$0x1CC00] =	vst v63  }
0xb8: {  	s11 =	simm.s32 $0x100;
	_ =	swait.ge [sflag:s12], $0x2000  }
0xb9: {  	s25 =	simm.s32 $0x200;
	s7 =	rddreg [dreg:$0x4];
	[sflag:s12] =	ssyncset.done $0x0  }
.LBB2_2:
0xba: {  	[sflag:s12] =	ssyncadd.s32 $0xFFFFE000;
	s7 =	sadd.s32 s11, s7  }
0xbb: {  	[tilespmem:s3], [sflag:$0x5] =	stream.linear.gather [hbm4b:s7+s3], $0x800, $0x38;
	[tilespmem:$0x1CC00] =	vst v63  }
0xbc: {  	_ =	swait.ge [sflag:s12], $0x800  }
0xbd: {  	s7 =	rddreg [dreg:$0x5];
	[sflag:s12] =	ssyncset.done $0x0  }
0xbe: {  	[sflag:s12] =	ssyncadd.s32 $0xFFFFF800;
	s7 =	sadd.s32 s11, s7  }
0xbf: {  	[tilespmem:s13], [sflag:$0x5] =	stream.linear.gather [hbm4b:s7+s3], $0x800, $0x38;
	[tilespmem:$0x1CC00] =	vst v63  }
0xc0: {  	_ =	swait.ge [sflag:s12], $0x800  }
0xc1: {  	[sflag:s12] =	ssyncset.done $0x0  }
0xc2: {  	[sflag:s12] =	ssyncadd.s32 $0xFFFFF800  }
0xc3: {  	[tilespmem:s15], [sflag:$0x1] =	stream.indirect.gather [hbm4b:s5+s14], $0x80, s3, s14, $0xb8;
	[tilespmem:$0x1CC00] =	vst v63  }
0xc4: {  	s10 =	smov.u32 s25;
	s7 =	rddreg [dreg:$0x6]  }
0xc5: {  	[tilespmem:s16], [sflag:$0x2] =	stream.indirect.gather [hbm4b:s5+s14], $0x80, s7, s14, $0xb8;
	[tilespmem:$0x1CC00] =	vst v63  }
0xc6: {  	s11 =	smov.u32 s10;
	s10 =	rddreg [dreg:$0x7]  }
0xc7: {  	[tilespmem:s17], [sflag:$0x3] =	stream.indirect.gather [hbm4b:s5+s14], $0x80, s10, s14, $0xb8;
	[tilespmem:$0x1CC00] =	vst v63  }
0xc8: {  	s7 =	rddreg [dreg:$0x8]  }
0xc9: {  	[tilespmem:s18], [sflag:$0x4] =	stream.indirect.gather [hbm4b:s5+s14], $0x80, s7, s14, $0xb8;
	[tilespmem:$0x1CC00] =	vst v63  }
0xca: {  	_ =	swait.ge [sflag:s19], $0x2000  }
0xcb: {  	[sflag:s19] =	ssyncset.done $0x0  }
0xcc: {  	[sflag:s19] =	ssyncadd.s32 $0xFFFFE000  }
0xcd: {  	[spmem:s2] =	stream.indirect.scatter.add.f32 [tilespmem:s15], [sflag:$0x5], $0x80, s13, s14, $0xb8;
	[tilespmem:$0x1CC00] =	vst v63  }
0xce: {  	_ =	swait.ge [sflag:s12], $0x2000  }
0xcf: {  	[sflag:s12] =	ssyncset.done $0x0  }
0xd0: {  	s10 =	rddreg [dreg:$0x9];
	[sflag:s12] =	ssyncadd.s32 $0xFFFFE000  }
0xd1: {  	[tilespmem:s15], [sflag:$0x1] =	stream.indirect.gather [hbm4b:s5+s14], $0x80, s10, s14, $0xb8;
	[tilespmem:$0x1CC00] =	vst v63  }
0xd2: {  	_ =	swait.ge [sflag:s20], $0x2000  }
0xd3: {  	[sflag:s20] =	ssyncset.done $0x0  }
0xd4: {  	s10 =	rddreg [dreg:$0xa];
	[sflag:s20] =	ssyncadd.s32 $0xFFFFE000  }
0xd5: {  	[spmem:s2] =	stream.indirect.scatter.add.f32 [tilespmem:s16], [sflag:$0x5], $0x80, s10, s14, $0xb8;
	[tilespmem:$0x1CC00] =	vst v63  }
0xd6: {  	_ =	swait.ge [sflag:s12], $0x2000  }
0xd7: {  	[sflag:s12] =	ssyncset.done $0x0  }
0xd8: {  	s10 =	rddreg [dreg:$0xb];
	[sflag:s12] =	ssyncadd.s32 $0xFFFFE000  }
0xd9: {  	[tilespmem:s16], [sflag:$0x2] =	stream.indirect.gather [hbm4b:s5+s14], $0x80, s10, s14, $0xb8;
	[tilespmem:$0x1CC00] =	vst v63  }
0xda: {  	_ =	swait.ge [sflag:s21], $0x2000  }
0xdb: {  	[sflag:s21] =	ssyncset.done $0x0  }
0xdc: {  	s10 =	rddreg [dreg:$0xc];
	[sflag:s21] =	ssyncadd.s32 $0xFFFFE000  }
0xdd: {  	[spmem:s2] =	stream.indirect.scatter.add.f32 [tilespmem:s17], [sflag:$0x5], $0x80, s10, s14, $0xb8;
	[tilespmem:$0x1CC00] =	vst v63  }
0xde: {  	_ =	swait.ge [sflag:s12], $0x2000  }
0xdf: {  	[sflag:s12] =	ssyncset.done $0x0  }
0xe0: {  	s10 =	rddreg [dreg:$0xd];
	[sflag:s12] =	ssyncadd.s32 $0xFFFFE000  }
0xe1: {  	[tilespmem:s17], [sflag:$0x3] =	stream.indirect.gather [hbm4b:s5+s14], $0x80, s10, s14, $0xb8;
	[tilespmem:$0x1CC00] =	vst v63  }
0xe2: {  	_ =	swait.ge [sflag:s22], $0x2000  }
0xe3: {  	[sflag:s22] =	ssyncset.done $0x0  }
0xe4: {  	s10 =	rddreg [dreg:$0xe];
	[sflag:s22] =	ssyncadd.s32 $0xFFFFE000  }
0xe5: {  	[spmem:s2] =	stream.indirect.scatter.add.f32 [tilespmem:s18], [sflag:$0x5], $0x80, s10, s14, $0xb8;
	[tilespmem:$0x1CC00] =	vst v63  }
0xe6: {  	_ =	swait.ge [sflag:s12], $0x2000  }
0xe7: {  	[sflag:s12] =	ssyncset.done $0x0  }
0xe8: {  	s10 =	rddreg [dreg:$0xf];
	[sflag:s12] =	ssyncadd.s32 $0xFFFFE000  }
0xe9: {  	[tilespmem:s18], [sflag:$0x4] =	stream.indirect.gather [hbm4b:s5+s14], $0x80, s10, s14, $0xb8;
	[tilespmem:$0x1CC00] =	vst v63  }
0xea: {  	_ =	swait.ge [sflag:s19], $0x2000  }
0xeb: {  	[sflag:s19] =	ssyncset.done $0x0  }
0xec: {  	s10 =	rddreg [dreg:$0x10];
	[sflag:s19] =	ssyncadd.s32 $0xFFFFE000  }
0xed: {  	[spmem:s2] =	stream.indirect.scatter.add.f32 [tilespmem:s15], [sflag:$0x5], $0x80, s10, s14, $0xb8;
	[tilespmem:$0x1CC00] =	vst v63  }
0xee: {  	_ =	swait.ge [sflag:s12], $0x2000  }
0xef: {  	[sflag:s12] =	ssyncset.done $0x0  }
0xf0: {  	s10 =	rddreg [dreg:$0x11];
	[sflag:s12] =	ssyncadd.s32 $0xFFFFE000  }
0xf1: {  	[tilespmem:s15], [sflag:$0x1] =	stream.indirect.gather [hbm4b:s5+s14], $0x80, s10, s14, $0xb8;
	[tilespmem:$0x1CC00] =	vst v63  }
0xf2: {  	_ =	swait.ge [sflag:s20], $0x2000  }
0xf3: {  	[sflag:s20] =	ssyncset.done $0x0  }
0xf4: {  	s10 =	rddreg [dreg:$0x12];
	[sflag:s20] =	ssyncadd.s32 $0xFFFFE000  }
0xf5: {  	[spmem:s2] =	stream.indirect.scatter.add.f32 [tilespmem:s16], [sflag:$0x5], $0x80, s10, s14, $0xb8;
	[tilespmem:$0x1CC00] =	vst v63  }
0xf6: {  	_ =	swait.ge [sflag:s12], $0x2000  }
0xf7: {  	[sflag:s12] =	ssyncset.done $0x0  }
0xf8: {  	s10 =	rddreg [dreg:$0x13];
	[sflag:s12] =	ssyncadd.s32 $0xFFFFE000  }
0xf9: {  	[tilespmem:s16], [sflag:$0x2] =	stream.indirect.gather [hbm4b:s5+s14], $0x80, s10, s14, $0xb8;
	[tilespmem:$0x1CC00] =	vst v63  }
0xfa: {  	_ =	swait.ge [sflag:s21], $0x2000  }
0xfb: {  	[sflag:s21] =	ssyncset.done $0x0  }
0xfc: {  	s10 =	rddreg [dreg:$0x14];
	[sflag:s21] =	ssyncadd.s32 $0xFFFFE000  }
0xfd: {  	[spmem:s2] =	stream.indirect.scatter.add.f32 [tilespmem:s17], [sflag:$0x5], $0x80, s10, s14, $0xb8;
	[tilespmem:$0x1CC00] =	vst v63  }
0xfe: {  	_ =	swait.ge [sflag:s12], $0x2000  }
0xff: {  	[sflag:s12] =	ssyncset.done $0x0  }
0x100: {  	s10 =	rddreg [dreg:$0x15];
	[sflag:s12] =	ssyncadd.s32 $0xFFFFE000  }
0x101: {  	[tilespmem:s17], [sflag:$0x3] =	stream.indirect.gather [hbm4b:s5+s14], $0x80, s10, s14, $0xb8;
	[tilespmem:$0x1CC00] =	vst v63  }
0x102: {  	_ =	swait.ge [sflag:s22], $0x2000  }
0x103: {  	[sflag:s22] =	ssyncset.done $0x0  }
0x104: {  	s10 =	rddreg [dreg:$0x16];
	[sflag:s22] =	ssyncadd.s32 $0xFFFFE000  }
0x105: {  	[spmem:s2] =	stream.indirect.scatter.add.f32 [tilespmem:s18], [sflag:$0x5], $0x80, s10, s14, $0xb8;
	[tilespmem:$0x1CC00] =	vst v63  }
0x106: {  	_ =	swait.ge [sflag:s12], $0x2000  }
0x107: {  	[sflag:s12] =	ssyncset.done $0x0  }
0x108: {  	[sflag:s12] =	ssyncadd.s32 $0xFFFFE000  }
0x109: {  	[tilespmem:s18], [sflag:$0x4] =	stream.indirect.gather [hbm4b:s5+s14], $0x80, s23, s14, $0xb8;
	[tilespmem:$0x1CC00] =	vst v63  }
0x10a: {  	_ =	swait.ge [sflag:s19], $0x2000  }
0x10b: {  	[sflag:s19] =	ssyncset.done $0x0  }
0x10c: {  	[sflag:s19] =	ssyncadd.s32 $0xFFFFE000  }
0x10d: {  	[spmem:s2] =	stream.indirect.scatter.add.f32 [tilespmem:s15], [sflag:$0x5], $0x80, s24, s14, $0xb8;
	[tilespmem:$0x1CC00] =	vst v63  }
0x10e: {  	_ =	swait.ge [sflag:s12], $0x2000  }
0x10f: {  	[sflag:s12] =	ssyncset.done $0x0  }
0x110: {  	[sflag:s12] =	ssyncadd.s32 $0xFFFFE000  }
0x111: {  	[tilespmem:s15], [sflag:$0x1] =	stream.indirect.gather [hbm4b:s5+s14], $0x80, s26, s14, $0xb8;
	[tilespmem:$0x1CC00] =	vst v63  }
0x112: {  	_ =	swait.ge [sflag:s20], $0x2000  }
0x113: {  	[sflag:s20] =	ssyncset.done $0x0  }
0x114: {  	[sflag:s20] =	ssyncadd.s32 $0xFFFFE000  }
0x115: {  	[spmem:s2] =	stream.indirect.scatter.add.f32 [tilespmem:s16], [sflag:$0x5], $0x80, s28, s14, $0xb8;
	[tilespmem:$0x1CC00] =	vst v63  }
0x116: {  	_ =	swait.ge [sflag:s12], $0x2000  }
0x117: {  	[sflag:s12] =	ssyncset.done $0x0  }
0x118: {  	[sflag:s12] =	ssyncadd.s32 $0xFFFFE000  }
0x119: {  	[tilespmem:s16], [sflag:$0x2] =	stream.indirect.gather [hbm4b:s5+s14], $0x80, s29, s14, $0xb8;
	[tilespmem:$0x1CC00] =	vst v63  }
0x11a: {  	_ =	swait.ge [sflag:s21], $0x2000  }
0x11b: {  	[sflag:s21] =	ssyncset.done $0x0  }
0x11c: {  	[sflag:s21] =	ssyncadd.s32 $0xFFFFE000  }
0x11d: {  	[spmem:s2] =	stream.indirect.scatter.add.f32 [tilespmem:s17], [sflag:$0x5], $0x80, s30, s14, $0xb8;
	[tilespmem:$0x1CC00] =	vst v63  }
0x11e: {  	_ =	swait.ge [sflag:s12], $0x2000  }
0x11f: {  	[sflag:s12] =	ssyncset.done $0x0  }
0x120: {  	[sflag:s12] =	ssyncadd.s32 $0xFFFFE000  }
0x121: {  	[tilespmem:s17], [sflag:$0x3] =	stream.indirect.gather [hbm4b:s5+s14], $0x80, s31, s14, $0xb8;
	[tilespmem:$0x1CC00] =	vst v63  }
0x122: {  	_ =	swait.ge [sflag:s22], $0x2000  }
0x123: {  	[sflag:s22] =	ssyncset.done $0x0  }
0x124: {  	[sflag:s22] =	ssyncadd.s32 $0xFFFFE000  }
0x125: {  	[spmem:s2] =	stream.indirect.scatter.add.f32 [tilespmem:s18], [sflag:$0x5], $0x80, s0, s14, $0xb8;
	[tilespmem:$0x1CC00] =	vst v63  }
0x126: {  	_ =	swait.ge [sflag:s12], $0x2000  }
0x127: {  	[sflag:s12] =	ssyncset.done $0x0  }
0x128: {  	[sflag:s12] =	ssyncadd.s32 $0xFFFFE000  }
0x129: {  	[tilespmem:s18], [sflag:$0x4] =	stream.indirect.gather [hbm4b:s5+s14], $0x80, s4, s14, $0xb8;
	[tilespmem:$0x1CC00] =	vst v63  }
0x12a: {  	_ =	swait.ge [sflag:s19], $0x2000  }
0x12b: {  	[sflag:s19] =	ssyncset.done $0x0  }
0x12c: {  	[sflag:s19] =	ssyncadd.s32 $0xFFFFE000  }
0x12d: {  	[spmem:s2] =	stream.indirect.scatter.add.f32 [tilespmem:s15], [sflag:$0x5], $0x80, s1, s14, $0xb8;
	[tilespmem:$0x1CC00] =	vst v63  }
0x12e: {  	_ =	swait.ge [sflag:s12], $0x2000  }
0x12f: {  	[sflag:s12] =	ssyncset.done $0x0  }
0x130: {  	[sflag:s12] =	ssyncadd.s32 $0xFFFFE000  }
0x131: {  	_ =	swait.ge [sflag:s20], $0x2000  }
0x132: {  	[sflag:s20] =	ssyncset.done $0x0  }
0x133: {  	[sflag:s20] =	ssyncadd.s32 $0xFFFFE000  }
0x134: {  	[spmem:s2] =	stream.indirect.scatter.add.f32 [tilespmem:s16], [sflag:$0x5], $0x80, s8, s14, $0xb8;
	[tilespmem:$0x1CC00] =	vst v63  }
0x135: {  	_ =	swait.ge [sflag:s12], $0x2000  }
0x136: {  	[sflag:s12] =	ssyncset.done $0x0  }
0x137: {  	[sflag:s12] =	ssyncadd.s32 $0xFFFFE000  }
0x138: {  	_ =	swait.ge [sflag:s21], $0x2000  }
0x139: {  	[sflag:s21] =	ssyncset.done $0x0  }
0x13a: {  	[sflag:s21] =	ssyncadd.s32 $0xFFFFE000  }
0x13b: {  	[spmem:s2] =	stream.indirect.scatter.add.f32 [tilespmem:s17], [sflag:$0x5], $0x80, s6, s14, $0xb8;
	[tilespmem:$0x1CC00] =	vst v63  }
0x13c: {  	_ =	swait.ge [sflag:s12], $0x2000  }
0x13d: {  	[sflag:s12] =	ssyncset.done $0x0  }
0x13e: {  	[sflag:s12] =	ssyncadd.s32 $0xFFFFE000  }
0x13f: {  	p1 =	sne.s32 s25, $0x1300;
	_ =	swait.ge [sflag:s22], $0x2000  }
.Ltmp0:
0x140: {  	[sflag:s22] =	ssyncset.done $0x0;
	(pc) =	sbr.rel @p1 .LBB2_2-.Ltmp0, $4  }
0x141: {  	[sflag:s22] =	ssyncadd.s32 $0xFFFFE000  }
0x142: {  	[spmem:s2] =	stream.indirect.scatter.add.f32 [tilespmem:s18], [sflag:$0x5], $0x80, s9, s14, $0xb8;
	[tilespmem:$0x1CC00] =	vst v63  }
0x143: {  	_ =	swait.ge [sflag:s12], $0x2000  }
0x144: {  	s25 =	sadd.s32 $0x100, s25;
	s7 =	rddreg [dreg:$0x4];
	[sflag:s12] =	ssyncset.done $0x0  }
0x145: {  	[sflag:s12] =	ssyncadd.s32 $0xFFFFE000;
	s7 =	sadd.s32 s11, s7  }
0x146: {  	[tilespmem:s3], [sflag:$0x5] =	stream.linear.gather [hbm4b:s7+s3], $0x800, $0x38;
	[tilespmem:$0x1CC00] =	vst v63  }
0x147: {  	_ =	swait.ge [sflag:s12], $0x800  }
0x148: {  	s10 =	rddreg [dreg:$0x5];
	[sflag:s12] =	ssyncset.done $0x0  }
0x149: {  	[sflag:s12] =	ssyncadd.s32 $0xFFFFF800;
	s7 =	sadd.s32 s11, s10  }
0x14a: {  	[tilespmem:s13], [sflag:$0x5] =	stream.linear.gather [hbm4b:s7+s3], $0x800, $0x38;
	[tilespmem:$0x1CC00] =	vst v63  }
0x14b: {  	_ =	swait.ge [sflag:s12], $0x800  }
0x14c: {  	[sflag:s12] =	ssyncset.done $0x0  }
0x14d: {  	[sflag:s12] =	ssyncadd.s32 $0xFFFFF800  }
0x14e: {  	[tilespmem:s15], [sflag:$0x1] =	stream.indirect.gather [hbm4b:s5+s14], $0x80, s3, s14, $0xb8;
	[tilespmem:$0x1CC00] =	vst v63  }
0x14f: {  	s11 =	rddreg [dreg:$0x6]  }
0x150: {  	[tilespmem:s16], [sflag:$0x2] =	stream.indirect.gather [hbm4b:s5+s14], $0x80, s11, s14, $0xb8;
	[tilespmem:$0x1CC00] =	vst v63  }
0x151: {  	s10 =	rddreg [dreg:$0x7]  }
0x152: {  	[tilespmem:s17], [sflag:$0x3] =	stream.indirect.gather [hbm4b:s5+s14], $0x80, s10, s14, $0xb8;
	[tilespmem:$0x1CC00] =	vst v63  }
0x153: {  	s25 =	rddreg [dreg:$0x8]  }
0x154: {  	[tilespmem:s18], [sflag:$0x4] =	stream.indirect.gather [hbm4b:s5+s14], $0x80, s25, s14, $0xb8;
	[tilespmem:$0x1CC00] =	vst v63  }
0x155: {  	_ =	swait.ge [sflag:s19], $0x2000  }
0x156: {  	[sflag:s19] =	ssyncset.done $0x0  }
0x157: {  	[sflag:s19] =	ssyncadd.s32 $0xFFFFE000  }
0x158: {  	[spmem:s2] =	stream.indirect.scatter.add.f32 [tilespmem:s15], [sflag:$0x5], $0x80, s13, s14, $0xb8;
	[tilespmem:$0x1CC00] =	vst v63  }
0x159: {  	_ =	swait.ge [sflag:s12], $0x2000  }
0x15a: {  	[sflag:s12] =	ssyncset.done $0x0  }
0x15b: {  	s11 =	rddreg [dreg:$0x9];
	[sflag:s12] =	ssyncadd.s32 $0xFFFFE000  }
0x15c: {  	[tilespmem:s15], [sflag:$0x1] =	stream.indirect.gather [hbm4b:s5+s14], $0x80, s11, s14, $0xb8;
	[tilespmem:$0x1CC00] =	vst v63  }
0x15d: {  	_ =	swait.ge [sflag:s20], $0x2000  }
0x15e: {  	[sflag:s20] =	ssyncset.done $0x0  }
0x15f: {  	s25 =	rddreg [dreg:$0xa];
	[sflag:s20] =	ssyncadd.s32 $0xFFFFE000  }
0x160: {  	[spmem:s2] =	stream.indirect.scatter.add.f32 [tilespmem:s16], [sflag:$0x5], $0x80, s25, s14, $0xb8;
	[tilespmem:$0x1CC00] =	vst v63  }
0x161: {  	_ =	swait.ge [sflag:s12], $0x2000  }
0x162: {  	[sflag:s12] =	ssyncset.done $0x0  }
0x163: {  	s10 =	rddreg [dreg:$0xb];
	[sflag:s12] =	ssyncadd.s32 $0xFFFFE000  }
0x164: {  	[tilespmem:s16], [sflag:$0x2] =	stream.indirect.gather [hbm4b:s5+s14], $0x80, s10, s14, $0xb8;
	[tilespmem:$0x1CC00] =	vst v63  }
0x165: {  	_ =	swait.ge [sflag:s21], $0x2000  }
0x166: {  	[sflag:s21] =	ssyncset.done $0x0  }
0x167: {  	s11 =	rddreg [dreg:$0xc];
	[sflag:s21] =	ssyncadd.s32 $0xFFFFE000  }
0x168: {  	[spmem:s2] =	stream.indirect.scatter.add.f32 [tilespmem:s17], [sflag:$0x5], $0x80, s11, s14, $0xb8;
	[tilespmem:$0x1CC00] =	vst v63  }
0x169: {  	_ =	swait.ge [sflag:s12], $0x2000  }
0x16a: {  	[sflag:s12] =	ssyncset.done $0x0  }
0x16b: {  	s25 =	rddreg [dreg:$0xd];
	[sflag:s12] =	ssyncadd.s32 $0xFFFFE000  }
0x16c: {  	[tilespmem:s17], [sflag:$0x3] =	stream.indirect.gather [hbm4b:s5+s14], $0x80, s25, s14, $0xb8;
	[tilespmem:$0x1CC00] =	vst v63  }
0x16d: {  	_ =	swait.ge [sflag:s22], $0x2000  }
0x16e: {  	[sflag:s22] =	ssyncset.done $0x0  }
0x16f: {  	s10 =	rddreg [dreg:$0xe];
	[sflag:s22] =	ssyncadd.s32 $0xFFFFE000  }
0x170: {  	[spmem:s2] =	stream.indirect.scatter.add.f32 [tilespmem:s18], [sflag:$0x5], $0x80, s10, s14, $0xb8;
	[tilespmem:$0x1CC00] =	vst v63  }
0x171: {  	_ =	swait.ge [sflag:s12], $0x2000  }
0x172: {  	[sflag:s12] =	ssyncset.done $0x0  }
0x173: {  	s11 =	rddreg [dreg:$0xf];
	[sflag:s12] =	ssyncadd.s32 $0xFFFFE000  }
0x174: {  	[tilespmem:s18], [sflag:$0x4] =	stream.indirect.gather [hbm4b:s5+s14], $0x80, s11, s14, $0xb8;
	[tilespmem:$0x1CC00] =	vst v63  }
0x175: {  	_ =	swait.ge [sflag:s19], $0x2000  }
0x176: {  	[sflag:s19] =	ssyncset.done $0x0  }
0x177: {  	s25 =	rddreg [dreg:$0x10];
	[sflag:s19] =	ssyncadd.s32 $0xFFFFE000  }
0x178: {  	[spmem:s2] =	stream.indirect.scatter.add.f32 [tilespmem:s15], [sflag:$0x5], $0x80, s25, s14, $0xb8;
	[tilespmem:$0x1CC00] =	vst v63  }
0x179: {  	_ =	swait.ge [sflag:s12], $0x2000  }
0x17a: {  	[sflag:s12] =	ssyncset.done $0x0  }
0x17b: {  	s10 =	rddreg [dreg:$0x11];
	[sflag:s12] =	ssyncadd.s32 $0xFFFFE000  }
0x17c: {  	[tilespmem:s15], [sflag:$0x1] =	stream.indirect.gather [hbm4b:s5+s14], $0x80, s10, s14, $0xb8;
	[tilespmem:$0x1CC00] =	vst v63  }
0x17d: {  	_ =	swait.ge [sflag:s20], $0x2000  }
0x17e: {  	[sflag:s20] =	ssyncset.done $0x0  }
0x17f: {  	s11 =	rddreg [dreg:$0x12];
	[sflag:s20] =	ssyncadd.s32 $0xFFFFE000  }
0x180: {  	[spmem:s2] =	stream.indirect.scatter.add.f32 [tilespmem:s16], [sflag:$0x5], $0x80, s11, s14, $0xb8;
	[tilespmem:$0x1CC00] =	vst v63  }
0x181: {  	_ =	swait.ge [sflag:s12], $0x2000  }
0x182: {  	[sflag:s12] =	ssyncset.done $0x0  }
0x183: {  	s25 =	rddreg [dreg:$0x13];
	[sflag:s12] =	ssyncadd.s32 $0xFFFFE000  }
0x184: {  	[tilespmem:s16], [sflag:$0x2] =	stream.indirect.gather [hbm4b:s5+s14], $0x80, s25, s14, $0xb8;
	[tilespmem:$0x1CC00] =	vst v63  }
0x185: {  	_ =	swait.ge [sflag:s21], $0x2000  }
0x186: {  	[sflag:s21] =	ssyncset.done $0x0  }
0x187: {  	s10 =	rddreg [dreg:$0x14];
	[sflag:s21] =	ssyncadd.s32 $0xFFFFE000  }
0x188: {  	[spmem:s2] =	stream.indirect.scatter.add.f32 [tilespmem:s17], [sflag:$0x5], $0x80, s10, s14, $0xb8;
	[tilespmem:$0x1CC00] =	vst v63  }
0x189: {  	_ =	swait.ge [sflag:s12], $0x2000  }
0x18a: {  	[sflag:s12] =	ssyncset.done $0x0  }
0x18b: {  	s11 =	rddreg [dreg:$0x15];
	[sflag:s12] =	ssyncadd.s32 $0xFFFFE000  }
0x18c: {  	[tilespmem:s17], [sflag:$0x3] =	stream.indirect.gather [hbm4b:s5+s14], $0x80, s11, s14, $0xb8;
	[tilespmem:$0x1CC00] =	vst v63  }
0x18d: {  	_ =	swait.ge [sflag:s22], $0x2000  }
0x18e: {  	[sflag:s22] =	ssyncset.done $0x0  }
0x18f: {  	s25 =	rddreg [dreg:$0x16];
	[sflag:s22] =	ssyncadd.s32 $0xFFFFE000  }
0x190: {  	[spmem:s2] =	stream.indirect.scatter.add.f32 [tilespmem:s18], [sflag:$0x5], $0x80, s25, s14, $0xb8;
	[tilespmem:$0x1CC00] =	vst v63  }
0x191: {  	_ =	swait.ge [sflag:s12], $0x2000  }
0x192: {  	[sflag:s12] =	ssyncset.done $0x0  }
0x193: {  	[sflag:s12] =	ssyncadd.s32 $0xFFFFE000  }
0x194: {  	[tilespmem:s18], [sflag:$0x4] =	stream.indirect.gather [hbm4b:s5+s14], $0x80, s23, s14, $0xb8;
	[tilespmem:$0x1CC00] =	vst v63  }
0x195: {  	_ =	swait.ge [sflag:s19], $0x2000  }
0x196: {  	[sflag:s19] =	ssyncset.done $0x0  }
0x197: {  	[sflag:s19] =	ssyncadd.s32 $0xFFFFE000  }
0x198: {  	[spmem:s2] =	stream.indirect.scatter.add.f32 [tilespmem:s15], [sflag:$0x5], $0x80, s24, s14, $0xb8;
	[tilespmem:$0x1CC00] =	vst v63  }
0x199: {  	_ =	swait.ge [sflag:s12], $0x2000  }
0x19a: {  	[sflag:s12] =	ssyncset.done $0x0  }
0x19b: {  	[sflag:s12] =	ssyncadd.s32 $0xFFFFE000  }
0x19c: {  	[tilespmem:s15], [sflag:$0x1] =	stream.indirect.gather [hbm4b:s5+s14], $0x80, s26, s14, $0xb8;
	[tilespmem:$0x1CC00] =	vst v63  }
0x19d: {  	_ =	swait.ge [sflag:s20], $0x2000  }
0x19e: {  	[sflag:s20] =	ssyncset.done $0x0  }
0x19f: {  	[sflag:s20] =	ssyncadd.s32 $0xFFFFE000  }
0x1a0: {  	[spmem:s2] =	stream.indirect.scatter.add.f32 [tilespmem:s16], [sflag:$0x5], $0x80, s28, s14, $0xb8;
	[tilespmem:$0x1CC00] =	vst v63  }
0x1a1: {  	_ =	swait.ge [sflag:s12], $0x2000  }
0x1a2: {  	[sflag:s12] =	ssyncset.done $0x0  }
0x1a3: {  	[sflag:s12] =	ssyncadd.s32 $0xFFFFE000  }
0x1a4: {  	[tilespmem:s16], [sflag:$0x2] =	stream.indirect.gather [hbm4b:s5+s14], $0x80, s29, s14, $0xb8;
	[tilespmem:$0x1CC00] =	vst v63  }
0x1a5: {  	_ =	swait.ge [sflag:s21], $0x2000  }
0x1a6: {  	[sflag:s21] =	ssyncset.done $0x0  }
0x1a7: {  	[sflag:s21] =	ssyncadd.s32 $0xFFFFE000  }
0x1a8: {  	[spmem:s2] =	stream.indirect.scatter.add.f32 [tilespmem:s17], [sflag:$0x5], $0x80, s30, s14, $0xb8;
	[tilespmem:$0x1CC00] =	vst v63  }
0x1a9: {  	_ =	swait.ge [sflag:s12], $0x2000  }
0x1aa: {  	[sflag:s12] =	ssyncset.done $0x0  }
0x1ab: {  	[sflag:s12] =	ssyncadd.s32 $0xFFFFE000  }
0x1ac: {  	[tilespmem:s17], [sflag:$0x3] =	stream.indirect.gather [hbm4b:s5+s14], $0x80, s31, s14, $0xb8;
	[tilespmem:$0x1CC00] =	vst v63  }
0x1ad: {  	_ =	swait.ge [sflag:s22], $0x2000  }
0x1ae: {  	[sflag:s22] =	ssyncset.done $0x0  }
0x1af: {  	[sflag:s22] =	ssyncadd.s32 $0xFFFFE000  }
0x1b0: {  	[spmem:s2] =	stream.indirect.scatter.add.f32 [tilespmem:s18], [sflag:$0x5], $0x80, s0, s14, $0xb8;
	[tilespmem:$0x1CC00] =	vst v63  }
0x1b1: {  	_ =	swait.ge [sflag:s12], $0x2000  }
0x1b2: {  	[sflag:s12] =	ssyncset.done $0x0  }
0x1b3: {  	[sflag:s12] =	ssyncadd.s32 $0xFFFFE000  }
0x1b4: {  	[tilespmem:s18], [sflag:$0x4] =	stream.indirect.gather [hbm4b:s5+s14], $0x80, s4, s14, $0xb8;
	[tilespmem:$0x1CC00] =	vst v63  }
0x1b5: {  	_ =	swait.ge [sflag:s19], $0x2000  }
0x1b6: {  	[sflag:s19] =	ssyncset.done $0x0  }
0x1b7: {  	[sflag:s19] =	ssyncadd.s32 $0xFFFFE000  }
0x1b8: {  	[spmem:s2] =	stream.indirect.scatter.add.f32 [tilespmem:s15], [sflag:$0x5], $0x80, s1, s14, $0xb8;
	[tilespmem:$0x1CC00] =	vst v63  }
0x1b9: {  	_ =	swait.ge [sflag:s12], $0x2000  }
0x1ba: {  	[sflag:s12] =	ssyncset.done $0x0  }
0x1bb: {  	[sflag:s12] =	ssyncadd.s32 $0xFFFFE000  }
0x1bc: {  	_ =	swait.ge [sflag:s20], $0x2000  }
0x1bd: {  	[sflag:s20] =	ssyncset.done $0x0  }
0x1be: {  	[sflag:s20] =	ssyncadd.s32 $0xFFFFE000  }
0x1bf: {  	[spmem:s2] =	stream.indirect.scatter.add.f32 [tilespmem:s16], [sflag:$0x5], $0x80, s8, s14, $0xb8;
	[tilespmem:$0x1CC00] =	vst v63  }
0x1c0: {  	_ =	swait.ge [sflag:s12], $0x2000  }
0x1c1: {  	[sflag:s12] =	ssyncset.done $0x0  }
0x1c2: {  	[sflag:s12] =	ssyncadd.s32 $0xFFFFE000  }
0x1c3: {  	_ =	swait.ge [sflag:s21], $0x2000  }
0x1c4: {  	[sflag:s21] =	ssyncset.done $0x0  }
0x1c5: {  	[sflag:s21] =	ssyncadd.s32 $0xFFFFE000  }
0x1c6: {  	[spmem:s2] =	stream.indirect.scatter.add.f32 [tilespmem:s17], [sflag:$0x5], $0x80, s6, s14, $0xb8;
	[tilespmem:$0x1CC00] =	vst v63  }
0x1c7: {  	_ =	swait.ge [sflag:s12], $0x2000  }
0x1c8: {  	[sflag:s12] =	ssyncset.done $0x0  }
0x1c9: {  	[sflag:s12] =	ssyncadd.s32 $0xFFFFE000  }
0x1ca: {  	_ =	swait.ge [sflag:s22], $0x2000  }
0x1cb: {  	[sflag:s22] =	ssyncset.done $0x0  }
0x1cc: {  	[sflag:s22] =	ssyncadd.s32 $0xFFFFE000  }
0x1cd: {  	[spmem:s2] =	stream.indirect.scatter.add.f32 [tilespmem:s18], [sflag:$0x5], $0x80, s9, s14, $0xb8;
	[tilespmem:$0x1CC00] =	vst v63  }
0x1ce: {  	_ =	swait.ge [sflag:s12], $0x2000  }
0x1cf: {  	[sflag:s12] =	ssyncset.done $0x0  }
0x1d0: {  	[sflag:s12] =	ssyncadd.s32 $0xFFFFE000  }
0x1d1: {  	[bflag:$0x0] =	sbarrier.arrive $0xFFFF  }
0x1d2: {  	s10 =	rddreg [dreg:$0x18]  }
0x1d3: {  	s7 =	rddreg [dreg:$0x1a]  }
0x1d4: {  	s11 =	rddreg [dreg:$0x1d]  }
0x1d5: {  	[hbm:s7], [sflag:s10] =	dma.local @p0 [spmem:s11], $0x2080  }
0x1d6: {  	s7 =	simm.s32 @p0 $0x5  }
0x1d7: {  	_ =	swait.ge @p0 [sflag:s7], $0x2080  }
0x1d8: {  	[sflag:s7] =	ssyncset.done @p0 $0x0  }
0x1d9: {  	[sflag:s7] =	ssyncadd.s32 @p0 $0xFFFFDF80;
	s7 =	rddreg [dreg:$0x17]  }
0x1da: {  	s11 =	rddreg [dreg:$0x19];
	s7 =	sshrl.u32 @!p0 s7, $0x3  }
0x1db: {  	[hbm:s11], [sflag:s10] =	dma.local @!p0 [spmem:s7], $0x2780  }
0x1dc: {  	s7 =	simm.s32 @!p0 $0x5  }
0x1dd: {  	_ =	swait.ge @!p0 [sflag:s7], $0x2780  }
0x1de: {  	s25 =	rddreg [dreg:$0x1e]  }
0x1df: {  	s11 =	rddreg [dreg:$0x1b];
	s25 =	sadd.s32 $0x1, s25  }
0x1e0: {  	p1 =	sne.s32 s25, s11  }
.Ltmp1:
0x1e1: {  	_ = 	snop;
	(pc) =	sbr.rel @p1 .LBB2_1-.Ltmp1, $3  }
0x1e2: {  	_ =	sdelay $0x1  }
0x1e3: {  	[sflag:s7] =	ssyncset.done @!p0 $0x0  }
0x1e4: {  	[sflag:s7] =	ssyncadd.s32 @!p0 $0xFFFFD880  }
0x1e5: {  	_ =	sfence.sel $0x180000  }
0x1e6: {  	[bflag:$0x0] =	sbarrier.arrive $0xFFFF  }
0x1e7: {  	_ =	strace $0x9000004D  }
0x1e8: {  	s0 =	stileid.u32;
	[bflag:$0x2] =	sbarrier.arrive $0xFFFF  }
0x1e9: {  	p0 =	sne.s32 s0, $0x0;
	s0 =	rddreg [dreg:$0x3]  }
0x1ea: {  	s0 =	sadd.s32 @!p0 $0x100000, s0  }
0x1eb: {  	[sflag:s0] =	ssyncadd.tile.s32 @!p0 $0x1;
	_ =	shalt  }
.Lfunc_end2:
_tile_overlayer_lowered:
.L_overlay_start_2:
0x1ec: {  	(tag) =	ssettag $0x2  }
0x1ed: {  	s0 =	rddreg [dreg:$0x0];
	s2 =	stileid.u32  }
0x1ee: {  	s1 =	rddreg [dreg:$0x1];
	p0 =	sne.s32 s2, $0x0  }
0x1ef: {  	s3 =	rddreg [dreg:$0x2];
	[bflag:$0x3] =	sbarrier.arrive $0xFFFF;
	s2 =	simm.s32 @!p0 $0x1C05  }
0x1f0: {  	[timem:s3], [sflag:s2] =	dma.local @!p0 [hbm:s0], s1  }
0x1f1: {  	s0 =	simm.s32 @!p0 $0x5  }
0x1f2: {  	_ =	swait.ge @!p0 [sflag:s0], s1  }
0x1f3: {  	s1 =	ssub.s32 @!p0 $0x0, s1;
	[sflag:s0] =	ssyncset.done @!p0 $0x0  }
0x1f4: {  	[sflag:s0] =	ssyncadd.s32 @!p0 s1  }
0x1f5: {  	[bflag:$0x3] =	sbarrier.arrive $0xFFFF  }
0x1f6: {  	_ =	shalt  }

// kernel: kernel.19.cloned.1.call-start
scs
__scs_entry_jumppad:
0x0: {  	(pc) =	sbr.rel $0x88, $3  }
0x1: {  	(tag) =	ssettag $0x0;
	lr =	simm.s32 $0x1  }
0x2: {  	[smem:$0x3F95] =	sst lr;
	_ =	strace $0xD0000000  }
0x3: {  	_ = 	snop  }
0x4: {  	_ = 	snop  }
0x5: {  	_ = 	snop  }
0x6: {  	_ = 	snop  }
0x7: {  	_ = 	snop  }
__scs_overlays_trampoline_lowered:
0x8: {  	[smem:$0x3FA4] =	sst s0  }
0x9: {  	[smem:$0x3FA5] =	sst s1  }
0xa: {  	[smem:$0x3FA6] =	sst s2  }
0xb: {  	[smem:$0x3FA7] =	sst s3  }
0xc: {  	[smem:$0x3FA8] =	sst s4  }
0xd: {  	[smem:$0x3FA9] =	sst s5  }
0xe: {  	[smem:$0x3FAA] =	sst s6  }
0xf: {  	[smem:$0x3FAB] =	sst s7  }
0x10: {  	[smem:$0x3FAC] =	sst s8  }
0x11: {  	[smem:$0x3FAD] =	sst s9;
	s0 =	simm.s32 @!p0 $0x0  }
0x12: {  	s1 =	sld [smem:$0x3F93];
	s0 =	simm.s32 @p0 $0x1  }
0x13: {  	[smem:$0x3FAE] =	sst s0;
	s0 =	simm.s32 @!p1 $0x0  }
0x14: {  	s2 =	sld [smem:$0x3F92];
	s0 =	simm.s32 @p1 $0x1  }
0x15: {  	[smem:$0x3FAF] =	sst s0;
	s0 =	simm.s32 @!p2 $0x0  }
0x16: {  	s3 =	sld [smem:$0x3FDB];
	s0 =	simm.s32 @p2 $0x1  }
0x17: {  	s4 =	simm.s32 $0x1BF5;
	[smem:$0x3FB1] =	sst s0  }
0x18: {  	s0 =	sld [smem:$0x3F94];
	_ =	swait.ge [sflag:s4], $0x0  }
0x19: {  	s7 =	sld [smem:$0x3F95]  }
0x1a: {  	s8 =	sadd.s32 $0xFFFFE003, lr  }
0x1b: {  	s9 =	sadd.s32 $0xFFFFFEF7, lr;
	s5 =	simm.s32 $0xFFFFFFFF;
	p2 =	slt.u32 s8, $0xFFFFF086  }
0x1c: {  	p1 =	slt.u32 s9, $0xF7A;
	s5 =	simm.s32 @!p2 $0x0  }
0x1d: {  	s5 =	simm.s32 @p1 $0x1;
	p0 =	seq.s32 s7, s2  }
0x1e: {  	s7 =	smul.u32 @!p0 $0xF7A, s2;
	p2 =	seq.s32 @!p0 s5, $0x0  }
0x1f: {  	s9 =	smul.u32 $0xF7A, s1;
	s8 =	simm.s32 @!p0 $0x1BF5;
	p2 =	por !p2, p0  }
0x20: {  	[sflag:s8] =	ssyncset.s32 @!p0 $0xFFFFF086;
	s6 =	sadd.s32 @!p0 s3, s7;
	s7 =	simm.s32 @!p0 $0x108  }
0x21: {  	s3 =	sadd.s32 s3, s9;
	s6 =	sadd.s32 @!p0 $0x88, s6;
	s7 =	simm.s32 @p2 $0x1082  }
0x22: {  	[simem:s7], [sflag:s8] =	dma.local @!p0 [hbm:s6], $0xF7A  }
0x23: {  	s9 =	sor.u32 $0xD0000000, s2;
	s6 =	simm.s32 $0x108;
	_ =	swait.ge @!p0 [sflag:s8], $0x0  }
0x24: {  	s3 =	sadd.s32 $0x88, s3;
	s6 =	simm.s32 @!p1 $0x1082;
	[sflag:s4] =	ssyncset.s32 $0xFFFFF086  }
0x25: {  	[simem:s6], [sflag:s4] =	dma.local [hbm:s3], $0xF7A  }
0x26: {  	[smem:$0x3F95] =	sst s1;
	(tag) =	ssettag s2;
	_ =	strace s9  }
0x27: {  	s1 =	sld [smem:$0x3FA5]  }
0x28: {  	s2 =	sld [smem:$0x3FA6]  }
0x29: {  	s4 =	sld [smem:$0x3FA8]  }
0x2a: {  	p0 =	seq.s32 s5, $0x0;
	s5 =	sld [smem:$0x3FA9]  }
0x2b: {  	s6 =	sld [smem:$0x3FAA]  }
0x2c: {  	s7 =	sld [smem:$0x3FAB]  }
0x2d: {  	s3 =	simm.s32 $0x108;
	s8 =	sld [smem:$0x3FAC]  }
0x2e: {  	s3 =	simm.s32 @!p0 $0x1082;
	s9 =	sld [smem:$0x3FAD]  }
0x2f: {  	lr =	sadd.s32 s0, s3;
	s0 =	sld [smem:$0x3FA4]  }
0x30: {  	s3 =	sld [smem:$0x3FA7]  }
0x31: {  	[smem:$0x3FB0] =	sst s10  }
0x32: {  	s10 =	sld [smem:$0x3FAE];
	_ =	sdelay $0x3  }
0x33: {  	p0 =	seq.s32 s10, $0x1;
	s10 =	sld [smem:$0x3FB0];
	_ =	sdelay $0x3  }
0x34: {  	[smem:$0x3FB0] =	sst s10  }
0x35: {  	s10 =	sld [smem:$0x3FAF];
	_ =	sdelay $0x3  }
0x36: {  	p1 =	seq.s32 s10, $0x1;
	s10 =	sld [smem:$0x3FB0];
	_ =	sdelay $0x3  }
0x37: {  	[smem:$0x3FB0] =	sst s10  }
0x38: {  	s10 =	sld [smem:$0x3FB1]  }
0x39: {  	_ = 	snop;
	(pc) =	sbr.ind lr, $3  }
0x3a: {  	_ = 	snop  }
0x3b: {  	_ = 	snop  }
0x3c: {  	p2 =	seq.s32 s10, $0x1;
	s10 =	sld [smem:$0x3FB0]  }
0x3d: {  	_ =	shalt  }
0x3e: {  	_ =	shalt  }
0x3f: {  	_ =	shalt  }
0x40: {  	_ =	shalt  }
0x41: {  	_ =	shalt  }
0x42: {  	_ =	shalt  }
0x43: {  	_ =	shalt  }
0x44: {  	_ =	shalt  }
0x45: {  	_ =	shalt  }
0x46: {  	_ =	shalt  }
0x47: {  	_ =	shalt  }
0x48: {  	_ =	shalt  }
0x49: {  	_ =	shalt  }
0x4a: {  	_ =	shalt  }
0x4b: {  	_ =	shalt  }
0x4c: {  	_ =	shalt  }
0x4d: {  	_ =	shalt  }
0x4e: {  	_ =	shalt  }
0x4f: {  	_ =	shalt  }
0x50: {  	_ =	shalt  }
0x51: {  	_ =	shalt  }
0x52: {  	_ =	shalt  }
0x53: {  	_ =	shalt  }
0x54: {  	_ =	shalt  }
0x55: {  	_ =	shalt  }
0x56: {  	_ =	shalt  }
0x57: {  	_ =	shalt  }
0x58: {  	_ =	shalt  }
0x59: {  	_ =	shalt  }
0x5a: {  	_ =	shalt  }
0x5b: {  	_ =	shalt  }
0x5c: {  	_ =	shalt  }
0x5d: {  	_ =	shalt  }
0x5e: {  	_ =	shalt  }
0x5f: {  	_ =	shalt  }
0x60: {  	_ =	shalt  }
0x61: {  	_ =	shalt  }
0x62: {  	_ =	shalt  }
0x63: {  	_ =	shalt  }
0x64: {  	_ =	shalt  }
0x65: {  	_ =	shalt  }
0x66: {  	_ =	shalt  }
0x67: {  	_ =	shalt  }
0x68: {  	_ =	shalt  }
0x69: {  	_ =	shalt  }
0x6a: {  	_ =	shalt  }
0x6b: {  	_ =	shalt  }
0x6c: {  	_ =	shalt  }
0x6d: {  	_ =	shalt  }
0x6e: {  	_ =	shalt  }
0x6f: {  	_ =	shalt  }
0x70: {  	_ =	shalt  }
0x71: {  	_ =	shalt  }
0x72: {  	_ =	shalt  }
0x73: {  	_ =	shalt  }
0x74: {  	_ =	shalt  }
0x75: {  	_ =	shalt  }
0x76: {  	_ =	shalt  }
0x77: {  	_ =	shalt  }
0x78: {  	_ =	shalt  }
0x79: {  	_ =	shalt  }
0x7a: {  	_ =	shalt  }
0x7b: {  	_ =	shalt  }
0x7c: {  	_ =	shalt  }
0x7d: {  	_ =	shalt  }
0x7e: {  	_ =	shalt  }
0x7f: {  	_ =	shalt  }
0x80: {  	_ =	shalt  }
0x81: {  	_ =	shalt  }
0x82: {  	_ =	shalt  }
0x83: {  	_ =	shalt  }
0x84: {  	_ =	shalt  }
0x85: {  	_ =	shalt  }
0x86: {  	_ =	shalt  }
0x87: {  	_ =	shalt  }
.Lfunc_end0:
.L_simem_size_0:
called_computation.3_lowered:
.L_overlay_start_0:
0x88: {  	s2 =	sld [smem:$0x3FD9]  }
0x89: {  	s3 =	sld [smem:$0x3FFE];
	_ =	sdelay $0x1  }
0x8a: {  	s1 =	srdreg.scid  }
0x8b: {  	s0 =	sand.u32 $0x1, s1  }
0x8c: {  	s14 =	sshll.u32 s0, $0xA;
	s2 =	sadd.s32 s3, s2  }
0x8d: {  	s2 =	sadd.s32 s2, s14  }
0x8e: {  	[smem:$0x3FBC] =	sst s2  }
0x8f: {  	_ = 	snop  }
0x90: {  	s2 =	sld [smem:$0x3FD0];
	_ =	sdelay $0x2  }
0x91: {  	s15 =	simm.s32 $0xB;
	s4 =	simm.s32 $0x10  }
0x92: {  	[smem:s4], [sflag:s15] =	dma.local [hbm:s2], $0x1  }
0x93: {  	_ =	swait.eq [sflag:s15], $0x1  }
0x94: {  	[sflag:s15] =	ssyncset.done $0x0  }
0x95: {  	[sflag:s15] =	ssyncadd.s32 $0xFFFFFFFF  }
0x96: {  	s16 =	sld [smem:$0x14];
	(tm) =	ssettm $0x1  }
0x97: {  	s17 =	sld [smem:$0x3FFB];
	_ =	sdelay $0x3  }
0x98: {  	_ =	strace s17  }
0x99: {  	s3 =	sld [smem:$0x3FFC];
	_ =	sdelay $0x3  }
0x9a: {  	_ =	strace s3  }
0x9b: {  	s3 =	sld [smem:$0x3FFD];
	_ =	sdelay $0x3  }
0x9c: {  	_ =	strace s3  }
0x9d: {  	_ =	strace $0x8FFFFFFF  }
0x9e: {  	s18 =	sld [smem:$0x3FDB];
	_ =	sdelay $0x1  }
0x9f: {  	s19 =	simm.s32 $_scs_section_size  }
0xa0: {  	s5 =	simm.s32 $_size__tile_overlayer_lowered;
	s6 =	simm.s32 $_tile_overlayer_lowered  }
0xa1: {  	s22 =	simm.s32 $0x1BFF;
	s21 =	sshll.u32 s6, $0x1;
	s3 =	sadd.s32 s19, s18  }
0xa2: {  	s7 =	simm.s32 $0x0;
	s20 =	sshll.u32 s5, $0x1;
	s5 =	sadd.s32 s21, s3  }
0xa3: {  	[timem:s7], [sflag:s22] =	dma.local [hbm:s5], s20  }
0xa4: {  	_ =	swait.ge [sflag:s22], s20  }
0xa5: {  	s4 =	ssub.s32 $0x0, s20;
	[sflag:s22] =	ssyncset.done $0x0  }
0xa6: {  	[sflag:s22] =	ssyncadd.s32 s4;
	_ =	sdelay $0x1  }
0xa7: {  	s23 =	simm.s32 $0x1B8B  }
0xa8: {  	_ =	swait.ge [sflag:s23], $0x1  }
0xa9: {  	[sflag:s23] =	ssyncset.done $0x0  }
0xaa: {  	s25 =	simm.s32 $0x1B8E;
	s24 =	sld [smem:$0x3FFE];
	[sflag:s23] =	ssyncadd.s32 $0xFFFFFFFF  }
0xab: {  	s26 =	simm.s32 $execute0_lowered;
	[smem:$0x3FD2] =	sst s25  }
0xac: {  	s5 =	sshll.u32 s26, $0x1;
	_ =	strace $0x8000004F;
	[dreg:$0x1] =	wrdreg $0xFFFFFFFF  }
0xad: {  	s28 =	simm.s32 $_size_execute0_lowered;
	s3 =	sadd.s32 s3, s5;
	[dreg:$0x0] =	wrdreg $0x0  }
0xae: {  	s5 =	sshll.u32 s28, $0x1;
	[dreg:$0x2] =	wrdreg s3  }
0xaf: {  	[dreg:$0x3] =	wrdreg s5  }
0xb0: {  	[dreg:$0x4] =	wrdreg $0xC0  }
0xb1: {  	_ =	task [dreg:s7], $0x5FFFF  }
0xb2: {  	[dreg:$0x1] =	wrdreg $0xFFFFFFFF  }
0xb3: {  	[dreg:$0x0] =	wrdreg $0x60  }
0xb4: {  	[dreg:$0x2] =	wrdreg s24  }
0xb5: {  	[dreg:$0x3] =	wrdreg s16  }
0xb6: {  	[dreg:$0x4] =	wrdreg $0x90000  }
0xb7: {  	[dreg:$0x5] =	wrdreg $0x9  }
0xb8: {  	_ =	task.clear_ibuf [dreg:s7], $0x6FFFF;
	_ =	strace $0x9000004F  }
0xb9: {  	s29 =	simm.s32 $0x9;
	_ =	strace $0x80000051  }
0xba: {  	_ =	swait.ge [sflag:s29], $0x1  }
0xbb: {  	[sflag:s29] =	ssyncadd.s32 $0xFFFFFFFF  }
0xbc: {  	_ =	strace $0x90000051  }
0xbd: {  	_ =	sfence  }
0xbe: {  	s30 =	sld [smem:$0x0];
	_ =	sdelay $0x2  }
0xbf: {  	s31 =	sshll.u32 s1, $0xD;
	s1 =	sshrl.u32 s1, $0x2  }
0xc0: {  	s3 =	sand.u32 $0x4000, s31;
	s1 =	sadd.s32 s1, s30  }
0xc1: {  	s0 =	sor.u32 s3, s0;
	s1 =	sshll.u32 s1, $0x11  }
0xc2: {  	s0 =	sor.u32 s1, s0  }
0xc3: {  	s0 =	sadd.s32 $0x8F2B, s0  }
0xc4: {  	[sflag:s0] =	ssyncadd.remote.s32 $0x1  }
0xc5: {  	_ =	sfence.sel $0xFFFF  }
0xc6: {  	[dreg:$0x0] =	wrdreg $0xFFFFFFFF;
	(pc) =	sbr.abs _section_cstart, $3  }
0xc7: {  	[dreg:$0x1] =	wrdreg $0xFFFFFFFF  }
0xc8: {  	_ =	task.clear_ibuf [dreg:s7], $0x2FFFF;
	_ =	strace $0x9FFFFFFF  }
0xc9: {  	(tm) =	ssettm $0x7FFFFFFF  }
tec
execute0_lowered:
.L_overlay_start_1:
0x0: {  	(tag) =	ssettag $0x1  }
0x1: {  	s0 =	rddreg [dreg:$0x0]  }
0x2: {  	s2 =	rddreg [dreg:$0x2];
	s3 =	simm.s32 $0x0  }
0x3: {  	s4 =	srdreg.scid;
	s23 =	stileid.u32;
	s24 =	simm.s32 $0x80  }
0x4: {  	s25 =	simm.s32 $0x100;
	s26 =	simm.s32 $0x180;
	s13 =	simm.s32 $0x280  }
0x5: {  	s15 =	simm.s32 $0x900;
	s16 =	simm.s32 $0x300;
	s17 =	simm.s32 $0x980  }
0x6: {  	s18 =	simm.s32 $0x380;
	s19 =	simm.s32 $0xA00;
	s28 =	simm.s32 $0xC80  }
0x7: {  	s29 =	simm.s32 $0x680;
	s30 =	simm.s32 $0xD00;
	s31 =	simm.s32 $0x700  }
0x8: {  	[smem:$0x7FF] =	sst s3;
	s1 =	sadd.s32 $0x4000, s0;
	s5 =	sadd.s32 $0xA2200, s0  }
0x9: {  	s6 =	smul.u32 $0x4F000, s23;
	_ =	strace $0x80000050;
	[dreg:$0x6] =	wrdreg s24  }
0xa: {  	s4 =	sand.u32 $0x1, s4;
	s10 =	smul.u32 $0xA000, s23;
	[dreg:$0x7] =	wrdreg s25  }
0xb: {  	s0 =	sadd.s32 $0xF0400, s0;
	s20 =	smul.u32 $0x2780, s23;
	[dreg:$0x8] =	wrdreg s26  }
0xc: {  	s21 =	sshll.u32 s23, $0x6;
	p0 =	seq.s32 s23, $0xF;
	[dreg:$0xb] =	wrdreg s13  }
0xd: {  	s23 =	simm.s32 $0x580;
	s8 =	smul.u32 $0x140000, s4;
	[dreg:$0xc] =	wrdreg s15  }
0xe: {  	s7 =	ssub.s32 $0x2, s4;
	s11 =	smul.u32 $0x27100, s4;
	[dreg:$0xd] =	wrdreg s16  }
0xf: {  	s4 =	smul.u32 $0x138800, s4;
	s13 =	simm.s32 $0x800;
	[dreg:$0xe] =	wrdreg s17  }
0x10: {  	s15 =	simm.s32 $0x1000;
	[dreg:$0xf] =	wrdreg s18;
	s16 =	simm.s32 $0x3000  }
0x11: {  	[dreg:$0x10] =	wrdreg s19;
	s17 =	simm.s32 $0x5000;
	s24 =	simm.s32 $0xB00  }
0x12: {  	s18 =	simm.s32 $0x7000;
	s25 =	simm.s32 $0x500;
	[dreg:$0x14] =	wrdreg s24  }
0x13: {  	s19 =	simm.s32 $0x1;
	s26 =	simm.s32 $0xB80;
	[dreg:$0x15] =	wrdreg s25  }
0x14: {  	s9 =	sshrl.u32 s7, $0x1;
	s6 =	sshrl.u32 s6, $0x2;
	[dreg:$0x16] =	wrdreg s26  }
0x15: {  	s24 =	simm.s32 $0xC00;
	s26 =	simm.s32 $0x600;
	s25 =	simm.s32 $0x0  }
0x16: {  	s7 =	ssub.s32 s7, s9;
	s12 =	sadd.s32 s6, s2;
	s8 =	sadd.s32 s10, s8  }
0x17: {  	s9 =	sadd.s32 s20, s11;
	s20 =	simm.s32 $0x400;
	[dreg:$0x17] =	wrdreg s12  }
0x18: {  	s10 =	sor.u32 $0x1C05, s21;
	s21 =	simm.s32 $0xA80;
	[dreg:$0x11] =	wrdreg s20  }
0x19: {  	s4 =	sshrl.u32 s4, $0x3;
	s22 =	sshrl.u32 s8, $0x3;
	[dreg:$0x12] =	wrdreg s21  }
0x1a: {  	s8 =	sadd.s32 $0xA0000, s8;
	s9 =	sadd.s32 s0, s9;
	[dreg:$0x18] =	wrdreg s10  }
0x1b: {  	s0 =	sadd.s32 s0, s4;
	s11 =	smax.u32 s7, $0x1;
	[dreg:$0x19] =	wrdreg s9  }
0x1c: {  	s14 =	sshrl.u32 s12, $0x3;
	s12 =	simm.s32 $0x5;
	[dreg:$0x1b] =	wrdreg s11  }
0x1d: {  	s20 =	simm.s32 $0x2;
	s6 =	sadd.s32 s22, s1;
	[dreg:$0x1c] =	wrdreg s14  }
0x1e: {  	s21 =	simm.s32 $0x3;
	s0 =	sadd.s32 $0x25080, s0;
	[dreg:$0x4] =	wrdreg s6  }
0x1f: {  	s4 =	simm.s32 $0x780;
	s9 =	simm.s32 $0x880;
	[dreg:$0x1a] =	wrdreg s0  }
0x20: {  	s8 =	sshrl.u32 s8, $0x3;
	s22 =	simm.s32 $0x480;
	[dreg:$0xa] =	wrdreg s9  }
0x21: {  	s14 =	simm.s32 $0x40;
	s1 =	sadd.s32 s8, s1;
	[dreg:$0x13] =	wrdreg s22  }
0x22: {  	s6 =	sadd.s32 $0x128400, s2;
	s8 =	simm.s32 $0x200;
	[dreg:$0x5] =	wrdreg s1  }
0x23: {  	s22 =	simm.s32 $0x4;
	s9 =	simm.s32 $0xF80;
	[dreg:$0x9] =	wrdreg s8  }
0x24: {  	s0 =	sshrl.u32 @p0 s6, $0x3;
	s1 =	simm.s32 $0xE00;
	s8 =	simm.s32 $0xE80  }
0x25: {  	s6 =	simm.s32 $0xF00;
	[dreg:$0x1d] =	wrdreg s0;
	s0 =	simm.s32 $0xD80  }
.LBB2_1:
0x26: {  	[dreg:$0x1e] =	wrdreg s25  }
0x27: {  	s7 =	rddreg [dreg:$0x1]  }
0x28: {  	s11 =	rddreg [dreg:$0x1c]  }
0x29: {  	[spmem:s11], [sflag:s10] =	dma.local [hbm:s7], $0x2780  }
0x2a: {  	_ =	swait.ge [sflag:s12], $0x2780  }
0x2b: {  	[sflag:s12] =	ssyncset.done $0x0  }
0x2c: {  	[sflag:s12] =	ssyncadd.s32 $0xFFFFD880  }
0x2d: {  	[bflag:$0x0] =	sbarrier.arrive $0xFFFF  }
0x2e: {  	s25 =	rddreg [dreg:$0x4]  }
0x2f: {  	s7 =	sadd.s32 $0x0, s25  }
0x30: {  	[tilespmem:s3], [sflag:$0x5] =	stream.linear.gather [hbm4b:s7+s3], $0x800, $0x38;
	[tilespmem:$0x1CC00] =	vst v63  }
0x31: {  	_ =	swait.ge [sflag:s12], $0x800  }
0x32: {  	s10 =	rddreg [dreg:$0x5];
	[sflag:s12] =	ssyncset.done $0x0  }
0x33: {  	[sflag:s12] =	ssyncadd.s32 $0xFFFFF800;
	s7 =	sadd.s32 $0x0, s10  }
0x34: {  	[tilespmem:s13], [sflag:$0x5] =	stream.linear.gather [hbm4b:s7+s3], $0x800, $0x38;
	[tilespmem:$0x1CC00] =	vst v63  }
0x35: {  	_ =	swait.ge [sflag:s12], $0x800  }
0x36: {  	[sflag:s12] =	ssyncset.done $0x0  }
0x37: {  	[sflag:s12] =	ssyncadd.s32 $0xFFFFF800  }
0x38: {  	[tilespmem:s15], [sflag:$0x1] =	stream.indirect.gather [hbm4b:s5+s14], $0x80, s3, s14, $0xb8;
	[tilespmem:$0x1CC00] =	vst v63  }
0x39: {  	s11 =	rddreg [dreg:$0x6]  }
0x3a: {  	[tilespmem:s16], [sflag:$0x2] =	stream.indirect.gather [hbm4b:s5+s14], $0x80, s11, s14, $0xb8;
	[tilespmem:$0x1CC00] =	vst v63  }
0x3b: {  	s25 =	rddreg [dreg:$0x7]  }
0x3c: {  	[tilespmem:s17], [sflag:$0x3] =	stream.indirect.gather [hbm4b:s5+s14], $0x80, s25, s14, $0xb8;
	[tilespmem:$0x1CC00] =	vst v63  }
0x3d: {  	s10 =	rddreg [dreg:$0x8]  }
0x3e: {  	[tilespmem:s18], [sflag:$0x4] =	stream.indirect.gather [hbm4b:s5+s14], $0x80, s10, s14, $0xb8;
	[tilespmem:$0x1CC00] =	vst v63  }
0x3f: {  	_ =	swait.ge [sflag:s19], $0x2000  }
0x40: {  	[sflag:s19] =	ssyncset.done $0x0  }
0x41: {  	[sflag:s19] =	ssyncadd.s32 $0xFFFFE000  }
0x42: {  	[spmem:s2] =	stream.indirect.scatter.add.f32 [tilespmem:s15], [sflag:$0x5], $0x80, s13, s14, $0xb8;
	[tilespmem:$0x1CC00] =	vst v63  }
0x43: {  	_ =	swait.ge [sflag:s12], $0x2000  }
0x44: {  	[sflag:s12] =	ssyncset.done $0x0  }
0x45: {  	s11 =	rddreg [dreg:$0x9];
	[sflag:s12] =	ssyncadd.s32 $0xFFFFE000  }
0x46: {  	[tilespmem:s15], [sflag:$0x1] =	stream.indirect.gather [hbm4b:s5+s14], $0x80, s11, s14, $0xb8;
	[tilespmem:$0x1CC00] =	vst v63  }
0x47: {  	_ =	swait.ge [sflag:s20], $0x2000  }
0x48: {  	[sflag:s20] =	ssyncset.done $0x0  }
0x49: {  	s25 =	rddreg [dreg:$0xa];
	[sflag:s20] =	ssyncadd.s32 $0xFFFFE000  }
0x4a: {  	[spmem:s2] =	stream.indirect.scatter.add.f32 [tilespmem:s16], [sflag:$0x5], $0x80, s25, s14, $0xb8;
	[tilespmem:$0x1CC00] =	vst v63  }
0x4b: {  	_ =	swait.ge [sflag:s12], $0x2000  }
0x4c: {  	[sflag:s12] =	ssyncset.done $0x0  }
0x4d: {  	s10 =	rddreg [dreg:$0xb];
	[sflag:s12] =	ssyncadd.s32 $0xFFFFE000  }
0x4e: {  	[tilespmem:s16], [sflag:$0x2] =	stream.indirect.gather [hbm4b:s5+s14], $0x80, s10, s14, $0xb8;
	[tilespmem:$0x1CC00] =	vst v63  }
0x4f: {  	_ =	swait.ge [sflag:s21], $0x2000  }
0x50: {  	[sflag:s21] =	ssyncset.done $0x0  }
0x51: {  	s11 =	rddreg [dreg:$0xc];
	[sflag:s21] =	ssyncadd.s32 $0xFFFFE000  }
0x52: {  	[spmem:s2] =	stream.indirect.scatter.add.f32 [tilespmem:s17], [sflag:$0x5], $0x80, s11, s14, $0xb8;
	[tilespmem:$0x1CC00] =	vst v63  }
0x53: {  	_ =	swait.ge [sflag:s12], $0x2000  }
0x54: {  	[sflag:s12] =	ssyncset.done $0x0  }
0x55: {  	s25 =	rddreg [dreg:$0xd];
	[sflag:s12] =	ssyncadd.s32 $0xFFFFE000  }
0x56: {  	[tilespmem:s17], [sflag:$0x3] =	stream.indirect.gather [hbm4b:s5+s14], $0x80, s25, s14, $0xb8;
	[tilespmem:$0x1CC00] =	vst v63  }
0x57: {  	_ =	swait.ge [sflag:s22], $0x2000  }
0x58: {  	[sflag:s22] =	ssyncset.done $0x0  }
0x59: {  	s10 =	rddreg [dreg:$0xe];
	[sflag:s22] =	ssyncadd.s32 $0xFFFFE000  }
0x5a: {  	[spmem:s2] =	stream.indirect.scatter.add.f32 [tilespmem:s18], [sflag:$0x5], $0x80, s10, s14, $0xb8;
	[tilespmem:$0x1CC00] =	vst v63  }
0x5b: {  	_ =	swait.ge [sflag:s12], $0x2000  }
0x5c: {  	[sflag:s12] =	ssyncset.done $0x0  }
0x5d: {  	s11 =	rddreg [dreg:$0xf];
	[sflag:s12] =	ssyncadd.s32 $0xFFFFE000  }
0x5e: {  	[tilespmem:s18], [sflag:$0x4] =	stream.indirect.gather [hbm4b:s5+s14], $0x80, s11, s14, $0xb8;
	[tilespmem:$0x1CC00] =	vst v63  }
0x5f: {  	_ =	swait.ge [sflag:s19], $0x2000  }
0x60: {  	[sflag:s19] =	ssyncset.done $0x0  }
0x61: {  	s25 =	rddreg [dreg:$0x10];
	[sflag:s19] =	ssyncadd.s32 $0xFFFFE000  }
0x62: {  	[spmem:s2] =	stream.indirect.scatter.add.f32 [tilespmem:s15], [sflag:$0x5], $0x80, s25, s14, $0xb8;
	[tilespmem:$0x1CC00] =	vst v63  }
0x63: {  	_ =	swait.ge [sflag:s12], $0x2000  }
0x64: {  	[sflag:s12] =	ssyncset.done $0x0  }
0x65: {  	s10 =	rddreg [dreg:$0x11];
	[sflag:s12] =	ssyncadd.s32 $0xFFFFE000  }
0x66: {  	[tilespmem:s15], [sflag:$0x1] =	stream.indirect.gather [hbm4b:s5+s14], $0x80, s10, s14, $0xb8;
	[tilespmem:$0x1CC00] =	vst v63  }
0x67: {  	_ =	swait.ge [sflag:s20], $0x2000  }
0x68: {  	[sflag:s20] =	ssyncset.done $0x0  }
0x69: {  	s11 =	rddreg [dreg:$0x12];
	[sflag:s20] =	ssyncadd.s32 $0xFFFFE000  }
0x6a: {  	[spmem:s2] =	stream.indirect.scatter.add.f32 [tilespmem:s16], [sflag:$0x5], $0x80, s11, s14, $0xb8;
	[tilespmem:$0x1CC00] =	vst v63  }
0x6b: {  	_ =	swait.ge [sflag:s12], $0x2000  }
0x6c: {  	[sflag:s12] =	ssyncset.done $0x0  }
0x6d: {  	s25 =	rddreg [dreg:$0x13];
	[sflag:s12] =	ssyncadd.s32 $0xFFFFE000  }
0x6e: {  	[tilespmem:s16], [sflag:$0x2] =	stream.indirect.gather [hbm4b:s5+s14], $0x80, s25, s14, $0xb8;
	[tilespmem:$0x1CC00] =	vst v63  }
0x6f: {  	_ =	swait.ge [sflag:s21], $0x2000  }
0x70: {  	[sflag:s21] =	ssyncset.done $0x0  }
0x71: {  	s10 =	rddreg [dreg:$0x14];
	[sflag:s21] =	ssyncadd.s32 $0xFFFFE000  }
0x72: {  	[spmem:s2] =	stream.indirect.scatter.add.f32 [tilespmem:s17], [sflag:$0x5], $0x80, s10, s14, $0xb8;
	[tilespmem:$0x1CC00] =	vst v63  }
0x73: {  	_ =	swait.ge [sflag:s12], $0x2000  }
0x74: {  	[sflag:s12] =	ssyncset.done $0x0  }
0x75: {  	s11 =	rddreg [dreg:$0x15];
	[sflag:s12] =	ssyncadd.s32 $0xFFFFE000  }
0x76: {  	[tilespmem:s17], [sflag:$0x3] =	stream.indirect.gather [hbm4b:s5+s14], $0x80, s11, s14, $0xb8;
	[tilespmem:$0x1CC00] =	vst v63  }
0x77: {  	_ =	swait.ge [sflag:s22], $0x2000  }
0x78: {  	[sflag:s22] =	ssyncset.done $0x0  }
0x79: {  	s25 =	rddreg [dreg:$0x16];
	[sflag:s22] =	ssyncadd.s32 $0xFFFFE000  }
0x7a: {  	[spmem:s2] =	stream.indirect.scatter.add.f32 [tilespmem:s18], [sflag:$0x5], $0x80, s25, s14, $0xb8;
	[tilespmem:$0x1CC00] =	vst v63  }
0x7b: {  	_ =	swait.ge [sflag:s12], $0x2000  }
0x7c: {  	[sflag:s12] =	ssyncset.done $0x0  }
0x7d: {  	[sflag:s12] =	ssyncadd.s32 $0xFFFFE000  }
0x7e: {  	[tilespmem:s18], [sflag:$0x4] =	stream.indirect.gather [hbm4b:s5+s14], $0x80, s23, s14, $0xb8;
	[tilespmem:$0x1CC00] =	vst v63  }
0x7f: {  	_ =	swait.ge [sflag:s19], $0x2000  }
0x80: {  	[sflag:s19] =	ssyncset.done $0x0  }
0x81: {  	[sflag:s19] =	ssyncadd.s32 $0xFFFFE000  }
0x82: {  	[spmem:s2] =	stream.indirect.scatter.add.f32 [tilespmem:s15], [sflag:$0x5], $0x80, s24, s14, $0xb8;
	[tilespmem:$0x1CC00] =	vst v63  }
0x83: {  	_ =	swait.ge [sflag:s12], $0x2000  }
0x84: {  	[sflag:s12] =	ssyncset.done $0x0  }
0x85: {  	[sflag:s12] =	ssyncadd.s32 $0xFFFFE000  }
0x86: {  	[tilespmem:s15], [sflag:$0x1] =	stream.indirect.gather [hbm4b:s5+s14], $0x80, s26, s14, $0xb8;
	[tilespmem:$0x1CC00] =	vst v63  }
0x87: {  	_ =	swait.ge [sflag:s20], $0x2000  }
0x88: {  	[sflag:s20] =	ssyncset.done $0x0  }
0x89: {  	[sflag:s20] =	ssyncadd.s32 $0xFFFFE000  }
0x8a: {  	[spmem:s2] =	stream.indirect.scatter.add.f32 [tilespmem:s16], [sflag:$0x5], $0x80, s28, s14, $0xb8;
	[tilespmem:$0x1CC00] =	vst v63  }
0x8b: {  	_ =	swait.ge [sflag:s12], $0x2000  }
0x8c: {  	[sflag:s12] =	ssyncset.done $0x0  }
0x8d: {  	[sflag:s12] =	ssyncadd.s32 $0xFFFFE000  }
0x8e: {  	[tilespmem:s16], [sflag:$0x2] =	stream.indirect.gather [hbm4b:s5+s14], $0x80, s29, s14, $0xb8;
	[tilespmem:$0x1CC00] =	vst v63  }
0x8f: {  	_ =	swait.ge [sflag:s21], $0x2000  }
0x90: {  	[sflag:s21] =	ssyncset.done $0x0  }
0x91: {  	[sflag:s21] =	ssyncadd.s32 $0xFFFFE000  }
0x92: {  	[spmem:s2] =	stream.indirect.scatter.add.f32 [tilespmem:s17], [sflag:$0x5], $0x80, s30, s14, $0xb8;
	[tilespmem:$0x1CC00] =	vst v63  }
0x93: {  	_ =	swait.ge [sflag:s12], $0x2000  }
0x94: {  	[sflag:s12] =	ssyncset.done $0x0  }
0x95: {  	[sflag:s12] =	ssyncadd.s32 $0xFFFFE000  }
0x96: {  	[tilespmem:s17], [sflag:$0x3] =	stream.indirect.gather [hbm4b:s5+s14], $0x80, s31, s14, $0xb8;
	[tilespmem:$0x1CC00] =	vst v63  }
0x97: {  	_ =	swait.ge [sflag:s22], $0x2000  }
0x98: {  	[sflag:s22] =	ssyncset.done $0x0  }
0x99: {  	[sflag:s22] =	ssyncadd.s32 $0xFFFFE000  }
0x9a: {  	[spmem:s2] =	stream.indirect.scatter.add.f32 [tilespmem:s18], [sflag:$0x5], $0x80, s0, s14, $0xb8;
	[tilespmem:$0x1CC00] =	vst v63  }
0x9b: {  	_ =	swait.ge [sflag:s12], $0x2000  }
0x9c: {  	[sflag:s12] =	ssyncset.done $0x0  }
0x9d: {  	[sflag:s12] =	ssyncadd.s32 $0xFFFFE000  }
0x9e: {  	[tilespmem:s18], [sflag:$0x4] =	stream.indirect.gather [hbm4b:s5+s14], $0x80, s4, s14, $0xb8;
	[tilespmem:$0x1CC00] =	vst v63  }
0x9f: {  	_ =	swait.ge [sflag:s19], $0x2000  }
0xa0: {  	[sflag:s19] =	ssyncset.done $0x0  }
0xa1: {  	[sflag:s19] =	ssyncadd.s32 $0xFFFFE000  }
0xa2: {  	[spmem:s2] =	stream.indirect.scatter.add.f32 [tilespmem:s15], [sflag:$0x5], $0x80, s1, s14, $0xb8;
	[tilespmem:$0x1CC00] =	vst v63  }
0xa3: {  	_ =	swait.ge [sflag:s12], $0x2000  }
0xa4: {  	[sflag:s12] =	ssyncset.done $0x0  }
0xa5: {  	[sflag:s12] =	ssyncadd.s32 $0xFFFFE000  }
0xa6: {  	_ =	swait.ge [sflag:s20], $0x2000  }
0xa7: {  	[sflag:s20] =	ssyncset.done $0x0  }
0xa8: {  	[sflag:s20] =	ssyncadd.s32 $0xFFFFE000  }
0xa9: {  	[spmem:s2] =	stream.indirect.scatter.add.f32 [tilespmem:s16], [sflag:$0x5], $0x80, s8, s14, $0xb8;
	[tilespmem:$0x1CC00] =	vst v63  }
0xaa: {  	_ =	swait.ge [sflag:s12], $0x2000  }
0xab: {  	[sflag:s12] =	ssyncset.done $0x0  }
0xac: {  	[sflag:s12] =	ssyncadd.s32 $0xFFFFE000  }
0xad: {  	_ =	swait.ge [sflag:s21], $0x2000  }
0xae: {  	[sflag:s21] =	ssyncset.done $0x0  }
0xaf: {  	[sflag:s21] =	ssyncadd.s32 $0xFFFFE000  }
0xb0: {  	[spmem:s2] =	stream.indirect.scatter.add.f32 [tilespmem:s17], [sflag:$0x5], $0x80, s6, s14, $0xb8;
	[tilespmem:$0x1CC00] =	vst v63  }
0xb1: {  	_ =	swait.ge [sflag:s12], $0x2000  }
0xb2: {  	[sflag:s12] =	ssyncset.done $0x0  }
0xb3: {  	[sflag:s12] =	ssyncadd.s32 $0xFFFFE000  }
0xb4: {  	_ =	swait.ge [sflag:s22], $0x2000  }
0xb5: {  	[sflag:s22] =	ssyncset.done $0x0  }
0xb6: {  	[sflag:s22] =	ssyncadd.s32 $0xFFFFE000  }
0xb7: {  	[spmem:s2] =	stream.indirect.scatter.add.f32 [tilespmem:s18], [sflag:$0x5], $0x80, s9, s14, $0xb8;
	[tilespmem:$0x1CC00] =	vst v63  }
0xb8: {  	s11 =	simm.s32 $0x100;
	_ =	swait.ge [sflag:s12], $0x2000  }
0xb9: {  	s25 =	simm.s32 $0x200;
	s7 =	rddreg [dreg:$0x4];
	[sflag:s12] =	ssyncset.done $0x0  }
.LBB2_2:
0xba: {  	[sflag:s12] =	ssyncadd.s32 $0xFFFFE000;
	s7 =	sadd.s32 s11, s7  }
0xbb: {  	[tilespmem:s3], [sflag:$0x5] =	stream.linear.gather [hbm4b:s7+s3], $0x800, $0x38;
	[tilespmem:$0x1CC00] =	vst v63  }
0xbc: {  	_ =	swait.ge [sflag:s12], $0x800  }
0xbd: {  	s7 =	rddreg [dreg:$0x5];
	[sflag:s12] =	ssyncset.done $0x0  }
0xbe: {  	[sflag:s12] =	ssyncadd.s32 $0xFFFFF800;
	s7 =	sadd.s32 s11, s7  }
0xbf: {  	[tilespmem:s13], [sflag:$0x5] =	stream.linear.gather [hbm4b:s7+s3], $0x800, $0x38;
	[tilespmem:$0x1CC00] =	vst v63  }
0xc0: {  	_ =	swait.ge [sflag:s12], $0x800  }
0xc1: {  	[sflag:s12] =	ssyncset.done $0x0  }
0xc2: {  	[sflag:s12] =	ssyncadd.s32 $0xFFFFF800  }
0xc3: {  	[tilespmem:s15], [sflag:$0x1] =	stream.indirect.gather [hbm4b:s5+s14], $0x80, s3, s14, $0xb8;
	[tilespmem:$0x1CC00] =	vst v63  }
0xc4: {  	s10 =	smov.u32 s25;
	s7 =	rddreg [dreg:$0x6]  }
0xc5: {  	[tilespmem:s16], [sflag:$0x2] =	stream.indirect.gather [hbm4b:s5+s14], $0x80, s7, s14, $0xb8;
	[tilespmem:$0x1CC00] =	vst v63  }
0xc6: {  	s11 =	smov.u32 s10;
	s10 =	rddreg [dreg:$0x7]  }
0xc7: {  	[tilespmem:s17], [sflag:$0x3] =	stream.indirect.gather [hbm4b:s5+s14], $0x80, s10, s14, $0xb8;
	[tilespmem:$0x1CC00] =	vst v63  }
0xc8: {  	s7 =	rddreg [dreg:$0x8]  }
0xc9: {  	[tilespmem:s18], [sflag:$0x4] =	stream.indirect.gather [hbm4b:s5+s14], $0x80, s7, s14, $0xb8;
	[tilespmem:$0x1CC00] =	vst v63  }
0xca: {  	_ =	swait.ge [sflag:s19], $0x2000  }
0xcb: {  	[sflag:s19] =	ssyncset.done $0x0  }
0xcc: {  	[sflag:s19] =	ssyncadd.s32 $0xFFFFE000  }
0xcd: {  	[spmem:s2] =	stream.indirect.scatter.add.f32 [tilespmem:s15], [sflag:$0x5], $0x80, s13, s14, $0xb8;
	[tilespmem:$0x1CC00] =	vst v63  }
0xce: {  	_ =	swait.ge [sflag:s12], $0x2000  }
0xcf: {  	[sflag:s12] =	ssyncset.done $0x0  }
0xd0: {  	s10 =	rddreg [dreg:$0x9];
	[sflag:s12] =	ssyncadd.s32 $0xFFFFE000  }
0xd1: {  	[tilespmem:s15], [sflag:$0x1] =	stream.indirect.gather [hbm4b:s5+s14], $0x80, s10, s14, $0xb8;
	[tilespmem:$0x1CC00] =	vst v63  }
0xd2: {  	_ =	swait.ge [sflag:s20], $0x2000  }
0xd3: {  	[sflag:s20] =	ssyncset.done $0x0  }
0xd4: {  	s10 =	rddreg [dreg:$0xa];
	[sflag:s20] =	ssyncadd.s32 $0xFFFFE000  }
0xd5: {  	[spmem:s2] =	stream.indirect.scatter.add.f32 [tilespmem:s16], [sflag:$0x5], $0x80, s10, s14, $0xb8;
	[tilespmem:$0x1CC00] =	vst v63  }
0xd6: {  	_ =	swait.ge [sflag:s12], $0x2000  }
0xd7: {  	[sflag:s12] =	ssyncset.done $0x0  }
0xd8: {  	s10 =	rddreg [dreg:$0xb];
	[sflag:s12] =	ssyncadd.s32 $0xFFFFE000  }
0xd9: {  	[tilespmem:s16], [sflag:$0x2] =	stream.indirect.gather [hbm4b:s5+s14], $0x80, s10, s14, $0xb8;
	[tilespmem:$0x1CC00] =	vst v63  }
0xda: {  	_ =	swait.ge [sflag:s21], $0x2000  }
0xdb: {  	[sflag:s21] =	ssyncset.done $0x0  }
0xdc: {  	s10 =	rddreg [dreg:$0xc];
	[sflag:s21] =	ssyncadd.s32 $0xFFFFE000  }
0xdd: {  	[spmem:s2] =	stream.indirect.scatter.add.f32 [tilespmem:s17], [sflag:$0x5], $0x80, s10, s14, $0xb8;
	[tilespmem:$0x1CC00] =	vst v63  }
0xde: {  	_ =	swait.ge [sflag:s12], $0x2000  }
0xdf: {  	[sflag:s12] =	ssyncset.done $0x0  }
0xe0: {  	s10 =	rddreg [dreg:$0xd];
	[sflag:s12] =	ssyncadd.s32 $0xFFFFE000  }
0xe1: {  	[tilespmem:s17], [sflag:$0x3] =	stream.indirect.gather [hbm4b:s5+s14], $0x80, s10, s14, $0xb8;
	[tilespmem:$0x1CC00] =	vst v63  }
0xe2: {  	_ =	swait.ge [sflag:s22], $0x2000  }
0xe3: {  	[sflag:s22] =	ssyncset.done $0x0  }
0xe4: {  	s10 =	rddreg [dreg:$0xe];
	[sflag:s22] =	ssyncadd.s32 $0xFFFFE000  }
0xe5: {  	[spmem:s2] =	stream.indirect.scatter.add.f32 [tilespmem:s18], [sflag:$0x5], $0x80, s10, s14, $0xb8;
	[tilespmem:$0x1CC00] =	vst v63  }
0xe6: {  	_ =	swait.ge [sflag:s12], $0x2000  }
0xe7: {  	[sflag:s12] =	ssyncset.done $0x0  }
0xe8: {  	s10 =	rddreg [dreg:$0xf];
	[sflag:s12] =	ssyncadd.s32 $0xFFFFE000  }
0xe9: {  	[tilespmem:s18], [sflag:$0x4] =	stream.indirect.gather [hbm4b:s5+s14], $0x80, s10, s14, $0xb8;
	[tilespmem:$0x1CC00] =	vst v63  }
0xea: {  	_ =	swait.ge [sflag:s19], $0x2000  }
0xeb: {  	[sflag:s19] =	ssyncset.done $0x0  }
0xec: {  	s10 =	rddreg [dreg:$0x10];
	[sflag:s19] =	ssyncadd.s32 $0xFFFFE000  }
0xed: {  	[spmem:s2] =	stream.indirect.scatter.add.f32 [tilespmem:s15], [sflag:$0x5], $0x80, s10, s14, $0xb8;
	[tilespmem:$0x1CC00] =	vst v63  }
0xee: {  	_ =	swait.ge [sflag:s12], $0x2000  }
0xef: {  	[sflag:s12] =	ssyncset.done $0x0  }
0xf0: {  	s10 =	rddreg [dreg:$0x11];
	[sflag:s12] =	ssyncadd.s32 $0xFFFFE000  }
0xf1: {  	[tilespmem:s15], [sflag:$0x1] =	stream.indirect.gather [hbm4b:s5+s14], $0x80, s10, s14, $0xb8;
	[tilespmem:$0x1CC00] =	vst v63  }
0xf2: {  	_ =	swait.ge [sflag:s20], $0x2000  }
0xf3: {  	[sflag:s20] =	ssyncset.done $0x0  }
0xf4: {  	s10 =	rddreg [dreg:$0x12];
	[sflag:s20] =	ssyncadd.s32 $0xFFFFE000  }
0xf5: {  	[spmem:s2] =	stream.indirect.scatter.add.f32 [tilespmem:s16], [sflag:$0x5], $0x80, s10, s14, $0xb8;
	[tilespmem:$0x1CC00] =	vst v63  }
0xf6: {  	_ =	swait.ge [sflag:s12], $0x2000  }
0xf7: {  	[sflag:s12] =	ssyncset.done $0x0  }
0xf8: {  	s10 =	rddreg [dreg:$0x13];
	[sflag:s12] =	ssyncadd.s32 $0xFFFFE000  }
0xf9: {  	[tilespmem:s16], [sflag:$0x2] =	stream.indirect.gather [hbm4b:s5+s14], $0x80, s10, s14, $0xb8;
	[tilespmem:$0x1CC00] =	vst v63  }
0xfa: {  	_ =	swait.ge [sflag:s21], $0x2000  }
0xfb: {  	[sflag:s21] =	ssyncset.done $0x0  }
0xfc: {  	s10 =	rddreg [dreg:$0x14];
	[sflag:s21] =	ssyncadd.s32 $0xFFFFE000  }
0xfd: {  	[spmem:s2] =	stream.indirect.scatter.add.f32 [tilespmem:s17], [sflag:$0x5], $0x80, s10, s14, $0xb8;
	[tilespmem:$0x1CC00] =	vst v63  }
0xfe: {  	_ =	swait.ge [sflag:s12], $0x2000  }
0xff: {  	[sflag:s12] =	ssyncset.done $0x0  }
0x100: {  	s10 =	rddreg [dreg:$0x15];
	[sflag:s12] =	ssyncadd.s32 $0xFFFFE000  }
0x101: {  	[tilespmem:s17], [sflag:$0x3] =	stream.indirect.gather [hbm4b:s5+s14], $0x80, s10, s14, $0xb8;
	[tilespmem:$0x1CC00] =	vst v63  }
0x102: {  	_ =	swait.ge [sflag:s22], $0x2000  }
0x103: {  	[sflag:s22] =	ssyncset.done $0x0  }
0x104: {  	s10 =	rddreg [dreg:$0x16];
	[sflag:s22] =	ssyncadd.s32 $0xFFFFE000  }
0x105: {  	[spmem:s2] =	stream.indirect.scatter.add.f32 [tilespmem:s18], [sflag:$0x5], $0x80, s10, s14, $0xb8;
	[tilespmem:$0x1CC00] =	vst v63  }
0x106: {  	_ =	swait.ge [sflag:s12], $0x2000  }
0x107: {  	[sflag:s12] =	ssyncset.done $0x0  }
0x108: {  	[sflag:s12] =	ssyncadd.s32 $0xFFFFE000  }
0x109: {  	[tilespmem:s18], [sflag:$0x4] =	stream.indirect.gather [hbm4b:s5+s14], $0x80, s23, s14, $0xb8;
	[tilespmem:$0x1CC00] =	vst v63  }
0x10a: {  	_ =	swait.ge [sflag:s19], $0x2000  }
0x10b: {  	[sflag:s19] =	ssyncset.done $0x0  }
0x10c: {  	[sflag:s19] =	ssyncadd.s32 $0xFFFFE000  }
0x10d: {  	[spmem:s2] =	stream.indirect.scatter.add.f32 [tilespmem:s15], [sflag:$0x5], $0x80, s24, s14, $0xb8;
	[tilespmem:$0x1CC00] =	vst v63  }
0x10e: {  	_ =	swait.ge [sflag:s12], $0x2000  }
0x10f: {  	[sflag:s12] =	ssyncset.done $0x0  }
0x110: {  	[sflag:s12] =	ssyncadd.s32 $0xFFFFE000  }
0x111: {  	[tilespmem:s15], [sflag:$0x1] =	stream.indirect.gather [hbm4b:s5+s14], $0x80, s26, s14, $0xb8;
	[tilespmem:$0x1CC00] =	vst v63  }
0x112: {  	_ =	swait.ge [sflag:s20], $0x2000  }
0x113: {  	[sflag:s20] =	ssyncset.done $0x0  }
0x114: {  	[sflag:s20] =	ssyncadd.s32 $0xFFFFE000  }
0x115: {  	[spmem:s2] =	stream.indirect.scatter.add.f32 [tilespmem:s16], [sflag:$0x5], $0x80, s28, s14, $0xb8;
	[tilespmem:$0x1CC00] =	vst v63  }
0x116: {  	_ =	swait.ge [sflag:s12], $0x2000  }
0x117: {  	[sflag:s12] =	ssyncset.done $0x0  }
0x118: {  	[sflag:s12] =	ssyncadd.s32 $0xFFFFE000  }
0x119: {  	[tilespmem:s16], [sflag:$0x2] =	stream.indirect.gather [hbm4b:s5+s14], $0x80, s29, s14, $0xb8;
	[tilespmem:$0x1CC00] =	vst v63  }
0x11a: {  	_ =	swait.ge [sflag:s21], $0x2000  }
0x11b: {  	[sflag:s21] =	ssyncset.done $0x0  }
0x11c: {  	[sflag:s21] =	ssyncadd.s32 $0xFFFFE000  }
0x11d: {  	[spmem:s2] =	stream.indirect.scatter.add.f32 [tilespmem:s17], [sflag:$0x5], $0x80, s30, s14, $0xb8;
	[tilespmem:$0x1CC00] =	vst v63  }
0x11e: {  	_ =	swait.ge [sflag:s12], $0x2000  }
0x11f: {  	[sflag:s12] =	ssyncset.done $0x0  }
0x120: {  	[sflag:s12] =	ssyncadd.s32 $0xFFFFE000  }
0x121: {  	[tilespmem:s17], [sflag:$0x3] =	stream.indirect.gather [hbm4b:s5+s14], $0x80, s31, s14, $0xb8;
	[tilespmem:$0x1CC00] =	vst v63  }
0x122: {  	_ =	swait.ge [sflag:s22], $0x2000  }
0x123: {  	[sflag:s22] =	ssyncset.done $0x0  }
0x124: {  	[sflag:s22] =	ssyncadd.s32 $0xFFFFE000  }
0x125: {  	[spmem:s2] =	stream.indirect.scatter.add.f32 [tilespmem:s18], [sflag:$0x5], $0x80, s0, s14, $0xb8;
	[tilespmem:$0x1CC00] =	vst v63  }
0x126: {  	_ =	swait.ge [sflag:s12], $0x2000  }
0x127: {  	[sflag:s12] =	ssyncset.done $0x0  }
0x128: {  	[sflag:s12] =	ssyncadd.s32 $0xFFFFE000  }
0x129: {  	[tilespmem:s18], [sflag:$0x4] =	stream.indirect.gather [hbm4b:s5+s14], $0x80, s4, s14, $0xb8;
	[tilespmem:$0x1CC00] =	vst v63  }
0x12a: {  	_ =	swait.ge [sflag:s19], $0x2000  }
0x12b: {  	[sflag:s19] =	ssyncset.done $0x0  }
0x12c: {  	[sflag:s19] =	ssyncadd.s32 $0xFFFFE000  }
0x12d: {  	[spmem:s2] =	stream.indirect.scatter.add.f32 [tilespmem:s15], [sflag:$0x5], $0x80, s1, s14, $0xb8;
	[tilespmem:$0x1CC00] =	vst v63  }
0x12e: {  	_ =	swait.ge [sflag:s12], $0x2000  }
0x12f: {  	[sflag:s12] =	ssyncset.done $0x0  }
0x130: {  	[sflag:s12] =	ssyncadd.s32 $0xFFFFE000  }
0x131: {  	_ =	swait.ge [sflag:s20], $0x2000  }
0x132: {  	[sflag:s20] =	ssyncset.done $0x0  }
0x133: {  	[sflag:s20] =	ssyncadd.s32 $0xFFFFE000  }
0x134: {  	[spmem:s2] =	stream.indirect.scatter.add.f32 [tilespmem:s16], [sflag:$0x5], $0x80, s8, s14, $0xb8;
	[tilespmem:$0x1CC00] =	vst v63  }
0x135: {  	_ =	swait.ge [sflag:s12], $0x2000  }
0x136: {  	[sflag:s12] =	ssyncset.done $0x0  }
0x137: {  	[sflag:s12] =	ssyncadd.s32 $0xFFFFE000  }
0x138: {  	_ =	swait.ge [sflag:s21], $0x2000  }
0x139: {  	[sflag:s21] =	ssyncset.done $0x0  }
0x13a: {  	[sflag:s21] =	ssyncadd.s32 $0xFFFFE000  }
0x13b: {  	[spmem:s2] =	stream.indirect.scatter.add.f32 [tilespmem:s17], [sflag:$0x5], $0x80, s6, s14, $0xb8;
	[tilespmem:$0x1CC00] =	vst v63  }
0x13c: {  	_ =	swait.ge [sflag:s12], $0x2000  }
0x13d: {  	[sflag:s12] =	ssyncset.done $0x0  }
0x13e: {  	[sflag:s12] =	ssyncadd.s32 $0xFFFFE000  }
0x13f: {  	p1 =	sne.s32 s25, $0x1300;
	_ =	swait.ge [sflag:s22], $0x2000  }
.Ltmp0:
0x140: {  	[sflag:s22] =	ssyncset.done $0x0;
	(pc) =	sbr.rel @p1 .LBB2_2-.Ltmp0, $4  }
0x141: {  	[sflag:s22] =	ssyncadd.s32 $0xFFFFE000  }
0x142: {  	[spmem:s2] =	stream.indirect.scatter.add.f32 [tilespmem:s18], [sflag:$0x5], $0x80, s9, s14, $0xb8;
	[tilespmem:$0x1CC00] =	vst v63  }
0x143: {  	_ =	swait.ge [sflag:s12], $0x2000  }
0x144: {  	s25 =	sadd.s32 $0x100, s25;
	s7 =	rddreg [dreg:$0x4];
	[sflag:s12] =	ssyncset.done $0x0  }
0x145: {  	[sflag:s12] =	ssyncadd.s32 $0xFFFFE000;
	s7 =	sadd.s32 s11, s7  }
0x146: {  	[tilespmem:s3], [sflag:$0x5] =	stream.linear.gather [hbm4b:s7+s3], $0x800, $0x38;
	[tilespmem:$0x1CC00] =	vst v63  }
0x147: {  	_ =	swait.ge [sflag:s12], $0x800  }
0x148: {  	s10 =	rddreg [dreg:$0x5];
	[sflag:s12] =	ssyncset.done $0x0  }
0x149: {  	[sflag:s12] =	ssyncadd.s32 $0xFFFFF800;
	s7 =	sadd.s32 s11, s10  }
0x14a: {  	[tilespmem:s13], [sflag:$0x5] =	stream.linear.gather [hbm4b:s7+s3], $0x800, $0x38;
	[tilespmem:$0x1CC00] =	vst v63  }
0x14b: {  	_ =	swait.ge [sflag:s12], $0x800  }
0x14c: {  	[sflag:s12] =	ssyncset.done $0x0  }
0x14d: {  	[sflag:s12] =	ssyncadd.s32 $0xFFFFF800  }
0x14e: {  	[tilespmem:s15], [sflag:$0x1] =	stream.indirect.gather [hbm4b:s5+s14], $0x80, s3, s14, $0xb8;
	[tilespmem:$0x1CC00] =	vst v63  }
0x14f: {  	s11 =	rddreg [dreg:$0x6]  }
0x150: {  	[tilespmem:s16], [sflag:$0x2] =	stream.indirect.gather [hbm4b:s5+s14], $0x80, s11, s14, $0xb8;
	[tilespmem:$0x1CC00] =	vst v63  }
0x151: {  	s10 =	rddreg [dreg:$0x7]  }
0x152: {  	[tilespmem:s17], [sflag:$0x3] =	stream.indirect.gather [hbm4b:s5+s14], $0x80, s10, s14, $0xb8;
	[tilespmem:$0x1CC00] =	vst v63  }
0x153: {  	s25 =	rddreg [dreg:$0x8]  }
0x154: {  	[tilespmem:s18], [sflag:$0x4] =	stream.indirect.gather [hbm4b:s5+s14], $0x80, s25, s14, $0xb8;
	[tilespmem:$0x1CC00] =	vst v63  }
0x155: {  	_ =	swait.ge [sflag:s19], $0x2000  }
0x156: {  	[sflag:s19] =	ssyncset.done $0x0  }
0x157: {  	[sflag:s19] =	ssyncadd.s32 $0xFFFFE000  }
0x158: {  	[spmem:s2] =	stream.indirect.scatter.add.f32 [tilespmem:s15], [sflag:$0x5], $0x80, s13, s14, $0xb8;
	[tilespmem:$0x1CC00] =	vst v63  }
0x159: {  	_ =	swait.ge [sflag:s12], $0x2000  }
0x15a: {  	[sflag:s12] =	ssyncset.done $0x0  }
0x15b: {  	s11 =	rddreg [dreg:$0x9];
	[sflag:s12] =	ssyncadd.s32 $0xFFFFE000  }
0x15c: {  	[tilespmem:s15], [sflag:$0x1] =	stream.indirect.gather [hbm4b:s5+s14], $0x80, s11, s14, $0xb8;
	[tilespmem:$0x1CC00] =	vst v63  }
0x15d: {  	_ =	swait.ge [sflag:s20], $0x2000  }
0x15e: {  	[sflag:s20] =	ssyncset.done $0x0  }
0x15f: {  	s25 =	rddreg [dreg:$0xa];
	[sflag:s20] =	ssyncadd.s32 $0xFFFFE000  }
0x160: {  	[spmem:s2] =	stream.indirect.scatter.add.f32 [tilespmem:s16], [sflag:$0x5], $0x80, s25, s14, $0xb8;
	[tilespmem:$0x1CC00] =	vst v63  }
0x161: {  	_ =	swait.ge [sflag:s12], $0x2000  }
0x162: {  	[sflag:s12] =	ssyncset.done $0x0  }
0x163: {  	s10 =	rddreg [dreg:$0xb];
	[sflag:s12] =	ssyncadd.s32 $0xFFFFE000  }
0x164: {  	[tilespmem:s16], [sflag:$0x2] =	stream.indirect.gather [hbm4b:s5+s14], $0x80, s10, s14, $0xb8;
	[tilespmem:$0x1CC00] =	vst v63  }
0x165: {  	_ =	swait.ge [sflag:s21], $0x2000  }
0x166: {  	[sflag:s21] =	ssyncset.done $0x0  }
0x167: {  	s11 =	rddreg [dreg:$0xc];
	[sflag:s21] =	ssyncadd.s32 $0xFFFFE000  }
0x168: {  	[spmem:s2] =	stream.indirect.scatter.add.f32 [tilespmem:s17], [sflag:$0x5], $0x80, s11, s14, $0xb8;
	[tilespmem:$0x1CC00] =	vst v63  }
0x169: {  	_ =	swait.ge [sflag:s12], $0x2000  }
0x16a: {  	[sflag:s12] =	ssyncset.done $0x0  }
0x16b: {  	s25 =	rddreg [dreg:$0xd];
	[sflag:s12] =	ssyncadd.s32 $0xFFFFE000  }
0x16c: {  	[tilespmem:s17], [sflag:$0x3] =	stream.indirect.gather [hbm4b:s5+s14], $0x80, s25, s14, $0xb8;
	[tilespmem:$0x1CC00] =	vst v63  }
0x16d: {  	_ =	swait.ge [sflag:s22], $0x2000  }
0x16e: {  	[sflag:s22] =	ssyncset.done $0x0  }
0x16f: {  	s10 =	rddreg [dreg:$0xe];
	[sflag:s22] =	ssyncadd.s32 $0xFFFFE000  }
0x170: {  	[spmem:s2] =	stream.indirect.scatter.add.f32 [tilespmem:s18], [sflag:$0x5], $0x80, s10, s14, $0xb8;
	[tilespmem:$0x1CC00] =	vst v63  }
0x171: {  	_ =	swait.ge [sflag:s12], $0x2000  }
0x172: {  	[sflag:s12] =	ssyncset.done $0x0  }
0x173: {  	s11 =	rddreg [dreg:$0xf];
	[sflag:s12] =	ssyncadd.s32 $0xFFFFE000  }
0x174: {  	[tilespmem:s18], [sflag:$0x4] =	stream.indirect.gather [hbm4b:s5+s14], $0x80, s11, s14, $0xb8;
	[tilespmem:$0x1CC00] =	vst v63  }
0x175: {  	_ =	swait.ge [sflag:s19], $0x2000  }
0x176: {  	[sflag:s19] =	ssyncset.done $0x0  }
0x177: {  	s25 =	rddreg [dreg:$0x10];
	[sflag:s19] =	ssyncadd.s32 $0xFFFFE000  }
0x178: {  	[spmem:s2] =	stream.indirect.scatter.add.f32 [tilespmem:s15], [sflag:$0x5], $0x80, s25, s14, $0xb8;
	[tilespmem:$0x1CC00] =	vst v63  }
0x179: {  	_ =	swait.ge [sflag:s12], $0x2000  }
0x17a: {  	[sflag:s12] =	ssyncset.done $0x0  }
0x17b: {  	s10 =	rddreg [dreg:$0x11];
	[sflag:s12] =	ssyncadd.s32 $0xFFFFE000  }
0x17c: {  	[tilespmem:s15], [sflag:$0x1] =	stream.indirect.gather [hbm4b:s5+s14], $0x80, s10, s14, $0xb8;
	[tilespmem:$0x1CC00] =	vst v63  }
0x17d: {  	_ =	swait.ge [sflag:s20], $0x2000  }
0x17e: {  	[sflag:s20] =	ssyncset.done $0x0  }
0x17f: {  	s11 =	rddreg [dreg:$0x12];
	[sflag:s20] =	ssyncadd.s32 $0xFFFFE000  }
0x180: {  	[spmem:s2] =	stream.indirect.scatter.add.f32 [tilespmem:s16], [sflag:$0x5], $0x80, s11, s14, $0xb8;
	[tilespmem:$0x1CC00] =	vst v63  }
0x181: {  	_ =	swait.ge [sflag:s12], $0x2000  }
0x182: {  	[sflag:s12] =	ssyncset.done $0x0  }
0x183: {  	s25 =	rddreg [dreg:$0x13];
	[sflag:s12] =	ssyncadd.s32 $0xFFFFE000  }
0x184: {  	[tilespmem:s16], [sflag:$0x2] =	stream.indirect.gather [hbm4b:s5+s14], $0x80, s25, s14, $0xb8;
	[tilespmem:$0x1CC00] =	vst v63  }
0x185: {  	_ =	swait.ge [sflag:s21], $0x2000  }
0x186: {  	[sflag:s21] =	ssyncset.done $0x0  }
0x187: {  	s10 =	rddreg [dreg:$0x14];
	[sflag:s21] =	ssyncadd.s32 $0xFFFFE000  }
0x188: {  	[spmem:s2] =	stream.indirect.scatter.add.f32 [tilespmem:s17], [sflag:$0x5], $0x80, s10, s14, $0xb8;
	[tilespmem:$0x1CC00] =	vst v63  }
0x189: {  	_ =	swait.ge [sflag:s12], $0x2000  }
0x18a: {  	[sflag:s12] =	ssyncset.done $0x0  }
0x18b: {  	s11 =	rddreg [dreg:$0x15];
	[sflag:s12] =	ssyncadd.s32 $0xFFFFE000  }
0x18c: {  	[tilespmem:s17], [sflag:$0x3] =	stream.indirect.gather [hbm4b:s5+s14], $0x80, s11, s14, $0xb8;
	[tilespmem:$0x1CC00] =	vst v63  }
0x18d: {  	_ =	swait.ge [sflag:s22], $0x2000  }
0x18e: {  	[sflag:s22] =	ssyncset.done $0x0  }
0x18f: {  	s25 =	rddreg [dreg:$0x16];
	[sflag:s22] =	ssyncadd.s32 $0xFFFFE000  }
0x190: {  	[spmem:s2] =	stream.indirect.scatter.add.f32 [tilespmem:s18], [sflag:$0x5], $0x80, s25, s14, $0xb8;
	[tilespmem:$0x1CC00] =	vst v63  }
0x191: {  	_ =	swait.ge [sflag:s12], $0x2000  }
0x192: {  	[sflag:s12] =	ssyncset.done $0x0  }
0x193: {  	[sflag:s12] =	ssyncadd.s32 $0xFFFFE000  }
0x194: {  	[tilespmem:s18], [sflag:$0x4] =	stream.indirect.gather [hbm4b:s5+s14], $0x80, s23, s14, $0xb8;
	[tilespmem:$0x1CC00] =	vst v63  }
0x195: {  	_ =	swait.ge [sflag:s19], $0x2000  }
0x196: {  	[sflag:s19] =	ssyncset.done $0x0  }
0x197: {  	[sflag:s19] =	ssyncadd.s32 $0xFFFFE000  }
0x198: {  	[spmem:s2] =	stream.indirect.scatter.add.f32 [tilespmem:s15], [sflag:$0x5], $0x80, s24, s14, $0xb8;
	[tilespmem:$0x1CC00] =	vst v63  }
0x199: {  	_ =	swait.ge [sflag:s12], $0x2000  }
0x19a: {  	[sflag:s12] =	ssyncset.done $0x0  }
0x19b: {  	[sflag:s12] =	ssyncadd.s32 $0xFFFFE000  }
0x19c: {  	[tilespmem:s15], [sflag:$0x1] =	stream.indirect.gather [hbm4b:s5+s14], $0x80, s26, s14, $0xb8;
	[tilespmem:$0x1CC00] =	vst v63  }
0x19d: {  	_ =	swait.ge [sflag:s20], $0x2000  }
0x19e: {  	[sflag:s20] =	ssyncset.done $0x0  }
0x19f: {  	[sflag:s20] =	ssyncadd.s32 $0xFFFFE000  }
0x1a0: {  	[spmem:s2] =	stream.indirect.scatter.add.f32 [tilespmem:s16], [sflag:$0x5], $0x80, s28, s14, $0xb8;
	[tilespmem:$0x1CC00] =	vst v63  }
0x1a1: {  	_ =	swait.ge [sflag:s12], $0x2000  }
0x1a2: {  	[sflag:s12] =	ssyncset.done $0x0  }
0x1a3: {  	[sflag:s12] =	ssyncadd.s32 $0xFFFFE000  }
0x1a4: {  	[tilespmem:s16], [sflag:$0x2] =	stream.indirect.gather [hbm4b:s5+s14], $0x80, s29, s14, $0xb8;
	[tilespmem:$0x1CC00] =	vst v63  }
0x1a5: {  	_ =	swait.ge [sflag:s21], $0x2000  }
0x1a6: {  	[sflag:s21] =	ssyncset.done $0x0  }
0x1a7: {  	[sflag:s21] =	ssyncadd.s32 $0xFFFFE000  }
0x1a8: {  	[spmem:s2] =	stream.indirect.scatter.add.f32 [tilespmem:s17], [sflag:$0x5], $0x80, s30, s14, $0xb8;
	[tilespmem:$0x1CC00] =	vst v63  }
0x1a9: {  	_ =	swait.ge [sflag:s12], $0x2000  }
0x1aa: {  	[sflag:s12] =	ssyncset.done $0x0  }
0x1ab: {  	[sflag:s12] =	ssyncadd.s32 $0xFFFFE000  }
0x1ac: {  	[tilespmem:s17], [sflag:$0x3] =	stream.indirect.gather [hbm4b:s5+s14], $0x80, s31, s14, $0xb8;
	[tilespmem:$0x1CC00] =	vst v63  }
0x1ad: {  	_ =	swait.ge [sflag:s22], $0x2000  }
0x1ae: {  	[sflag:s22] =	ssyncset.done $0x0  }
0x1af: {  	[sflag:s22] =	ssyncadd.s32 $0xFFFFE000  }
0x1b0: {  	[spmem:s2] =	stream.indirect.scatter.add.f32 [tilespmem:s18], [sflag:$0x5], $0x80, s0, s14, $0xb8;
	[tilespmem:$0x1CC00] =	vst v63  }
0x1b1: {  	_ =	swait.ge [sflag:s12], $0x2000  }
0x1b2: {  	[sflag:s12] =	ssyncset.done $0x0  }
0x1b3: {  	[sflag:s12] =	ssyncadd.s32 $0xFFFFE000  }
0x1b4: {  	[tilespmem:s18], [sflag:$0x4] =	stream.indirect.gather [hbm4b:s5+s14], $0x80, s4, s14, $0xb8;
	[tilespmem:$0x1CC00] =	vst v63  }
0x1b5: {  	_ =	swait.ge [sflag:s19], $0x2000  }
0x1b6: {  	[sflag:s19] =	ssyncset.done $0x0  }
0x1b7: {  	[sflag:s19] =	ssyncadd.s32 $0xFFFFE000  }
0x1b8: {  	[spmem:s2] =	stream.indirect.scatter.add.f32 [tilespmem:s15], [sflag:$0x5], $0x80, s1, s14, $0xb8;
	[tilespmem:$0x1CC00] =	vst v63  }
0x1b9: {  	_ =	swait.ge [sflag:s12], $0x2000  }
0x1ba: {  	[sflag:s12] =	ssyncset.done $0x0  }
0x1bb: {  	[sflag:s12] =	ssyncadd.s32 $0xFFFFE000  }
0x1bc: {  	_ =	swait.ge [sflag:s20], $0x2000  }
0x1bd: {  	[sflag:s20] =	ssyncset.done $0x0  }
0x1be: {  	[sflag:s20] =	ssyncadd.s32 $0xFFFFE000  }
0x1bf: {  	[spmem:s2] =	stream.indirect.scatter.add.f32 [tilespmem:s16], [sflag:$0x5], $0x80, s8, s14, $0xb8;
	[tilespmem:$0x1CC00] =	vst v63  }
0x1c0: {  	_ =	swait.ge [sflag:s12], $0x2000  }
0x1c1: {  	[sflag:s12] =	ssyncset.done $0x0  }
0x1c2: {  	[sflag:s12] =	ssyncadd.s32 $0xFFFFE000  }
0x1c3: {  	_ =	swait.ge [sflag:s21], $0x2000  }
0x1c4: {  	[sflag:s21] =	ssyncset.done $0x0  }
0x1c5: {  	[sflag:s21] =	ssyncadd.s32 $0xFFFFE000  }
0x1c6: {  	[spmem:s2] =	stream.indirect.scatter.add.f32 [tilespmem:s17], [sflag:$0x5], $0x80, s6, s14, $0xb8;
	[tilespmem:$0x1CC00] =	vst v63  }
0x1c7: {  	_ =	swait.ge [sflag:s12], $0x2000  }
0x1c8: {  	[sflag:s12] =	ssyncset.done $0x0  }
0x1c9: {  	[sflag:s12] =	ssyncadd.s32 $0xFFFFE000  }
0x1ca: {  	_ =	swait.ge [sflag:s22], $0x2000  }
0x1cb: {  	[sflag:s22] =	ssyncset.done $0x0  }
0x1cc: {  	[sflag:s22] =	ssyncadd.s32 $0xFFFFE000  }
0x1cd: {  	[spmem:s2] =	stream.indirect.scatter.add.f32 [tilespmem:s18], [sflag:$0x5], $0x80, s9, s14, $0xb8;
	[tilespmem:$0x1CC00] =	vst v63  }
0x1ce: {  	_ =	swait.ge [sflag:s12], $0x2000  }
0x1cf: {  	[sflag:s12] =	ssyncset.done $0x0  }
0x1d0: {  	[sflag:s12] =	ssyncadd.s32 $0xFFFFE000  }
0x1d1: {  	[bflag:$0x0] =	sbarrier.arrive $0xFFFF  }
0x1d2: {  	s10 =	rddreg [dreg:$0x18]  }
0x1d3: {  	s7 =	rddreg [dreg:$0x1a]  }
0x1d4: {  	s11 =	rddreg [dreg:$0x1d]  }
0x1d5: {  	[hbm:s7], [sflag:s10] =	dma.local @p0 [spmem:s11], $0x2080  }
0x1d6: {  	s7 =	simm.s32 @p0 $0x5  }
0x1d7: {  	_ =	swait.ge @p0 [sflag:s7], $0x2080  }
0x1d8: {  	[sflag:s7] =	ssyncset.done @p0 $0x0  }
0x1d9: {  	[sflag:s7] =	ssyncadd.s32 @p0 $0xFFFFDF80;
	s7 =	rddreg [dreg:$0x17]  }
0x1da: {  	s11 =	rddreg [dreg:$0x19];
	s7 =	sshrl.u32 @!p0 s7, $0x3  }
0x1db: {  	[hbm:s11], [sflag:s10] =	dma.local @!p0 [spmem:s7], $0x2780  }
0x1dc: {  	s7 =	simm.s32 @!p0 $0x5  }
0x1dd: {  	_ =	swait.ge @!p0 [sflag:s7], $0x2780  }
0x1de: {  	s25 =	rddreg [dreg:$0x1e]  }
0x1df: {  	s11 =	rddreg [dreg:$0x1b];
	s25 =	sadd.s32 $0x1, s25  }
0x1e0: {  	p1 =	sne.s32 s25, s11  }
.Ltmp1:
0x1e1: {  	_ = 	snop;
	(pc) =	sbr.rel @p1 .LBB2_1-.Ltmp1, $3  }
0x1e2: {  	_ =	sdelay $0x1  }
0x1e3: {  	[sflag:s7] =	ssyncset.done @!p0 $0x0  }
0x1e4: {  	[sflag:s7] =	ssyncadd.s32 @!p0 $0xFFFFD880  }
0x1e5: {  	_ =	sfence.sel $0x180000  }
0x1e6: {  	[bflag:$0x0] =	sbarrier.arrive $0xFFFF  }
0x1e7: {  	_ =	strace $0x90000050  }
0x1e8: {  	s0 =	stileid.u32;
	[bflag:$0x2] =	sbarrier.arrive $0xFFFF  }
0x1e9: {  	p0 =	sne.s32 s0, $0x0;
	s0 =	rddreg [dreg:$0x3]  }
0x1ea: {  	s0 =	sadd.s32 @!p0 $0x100000, s0  }
0x1eb: {  	[sflag:s0] =	ssyncadd.tile.s32 @!p0 $0x1;
	_ =	shalt  }
.Lfunc_end2:
_tile_overlayer_lowered:
.L_overlay_start_2:
0x1ec: {  	(tag) =	ssettag $0x2  }
0x1ed: {  	s0 =	rddreg [dreg:$0x0];
	s2 =	stileid.u32  }
0x1ee: {  	s1 =	rddreg [dreg:$0x1];
	p0 =	sne.s32 s2, $0x0  }
0x1ef: {  	s3 =	rddreg [dreg:$0x2];
	[bflag:$0x3] =	sbarrier.arrive $0xFFFF;
	s2 =	simm.s32 @!p0 $0x1C05  }
0x1f0: {  	[timem:s3], [sflag:s2] =	dma.local @!p0 [hbm:s0], s1  }
0x1f1: {  	s0 =	simm.s32 @!p0 $0x5  }
0x1f2: {  	_ =	swait.ge @!p0 [sflag:s0], s1  }
0x1f3: {  	s1 =	ssub.s32 @!p0 $0x0, s1;
	[sflag:s0] =	ssyncset.done @!p0 $0x0  }
0x1f4: {  	[sflag:s0] =	ssyncadd.s32 @!p0 s1  }
0x1f5: {  	[bflag:$0x3] =	sbarrier.arrive $0xFFFF  }
0x1f6: {  	_ =	shalt  }

</sc_bundles>
